<compile_context>
chip_gen: v7x
topology: tpu7x:2x2x1
jax: 0.10.2.dev20260603
libtpu: 0.0.44.dev20260713+nightly
codegen_flags: <defaults>
</compile_context>

<pallas_src>
import functools

import jax
import jax.numpy as jnp
from jax import lax
from jax.experimental import pallas as pl
from jax.experimental.pallas import tpu as pltpu
from jax.experimental.pallas import tpu_sc as plsc

N = 10000
N2 = 10240
D = 128
E = 320000
R = 2
NB = 30

NC = 2
NS = 16
NW = NC * NS
CHUNK = 120
NCHUNK = 84
E2 = NW * NCHUNK * CHUNK
ROWS_PT = N2 // NS

BN = 1024
NBLK = N2 // BN


def _w_body(att_ref, basis_ref, w_ref):
    w_ref[...] = jax.lax.dot_general(
        att_ref[...], basis_ref[...], (((1,), (0,)), ((), ())),
        preferred_element_type=jnp.float32, precision=lax.Precision.HIGHEST)


_w_call = pl.pallas_call(
    _w_body,
    out_shape=jax.ShapeDtypeStruct((R, D * D), jnp.float32),
)


def _prep_body(xin_ref, w_ref, gwt_ref, root_ref, bias_ref, y_ref, init_ref,
               *, relu_sum):
    if relu_sum:
        x = jax.nn.relu(xin_ref[0] + xin_ref[1])
    else:
        x = xin_ref[0]
    dot = functools.partial(
        jax.lax.dot_general, dimension_numbers=(((1,), (0,)), ((), ())),
        preferred_element_type=jnp.float32, precision=lax.Precision.HIGHEST)
    s = jax.nn.sigmoid(dot(x, gwt_ref[...]))
    for r in range(R):
        y_ref[r] = s[:, r:r + 1] * dot(x, w_ref[r])
    init_ref[0] = dot(x, root_ref[...]) + bias_ref[...]
    init_ref[1] = jnp.zeros((BN, D), jnp.float32)


def _make_prep(relu_sum, nx):
    return pl.pallas_call(
        functools.partial(_prep_body, relu_sum=relu_sum),
        grid=(NBLK,),
        in_specs=[
            pl.BlockSpec((nx, BN, D), lambda n: (0, n, 0)),
            pl.BlockSpec((R, D, D), lambda n: (0, 0, 0)),
            pl.BlockSpec((D, R), lambda n: (0, 0)),
            pl.BlockSpec((D, D), lambda n: (0, 0)),
            pl.BlockSpec((1, D), lambda n: (0, 0)),
        ],
        out_specs=[
            pl.BlockSpec((R, BN, D), lambda n: (0, n, 0)),
            pl.BlockSpec((NC, BN, D), lambda n: (0, n, 0)),
        ],
        out_shape=[
            jax.ShapeDtypeStruct((R, N2, D), jnp.float32),
            jax.ShapeDtypeStruct((NC, N2, D), jnp.float32),
        ],
    )


_prep1 = _make_prep(relu_sum=False, nx=1)
_prep2 = _make_prep(relu_sum=True, nx=NC)


def _gidx_body(j_ref, et_ref, g_ref):
    g_ref[...] = et_ref[...] * N2 + j_ref[...]


_gidx_call = pl.pallas_call(
    _gidx_body,
    out_shape=jax.ShapeDtypeStruct((E // 128, 128), jnp.int32),
)


def _fin_body(p_ref, out_ref):
    out_ref[...] = p_ref[0] + p_ref[1]


_FB = 2000
_fin_call = pl.pallas_call(
    _fin_body,
    grid=(N // _FB,),
    in_specs=[pl.BlockSpec((NC, _FB, D), lambda n: (0, n, 0))],
    out_specs=pl.BlockSpec((_FB, D), lambda n: (n, 0)),
    out_shape=jax.ShapeDtypeStruct((N, D), jnp.float32),
)


_sc_mesh = plsc.VectorSubcoreMesh(core_axis_name="c", subcore_axis_name="s")


@functools.partial(
    pl.kernel,
    out_type=jax.ShapeDtypeStruct((NC, N2, D), jnp.float32),
    mesh=_sc_mesh,
    scratch_types=[
        pltpu.VMEM_SHARED((N2, D), jnp.float32),
        pltpu.VMEM((3, CHUNK, D), jnp.float32),
        pltpu.VMEM((3, 1, CHUNK), jnp.int32),
        pltpu.VMEM((6, 1, CHUNK), jnp.int32),
        [pltpu.SemaphoreType.DMA] * 3,
        [pltpu.SemaphoreType.DMA] * 3,
        [pltpu.SemaphoreType.DMA] * 3,
        [pltpu.SemaphoreType.DMA] * 6,
    ],
)
def _sc_edges(y_hbm, gidx_hbm, didx_hbm, init_hbm, out_hbm,
              acc, rows, gbuf, dbuf, semG, semS, semIg, semId):
    cid = lax.axis_index("c")
    sid = lax.axis_index("s")
    base = (cid * NS + sid) * NCHUNK

    def g_at(j):
        return gbuf.at[j, 0]

    def d_at(j):
        return dbuf.at[j, 0]

    row0 = sid * ROWS_PT
    pltpu.sync_copy(init_hbm.at[cid, pl.ds(row0, ROWS_PT)],
                    acc.at[pl.ds(row0, ROWS_PT)])
    plsc.subcore_barrier()

    pltpu.sync_copy(gidx_hbm.at[base + 0], gbuf.at[0])
    pltpu.sync_copy(didx_hbm.at[base + 0], dbuf.at[0])
    pltpu.sync_copy(gidx_hbm.at[base + 1], gbuf.at[1])
    pltpu.sync_copy(didx_hbm.at[base + 1], dbuf.at[1])
    pltpu.async_copy(gidx_hbm.at[base + 2], gbuf.at[2], semIg[2])
    pltpu.async_copy(didx_hbm.at[base + 2], dbuf.at[2], semId[2])
    pltpu.async_copy(y_hbm.at[g_at(0)], rows.at[0], semG[0])
    pltpu.async_copy(y_hbm.at[g_at(1)], rows.at[1], semG[1])

    def do_slot(r6, i):
        c = 6 * r6 + i
        i3, i6 = i % 3, i % 6
        j3, j6 = (i + 2) % 3, (i + 3) % 6
        pltpu.make_async_copy(y_hbm.at[g_at(i3)], rows.at[i3],
                              semG[i3]).wait()
        pltpu.async_copy(rows.at[i3], acc.at[d_at(i6)], semS[i3], add=True)

        @pl.when(jnp.logical_and(c >= 1, c + 2 <= NCHUNK - 1))
        def _():
            pltpu.make_async_copy(rows.at[j3], acc.at[d_at((i + 5) % 6)],
                                  semS[j3]).wait()

        @pl.when(c + 2 <= NCHUNK - 1)
        def _():
            pltpu.make_async_copy(gidx_hbm.at[base], gbuf.at[j3],
                                  semIg[j3]).wait()
            pltpu.make_async_copy(didx_hbm.at[base], dbuf.at[(i + 2) % 6],
                                  semId[(i + 2) % 6]).wait()
            pltpu.async_copy(y_hbm.at[g_at(j3)], rows.at[j3], semG[j3])

        @pl.when(c + 3 <= NCHUNK - 1)
        def _():
            pltpu.async_copy(gidx_hbm.at[base + c + 3], gbuf.at[i3],
                             semIg[i3])
            pltpu.async_copy(didx_hbm.at[base + c + 3], dbuf.at[j6],
                             semId[j6])

    def round6(r6, carry):
        for i in range(6):
            do_slot(r6, i)
        return carry

    lax.fori_loop(0, NCHUNK // 6, round6, 0, unroll=False)
    for i in range(3):
        pltpu.make_async_copy(rows.at[i], acc.at[d_at(i)], semS[i]).wait()
    plsc.subcore_barrier()

    row0 = sid * ROWS_PT
    pltpu.sync_copy(acc.at[pl.ds(row0, ROWS_PT)],
                    out_hbm.at[cid, pl.ds(row0, ROWS_PT)])


def _layer(xin, gidx3, didx3, w, gwt, root, bias, relu_sum):
    prep = _prep2 if relu_sum else _prep1
    y, init = prep(xin, w, gwt, root, bias)
    return _sc_edges(y.reshape(R * N2, D), gidx3, didx3, init)


def kernel(meeting_utterance_enc_hidden_states, adj_coos, edge_types,
           basis1, att1, gate1, root1, bias1,
           basis2, att2, gate2, root2, bias2):
    x = jnp.pad(meeting_utterance_enc_hidden_states,
                ((0, 0), (0, N2 - N), (0, 0)))
    i_idx = adj_coos[0, 0]
    j_idx = adj_coos[0, 1]
    et = edge_types[0]

    gidx = _gidx_call(j_idx.reshape(E // 128, 128), et.reshape(E // 128, 128))
    pad_dst = N + jnp.arange(E2 - E, dtype=jnp.int32) % (N2 - N)
    pad_src = jnp.arange(E2 - E, dtype=jnp.int32) % N2
    gidx3 = jnp.concatenate([gidx.reshape(E),
                             pad_src]).reshape(NW * NCHUNK, 1, CHUNK)
    didx3 = jnp.concatenate([i_idx, pad_dst]).reshape(NW * NCHUNK, 1, CHUNK)

    w1 = _w_call(att1, basis1.reshape(NB, D * D)).reshape(R, D, D)
    w2 = _w_call(att2, basis2.reshape(NB, D * D)).reshape(R, D, D)
    gwt1 = gate1[:, :, 0].T
    gwt2 = gate2[:, :, 0].T
    bias1_2d = bias1.reshape(1, D)
    bias2_2d = bias2.reshape(1, D)

    p1 = _layer(x, gidx3, didx3, w1, gwt1, root1, bias1_2d, relu_sum=False)
    p2 = _layer(p1, gidx3, didx3, w2, gwt2, root2, bias2_2d, relu_sum=True)
    return _fin_call(p2)

# --- scband reference (transcript-rebuilt; emitter-appended) ---
"""Pipeline reference for scband-rgcngate-encoder-42571715838486 (READ-ONLY COPY).

The authoritative reference and input builder live on the scoring server;
editing this copy changes nothing except your own understanding.
"""

import jax, jax.numpy as jnp
import numpy as np

N = 10000
D = 128
E = 320000
R = 2
NB = 30


def _make_params(keys):
    b = 1.0 / np.sqrt(NB * D)
    basis = jax.random.uniform(keys[0], (NB, D, D), minval=-b, maxval=b, dtype=jnp.float32)
    att = jax.random.uniform(keys[1], (R, NB), minval=-b, maxval=b, dtype=jnp.float32)
    gate_w = jax.random.uniform(keys[2], (R, D, 1), minval=-b, maxval=b, dtype=jnp.float32)
    root = jax.random.uniform(keys[3], (D, D), minval=-b, maxval=b, dtype=jnp.float32)
    bias = jax.random.uniform(keys[4], (D,), minval=-b, maxval=b, dtype=jnp.float32)
    return basis, att, gate_w, root, bias


def setup_inputs(seed: int = 0) -> dict:
    key = jax.random.key(seed)
    ks = jax.random.split(key, 13)
    inp = {}
    inp['meeting_utterance_enc_hidden_states'] = jax.random.normal(ks[0], (1, N, D), dtype=jnp.float32)
    inp['adj_coos'] = jax.random.randint(ks[1], (1, 2, E), 0, N, dtype=jnp.int32)
    inp['edge_types'] = jax.random.randint(ks[2], (1, E), 0, R, dtype=jnp.int32)
    basis1, att1, gate1, root1, bias1 = _make_params(ks[3:8])
    basis2, att2, gate2, root2, bias2 = _make_params(ks[8:13])
    inp.update(dict(basis1=basis1, att1=att1, gate1=gate1, root1=root1, bias1=bias1,
                    basis2=basis2, att2=att2, gate2=gate2, root2=root2, bias2=bias2))
    return inp


def _rgcn_gate_conv(x, edge_index, edge_type, basis, att, gate_w, root, bias):
    # w = att @ basis (basis decomposition), reshaped to [R, D_in, D_out]
    w = (att @ basis.reshape(NB, -1)).reshape(R, D, D)
    # flow='target_to_source': i = edge_index[0] (aggregation dst), j = edge_index[1] (message src)
    i = edge_index[0]
    j = edge_index[1]
    # gate = sigmoid(x_j . gate_w[edge_type])  (scalar per edge)
    xg = x @ gate_w[:, :, 0].T  # [N, R]
    gate = jax.nn.sigmoid(xg[j, edge_type])  # [E]
    # message = gate * (x_j @ w[edge_type]); compute x @ w per relation first, then gather
    xw = jnp.einsum('nd,rde->rne', x, w)  # [R, N, D]
    msg = gate[:, None] * xw[edge_type, j]  # [E, D]
    # aggr='add' scatter into node i
    aggr = jnp.zeros((x.shape[0], D), dtype=x.dtype).at[i].add(msg)
    # update: aggr + x @ root + bias
    return aggr + x @ root + bias


def reference(meeting_utterance_enc_hidden_states, adj_coos, edge_types,
              basis1, att1, gate1, root1, bias1,
              basis2, att2, gate2, root2, bias2):
    x = meeting_utterance_enc_hidden_states[0]
    ei = adj_coos[0]
    et = edge_types[0]
    h = jax.nn.relu(_rgcn_gate_conv(x, ei, et, basis1, att1, gate1, root1, bias1))
    out = _rgcn_gate_conv(h, ei, et, basis2, att2, gate2, root2, bias2)
    return out

if __name__ == "__main__":
    import jax
    _d = setup_inputs()
    print(jax.jit(kernel)(*tuple(_d.values())))

</pallas_src>

<mosaic_0001>
#map = affine_map<(d0, d1) -> (0, 0)>
#map1 = affine_map<(d0, d1) -> (0, 0, 0)>
module attributes {stable_mosaic.version = 14 : i64} {
  func.func @_sc_edges(%arg0: i32, %arg1: i32, %arg2: memref<20480x128xf32, #tpu.memory_space<hbm>>, %arg3: memref<2688x1x120xi32, #tpu.memory_space<hbm>>, %arg4: memref<2688x1x120xi32, #tpu.memory_space<hbm>>, %arg5: memref<2x10240x128xf32, #tpu.memory_space<hbm>>, %arg6: memref<2x10240x128xf32, #tpu.memory_space<hbm>>, %arg7: memref<10240x128xf32, #tpu.memory_space<vmem_shared>>, %arg8: memref<3x120x128xf32, #tpu.memory_space<vmem>>, %arg9: memref<3x1x120xi32, #tpu.memory_space<vmem>>, %arg10: memref<6x1x120xi32, #tpu.memory_space<vmem>>, %arg11: memref<!tpu.dma_semaphore, #tpu.memory_space<semaphore_mem>>, %arg12: memref<!tpu.dma_semaphore, #tpu.memory_space<semaphore_mem>>, %arg13: memref<!tpu.dma_semaphore, #tpu.memory_space<semaphore_mem>>, %arg14: memref<!tpu.dma_semaphore, #tpu.memory_space<semaphore_mem>>, %arg15: memref<!tpu.dma_semaphore, #tpu.memory_space<semaphore_mem>>, %arg16: memref<!tpu.dma_semaphore, #tpu.memory_space<semaphore_mem>>, %arg17: memref<!tpu.dma_semaphore, #tpu.memory_space<semaphore_mem>>, %arg18: memref<!tpu.dma_semaphore, #tpu.memory_space<semaphore_mem>>, %arg19: memref<!tpu.dma_semaphore, #tpu.memory_space<semaphore_mem>>, %arg20: memref<!tpu.dma_semaphore, #tpu.memory_space<semaphore_mem>>, %arg21: memref<!tpu.dma_semaphore, #tpu.memory_space<semaphore_mem>>, %arg22: memref<!tpu.dma_semaphore, #tpu.memory_space<semaphore_mem>>, %arg23: memref<!tpu.dma_semaphore, #tpu.memory_space<semaphore_mem>>, %arg24: memref<!tpu.dma_semaphore, #tpu.memory_space<semaphore_mem>>, %arg25: memref<!tpu.dma_semaphore, #tpu.memory_space<semaphore_mem>>) attributes {dimension_semantics = [#tpu.dimension_semantics<core_parallel>, #tpu.dimension_semantics<subcore_parallel>], iteration_bounds = array<i64: 2, 16>, scalar_prefetch = 0 : i64, scratch_operands = 19 : i64, tpu.core_type = #tpu.core_type<sc_vector_subcore>, window_params = [{transform_indices = #map}, {transform_indices = #map1}, {transform_indices = #map1}, {transform_indices = #map1}, {transform_indices = #map1}]} {
    %mul3A = arith.constant 16 : i32
    %mul3A_0 = arith.muli %arg0, %mul3A : i32
    %add3A = arith.addi %mul3A_0, %arg1 : i32
    %mul3A_1 = arith.constant 84 : i32
    %mul3A_2 = arith.muli %add3A, %mul3A_1 : i32
    %mul3A_3 = arith.constant 640 : i32
    %mul3A_4 = arith.muli %arg1, %mul3A_3 : i32
    "tpu.region"() ({
      %run_scoped3A_125 = tpu.sem_alloc : memref<!tpu.dma_semaphore, #tpu.memory_space<semaphore_mem>>
      %dma_start3A_126 = arith.constant 0 : i32
      %dma_start3A_127 = tpu.memref_slice %arg7[%mul3A_4, %dma_start3A_126] : memref<10240x128xf32, #tpu.memory_space<vmem_shared>> -> memref<640x128xf32, #tpu.memory_space<vmem_shared>>
      %dma_start3A_128 = arith.constant 0 : i32
      %dma_start3A_129 = tpu.memref_slice %arg5[%arg0, %mul3A_4, %dma_start3A_128] : memref<2x10240x128xf32, #tpu.memory_space<hbm>> -> memref<1x640x128xf32, #tpu.memory_space<hbm>>
      %dma_start3A_130 = tpu.memref_squeeze %dma_start3A_129 : memref<1x640x128xf32, #tpu.memory_space<hbm>> -> memref<640x128xf32, #tpu.memory_space<hbm>>
      tpu.enqueue_dma source(%dma_start3A_130 : memref<640x128xf32, #tpu.memory_space<hbm>>) target(%dma_start3A_127 : memref<640x128xf32, #tpu.memory_space<vmem_shared>>) target_semaphore(%run_scoped3A_125 : memref<!tpu.dma_semaphore, #tpu.memory_space<semaphore_mem>>)
      %dma_wait3A_131 = arith.constant 0 : i32
      %dma_wait3A_132 = tpu.memref_slice %arg7[%mul3A_4, %dma_wait3A_131] : memref<10240x128xf32, #tpu.memory_space<vmem_shared>> -> memref<640x128xf32, #tpu.memory_space<vmem_shared>>
      %dma_wait3A_133 = arith.constant 0 : i32
      %dma_wait3A_134 = tpu.memref_slice %arg5[%arg0, %mul3A_4, %dma_wait3A_133] : memref<2x10240x128xf32, #tpu.memory_space<hbm>> -> memref<1x640x128xf32, #tpu.memory_space<hbm>>
      %dma_wait3A_135 = tpu.memref_squeeze %dma_wait3A_134 : memref<1x640x128xf32, #tpu.memory_space<hbm>> -> memref<640x128xf32, #tpu.memory_space<hbm>>
      tpu.wait_dma2 semaphore(%run_scoped3A_125 : memref<!tpu.dma_semaphore, #tpu.memory_space<semaphore_mem>>) src(%dma_wait3A_135 : memref<640x128xf32, #tpu.memory_space<hbm>>) dst(%dma_wait3A_132 : memref<640x128xf32, #tpu.memory_space<vmem_shared>>)
      tpu.yield
    }) : () -> ()
    %barrier3A = arith.constant 0 : index
    tpu.barrier barrier_id(%barrier3A)
    %add3A_5 = arith.constant 0 : i32
    %add3A_6 = arith.addi %mul3A_2, %add3A_5 : i32
    %run_scoped3A = arith.constant 0 : i32
    "tpu.region"() ({
      %run_scoped3A_125 = tpu.sem_alloc : memref<!tpu.dma_semaphore, #tpu.memory_space<semaphore_mem>>
      %dma_start3A_126 = arith.constant 0 : i32
      %dma_start3A_127 = arith.constant 0 : i32
      %dma_start3A_128 = tpu.memref_slice %arg9[%run_scoped3A, %dma_start3A_126, %dma_start3A_127] : memref<3x1x120xi32, #tpu.memory_space<vmem>> -> memref<1x1x120xi32, #tpu.memory_space<vmem>>
      %dma_start3A_129 = tpu.memref_squeeze %dma_start3A_128 : memref<1x1x120xi32, #tpu.memory_space<vmem>> -> memref<1x120xi32, #tpu.memory_space<vmem>>
      %dma_start3A_130 = arith.constant 0 : i32
      %dma_start3A_131 = arith.constant 0 : i32
      %dma_start3A_132 = tpu.memref_slice %arg3[%add3A_6, %dma_start3A_130, %dma_start3A_131] : memref<2688x1x120xi32, #tpu.memory_space<hbm>> -> memref<1x1x120xi32, #tpu.memory_space<hbm>>
      %dma_start3A_133 = tpu.memref_squeeze %dma_start3A_132 : memref<1x1x120xi32, #tpu.memory_space<hbm>> -> memref<1x120xi32, #tpu.memory_space<hbm>>
      %dma_start3A_134 = arith.constant 0 : i32
      %dma_start3A_135 = arith.constant 0 : i32
      %dma_start3A_136 = tpu.memref_slice %arg9[%run_scoped3A, %dma_start3A_134, %dma_start3A_135] : memref<3x1x120xi32, #tpu.memory_space<vmem>> -> memref<1x1x120xi32, #tpu.memory_space<vmem>>
      %dma_start3A_137 = tpu.memref_squeeze %dma_start3A_136 : memref<1x1x120xi32, #tpu.memory_space<vmem>> -> memref<1x120xi32, #tpu.memory_space<vmem>>
      %dma_start3A_138 = arith.constant 0 : i32
      %dma_start3A_139 = arith.constant 0 : i32
      %dma_start3A_140 = tpu.memref_slice %arg3[%add3A_6, %dma_start3A_138, %dma_start3A_139] : memref<2688x1x120xi32, #tpu.memory_space<hbm>> -> memref<1x1x120xi32, #tpu.memory_space<hbm>>
      %dma_start3A_141 = tpu.memref_squeeze %dma_start3A_140 : memref<1x1x120xi32, #tpu.memory_space<hbm>> -> memref<1x120xi32, #tpu.memory_space<hbm>>
      tpu.enqueue_dma source(%dma_start3A_141 : memref<1x120xi32, #tpu.memory_space<hbm>>) target(%dma_start3A_137 : memref<1x120xi32, #tpu.memory_space<vmem>>) target_semaphore(%run_scoped3A_125 : memref<!tpu.dma_semaphore, #tpu.memory_space<semaphore_mem>>)
      %dma_wait3A_142 = arith.constant 0 : i32
      %dma_wait3A_143 = arith.constant 0 : i32
      %dma_wait3A_144 = tpu.memref_slice %arg9[%run_scoped3A, %dma_wait3A_142, %dma_wait3A_143] : memref<3x1x120xi32, #tpu.memory_space<vmem>> -> memref<1x1x120xi32, #tpu.memory_space<vmem>>
      %dma_wait3A_145 = tpu.memref_squeeze %dma_wait3A_144 : memref<1x1x120xi32, #tpu.memory_space<vmem>> -> memref<1x120xi32, #tpu.memory_space<vmem>>
      %dma_wait3A_146 = arith.constant 0 : i32
      %dma_wait3A_147 = arith.constant 0 : i32
      %dma_wait3A_148 = tpu.memref_slice %arg3[%add3A_6, %dma_wait3A_146, %dma_wait3A_147] : memref<2688x1x120xi32, #tpu.memory_space<hbm>> -> memref<1x1x120xi32, #tpu.memory_space<hbm>>
      %dma_wait3A_149 = tpu.memref_squeeze %dma_wait3A_148 : memref<1x1x120xi32, #tpu.memory_space<hbm>> -> memref<1x120xi32, #tpu.memory_space<hbm>>
      %dma_wait3A_150 = arith.constant 0 : i32
      %dma_wait3A_151 = arith.constant 0 : i32
      %dma_wait3A_152 = tpu.memref_slice %arg9[%run_scoped3A, %dma_wait3A_150, %dma_wait3A_151] : memref<3x1x120xi32, #tpu.memory_space<vmem>> -> memref<1x1x120xi32, #tpu.memory_space<vmem>>
      %dma_wait3A_153 = tpu.memref_squeeze %dma_wait3A_152 : memref<1x1x120xi32, #tpu.memory_space<vmem>> -> memref<1x120xi32, #tpu.memory_space<vmem>>
      %dma_wait3A_154 = arith.constant 0 : i32
      %dma_wait3A_155 = arith.constant 0 : i32
      %dma_wait3A_156 = tpu.memref_slice %arg3[%add3A_6, %dma_wait3A_154, %dma_wait3A_155] : memref<2688x1x120xi32, #tpu.memory_space<hbm>> -> memref<1x1x120xi32, #tpu.memory_space<hbm>>
      %dma_wait3A_157 = tpu.memref_squeeze %dma_wait3A_156 : memref<1x1x120xi32, #tpu.memory_space<hbm>> -> memref<1x120xi32, #tpu.memory_space<hbm>>
      tpu.wait_dma2 semaphore(%run_scoped3A_125 : memref<!tpu.dma_semaphore, #tpu.memory_space<semaphore_mem>>) src(%dma_wait3A_157 : memref<1x120xi32, #tpu.memory_space<hbm>>) dst(%dma_wait3A_153 : memref<1x120xi32, #tpu.memory_space<vmem>>)
      tpu.yield
    }) : () -> ()
    %add3A_7 = arith.constant 0 : i32
    %add3A_8 = arith.addi %mul3A_2, %add3A_7 : i32
    %run_scoped3A_9 = arith.constant 0 : i32
    "tpu.region"() ({
      %run_scoped3A_125 = tpu.sem_alloc : memref<!tpu.dma_semaphore, #tpu.memory_space<semaphore_mem>>
      %dma_start3A_126 = arith.constant 0 : i32
      %dma_start3A_127 = arith.constant 0 : i32
      %dma_start3A_128 = tpu.memref_slice %arg10[%run_scoped3A_9, %dma_start3A_126, %dma_start3A_127] : memref<6x1x120xi32, #tpu.memory_space<vmem>> -> memref<1x1x120xi32, #tpu.memory_space<vmem>>
      %dma_start3A_129 = tpu.memref_squeeze %dma_start3A_128 : memref<1x1x120xi32, #tpu.memory_space<vmem>> -> memref<1x120xi32, #tpu.memory_space<vmem>>
      %dma_start3A_130 = arith.constant 0 : i32
      %dma_start3A_131 = arith.constant 0 : i32
      %dma_start3A_132 = tpu.memref_slice %arg4[%add3A_8, %dma_start3A_130, %dma_start3A_131] : memref<2688x1x120xi32, #tpu.memory_space<hbm>> -> memref<1x1x120xi32, #tpu.memory_space<hbm>>
      %dma_start3A_133 = tpu.memref_squeeze %dma_start3A_132 : memref<1x1x120xi32, #tpu.memory_space<hbm>> -> memref<1x120xi32, #tpu.memory_space<hbm>>
      %dma_start3A_134 = arith.constant 0 : i32
      %dma_start3A_135 = arith.constant 0 : i32
      %dma_start3A_136 = tpu.memref_slice %arg10[%run_scoped3A_9, %dma_start3A_134, %dma_start3A_135] : memref<6x1x120xi32, #tpu.memory_space<vmem>> -> memref<1x1x120xi32, #tpu.memory_space<vmem>>
      %dma_start3A_137 = tpu.memref_squeeze %dma_start3A_136 : memref<1x1x120xi32, #tpu.memory_space<vmem>> -> memref<1x120xi32, #tpu.memory_space<vmem>>
      %dma_start3A_138 = arith.constant 0 : i32
      %dma_start3A_139 = arith.constant 0 : i32
      %dma_start3A_140 = tpu.memref_slice %arg4[%add3A_8, %dma_start3A_138, %dma_start3A_139] : memref<2688x1x120xi32, #tpu.memory_space<hbm>> -> memref<1x1x120xi32, #tpu.memory_space<hbm>>
      %dma_start3A_141 = tpu.memref_squeeze %dma_start3A_140 : memref<1x1x120xi32, #tpu.memory_space<hbm>> -> memref<1x120xi32, #tpu.memory_space<hbm>>
      tpu.enqueue_dma source(%dma_start3A_141 : memref<1x120xi32, #tpu.memory_space<hbm>>) target(%dma_start3A_137 : memref<1x120xi32, #tpu.memory_space<vmem>>) target_semaphore(%run_scoped3A_125 : memref<!tpu.dma_semaphore, #tpu.memory_space<semaphore_mem>>)
      %dma_wait3A_142 = arith.constant 0 : i32
      %dma_wait3A_143 = arith.constant 0 : i32
      %dma_wait3A_144 = tpu.memref_slice %arg10[%run_scoped3A_9, %dma_wait3A_142, %dma_wait3A_143] : memref<6x1x120xi32, #tpu.memory_space<vmem>> -> memref<1x1x120xi32, #tpu.memory_space<vmem>>
      %dma_wait3A_145 = tpu.memref_squeeze %dma_wait3A_144 : memref<1x1x120xi32, #tpu.memory_space<vmem>> -> memref<1x120xi32, #tpu.memory_space<vmem>>
      %dma_wait3A_146 = arith.constant 0 : i32
      %dma_wait3A_147 = arith.constant 0 : i32
      %dma_wait3A_148 = tpu.memref_slice %arg4[%add3A_8, %dma_wait3A_146, %dma_wait3A_147] : memref<2688x1x120xi32, #tpu.memory_space<hbm>> -> memref<1x1x120xi32, #tpu.memory_space<hbm>>
      %dma_wait3A_149 = tpu.memref_squeeze %dma_wait3A_148 : memref<1x1x120xi32, #tpu.memory_space<hbm>> -> memref<1x120xi32, #tpu.memory_space<hbm>>
      %dma_wait3A_150 = arith.constant 0 : i32
      %dma_wait3A_151 = arith.constant 0 : i32
      %dma_wait3A_152 = tpu.memref_slice %arg10[%run_scoped3A_9, %dma_wait3A_150, %dma_wait3A_151] : memref<6x1x120xi32, #tpu.memory_space<vmem>> -> memref<1x1x120xi32, #tpu.memory_space<vmem>>
      %dma_wait3A_153 = tpu.memref_squeeze %dma_wait3A_152 : memref<1x1x120xi32, #tpu.memory_space<vmem>> -> memref<1x120xi32, #tpu.memory_space<vmem>>
      %dma_wait3A_154 = arith.constant 0 : i32
      %dma_wait3A_155 = arith.constant 0 : i32
      %dma_wait3A_156 = tpu.memref_slice %arg4[%add3A_8, %dma_wait3A_154, %dma_wait3A_155] : memref<2688x1x120xi32, #tpu.memory_space<hbm>> -> memref<1x1x120xi32, #tpu.memory_space<hbm>>
      %dma_wait3A_157 = tpu.memref_squeeze %dma_wait3A_156 : memref<1x1x120xi32, #tpu.memory_space<hbm>> -> memref<1x120xi32, #tpu.memory_space<hbm>>
      tpu.wait_dma2 semaphore(%run_scoped3A_125 : memref<!tpu.dma_semaphore, #tpu.memory_space<semaphore_mem>>) src(%dma_wait3A_157 : memref<1x120xi32, #tpu.memory_space<hbm>>) dst(%dma_wait3A_153 : memref<1x120xi32, #tpu.memory_space<vmem>>)
      tpu.yield
    }) : () -> ()
    %add3A_10 = arith.constant 1 : i32
    %add3A_11 = arith.addi %mul3A_2, %add3A_10 : i32
    %run_scoped3A_12 = arith.constant 1 : i32
    "tpu.region"() ({
      %run_scoped3A_125 = tpu.sem_alloc : memref<!tpu.dma_semaphore, #tpu.memory_space<semaphore_mem>>
      %dma_start3A_126 = arith.constant 0 : i32
      %dma_start3A_127 = arith.constant 0 : i32
      %dma_start3A_128 = tpu.memref_slice %arg9[%run_scoped3A_12, %dma_start3A_126, %dma_start3A_127] : memref<3x1x120xi32, #tpu.memory_space<vmem>> -> memref<1x1x120xi32, #tpu.memory_space<vmem>>
      %dma_start3A_129 = tpu.memref_squeeze %dma_start3A_128 : memref<1x1x120xi32, #tpu.memory_space<vmem>> -> memref<1x120xi32, #tpu.memory_space<vmem>>
      %dma_start3A_130 = arith.constant 0 : i32
      %dma_start3A_131 = arith.constant 0 : i32
      %dma_start3A_132 = tpu.memref_slice %arg3[%add3A_11, %dma_start3A_130, %dma_start3A_131] : memref<2688x1x120xi32, #tpu.memory_space<hbm>> -> memref<1x1x120xi32, #tpu.memory_space<hbm>>
      %dma_start3A_133 = tpu.memref_squeeze %dma_start3A_132 : memref<1x1x120xi32, #tpu.memory_space<hbm>> -> memref<1x120xi32, #tpu.memory_space<hbm>>
      %dma_start3A_134 = arith.constant 0 : i32
      %dma_start3A_135 = arith.constant 0 : i32
      %dma_start3A_136 = tpu.memref_slice %arg9[%run_scoped3A_12, %dma_start3A_134, %dma_start3A_135] : memref<3x1x120xi32, #tpu.memory_space<vmem>> -> memref<1x1x120xi32, #tpu.memory_space<vmem>>
      %dma_start3A_137 = tpu.memref_squeeze %dma_start3A_136 : memref<1x1x120xi32, #tpu.memory_space<vmem>> -> memref<1x120xi32, #tpu.memory_space<vmem>>
      %dma_start3A_138 = arith.constant 0 : i32
      %dma_start3A_139 = arith.constant 0 : i32
      %dma_start3A_140 = tpu.memref_slice %arg3[%add3A_11, %dma_start3A_138, %dma_start3A_139] : memref<2688x1x120xi32, #tpu.memory_space<hbm>> -> memref<1x1x120xi32, #tpu.memory_space<hbm>>
      %dma_start3A_141 = tpu.memref_squeeze %dma_start3A_140 : memref<1x1x120xi32, #tpu.memory_space<hbm>> -> memref<1x120xi32, #tpu.memory_space<hbm>>
      tpu.enqueue_dma source(%dma_start3A_141 : memref<1x120xi32, #tpu.memory_space<hbm>>) target(%dma_start3A_137 : memref<1x120xi32, #tpu.memory_space<vmem>>) target_semaphore(%run_scoped3A_125 : memref<!tpu.dma_semaphore, #tpu.memory_space<semaphore_mem>>)
      %dma_wait3A_142 = arith.constant 0 : i32
      %dma_wait3A_143 = arith.constant 0 : i32
      %dma_wait3A_144 = tpu.memref_slice %arg9[%run_scoped3A_12, %dma_wait3A_142, %dma_wait3A_143] : memref<3x1x120xi32, #tpu.memory_space<vmem>> -> memref<1x1x120xi32, #tpu.memory_space<vmem>>
      %dma_wait3A_145 = tpu.memref_squeeze %dma_wait3A_144 : memref<1x1x120xi32, #tpu.memory_space<vmem>> -> memref<1x120xi32, #tpu.memory_space<vmem>>
      %dma_wait3A_146 = arith.constant 0 : i32
      %dma_wait3A_147 = arith.constant 0 : i32
      %dma_wait3A_148 = tpu.memref_slice %arg3[%add3A_11, %dma_wait3A_146, %dma_wait3A_147] : memref<2688x1x120xi32, #tpu.memory_space<hbm>> -> memref<1x1x120xi32, #tpu.memory_space<hbm>>
      %dma_wait3A_149 = tpu.memref_squeeze %dma_wait3A_148 : memref<1x1x120xi32, #tpu.memory_space<hbm>> -> memref<1x120xi32, #tpu.memory_space<hbm>>
      %dma_wait3A_150 = arith.constant 0 : i32
      %dma_wait3A_151 = arith.constant 0 : i32
      %dma_wait3A_152 = tpu.memref_slice %arg9[%run_scoped3A_12, %dma_wait3A_150, %dma_wait3A_151] : memref<3x1x120xi32, #tpu.memory_space<vmem>> -> memref<1x1x120xi32, #tpu.memory_space<vmem>>
      %dma_wait3A_153 = tpu.memref_squeeze %dma_wait3A_152 : memref<1x1x120xi32, #tpu.memory_space<vmem>> -> memref<1x120xi32, #tpu.memory_space<vmem>>
      %dma_wait3A_154 = arith.constant 0 : i32
      %dma_wait3A_155 = arith.constant 0 : i32
      %dma_wait3A_156 = tpu.memref_slice %arg3[%add3A_11, %dma_wait3A_154, %dma_wait3A_155] : memref<2688x1x120xi32, #tpu.memory_space<hbm>> -> memref<1x1x120xi32, #tpu.memory_space<hbm>>
      %dma_wait3A_157 = tpu.memref_squeeze %dma_wait3A_156 : memref<1x1x120xi32, #tpu.memory_space<hbm>> -> memref<1x120xi32, #tpu.memory_space<hbm>>
      tpu.wait_dma2 semaphore(%run_scoped3A_125 : memref<!tpu.dma_semaphore, #tpu.memory_space<semaphore_mem>>) src(%dma_wait3A_157 : memref<1x120xi32, #tpu.memory_space<hbm>>) dst(%dma_wait3A_153 : memref<1x120xi32, #tpu.memory_space<vmem>>)
      tpu.yield
    }) : () -> ()
    %add3A_13 = arith.constant 1 : i32
    %add3A_14 = arith.addi %mul3A_2, %add3A_13 : i32
    %run_scoped3A_15 = arith.constant 1 : i32
    "tpu.region"() ({
      %run_scoped3A_125 = tpu.sem_alloc : memref<!tpu.dma_semaphore, #tpu.memory_space<semaphore_mem>>
      %dma_start3A_126 = arith.constant 0 : i32
      %dma_start3A_127 = arith.constant 0 : i32
      %dma_start3A_128 = tpu.memref_slice %arg10[%run_scoped3A_15, %dma_start3A_126, %dma_start3A_127] : memref<6x1x120xi32, #tpu.memory_space<vmem>> -> memref<1x1x120xi32, #tpu.memory_space<vmem>>
      %dma_start3A_129 = tpu.memref_squeeze %dma_start3A_128 : memref<1x1x120xi32, #tpu.memory_space<vmem>> -> memref<1x120xi32, #tpu.memory_space<vmem>>
      %dma_start3A_130 = arith.constant 0 : i32
      %dma_start3A_131 = arith.constant 0 : i32
      %dma_start3A_132 = tpu.memref_slice %arg4[%add3A_14, %dma_start3A_130, %dma_start3A_131] : memref<2688x1x120xi32, #tpu.memory_space<hbm>> -> memref<1x1x120xi32, #tpu.memory_space<hbm>>
      %dma_start3A_133 = tpu.memref_squeeze %dma_start3A_132 : memref<1x1x120xi32, #tpu.memory_space<hbm>> -> memref<1x120xi32, #tpu.memory_space<hbm>>
      %dma_start3A_134 = arith.constant 0 : i32
      %dma_start3A_135 = arith.constant 0 : i32
      %dma_start3A_136 = tpu.memref_slice %arg10[%run_scoped3A_15, %dma_start3A_134, %dma_start3A_135] : memref<6x1x120xi32, #tpu.memory_space<vmem>> -> memref<1x1x120xi32, #tpu.memory_space<vmem>>
      %dma_start3A_137 = tpu.memref_squeeze %dma_start3A_136 : memref<1x1x120xi32, #tpu.memory_space<vmem>> -> memref<1x120xi32, #tpu.memory_space<vmem>>
      %dma_start3A_138 = arith.constant 0 : i32
      %dma_start3A_139 = arith.constant 0 : i32
      %dma_start3A_140 = tpu.memref_slice %arg4[%add3A_14, %dma_start3A_138, %dma_start3A_139] : memref<2688x1x120xi32, #tpu.memory_space<hbm>> -> memref<1x1x120xi32, #tpu.memory_space<hbm>>
      %dma_start3A_141 = tpu.memref_squeeze %dma_start3A_140 : memref<1x1x120xi32, #tpu.memory_space<hbm>> -> memref<1x120xi32, #tpu.memory_space<hbm>>
      tpu.enqueue_dma source(%dma_start3A_141 : memref<1x120xi32, #tpu.memory_space<hbm>>) target(%dma_start3A_137 : memref<1x120xi32, #tpu.memory_space<vmem>>) target_semaphore(%run_scoped3A_125 : memref<!tpu.dma_semaphore, #tpu.memory_space<semaphore_mem>>)
      %dma_wait3A_142 = arith.constant 0 : i32
      %dma_wait3A_143 = arith.constant 0 : i32
      %dma_wait3A_144 = tpu.memref_slice %arg10[%run_scoped3A_15, %dma_wait3A_142, %dma_wait3A_143] : memref<6x1x120xi32, #tpu.memory_space<vmem>> -> memref<1x1x120xi32, #tpu.memory_space<vmem>>
      %dma_wait3A_145 = tpu.memref_squeeze %dma_wait3A_144 : memref<1x1x120xi32, #tpu.memory_space<vmem>> -> memref<1x120xi32, #tpu.memory_space<vmem>>
      %dma_wait3A_146 = arith.constant 0 : i32
      %dma_wait3A_147 = arith.constant 0 : i32
      %dma_wait3A_148 = tpu.memref_slice %arg4[%add3A_14, %dma_wait3A_146, %dma_wait3A_147] : memref<2688x1x120xi32, #tpu.memory_space<hbm>> -> memref<1x1x120xi32, #tpu.memory_space<hbm>>
      %dma_wait3A_149 = tpu.memref_squeeze %dma_wait3A_148 : memref<1x1x120xi32, #tpu.memory_space<hbm>> -> memref<1x120xi32, #tpu.memory_space<hbm>>
      %dma_wait3A_150 = arith.constant 0 : i32
      %dma_wait3A_151 = arith.constant 0 : i32
      %dma_wait3A_152 = tpu.memref_slice %arg10[%run_scoped3A_15, %dma_wait3A_150, %dma_wait3A_151] : memref<6x1x120xi32, #tpu.memory_space<vmem>> -> memref<1x1x120xi32, #tpu.memory_space<vmem>>
      %dma_wait3A_153 = tpu.memref_squeeze %dma_wait3A_152 : memref<1x1x120xi32, #tpu.memory_space<vmem>> -> memref<1x120xi32, #tpu.memory_space<vmem>>
      %dma_wait3A_154 = arith.constant 0 : i32
      %dma_wait3A_155 = arith.constant 0 : i32
      %dma_wait3A_156 = tpu.memref_slice %arg4[%add3A_14, %dma_wait3A_154, %dma_wait3A_155] : memref<2688x1x120xi32, #tpu.memory_space<hbm>> -> memref<1x1x120xi32, #tpu.memory_space<hbm>>
      %dma_wait3A_157 = tpu.memref_squeeze %dma_wait3A_156 : memref<1x1x120xi32, #tpu.memory_space<hbm>> -> memref<1x120xi32, #tpu.memory_space<hbm>>
      tpu.wait_dma2 semaphore(%run_scoped3A_125 : memref<!tpu.dma_semaphore, #tpu.memory_space<semaphore_mem>>) src(%dma_wait3A_157 : memref<1x120xi32, #tpu.memory_space<hbm>>) dst(%dma_wait3A_153 : memref<1x120xi32, #tpu.memory_space<vmem>>)
      tpu.yield
    }) : () -> ()
    %add3A_16 = arith.constant 2 : i32
    %add3A_17 = arith.addi %mul3A_2, %add3A_16 : i32
    %dma_start3A = arith.constant 2 : i32
    %dma_start3A_18 = arith.constant 0 : i32
    %dma_start3A_19 = arith.constant 0 : i32
    %dma_start3A_20 = tpu.memref_slice %arg9[%dma_start3A, %dma_start3A_18, %dma_start3A_19] : memref<3x1x120xi32, #tpu.memory_space<vmem>> -> memref<1x1x120xi32, #tpu.memory_space<vmem>>
    %dma_start3A_21 = tpu.memref_squeeze %dma_start3A_20 : memref<1x1x120xi32, #tpu.memory_space<vmem>> -> memref<1x120xi32, #tpu.memory_space<vmem>>
    %dma_start3A_22 = arith.constant 0 : i32
    %dma_start3A_23 = arith.constant 0 : i32
    %dma_start3A_24 = tpu.memref_slice %arg3[%add3A_17, %dma_start3A_22, %dma_start3A_23] : memref<2688x1x120xi32, #tpu.memory_space<hbm>> -> memref<1x1x120xi32, #tpu.memory_space<hbm>>
    %dma_start3A_25 = tpu.memref_squeeze %dma_start3A_24 : memref<1x1x120xi32, #tpu.memory_space<hbm>> -> memref<1x120xi32, #tpu.memory_space<hbm>>
    %dma_start3A_26 = arith.constant 0 : i32
    %dma_start3A_27 = arith.constant 0 : i32
    %dma_start3A_28 = tpu.memref_slice %arg9[%dma_start3A, %dma_start3A_26, %dma_start3A_27] : memref<3x1x120xi32, #tpu.memory_space<vmem>> -> memref<1x1x120xi32, #tpu.memory_space<vmem>>
    %dma_start3A_29 = tpu.memref_squeeze %dma_start3A_28 : memref<1x1x120xi32, #tpu.memory_space<vmem>> -> memref<1x120xi32, #tpu.memory_space<vmem>>
    %dma_start3A_30 = arith.constant 0 : i32
    %dma_start3A_31 = arith.constant 0 : i32
    %dma_start3A_32 = tpu.memref_slice %arg3[%add3A_17, %dma_start3A_30, %dma_start3A_31] : memref<2688x1x120xi32, #tpu.memory_space<hbm>> -> memref<1x1x120xi32, #tpu.memory_space<hbm>>
    %dma_start3A_33 = tpu.memref_squeeze %dma_start3A_32 : memref<1x1x120xi32, #tpu.memory_space<hbm>> -> memref<1x120xi32, #tpu.memory_space<hbm>>
    tpu.enqueue_dma source(%dma_start3A_33 : memref<1x120xi32, #tpu.memory_space<hbm>>) target(%dma_start3A_29 : memref<1x120xi32, #tpu.memory_space<vmem>>) target_semaphore(%arg19 : memref<!tpu.dma_semaphore, #tpu.memory_space<semaphore_mem>>)
    %add3A_34 = arith.constant 2 : i32
    %add3A_35 = arith.addi %mul3A_2, %add3A_34 : i32
    %dma_start3A_36 = arith.constant 2 : i32
    %dma_start3A_37 = arith.constant 0 : i32
    %dma_start3A_38 = arith.constant 0 : i32
    %dma_start3A_39 = tpu.memref_slice %arg10[%dma_start3A_36, %dma_start3A_37, %dma_start3A_38] : memref<6x1x120xi32, #tpu.memory_space<vmem>> -> memref<1x1x120xi32, #tpu.memory_space<vmem>>
    %dma_start3A_40 = tpu.memref_squeeze %dma_start3A_39 : memref<1x1x120xi32, #tpu.memory_space<vmem>> -> memref<1x120xi32, #tpu.memory_space<vmem>>
    %dma_start3A_41 = arith.constant 0 : i32
    %dma_start3A_42 = arith.constant 0 : i32
    %dma_start3A_43 = tpu.memref_slice %arg4[%add3A_35, %dma_start3A_41, %dma_start3A_42] : memref<2688x1x120xi32, #tpu.memory_space<hbm>> -> memref<1x1x120xi32, #tpu.memory_space<hbm>>
    %dma_start3A_44 = tpu.memref_squeeze %dma_start3A_43 : memref<1x1x120xi32, #tpu.memory_space<hbm>> -> memref<1x120xi32, #tpu.memory_space<hbm>>
    %dma_start3A_45 = arith.constant 0 : i32
    %dma_start3A_46 = arith.constant 0 : i32
    %dma_start3A_47 = tpu.memref_slice %arg10[%dma_start3A_36, %dma_start3A_45, %dma_start3A_46] : memref<6x1x120xi32, #tpu.memory_space<vmem>> -> memref<1x1x120xi32, #tpu.memory_space<vmem>>
    %dma_start3A_48 = tpu.memref_squeeze %dma_start3A_47 : memref<1x1x120xi32, #tpu.memory_space<vmem>> -> memref<1x120xi32, #tpu.memory_space<vmem>>
    %dma_start3A_49 = arith.constant 0 : i32
    %dma_start3A_50 = arith.constant 0 : i32
    %dma_start3A_51 = tpu.memref_slice %arg4[%add3A_35, %dma_start3A_49, %dma_start3A_50] : memref<2688x1x120xi32, #tpu.memory_space<hbm>> -> memref<1x1x120xi32, #tpu.memory_space<hbm>>
    %dma_start3A_52 = tpu.memref_squeeze %dma_start3A_51 : memref<1x1x120xi32, #tpu.memory_space<hbm>> -> memref<1x120xi32, #tpu.memory_space<hbm>>
    tpu.enqueue_dma source(%dma_start3A_52 : memref<1x120xi32, #tpu.memory_space<hbm>>) target(%dma_start3A_48 : memref<1x120xi32, #tpu.memory_space<vmem>>) target_semaphore(%arg22 : memref<!tpu.dma_semaphore, #tpu.memory_space<semaphore_mem>>)
    %dma_start3A_53 = arith.constant 0 : i32
    %dma_start3A_54 = arith.constant 0 : i32
    %dma_start3A_55 = arith.constant 0 : i32
    %dma_start3A_56 = arith.constant 0 : i32
    %dma_start3A_57 = arith.constant 0 : i32
    %dma_start3A_58 = tpu.memref_slice %arg8[%dma_start3A_55, %dma_start3A_56, %dma_start3A_57] : memref<3x120x128xf32, #tpu.memory_space<vmem>> -> memref<1x120x128xf32, #tpu.memory_space<vmem>>
    %dma_start3A_59 = tpu.memref_squeeze %dma_start3A_58 : memref<1x120x128xf32, #tpu.memory_space<vmem>> -> memref<120x128xf32, #tpu.memory_space<vmem>>
    %dma_start3A_60 = arith.constant 0 : i32
    %dma_start3A_61 = tpu.memref_slice %arg9[%dma_start3A_53, %dma_start3A_54, %dma_start3A_60] : memref<3x1x120xi32, #tpu.memory_space<vmem>> -> memref<1x1x120xi32, #tpu.memory_space<vmem>>
    %dma_start3A_62 = tpu.memref_squeeze %dma_start3A_61 : memref<1x1x120xi32, #tpu.memory_space<vmem>> -> memref<120xi32, #tpu.memory_space<vmem>>
    %dma_start3A_63 = arith.constant 0 : i32
    %dma_start3A_64 = arith.constant 0 : i32
    %dma_start3A_65 = tpu.memref_slice %arg2[%dma_start3A_63, %dma_start3A_64] : memref<20480x128xf32, #tpu.memory_space<hbm>> -> memref<20480x128xf32, #tpu.memory_space<hbm>>
    tpu.enqueue_indirect_dma source(%dma_start3A_65 : memref<20480x128xf32, #tpu.memory_space<hbm>>) target(%dma_start3A_59 : memref<120x128xf32, #tpu.memory_space<vmem>>) offsets(%dma_start3A_62 : memref<120xi32, #tpu.memory_space<vmem>>) semaphore(%arg11 : memref<!tpu.dma_semaphore, #tpu.memory_space<semaphore_mem>>)
    %dma_start3A_66 = arith.constant 1 : i32
    %dma_start3A_67 = arith.constant 0 : i32
    %dma_start3A_68 = arith.constant 1 : i32
    %dma_start3A_69 = arith.constant 0 : i32
    %dma_start3A_70 = arith.constant 0 : i32
    %dma_start3A_71 = tpu.memref_slice %arg8[%dma_start3A_68, %dma_start3A_69, %dma_start3A_70] : memref<3x120x128xf32, #tpu.memory_space<vmem>> -> memref<1x120x128xf32, #tpu.memory_space<vmem>>
    %dma_start3A_72 = tpu.memref_squeeze %dma_start3A_71 : memref<1x120x128xf32, #tpu.memory_space<vmem>> -> memref<120x128xf32, #tpu.memory_space<vmem>>
    %dma_start3A_73 = arith.constant 0 : i32
    %dma_start3A_74 = tpu.memref_slice %arg9[%dma_start3A_66, %dma_start3A_67, %dma_start3A_73] : memref<3x1x120xi32, #tpu.memory_space<vmem>> -> memref<1x1x120xi32, #tpu.memory_space<vmem>>
    %dma_start3A_75 = tpu.memref_squeeze %dma_start3A_74 : memref<1x1x120xi32, #tpu.memory_space<vmem>> -> memref<120xi32, #tpu.memory_space<vmem>>
    %dma_start3A_76 = arith.constant 0 : i32
    %dma_start3A_77 = arith.constant 0 : i32
    %dma_start3A_78 = tpu.memref_slice %arg2[%dma_start3A_76, %dma_start3A_77] : memref<20480x128xf32, #tpu.memory_space<hbm>> -> memref<20480x128xf32, #tpu.memory_space<hbm>>
    tpu.enqueue_indirect_dma source(%dma_start3A_78 : memref<20480x128xf32, #tpu.memory_space<hbm>>) target(%dma_start3A_72 : memref<120x128xf32, #tpu.memory_space<vmem>>) offsets(%dma_start3A_75 : memref<120xi32, #tpu.memory_space<vmem>>) semaphore(%arg12 : memref<!tpu.dma_semaphore, #tpu.memory_space<semaphore_mem>>)
    %scan3A = arith.constant 0 : i32
    %scan3A_79 = arith.constant 0 : i32
    %scan3A_80 = arith.constant 14 : i32
    %scan3A_81 = arith.addi %scan3A_79, %scan3A_80 : i32
    %scan3A_82 = arith.constant 1 : i32
    scf.for %scan3A_125 = %scan3A_79 to %scan3A_81 step %scan3A_82  : i32 {
      %mul3A_126 = arith.constant 6 : i32
      %mul3A_127 = arith.muli %mul3A_126, %scan3A_125 : i32
      %add3A_128 = arith.constant 0 : i32
      %add3A_129 = arith.addi %mul3A_127, %add3A_128 : i32
      %dma_wait3A_130 = arith.constant 0 : i32
      %dma_wait3A_131 = arith.constant 0 : i32
      %dma_wait3A_132 = arith.constant 0 : i32
      %dma_wait3A_133 = arith.constant 0 : i32
      %dma_wait3A_134 = arith.constant 0 : i32
      %dma_wait3A_135 = tpu.memref_slice %arg8[%dma_wait3A_132, %dma_wait3A_133, %dma_wait3A_134] : memref<3x120x128xf32, #tpu.memory_space<vmem>> -> memref<1x120x128xf32, #tpu.memory_space<vmem>>
      %dma_wait3A_136 = tpu.memref_squeeze %dma_wait3A_135 : memref<1x120x128xf32, #tpu.memory_space<vmem>> -> memref<120x128xf32, #tpu.memory_space<vmem>>
      %dma_wait3A_137 = arith.constant 0 : i32
      %dma_wait3A_138 = tpu.memref_slice %arg9[%dma_wait3A_130, %dma_wait3A_131, %dma_wait3A_137] : memref<3x1x120xi32, #tpu.memory_space<vmem>> -> memref<1x1x120xi32, #tpu.memory_space<vmem>>
      %dma_wait3A_139 = tpu.memref_squeeze %dma_wait3A_138 : memref<1x1x120xi32, #tpu.memory_space<vmem>> -> memref<120xi32, #tpu.memory_space<vmem>>
      %dma_wait3A_140 = arith.constant 0 : i32
      %dma_wait3A_141 = arith.constant 0 : i32
      %dma_wait3A_142 = tpu.memref_slice %arg2[%dma_wait3A_140, %dma_wait3A_141] : memref<20480x128xf32, #tpu.memory_space<hbm>> -> memref<20480x128xf32, #tpu.memory_space<hbm>>
      tpu.wait_indirect_dma semaphore(%arg11 : memref<!tpu.dma_semaphore, #tpu.memory_space<semaphore_mem>>) src(%dma_wait3A_142 : memref<20480x128xf32, #tpu.memory_space<hbm>>) dst(%dma_wait3A_136 : memref<120x128xf32, #tpu.memory_space<vmem>>)
      %dma_start3A_143 = arith.constant 0 : i32
      %dma_start3A_144 = arith.constant 0 : i32
      %dma_start3A_145 = arith.constant 0 : i32
      %dma_start3A_146 = arith.constant 0 : i32
      %dma_start3A_147 = arith.constant 0 : i32
      %dma_start3A_148 = tpu.memref_slice %arg8[%dma_start3A_143, %dma_start3A_146, %dma_start3A_147] : memref<3x120x128xf32, #tpu.memory_space<vmem>> -> memref<1x120x128xf32, #tpu.memory_space<vmem>>
      %dma_start3A_149 = tpu.memref_squeeze %dma_start3A_148 : memref<1x120x128xf32, #tpu.memory_space<vmem>> -> memref<120x128xf32, #tpu.memory_space<vmem>>
      %dma_start3A_150 = arith.constant 0 : i32
      %dma_start3A_151 = tpu.memref_slice %arg10[%dma_start3A_144, %dma_start3A_145, %dma_start3A_150] : memref<6x1x120xi32, #tpu.memory_space<vmem>> -> memref<1x1x120xi32, #tpu.memory_space<vmem>>
      %dma_start3A_152 = tpu.memref_squeeze %dma_start3A_151 : memref<1x1x120xi32, #tpu.memory_space<vmem>> -> memref<120xi32, #tpu.memory_space<vmem>>
      %dma_start3A_153 = arith.constant 0 : i32
      %dma_start3A_154 = arith.constant 0 : i32
      %dma_start3A_155 = tpu.memref_slice %arg7[%dma_start3A_153, %dma_start3A_154] : memref<10240x128xf32, #tpu.memory_space<vmem_shared>> -> memref<10240x128xf32, #tpu.memory_space<vmem_shared>>
      tpu.enqueue_indirect_dma source(%dma_start3A_149 : memref<120x128xf32, #tpu.memory_space<vmem>>) target(%dma_start3A_155 : memref<10240x128xf32, #tpu.memory_space<vmem_shared>>) offsets(%dma_start3A_152 : memref<120xi32, #tpu.memory_space<vmem>>) semaphore(%arg14 : memref<!tpu.dma_semaphore, #tpu.memory_space<semaphore_mem>>) {add = true}
      %ge3A = arith.constant 1 : i32
      %ge3A_156 = arith.cmpi sge, %add3A_129, %ge3A : i32
      %add3A_157 = arith.constant 2 : i32
      %add3A_158 = arith.addi %add3A_129, %add3A_157 : i32
      %le3A = arith.constant 83 : i32
      %le3A_159 = arith.cmpi sle, %add3A_158, %le3A : i32
      %and3A = arith.andi %ge3A_156, %le3A_159 : i1
      %convert_element_type3A = arith.extui %and3A : i1 to i32
      %cond3A = arith.constant 0 : i32
      %cond3A_160 = arith.cmpi ne, %convert_element_type3A, %cond3A : i32
      scf.if %cond3A_160 {
        %dma_wait3A_445 = arith.constant 2 : i32
        %dma_wait3A_446 = arith.constant 5 : i32
        %dma_wait3A_447 = arith.constant 0 : i32
        %dma_wait3A_448 = arith.constant 0 : i32
        %dma_wait3A_449 = arith.constant 0 : i32
        %dma_wait3A_450 = tpu.memref_slice %arg8[%dma_wait3A_445, %dma_wait3A_448, %dma_wait3A_449] : memref<3x120x128xf32, #tpu.memory_space<vmem>> -> memref<1x120x128xf32, #tpu.memory_space<vmem>>
        %dma_wait3A_451 = tpu.memref_squeeze %dma_wait3A_450 : memref<1x120x128xf32, #tpu.memory_space<vmem>> -> memref<120x128xf32, #tpu.memory_space<vmem>>
        %dma_wait3A_452 = arith.constant 0 : i32
        %dma_wait3A_453 = tpu.memref_slice %arg10[%dma_wait3A_446, %dma_wait3A_447, %dma_wait3A_452] : memref<6x1x120xi32, #tpu.memory_space<vmem>> -> memref<1x1x120xi32, #tpu.memory_space<vmem>>
        %dma_wait3A_454 = tpu.memref_squeeze %dma_wait3A_453 : memref<1x1x120xi32, #tpu.memory_space<vmem>> -> memref<120xi32, #tpu.memory_space<vmem>>
        %dma_wait3A_455 = arith.constant 0 : i32
        %dma_wait3A_456 = arith.constant 0 : i32
        %dma_wait3A_457 = tpu.memref_slice %arg7[%dma_wait3A_455, %dma_wait3A_456] : memref<10240x128xf32, #tpu.memory_space<vmem_shared>> -> memref<10240x128xf32, #tpu.memory_space<vmem_shared>>
        tpu.wait_indirect_dma semaphore(%arg16 : memref<!tpu.dma_semaphore, #tpu.memory_space<semaphore_mem>>) src(%dma_wait3A_451 : memref<120x128xf32, #tpu.memory_space<vmem>>) dst(%dma_wait3A_457 : memref<10240x128xf32, #tpu.memory_space<vmem_shared>>)
      } else {
      }
      %add3A_161 = arith.constant 2 : i32
      %add3A_162 = arith.addi %add3A_129, %add3A_161 : i32
      %le3A_163 = arith.constant 83 : i32
      %le3A_164 = arith.cmpi sle, %add3A_162, %le3A_163 : i32
      %convert_element_type3A_165 = arith.extui %le3A_164 : i1 to i32
      %cond3A_166 = arith.constant 0 : i32
      %cond3A_167 = arith.cmpi ne, %convert_element_type3A_165, %cond3A_166 : i32
      scf.if %cond3A_167 {
        %dma_wait3A_445 = arith.constant 2 : i32
        %dma_wait3A_446 = arith.constant 0 : i32
        %dma_wait3A_447 = arith.constant 0 : i32
        %dma_wait3A_448 = tpu.memref_slice %arg9[%dma_wait3A_445, %dma_wait3A_446, %dma_wait3A_447] : memref<3x1x120xi32, #tpu.memory_space<vmem>> -> memref<1x1x120xi32, #tpu.memory_space<vmem>>
        %dma_wait3A_449 = tpu.memref_squeeze %dma_wait3A_448 : memref<1x1x120xi32, #tpu.memory_space<vmem>> -> memref<1x120xi32, #tpu.memory_space<vmem>>
        %dma_wait3A_450 = arith.constant 0 : i32
        %dma_wait3A_451 = arith.constant 0 : i32
        %dma_wait3A_452 = tpu.memref_slice %arg3[%mul3A_2, %dma_wait3A_450, %dma_wait3A_451] : memref<2688x1x120xi32, #tpu.memory_space<hbm>> -> memref<1x1x120xi32, #tpu.memory_space<hbm>>
        %dma_wait3A_453 = tpu.memref_squeeze %dma_wait3A_452 : memref<1x1x120xi32, #tpu.memory_space<hbm>> -> memref<1x120xi32, #tpu.memory_space<hbm>>
        %dma_wait3A_454 = arith.constant 0 : i32
        %dma_wait3A_455 = arith.constant 0 : i32
        %dma_wait3A_456 = tpu.memref_slice %arg9[%dma_wait3A_445, %dma_wait3A_454, %dma_wait3A_455] : memref<3x1x120xi32, #tpu.memory_space<vmem>> -> memref<1x1x120xi32, #tpu.memory_space<vmem>>
        %dma_wait3A_457 = tpu.memref_squeeze %dma_wait3A_456 : memref<1x1x120xi32, #tpu.memory_space<vmem>> -> memref<1x120xi32, #tpu.memory_space<vmem>>
        %dma_wait3A_458 = arith.constant 0 : i32
        %dma_wait3A_459 = arith.constant 0 : i32
        %dma_wait3A_460 = tpu.memref_slice %arg3[%mul3A_2, %dma_wait3A_458, %dma_wait3A_459] : memref<2688x1x120xi32, #tpu.memory_space<hbm>> -> memref<1x1x120xi32, #tpu.memory_space<hbm>>
        %dma_wait3A_461 = tpu.memref_squeeze %dma_wait3A_460 : memref<1x1x120xi32, #tpu.memory_space<hbm>> -> memref<1x120xi32, #tpu.memory_space<hbm>>
        tpu.wait_dma2 semaphore(%arg19 : memref<!tpu.dma_semaphore, #tpu.memory_space<semaphore_mem>>) src(%dma_wait3A_461 : memref<1x120xi32, #tpu.memory_space<hbm>>) dst(%dma_wait3A_457 : memref<1x120xi32, #tpu.memory_space<vmem>>)
        %dma_wait3A_462 = arith.constant 2 : i32
        %dma_wait3A_463 = arith.constant 0 : i32
        %dma_wait3A_464 = arith.constant 0 : i32
        %dma_wait3A_465 = tpu.memref_slice %arg10[%dma_wait3A_462, %dma_wait3A_463, %dma_wait3A_464] : memref<6x1x120xi32, #tpu.memory_space<vmem>> -> memref<1x1x120xi32, #tpu.memory_space<vmem>>
        %dma_wait3A_466 = tpu.memref_squeeze %dma_wait3A_465 : memref<1x1x120xi32, #tpu.memory_space<vmem>> -> memref<1x120xi32, #tpu.memory_space<vmem>>
        %dma_wait3A_467 = arith.constant 0 : i32
        %dma_wait3A_468 = arith.constant 0 : i32
        %dma_wait3A_469 = tpu.memref_slice %arg4[%mul3A_2, %dma_wait3A_467, %dma_wait3A_468] : memref<2688x1x120xi32, #tpu.memory_space<hbm>> -> memref<1x1x120xi32, #tpu.memory_space<hbm>>
        %dma_wait3A_470 = tpu.memref_squeeze %dma_wait3A_469 : memref<1x1x120xi32, #tpu.memory_space<hbm>> -> memref<1x120xi32, #tpu.memory_space<hbm>>
        %dma_wait3A_471 = arith.constant 0 : i32
        %dma_wait3A_472 = arith.constant 0 : i32
        %dma_wait3A_473 = tpu.memref_slice %arg10[%dma_wait3A_462, %dma_wait3A_471, %dma_wait3A_472] : memref<6x1x120xi32, #tpu.memory_space<vmem>> -> memref<1x1x120xi32, #tpu.memory_space<vmem>>
        %dma_wait3A_474 = tpu.memref_squeeze %dma_wait3A_473 : memref<1x1x120xi32, #tpu.memory_space<vmem>> -> memref<1x120xi32, #tpu.memory_space<vmem>>
        %dma_wait3A_475 = arith.constant 0 : i32
        %dma_wait3A_476 = arith.constant 0 : i32
        %dma_wait3A_477 = tpu.memref_slice %arg4[%mul3A_2, %dma_wait3A_475, %dma_wait3A_476] : memref<2688x1x120xi32, #tpu.memory_space<hbm>> -> memref<1x1x120xi32, #tpu.memory_space<hbm>>
        %dma_wait3A_478 = tpu.memref_squeeze %dma_wait3A_477 : memref<1x1x120xi32, #tpu.memory_space<hbm>> -> memref<1x120xi32, #tpu.memory_space<hbm>>
        tpu.wait_dma2 semaphore(%arg22 : memref<!tpu.dma_semaphore, #tpu.memory_space<semaphore_mem>>) src(%dma_wait3A_478 : memref<1x120xi32, #tpu.memory_space<hbm>>) dst(%dma_wait3A_474 : memref<1x120xi32, #tpu.memory_space<vmem>>)
        %dma_start3A_479 = arith.constant 2 : i32
        %dma_start3A_480 = arith.constant 0 : i32
        %dma_start3A_481 = arith.constant 2 : i32
        %dma_start3A_482 = arith.constant 0 : i32
        %dma_start3A_483 = arith.constant 0 : i32
        %dma_start3A_484 = tpu.memref_slice %arg8[%dma_start3A_481, %dma_start3A_482, %dma_start3A_483] : memref<3x120x128xf32, #tpu.memory_space<vmem>> -> memref<1x120x128xf32, #tpu.memory_space<vmem>>
        %dma_start3A_485 = tpu.memref_squeeze %dma_start3A_484 : memref<1x120x128xf32, #tpu.memory_space<vmem>> -> memref<120x128xf32, #tpu.memory_space<vmem>>
        %dma_start3A_486 = arith.constant 0 : i32
        %dma_start3A_487 = tpu.memref_slice %arg9[%dma_start3A_479, %dma_start3A_480, %dma_start3A_486] : memref<3x1x120xi32, #tpu.memory_space<vmem>> -> memref<1x1x120xi32, #tpu.memory_space<vmem>>
        %dma_start3A_488 = tpu.memref_squeeze %dma_start3A_487 : memref<1x1x120xi32, #tpu.memory_space<vmem>> -> memref<120xi32, #tpu.memory_space<vmem>>
        %dma_start3A_489 = arith.constant 0 : i32
        %dma_start3A_490 = arith.constant 0 : i32
        %dma_start3A_491 = tpu.memref_slice %arg2[%dma_start3A_489, %dma_start3A_490] : memref<20480x128xf32, #tpu.memory_space<hbm>> -> memref<20480x128xf32, #tpu.memory_space<hbm>>
        tpu.enqueue_indirect_dma source(%dma_start3A_491 : memref<20480x128xf32, #tpu.memory_space<hbm>>) target(%dma_start3A_485 : memref<120x128xf32, #tpu.memory_space<vmem>>) offsets(%dma_start3A_488 : memref<120xi32, #tpu.memory_space<vmem>>) semaphore(%arg13 : memref<!tpu.dma_semaphore, #tpu.memory_space<semaphore_mem>>)
      } else {
      }
      %add3A_168 = arith.constant 3 : i32
      %add3A_169 = arith.addi %add3A_129, %add3A_168 : i32
      %le3A_170 = arith.constant 83 : i32
      %le3A_171 = arith.cmpi sle, %add3A_169, %le3A_170 : i32
      %convert_element_type3A_172 = arith.extui %le3A_171 : i1 to i32
      %cond3A_173 = arith.constant 0 : i32
      %cond3A_174 = arith.cmpi ne, %convert_element_type3A_172, %cond3A_173 : i32
      scf.if %cond3A_174 {
        %add3A_445 = arith.addi %mul3A_2, %add3A_129 : i32
        %add3A_446 = arith.constant 3 : i32
        %add3A_447 = arith.addi %add3A_445, %add3A_446 : i32
        %dma_start3A_448 = arith.constant 0 : i32
        %dma_start3A_449 = arith.constant 0 : i32
        %dma_start3A_450 = arith.constant 0 : i32
        %dma_start3A_451 = tpu.memref_slice %arg9[%dma_start3A_448, %dma_start3A_449, %dma_start3A_450] : memref<3x1x120xi32, #tpu.memory_space<vmem>> -> memref<1x1x120xi32, #tpu.memory_space<vmem>>
        %dma_start3A_452 = tpu.memref_squeeze %dma_start3A_451 : memref<1x1x120xi32, #tpu.memory_space<vmem>> -> memref<1x120xi32, #tpu.memory_space<vmem>>
        %dma_start3A_453 = arith.constant 0 : i32
        %dma_start3A_454 = arith.constant 0 : i32
        %dma_start3A_455 = tpu.memref_slice %arg3[%add3A_447, %dma_start3A_453, %dma_start3A_454] : memref<2688x1x120xi32, #tpu.memory_space<hbm>> -> memref<1x1x120xi32, #tpu.memory_space<hbm>>
        %dma_start3A_456 = tpu.memref_squeeze %dma_start3A_455 : memref<1x1x120xi32, #tpu.memory_space<hbm>> -> memref<1x120xi32, #tpu.memory_space<hbm>>
        %dma_start3A_457 = arith.constant 0 : i32
        %dma_start3A_458 = arith.constant 0 : i32
        %dma_start3A_459 = tpu.memref_slice %arg9[%dma_start3A_448, %dma_start3A_457, %dma_start3A_458] : memref<3x1x120xi32, #tpu.memory_space<vmem>> -> memref<1x1x120xi32, #tpu.memory_space<vmem>>
        %dma_start3A_460 = tpu.memref_squeeze %dma_start3A_459 : memref<1x1x120xi32, #tpu.memory_space<vmem>> -> memref<1x120xi32, #tpu.memory_space<vmem>>
        %dma_start3A_461 = arith.constant 0 : i32
        %dma_start3A_462 = arith.constant 0 : i32
        %dma_start3A_463 = tpu.memref_slice %arg3[%add3A_447, %dma_start3A_461, %dma_start3A_462] : memref<2688x1x120xi32, #tpu.memory_space<hbm>> -> memref<1x1x120xi32, #tpu.memory_space<hbm>>
        %dma_start3A_464 = tpu.memref_squeeze %dma_start3A_463 : memref<1x1x120xi32, #tpu.memory_space<hbm>> -> memref<1x120xi32, #tpu.memory_space<hbm>>
        tpu.enqueue_dma source(%dma_start3A_464 : memref<1x120xi32, #tpu.memory_space<hbm>>) target(%dma_start3A_460 : memref<1x120xi32, #tpu.memory_space<vmem>>) target_semaphore(%arg17 : memref<!tpu.dma_semaphore, #tpu.memory_space<semaphore_mem>>)
        %add3A_465 = arith.addi %mul3A_2, %add3A_129 : i32
        %add3A_466 = arith.constant 3 : i32
        %add3A_467 = arith.addi %add3A_465, %add3A_466 : i32
        %dma_start3A_468 = arith.constant 3 : i32
        %dma_start3A_469 = arith.constant 0 : i32
        %dma_start3A_470 = arith.constant 0 : i32
        %dma_start3A_471 = tpu.memref_slice %arg10[%dma_start3A_468, %dma_start3A_469, %dma_start3A_470] : memref<6x1x120xi32, #tpu.memory_space<vmem>> -> memref<1x1x120xi32, #tpu.memory_space<vmem>>
        %dma_start3A_472 = tpu.memref_squeeze %dma_start3A_471 : memref<1x1x120xi32, #tpu.memory_space<vmem>> -> memref<1x120xi32, #tpu.memory_space<vmem>>
        %dma_start3A_473 = arith.constant 0 : i32
        %dma_start3A_474 = arith.constant 0 : i32
        %dma_start3A_475 = tpu.memref_slice %arg4[%add3A_467, %dma_start3A_473, %dma_start3A_474] : memref<2688x1x120xi32, #tpu.memory_space<hbm>> -> memref<1x1x120xi32, #tpu.memory_space<hbm>>
        %dma_start3A_476 = tpu.memref_squeeze %dma_start3A_475 : memref<1x1x120xi32, #tpu.memory_space<hbm>> -> memref<1x120xi32, #tpu.memory_space<hbm>>
        %dma_start3A_477 = arith.constant 0 : i32
        %dma_start3A_478 = arith.constant 0 : i32
        %dma_start3A_479 = tpu.memref_slice %arg10[%dma_start3A_468, %dma_start3A_477, %dma_start3A_478] : memref<6x1x120xi32, #tpu.memory_space<vmem>> -> memref<1x1x120xi32, #tpu.memory_space<vmem>>
        %dma_start3A_480 = tpu.memref_squeeze %dma_start3A_479 : memref<1x1x120xi32, #tpu.memory_space<vmem>> -> memref<1x120xi32, #tpu.memory_space<vmem>>
        %dma_start3A_481 = arith.constant 0 : i32
        %dma_start3A_482 = arith.constant 0 : i32
        %dma_start3A_483 = tpu.memref_slice %arg4[%add3A_467, %dma_start3A_481, %dma_start3A_482] : memref<2688x1x120xi32, #tpu.memory_space<hbm>> -> memref<1x1x120xi32, #tpu.memory_space<hbm>>
        %dma_start3A_484 = tpu.memref_squeeze %dma_start3A_483 : memref<1x1x120xi32, #tpu.memory_space<hbm>> -> memref<1x120xi32, #tpu.memory_space<hbm>>
        tpu.enqueue_dma source(%dma_start3A_484 : memref<1x120xi32, #tpu.memory_space<hbm>>) target(%dma_start3A_480 : memref<1x120xi32, #tpu.memory_space<vmem>>) target_semaphore(%arg23 : memref<!tpu.dma_semaphore, #tpu.memory_space<semaphore_mem>>)
      } else {
      }
      %mul3A_175 = arith.constant 6 : i32
      %mul3A_176 = arith.muli %mul3A_175, %scan3A_125 : i32
      %add3A_177 = arith.constant 1 : i32
      %add3A_178 = arith.addi %mul3A_176, %add3A_177 : i32
      %dma_wait3A_179 = arith.constant 1 : i32
      %dma_wait3A_180 = arith.constant 0 : i32
      %dma_wait3A_181 = arith.constant 1 : i32
      %dma_wait3A_182 = arith.constant 0 : i32
      %dma_wait3A_183 = arith.constant 0 : i32
      %dma_wait3A_184 = tpu.memref_slice %arg8[%dma_wait3A_181, %dma_wait3A_182, %dma_wait3A_183] : memref<3x120x128xf32, #tpu.memory_space<vmem>> -> memref<1x120x128xf32, #tpu.memory_space<vmem>>
      %dma_wait3A_185 = tpu.memref_squeeze %dma_wait3A_184 : memref<1x120x128xf32, #tpu.memory_space<vmem>> -> memref<120x128xf32, #tpu.memory_space<vmem>>
      %dma_wait3A_186 = arith.constant 0 : i32
      %dma_wait3A_187 = tpu.memref_slice %arg9[%dma_wait3A_179, %dma_wait3A_180, %dma_wait3A_186] : memref<3x1x120xi32, #tpu.memory_space<vmem>> -> memref<1x1x120xi32, #tpu.memory_space<vmem>>
      %dma_wait3A_188 = tpu.memref_squeeze %dma_wait3A_187 : memref<1x1x120xi32, #tpu.memory_space<vmem>> -> memref<120xi32, #tpu.memory_space<vmem>>
      %dma_wait3A_189 = arith.constant 0 : i32
      %dma_wait3A_190 = arith.constant 0 : i32
      %dma_wait3A_191 = tpu.memref_slice %arg2[%dma_wait3A_189, %dma_wait3A_190] : memref<20480x128xf32, #tpu.memory_space<hbm>> -> memref<20480x128xf32, #tpu.memory_space<hbm>>
      tpu.wait_indirect_dma semaphore(%arg12 : memref<!tpu.dma_semaphore, #tpu.memory_space<semaphore_mem>>) src(%dma_wait3A_191 : memref<20480x128xf32, #tpu.memory_space<hbm>>) dst(%dma_wait3A_185 : memref<120x128xf32, #tpu.memory_space<vmem>>)
      %dma_start3A_192 = arith.constant 1 : i32
      %dma_start3A_193 = arith.constant 1 : i32
      %dma_start3A_194 = arith.constant 0 : i32
      %dma_start3A_195 = arith.constant 0 : i32
      %dma_start3A_196 = arith.constant 0 : i32
      %dma_start3A_197 = tpu.memref_slice %arg8[%dma_start3A_192, %dma_start3A_195, %dma_start3A_196] : memref<3x120x128xf32, #tpu.memory_space<vmem>> -> memref<1x120x128xf32, #tpu.memory_space<vmem>>
      %dma_start3A_198 = tpu.memref_squeeze %dma_start3A_197 : memref<1x120x128xf32, #tpu.memory_space<vmem>> -> memref<120x128xf32, #tpu.memory_space<vmem>>
      %dma_start3A_199 = arith.constant 0 : i32
      %dma_start3A_200 = tpu.memref_slice %arg10[%dma_start3A_193, %dma_start3A_194, %dma_start3A_199] : memref<6x1x120xi32, #tpu.memory_space<vmem>> -> memref<1x1x120xi32, #tpu.memory_space<vmem>>
      %dma_start3A_201 = tpu.memref_squeeze %dma_start3A_200 : memref<1x1x120xi32, #tpu.memory_space<vmem>> -> memref<120xi32, #tpu.memory_space<vmem>>
      %dma_start3A_202 = arith.constant 0 : i32
      %dma_start3A_203 = arith.constant 0 : i32
      %dma_start3A_204 = tpu.memref_slice %arg7[%dma_start3A_202, %dma_start3A_203] : memref<10240x128xf32, #tpu.memory_space<vmem_shared>> -> memref<10240x128xf32, #tpu.memory_space<vmem_shared>>
      tpu.enqueue_indirect_dma source(%dma_start3A_198 : memref<120x128xf32, #tpu.memory_space<vmem>>) target(%dma_start3A_204 : memref<10240x128xf32, #tpu.memory_space<vmem_shared>>) offsets(%dma_start3A_201 : memref<120xi32, #tpu.memory_space<vmem>>) semaphore(%arg15 : memref<!tpu.dma_semaphore, #tpu.memory_space<semaphore_mem>>) {add = true}
      %ge3A_205 = arith.constant 1 : i32
      %ge3A_206 = arith.cmpi sge, %add3A_178, %ge3A_205 : i32
      %add3A_207 = arith.constant 2 : i32
      %add3A_208 = arith.addi %add3A_178, %add3A_207 : i32
      %le3A_209 = arith.constant 83 : i32
      %le3A_210 = arith.cmpi sle, %add3A_208, %le3A_209 : i32
      %and3A_211 = arith.andi %ge3A_206, %le3A_210 : i1
      %convert_element_type3A_212 = arith.extui %and3A_211 : i1 to i32
      %cond3A_213 = arith.constant 0 : i32
      %cond3A_214 = arith.cmpi ne, %convert_element_type3A_212, %cond3A_213 : i32
      scf.if %cond3A_214 {
        %dma_wait3A_445 = arith.constant 0 : i32
        %dma_wait3A_446 = arith.constant 0 : i32
        %dma_wait3A_447 = arith.constant 0 : i32
        %dma_wait3A_448 = arith.constant 0 : i32
        %dma_wait3A_449 = arith.constant 0 : i32
        %dma_wait3A_450 = tpu.memref_slice %arg8[%dma_wait3A_445, %dma_wait3A_448, %dma_wait3A_449] : memref<3x120x128xf32, #tpu.memory_space<vmem>> -> memref<1x120x128xf32, #tpu.memory_space<vmem>>
        %dma_wait3A_451 = tpu.memref_squeeze %dma_wait3A_450 : memref<1x120x128xf32, #tpu.memory_space<vmem>> -> memref<120x128xf32, #tpu.memory_space<vmem>>
        %dma_wait3A_452 = arith.constant 0 : i32
        %dma_wait3A_453 = tpu.memref_slice %arg10[%dma_wait3A_446, %dma_wait3A_447, %dma_wait3A_452] : memref<6x1x120xi32, #tpu.memory_space<vmem>> -> memref<1x1x120xi32, #tpu.memory_space<vmem>>
        %dma_wait3A_454 = tpu.memref_squeeze %dma_wait3A_453 : memref<1x1x120xi32, #tpu.memory_space<vmem>> -> memref<120xi32, #tpu.memory_space<vmem>>
        %dma_wait3A_455 = arith.constant 0 : i32
        %dma_wait3A_456 = arith.constant 0 : i32
        %dma_wait3A_457 = tpu.memref_slice %arg7[%dma_wait3A_455, %dma_wait3A_456] : memref<10240x128xf32, #tpu.memory_space<vmem_shared>> -> memref<10240x128xf32, #tpu.memory_space<vmem_shared>>
        tpu.wait_indirect_dma semaphore(%arg14 : memref<!tpu.dma_semaphore, #tpu.memory_space<semaphore_mem>>) src(%dma_wait3A_451 : memref<120x128xf32, #tpu.memory_space<vmem>>) dst(%dma_wait3A_457 : memref<10240x128xf32, #tpu.memory_space<vmem_shared>>)
      } else {
      }
      %add3A_215 = arith.constant 2 : i32
      %add3A_216 = arith.addi %add3A_178, %add3A_215 : i32
      %le3A_217 = arith.constant 83 : i32
      %le3A_218 = arith.cmpi sle, %add3A_216, %le3A_217 : i32
      %convert_element_type3A_219 = arith.extui %le3A_218 : i1 to i32
      %cond3A_220 = arith.constant 0 : i32
      %cond3A_221 = arith.cmpi ne, %convert_element_type3A_219, %cond3A_220 : i32
      scf.if %cond3A_221 {
        %dma_wait3A_445 = arith.constant 0 : i32
        %dma_wait3A_446 = arith.constant 0 : i32
        %dma_wait3A_447 = arith.constant 0 : i32
        %dma_wait3A_448 = tpu.memref_slice %arg9[%dma_wait3A_445, %dma_wait3A_446, %dma_wait3A_447] : memref<3x1x120xi32, #tpu.memory_space<vmem>> -> memref<1x1x120xi32, #tpu.memory_space<vmem>>
        %dma_wait3A_449 = tpu.memref_squeeze %dma_wait3A_448 : memref<1x1x120xi32, #tpu.memory_space<vmem>> -> memref<1x120xi32, #tpu.memory_space<vmem>>
        %dma_wait3A_450 = arith.constant 0 : i32
        %dma_wait3A_451 = arith.constant 0 : i32
        %dma_wait3A_452 = tpu.memref_slice %arg3[%mul3A_2, %dma_wait3A_450, %dma_wait3A_451] : memref<2688x1x120xi32, #tpu.memory_space<hbm>> -> memref<1x1x120xi32, #tpu.memory_space<hbm>>
        %dma_wait3A_453 = tpu.memref_squeeze %dma_wait3A_452 : memref<1x1x120xi32, #tpu.memory_space<hbm>> -> memref<1x120xi32, #tpu.memory_space<hbm>>
        %dma_wait3A_454 = arith.constant 0 : i32
        %dma_wait3A_455 = arith.constant 0 : i32
        %dma_wait3A_456 = tpu.memref_slice %arg9[%dma_wait3A_445, %dma_wait3A_454, %dma_wait3A_455] : memref<3x1x120xi32, #tpu.memory_space<vmem>> -> memref<1x1x120xi32, #tpu.memory_space<vmem>>
        %dma_wait3A_457 = tpu.memref_squeeze %dma_wait3A_456 : memref<1x1x120xi32, #tpu.memory_space<vmem>> -> memref<1x120xi32, #tpu.memory_space<vmem>>
        %dma_wait3A_458 = arith.constant 0 : i32
        %dma_wait3A_459 = arith.constant 0 : i32
        %dma_wait3A_460 = tpu.memref_slice %arg3[%mul3A_2, %dma_wait3A_458, %dma_wait3A_459] : memref<2688x1x120xi32, #tpu.memory_space<hbm>> -> memref<1x1x120xi32, #tpu.memory_space<hbm>>
        %dma_wait3A_461 = tpu.memref_squeeze %dma_wait3A_460 : memref<1x1x120xi32, #tpu.memory_space<hbm>> -> memref<1x120xi32, #tpu.memory_space<hbm>>
        tpu.wait_dma2 semaphore(%arg17 : memref<!tpu.dma_semaphore, #tpu.memory_space<semaphore_mem>>) src(%dma_wait3A_461 : memref<1x120xi32, #tpu.memory_space<hbm>>) dst(%dma_wait3A_457 : memref<1x120xi32, #tpu.memory_space<vmem>>)
        %dma_wait3A_462 = arith.constant 3 : i32
        %dma_wait3A_463 = arith.constant 0 : i32
        %dma_wait3A_464 = arith.constant 0 : i32
        %dma_wait3A_465 = tpu.memref_slice %arg10[%dma_wait3A_462, %dma_wait3A_463, %dma_wait3A_464] : memref<6x1x120xi32, #tpu.memory_space<vmem>> -> memref<1x1x120xi32, #tpu.memory_space<vmem>>
        %dma_wait3A_466 = tpu.memref_squeeze %dma_wait3A_465 : memref<1x1x120xi32, #tpu.memory_space<vmem>> -> memref<1x120xi32, #tpu.memory_space<vmem>>
        %dma_wait3A_467 = arith.constant 0 : i32
        %dma_wait3A_468 = arith.constant 0 : i32
        %dma_wait3A_469 = tpu.memref_slice %arg4[%mul3A_2, %dma_wait3A_467, %dma_wait3A_468] : memref<2688x1x120xi32, #tpu.memory_space<hbm>> -> memref<1x1x120xi32, #tpu.memory_space<hbm>>
        %dma_wait3A_470 = tpu.memref_squeeze %dma_wait3A_469 : memref<1x1x120xi32, #tpu.memory_space<hbm>> -> memref<1x120xi32, #tpu.memory_space<hbm>>
        %dma_wait3A_471 = arith.constant 0 : i32
        %dma_wait3A_472 = arith.constant 0 : i32
        %dma_wait3A_473 = tpu.memref_slice %arg10[%dma_wait3A_462, %dma_wait3A_471, %dma_wait3A_472] : memref<6x1x120xi32, #tpu.memory_space<vmem>> -> memref<1x1x120xi32, #tpu.memory_space<vmem>>
        %dma_wait3A_474 = tpu.memref_squeeze %dma_wait3A_473 : memref<1x1x120xi32, #tpu.memory_space<vmem>> -> memref<1x120xi32, #tpu.memory_space<vmem>>
        %dma_wait3A_475 = arith.constant 0 : i32
        %dma_wait3A_476 = arith.constant 0 : i32
        %dma_wait3A_477 = tpu.memref_slice %arg4[%mul3A_2, %dma_wait3A_475, %dma_wait3A_476] : memref<2688x1x120xi32, #tpu.memory_space<hbm>> -> memref<1x1x120xi32, #tpu.memory_space<hbm>>
        %dma_wait3A_478 = tpu.memref_squeeze %dma_wait3A_477 : memref<1x1x120xi32, #tpu.memory_space<hbm>> -> memref<1x120xi32, #tpu.memory_space<hbm>>
        tpu.wait_dma2 semaphore(%arg23 : memref<!tpu.dma_semaphore, #tpu.memory_space<semaphore_mem>>) src(%dma_wait3A_478 : memref<1x120xi32, #tpu.memory_space<hbm>>) dst(%dma_wait3A_474 : memref<1x120xi32, #tpu.memory_space<vmem>>)
        %dma_start3A_479 = arith.constant 0 : i32
        %dma_start3A_480 = arith.constant 0 : i32
        %dma_start3A_481 = arith.constant 0 : i32
        %dma_start3A_482 = arith.constant 0 : i32
        %dma_start3A_483 = arith.constant 0 : i32
        %dma_start3A_484 = tpu.memref_slice %arg8[%dma_start3A_481, %dma_start3A_482, %dma_start3A_483] : memref<3x120x128xf32, #tpu.memory_space<vmem>> -> memref<1x120x128xf32, #tpu.memory_space<vmem>>
        %dma_start3A_485 = tpu.memref_squeeze %dma_start3A_484 : memref<1x120x128xf32, #tpu.memory_space<vmem>> -> memref<120x128xf32, #tpu.memory_space<vmem>>
        %dma_start3A_486 = arith.constant 0 : i32
        %dma_start3A_487 = tpu.memref_slice %arg9[%dma_start3A_479, %dma_start3A_480, %dma_start3A_486] : memref<3x1x120xi32, #tpu.memory_space<vmem>> -> memref<1x1x120xi32, #tpu.memory_space<vmem>>
        %dma_start3A_488 = tpu.memref_squeeze %dma_start3A_487 : memref<1x1x120xi32, #tpu.memory_space<vmem>> -> memref<120xi32, #tpu.memory_space<vmem>>
        %dma_start3A_489 = arith.constant 0 : i32
        %dma_start3A_490 = arith.constant 0 : i32
        %dma_start3A_491 = tpu.memref_slice %arg2[%dma_start3A_489, %dma_start3A_490] : memref<20480x128xf32, #tpu.memory_space<hbm>> -> memref<20480x128xf32, #tpu.memory_space<hbm>>
        tpu.enqueue_indirect_dma source(%dma_start3A_491 : memref<20480x128xf32, #tpu.memory_space<hbm>>) target(%dma_start3A_485 : memref<120x128xf32, #tpu.memory_space<vmem>>) offsets(%dma_start3A_488 : memref<120xi32, #tpu.memory_space<vmem>>) semaphore(%arg11 : memref<!tpu.dma_semaphore, #tpu.memory_space<semaphore_mem>>)
      } else {
      }
      %add3A_222 = arith.constant 3 : i32
      %add3A_223 = arith.addi %add3A_178, %add3A_222 : i32
      %le3A_224 = arith.constant 83 : i32
      %le3A_225 = arith.cmpi sle, %add3A_223, %le3A_224 : i32
      %convert_element_type3A_226 = arith.extui %le3A_225 : i1 to i32
      %cond3A_227 = arith.constant 0 : i32
      %cond3A_228 = arith.cmpi ne, %convert_element_type3A_226, %cond3A_227 : i32
      scf.if %cond3A_228 {
        %add3A_445 = arith.addi %mul3A_2, %add3A_178 : i32
        %add3A_446 = arith.constant 3 : i32
        %add3A_447 = arith.addi %add3A_445, %add3A_446 : i32
        %dma_start3A_448 = arith.constant 1 : i32
        %dma_start3A_449 = arith.constant 0 : i32
        %dma_start3A_450 = arith.constant 0 : i32
        %dma_start3A_451 = tpu.memref_slice %arg9[%dma_start3A_448, %dma_start3A_449, %dma_start3A_450] : memref<3x1x120xi32, #tpu.memory_space<vmem>> -> memref<1x1x120xi32, #tpu.memory_space<vmem>>
        %dma_start3A_452 = tpu.memref_squeeze %dma_start3A_451 : memref<1x1x120xi32, #tpu.memory_space<vmem>> -> memref<1x120xi32, #tpu.memory_space<vmem>>
        %dma_start3A_453 = arith.constant 0 : i32
        %dma_start3A_454 = arith.constant 0 : i32
        %dma_start3A_455 = tpu.memref_slice %arg3[%add3A_447, %dma_start3A_453, %dma_start3A_454] : memref<2688x1x120xi32, #tpu.memory_space<hbm>> -> memref<1x1x120xi32, #tpu.memory_space<hbm>>
        %dma_start3A_456 = tpu.memref_squeeze %dma_start3A_455 : memref<1x1x120xi32, #tpu.memory_space<hbm>> -> memref<1x120xi32, #tpu.memory_space<hbm>>
        %dma_start3A_457 = arith.constant 0 : i32
        %dma_start3A_458 = arith.constant 0 : i32
        %dma_start3A_459 = tpu.memref_slice %arg9[%dma_start3A_448, %dma_start3A_457, %dma_start3A_458] : memref<3x1x120xi32, #tpu.memory_space<vmem>> -> memref<1x1x120xi32, #tpu.memory_space<vmem>>
        %dma_start3A_460 = tpu.memref_squeeze %dma_start3A_459 : memref<1x1x120xi32, #tpu.memory_space<vmem>> -> memref<1x120xi32, #tpu.memory_space<vmem>>
        %dma_start3A_461 = arith.constant 0 : i32
        %dma_start3A_462 = arith.constant 0 : i32
        %dma_start3A_463 = tpu.memref_slice %arg3[%add3A_447, %dma_start3A_461, %dma_start3A_462] : memref<2688x1x120xi32, #tpu.memory_space<hbm>> -> memref<1x1x120xi32, #tpu.memory_space<hbm>>
        %dma_start3A_464 = tpu.memref_squeeze %dma_start3A_463 : memref<1x1x120xi32, #tpu.memory_space<hbm>> -> memref<1x120xi32, #tpu.memory_space<hbm>>
        tpu.enqueue_dma source(%dma_start3A_464 : memref<1x120xi32, #tpu.memory_space<hbm>>) target(%dma_start3A_460 : memref<1x120xi32, #tpu.memory_space<vmem>>) target_semaphore(%arg18 : memref<!tpu.dma_semaphore, #tpu.memory_space<semaphore_mem>>)
        %add3A_465 = arith.addi %mul3A_2, %add3A_178 : i32
        %add3A_466 = arith.constant 3 : i32
        %add3A_467 = arith.addi %add3A_465, %add3A_466 : i32
        %dma_start3A_468 = arith.constant 4 : i32
        %dma_start3A_469 = arith.constant 0 : i32
        %dma_start3A_470 = arith.constant 0 : i32
        %dma_start3A_471 = tpu.memref_slice %arg10[%dma_start3A_468, %dma_start3A_469, %dma_start3A_470] : memref<6x1x120xi32, #tpu.memory_space<vmem>> -> memref<1x1x120xi32, #tpu.memory_space<vmem>>
        %dma_start3A_472 = tpu.memref_squeeze %dma_start3A_471 : memref<1x1x120xi32, #tpu.memory_space<vmem>> -> memref<1x120xi32, #tpu.memory_space<vmem>>
        %dma_start3A_473 = arith.constant 0 : i32
        %dma_start3A_474 = arith.constant 0 : i32
        %dma_start3A_475 = tpu.memref_slice %arg4[%add3A_467, %dma_start3A_473, %dma_start3A_474] : memref<2688x1x120xi32, #tpu.memory_space<hbm>> -> memref<1x1x120xi32, #tpu.memory_space<hbm>>
        %dma_start3A_476 = tpu.memref_squeeze %dma_start3A_475 : memref<1x1x120xi32, #tpu.memory_space<hbm>> -> memref<1x120xi32, #tpu.memory_space<hbm>>
        %dma_start3A_477 = arith.constant 0 : i32
        %dma_start3A_478 = arith.constant 0 : i32
        %dma_start3A_479 = tpu.memref_slice %arg10[%dma_start3A_468, %dma_start3A_477, %dma_start3A_478] : memref<6x1x120xi32, #tpu.memory_space<vmem>> -> memref<1x1x120xi32, #tpu.memory_space<vmem>>
        %dma_start3A_480 = tpu.memref_squeeze %dma_start3A_479 : memref<1x1x120xi32, #tpu.memory_space<vmem>> -> memref<1x120xi32, #tpu.memory_space<vmem>>
        %dma_start3A_481 = arith.constant 0 : i32
        %dma_start3A_482 = arith.constant 0 : i32
        %dma_start3A_483 = tpu.memref_slice %arg4[%add3A_467, %dma_start3A_481, %dma_start3A_482] : memref<2688x1x120xi32, #tpu.memory_space<hbm>> -> memref<1x1x120xi32, #tpu.memory_space<hbm>>
        %dma_start3A_484 = tpu.memref_squeeze %dma_start3A_483 : memref<1x1x120xi32, #tpu.memory_space<hbm>> -> memref<1x120xi32, #tpu.memory_space<hbm>>
        tpu.enqueue_dma source(%dma_start3A_484 : memref<1x120xi32, #tpu.memory_space<hbm>>) target(%dma_start3A_480 : memref<1x120xi32, #tpu.memory_space<vmem>>) target_semaphore(%arg24 : memref<!tpu.dma_semaphore, #tpu.memory_space<semaphore_mem>>)
      } else {
      }
      %mul3A_229 = arith.constant 6 : i32
      %mul3A_230 = arith.muli %mul3A_229, %scan3A_125 : i32
      %add3A_231 = arith.constant 2 : i32
      %add3A_232 = arith.addi %mul3A_230, %add3A_231 : i32
      %dma_wait3A_233 = arith.constant 2 : i32
      %dma_wait3A_234 = arith.constant 0 : i32
      %dma_wait3A_235 = arith.constant 2 : i32
      %dma_wait3A_236 = arith.constant 0 : i32
      %dma_wait3A_237 = arith.constant 0 : i32
      %dma_wait3A_238 = tpu.memref_slice %arg8[%dma_wait3A_235, %dma_wait3A_236, %dma_wait3A_237] : memref<3x120x128xf32, #tpu.memory_space<vmem>> -> memref<1x120x128xf32, #tpu.memory_space<vmem>>
      %dma_wait3A_239 = tpu.memref_squeeze %dma_wait3A_238 : memref<1x120x128xf32, #tpu.memory_space<vmem>> -> memref<120x128xf32, #tpu.memory_space<vmem>>
      %dma_wait3A_240 = arith.constant 0 : i32
      %dma_wait3A_241 = tpu.memref_slice %arg9[%dma_wait3A_233, %dma_wait3A_234, %dma_wait3A_240] : memref<3x1x120xi32, #tpu.memory_space<vmem>> -> memref<1x1x120xi32, #tpu.memory_space<vmem>>
      %dma_wait3A_242 = tpu.memref_squeeze %dma_wait3A_241 : memref<1x1x120xi32, #tpu.memory_space<vmem>> -> memref<120xi32, #tpu.memory_space<vmem>>
      %dma_wait3A_243 = arith.constant 0 : i32
      %dma_wait3A_244 = arith.constant 0 : i32
      %dma_wait3A_245 = tpu.memref_slice %arg2[%dma_wait3A_243, %dma_wait3A_244] : memref<20480x128xf32, #tpu.memory_space<hbm>> -> memref<20480x128xf32, #tpu.memory_space<hbm>>
      tpu.wait_indirect_dma semaphore(%arg13 : memref<!tpu.dma_semaphore, #tpu.memory_space<semaphore_mem>>) src(%dma_wait3A_245 : memref<20480x128xf32, #tpu.memory_space<hbm>>) dst(%dma_wait3A_239 : memref<120x128xf32, #tpu.memory_space<vmem>>)
      %dma_start3A_246 = arith.constant 2 : i32
      %dma_start3A_247 = arith.constant 2 : i32
      %dma_start3A_248 = arith.constant 0 : i32
      %dma_start3A_249 = arith.constant 0 : i32
      %dma_start3A_250 = arith.constant 0 : i32
      %dma_start3A_251 = tpu.memref_slice %arg8[%dma_start3A_246, %dma_start3A_249, %dma_start3A_250] : memref<3x120x128xf32, #tpu.memory_space<vmem>> -> memref<1x120x128xf32, #tpu.memory_space<vmem>>
      %dma_start3A_252 = tpu.memref_squeeze %dma_start3A_251 : memref<1x120x128xf32, #tpu.memory_space<vmem>> -> memref<120x128xf32, #tpu.memory_space<vmem>>
      %dma_start3A_253 = arith.constant 0 : i32
      %dma_start3A_254 = tpu.memref_slice %arg10[%dma_start3A_247, %dma_start3A_248, %dma_start3A_253] : memref<6x1x120xi32, #tpu.memory_space<vmem>> -> memref<1x1x120xi32, #tpu.memory_space<vmem>>
      %dma_start3A_255 = tpu.memref_squeeze %dma_start3A_254 : memref<1x1x120xi32, #tpu.memory_space<vmem>> -> memref<120xi32, #tpu.memory_space<vmem>>
      %dma_start3A_256 = arith.constant 0 : i32
      %dma_start3A_257 = arith.constant 0 : i32
      %dma_start3A_258 = tpu.memref_slice %arg7[%dma_start3A_256, %dma_start3A_257] : memref<10240x128xf32, #tpu.memory_space<vmem_shared>> -> memref<10240x128xf32, #tpu.memory_space<vmem_shared>>
      tpu.enqueue_indirect_dma source(%dma_start3A_252 : memref<120x128xf32, #tpu.memory_space<vmem>>) target(%dma_start3A_258 : memref<10240x128xf32, #tpu.memory_space<vmem_shared>>) offsets(%dma_start3A_255 : memref<120xi32, #tpu.memory_space<vmem>>) semaphore(%arg16 : memref<!tpu.dma_semaphore, #tpu.memory_space<semaphore_mem>>) {add = true}
      %ge3A_259 = arith.constant 1 : i32
      %ge3A_260 = arith.cmpi sge, %add3A_232, %ge3A_259 : i32
      %add3A_261 = arith.constant 2 : i32
      %add3A_262 = arith.addi %add3A_232, %add3A_261 : i32
      %le3A_263 = arith.constant 83 : i32
      %le3A_264 = arith.cmpi sle, %add3A_262, %le3A_263 : i32
      %and3A_265 = arith.andi %ge3A_260, %le3A_264 : i1
      %convert_element_type3A_266 = arith.extui %and3A_265 : i1 to i32
      %cond3A_267 = arith.constant 0 : i32
      %cond3A_268 = arith.cmpi ne, %convert_element_type3A_266, %cond3A_267 : i32
      scf.if %cond3A_268 {
        %dma_wait3A_445 = arith.constant 1 : i32
        %dma_wait3A_446 = arith.constant 1 : i32
        %dma_wait3A_447 = arith.constant 0 : i32
        %dma_wait3A_448 = arith.constant 0 : i32
        %dma_wait3A_449 = arith.constant 0 : i32
        %dma_wait3A_450 = tpu.memref_slice %arg8[%dma_wait3A_445, %dma_wait3A_448, %dma_wait3A_449] : memref<3x120x128xf32, #tpu.memory_space<vmem>> -> memref<1x120x128xf32, #tpu.memory_space<vmem>>
        %dma_wait3A_451 = tpu.memref_squeeze %dma_wait3A_450 : memref<1x120x128xf32, #tpu.memory_space<vmem>> -> memref<120x128xf32, #tpu.memory_space<vmem>>
        %dma_wait3A_452 = arith.constant 0 : i32
        %dma_wait3A_453 = tpu.memref_slice %arg10[%dma_wait3A_446, %dma_wait3A_447, %dma_wait3A_452] : memref<6x1x120xi32, #tpu.memory_space<vmem>> -> memref<1x1x120xi32, #tpu.memory_space<vmem>>
        %dma_wait3A_454 = tpu.memref_squeeze %dma_wait3A_453 : memref<1x1x120xi32, #tpu.memory_space<vmem>> -> memref<120xi32, #tpu.memory_space<vmem>>
        %dma_wait3A_455 = arith.constant 0 : i32
        %dma_wait3A_456 = arith.constant 0 : i32
        %dma_wait3A_457 = tpu.memref_slice %arg7[%dma_wait3A_455, %dma_wait3A_456] : memref<10240x128xf32, #tpu.memory_space<vmem_shared>> -> memref<10240x128xf32, #tpu.memory_space<vmem_shared>>
        tpu.wait_indirect_dma semaphore(%arg15 : memref<!tpu.dma_semaphore, #tpu.memory_space<semaphore_mem>>) src(%dma_wait3A_451 : memref<120x128xf32, #tpu.memory_space<vmem>>) dst(%dma_wait3A_457 : memref<10240x128xf32, #tpu.memory_space<vmem_shared>>)
      } else {
      }
      %add3A_269 = arith.constant 2 : i32
      %add3A_270 = arith.addi %add3A_232, %add3A_269 : i32
      %le3A_271 = arith.constant 83 : i32
      %le3A_272 = arith.cmpi sle, %add3A_270, %le3A_271 : i32
      %convert_element_type3A_273 = arith.extui %le3A_272 : i1 to i32
      %cond3A_274 = arith.constant 0 : i32
      %cond3A_275 = arith.cmpi ne, %convert_element_type3A_273, %cond3A_274 : i32
      scf.if %cond3A_275 {
        %dma_wait3A_445 = arith.constant 1 : i32
        %dma_wait3A_446 = arith.constant 0 : i32
        %dma_wait3A_447 = arith.constant 0 : i32
        %dma_wait3A_448 = tpu.memref_slice %arg9[%dma_wait3A_445, %dma_wait3A_446, %dma_wait3A_447] : memref<3x1x120xi32, #tpu.memory_space<vmem>> -> memref<1x1x120xi32, #tpu.memory_space<vmem>>
        %dma_wait3A_449 = tpu.memref_squeeze %dma_wait3A_448 : memref<1x1x120xi32, #tpu.memory_space<vmem>> -> memref<1x120xi32, #tpu.memory_space<vmem>>
        %dma_wait3A_450 = arith.constant 0 : i32
        %dma_wait3A_451 = arith.constant 0 : i32
        %dma_wait3A_452 = tpu.memref_slice %arg3[%mul3A_2, %dma_wait3A_450, %dma_wait3A_451] : memref<2688x1x120xi32, #tpu.memory_space<hbm>> -> memref<1x1x120xi32, #tpu.memory_space<hbm>>
        %dma_wait3A_453 = tpu.memref_squeeze %dma_wait3A_452 : memref<1x1x120xi32, #tpu.memory_space<hbm>> -> memref<1x120xi32, #tpu.memory_space<hbm>>
        %dma_wait3A_454 = arith.constant 0 : i32
        %dma_wait3A_455 = arith.constant 0 : i32
        %dma_wait3A_456 = tpu.memref_slice %arg9[%dma_wait3A_445, %dma_wait3A_454, %dma_wait3A_455] : memref<3x1x120xi32, #tpu.memory_space<vmem>> -> memref<1x1x120xi32, #tpu.memory_space<vmem>>
        %dma_wait3A_457 = tpu.memref_squeeze %dma_wait3A_456 : memref<1x1x120xi32, #tpu.memory_space<vmem>> -> memref<1x120xi32, #tpu.memory_space<vmem>>
        %dma_wait3A_458 = arith.constant 0 : i32
        %dma_wait3A_459 = arith.constant 0 : i32
        %dma_wait3A_460 = tpu.memref_slice %arg3[%mul3A_2, %dma_wait3A_458, %dma_wait3A_459] : memref<2688x1x120xi32, #tpu.memory_space<hbm>> -> memref<1x1x120xi32, #tpu.memory_space<hbm>>
        %dma_wait3A_461 = tpu.memref_squeeze %dma_wait3A_460 : memref<1x1x120xi32, #tpu.memory_space<hbm>> -> memref<1x120xi32, #tpu.memory_space<hbm>>
        tpu.wait_dma2 semaphore(%arg18 : memref<!tpu.dma_semaphore, #tpu.memory_space<semaphore_mem>>) src(%dma_wait3A_461 : memref<1x120xi32, #tpu.memory_space<hbm>>) dst(%dma_wait3A_457 : memref<1x120xi32, #tpu.memory_space<vmem>>)
        %dma_wait3A_462 = arith.constant 4 : i32
        %dma_wait3A_463 = arith.constant 0 : i32
        %dma_wait3A_464 = arith.constant 0 : i32
        %dma_wait3A_465 = tpu.memref_slice %arg10[%dma_wait3A_462, %dma_wait3A_463, %dma_wait3A_464] : memref<6x1x120xi32, #tpu.memory_space<vmem>> -> memref<1x1x120xi32, #tpu.memory_space<vmem>>
        %dma_wait3A_466 = tpu.memref_squeeze %dma_wait3A_465 : memref<1x1x120xi32, #tpu.memory_space<vmem>> -> memref<1x120xi32, #tpu.memory_space<vmem>>
        %dma_wait3A_467 = arith.constant 0 : i32
        %dma_wait3A_468 = arith.constant 0 : i32
        %dma_wait3A_469 = tpu.memref_slice %arg4[%mul3A_2, %dma_wait3A_467, %dma_wait3A_468] : memref<2688x1x120xi32, #tpu.memory_space<hbm>> -> memref<1x1x120xi32, #tpu.memory_space<hbm>>
        %dma_wait3A_470 = tpu.memref_squeeze %dma_wait3A_469 : memref<1x1x120xi32, #tpu.memory_space<hbm>> -> memref<1x120xi32, #tpu.memory_space<hbm>>
        %dma_wait3A_471 = arith.constant 0 : i32
        %dma_wait3A_472 = arith.constant 0 : i32
        %dma_wait3A_473 = tpu.memref_slice %arg10[%dma_wait3A_462, %dma_wait3A_471, %dma_wait3A_472] : memref<6x1x120xi32, #tpu.memory_space<vmem>> -> memref<1x1x120xi32, #tpu.memory_space<vmem>>
        %dma_wait3A_474 = tpu.memref_squeeze %dma_wait3A_473 : memref<1x1x120xi32, #tpu.memory_space<vmem>> -> memref<1x120xi32, #tpu.memory_space<vmem>>
        %dma_wait3A_475 = arith.constant 0 : i32
        %dma_wait3A_476 = arith.constant 0 : i32
        %dma_wait3A_477 = tpu.memref_slice %arg4[%mul3A_2, %dma_wait3A_475, %dma_wait3A_476] : memref<2688x1x120xi32, #tpu.memory_space<hbm>> -> memref<1x1x120xi32, #tpu.memory_space<hbm>>
        %dma_wait3A_478 = tpu.memref_squeeze %dma_wait3A_477 : memref<1x1x120xi32, #tpu.memory_space<hbm>> -> memref<1x120xi32, #tpu.memory_space<hbm>>
        tpu.wait_dma2 semaphore(%arg24 : memref<!tpu.dma_semaphore, #tpu.memory_space<semaphore_mem>>) src(%dma_wait3A_478 : memref<1x120xi32, #tpu.memory_space<hbm>>) dst(%dma_wait3A_474 : memref<1x120xi32, #tpu.memory_space<vmem>>)
        %dma_start3A_479 = arith.constant 1 : i32
        %dma_start3A_480 = arith.constant 0 : i32
        %dma_start3A_481 = arith.constant 1 : i32
        %dma_start3A_482 = arith.constant 0 : i32
        %dma_start3A_483 = arith.constant 0 : i32
        %dma_start3A_484 = tpu.memref_slice %arg8[%dma_start3A_481, %dma_start3A_482, %dma_start3A_483] : memref<3x120x128xf32, #tpu.memory_space<vmem>> -> memref<1x120x128xf32, #tpu.memory_space<vmem>>
        %dma_start3A_485 = tpu.memref_squeeze %dma_start3A_484 : memref<1x120x128xf32, #tpu.memory_space<vmem>> -> memref<120x128xf32, #tpu.memory_space<vmem>>
        %dma_start3A_486 = arith.constant 0 : i32
        %dma_start3A_487 = tpu.memref_slice %arg9[%dma_start3A_479, %dma_start3A_480, %dma_start3A_486] : memref<3x1x120xi32, #tpu.memory_space<vmem>> -> memref<1x1x120xi32, #tpu.memory_space<vmem>>
        %dma_start3A_488 = tpu.memref_squeeze %dma_start3A_487 : memref<1x1x120xi32, #tpu.memory_space<vmem>> -> memref<120xi32, #tpu.memory_space<vmem>>
        %dma_start3A_489 = arith.constant 0 : i32
        %dma_start3A_490 = arith.constant 0 : i32
        %dma_start3A_491 = tpu.memref_slice %arg2[%dma_start3A_489, %dma_start3A_490] : memref<20480x128xf32, #tpu.memory_space<hbm>> -> memref<20480x128xf32, #tpu.memory_space<hbm>>
        tpu.enqueue_indirect_dma source(%dma_start3A_491 : memref<20480x128xf32, #tpu.memory_space<hbm>>) target(%dma_start3A_485 : memref<120x128xf32, #tpu.memory_space<vmem>>) offsets(%dma_start3A_488 : memref<120xi32, #tpu.memory_space<vmem>>) semaphore(%arg12 : memref<!tpu.dma_semaphore, #tpu.memory_space<semaphore_mem>>)
      } else {
      }
      %add3A_276 = arith.constant 3 : i32
      %add3A_277 = arith.addi %add3A_232, %add3A_276 : i32
      %le3A_278 = arith.constant 83 : i32
      %le3A_279 = arith.cmpi sle, %add3A_277, %le3A_278 : i32
      %convert_element_type3A_280 = arith.extui %le3A_279 : i1 to i32
      %cond3A_281 = arith.constant 0 : i32
      %cond3A_282 = arith.cmpi ne, %convert_element_type3A_280, %cond3A_281 : i32
      scf.if %cond3A_282 {
        %add3A_445 = arith.addi %mul3A_2, %add3A_232 : i32
        %add3A_446 = arith.constant 3 : i32
        %add3A_447 = arith.addi %add3A_445, %add3A_446 : i32
        %dma_start3A_448 = arith.constant 2 : i32
        %dma_start3A_449 = arith.constant 0 : i32
        %dma_start3A_450 = arith.constant 0 : i32
        %dma_start3A_451 = tpu.memref_slice %arg9[%dma_start3A_448, %dma_start3A_449, %dma_start3A_450] : memref<3x1x120xi32, #tpu.memory_space<vmem>> -> memref<1x1x120xi32, #tpu.memory_space<vmem>>
        %dma_start3A_452 = tpu.memref_squeeze %dma_start3A_451 : memref<1x1x120xi32, #tpu.memory_space<vmem>> -> memref<1x120xi32, #tpu.memory_space<vmem>>
        %dma_start3A_453 = arith.constant 0 : i32
        %dma_start3A_454 = arith.constant 0 : i32
        %dma_start3A_455 = tpu.memref_slice %arg3[%add3A_447, %dma_start3A_453, %dma_start3A_454] : memref<2688x1x120xi32, #tpu.memory_space<hbm>> -> memref<1x1x120xi32, #tpu.memory_space<hbm>>
        %dma_start3A_456 = tpu.memref_squeeze %dma_start3A_455 : memref<1x1x120xi32, #tpu.memory_space<hbm>> -> memref<1x120xi32, #tpu.memory_space<hbm>>
        %dma_start3A_457 = arith.constant 0 : i32
        %dma_start3A_458 = arith.constant 0 : i32
        %dma_start3A_459 = tpu.memref_slice %arg9[%dma_start3A_448, %dma_start3A_457, %dma_start3A_458] : memref<3x1x120xi32, #tpu.memory_space<vmem>> -> memref<1x1x120xi32, #tpu.memory_space<vmem>>
        %dma_start3A_460 = tpu.memref_squeeze %dma_start3A_459 : memref<1x1x120xi32, #tpu.memory_space<vmem>> -> memref<1x120xi32, #tpu.memory_space<vmem>>
        %dma_start3A_461 = arith.constant 0 : i32
        %dma_start3A_462 = arith.constant 0 : i32
        %dma_start3A_463 = tpu.memref_slice %arg3[%add3A_447, %dma_start3A_461, %dma_start3A_462] : memref<2688x1x120xi32, #tpu.memory_space<hbm>> -> memref<1x1x120xi32, #tpu.memory_space<hbm>>
        %dma_start3A_464 = tpu.memref_squeeze %dma_start3A_463 : memref<1x1x120xi32, #tpu.memory_space<hbm>> -> memref<1x120xi32, #tpu.memory_space<hbm>>
        tpu.enqueue_dma source(%dma_start3A_464 : memref<1x120xi32, #tpu.memory_space<hbm>>) target(%dma_start3A_460 : memref<1x120xi32, #tpu.memory_space<vmem>>) target_semaphore(%arg19 : memref<!tpu.dma_semaphore, #tpu.memory_space<semaphore_mem>>)
        %add3A_465 = arith.addi %mul3A_2, %add3A_232 : i32
        %add3A_466 = arith.constant 3 : i32
        %add3A_467 = arith.addi %add3A_465, %add3A_466 : i32
        %dma_start3A_468 = arith.constant 5 : i32
        %dma_start3A_469 = arith.constant 0 : i32
        %dma_start3A_470 = arith.constant 0 : i32
        %dma_start3A_471 = tpu.memref_slice %arg10[%dma_start3A_468, %dma_start3A_469, %dma_start3A_470] : memref<6x1x120xi32, #tpu.memory_space<vmem>> -> memref<1x1x120xi32, #tpu.memory_space<vmem>>
        %dma_start3A_472 = tpu.memref_squeeze %dma_start3A_471 : memref<1x1x120xi32, #tpu.memory_space<vmem>> -> memref<1x120xi32, #tpu.memory_space<vmem>>
        %dma_start3A_473 = arith.constant 0 : i32
        %dma_start3A_474 = arith.constant 0 : i32
        %dma_start3A_475 = tpu.memref_slice %arg4[%add3A_467, %dma_start3A_473, %dma_start3A_474] : memref<2688x1x120xi32, #tpu.memory_space<hbm>> -> memref<1x1x120xi32, #tpu.memory_space<hbm>>
        %dma_start3A_476 = tpu.memref_squeeze %dma_start3A_475 : memref<1x1x120xi32, #tpu.memory_space<hbm>> -> memref<1x120xi32, #tpu.memory_space<hbm>>
        %dma_start3A_477 = arith.constant 0 : i32
        %dma_start3A_478 = arith.constant 0 : i32
        %dma_start3A_479 = tpu.memref_slice %arg10[%dma_start3A_468, %dma_start3A_477, %dma_start3A_478] : memref<6x1x120xi32, #tpu.memory_space<vmem>> -> memref<1x1x120xi32, #tpu.memory_space<vmem>>
        %dma_start3A_480 = tpu.memref_squeeze %dma_start3A_479 : memref<1x1x120xi32, #tpu.memory_space<vmem>> -> memref<1x120xi32, #tpu.memory_space<vmem>>
        %dma_start3A_481 = arith.constant 0 : i32
        %dma_start3A_482 = arith.constant 0 : i32
        %dma_start3A_483 = tpu.memref_slice %arg4[%add3A_467, %dma_start3A_481, %dma_start3A_482] : memref<2688x1x120xi32, #tpu.memory_space<hbm>> -> memref<1x1x120xi32, #tpu.memory_space<hbm>>
        %dma_start3A_484 = tpu.memref_squeeze %dma_start3A_483 : memref<1x1x120xi32, #tpu.memory_space<hbm>> -> memref<1x120xi32, #tpu.memory_space<hbm>>
        tpu.enqueue_dma source(%dma_start3A_484 : memref<1x120xi32, #tpu.memory_space<hbm>>) target(%dma_start3A_480 : memref<1x120xi32, #tpu.memory_space<vmem>>) target_semaphore(%arg25 : memref<!tpu.dma_semaphore, #tpu.memory_space<semaphore_mem>>)
      } else {
      }
      %mul3A_283 = arith.constant 6 : i32
      %mul3A_284 = arith.muli %mul3A_283, %scan3A_125 : i32
      %add3A_285 = arith.constant 3 : i32
      %add3A_286 = arith.addi %mul3A_284, %add3A_285 : i32
      %dma_wait3A_287 = arith.constant 0 : i32
      %dma_wait3A_288 = arith.constant 0 : i32
      %dma_wait3A_289 = arith.constant 0 : i32
      %dma_wait3A_290 = arith.constant 0 : i32
      %dma_wait3A_291 = arith.constant 0 : i32
      %dma_wait3A_292 = tpu.memref_slice %arg8[%dma_wait3A_289, %dma_wait3A_290, %dma_wait3A_291] : memref<3x120x128xf32, #tpu.memory_space<vmem>> -> memref<1x120x128xf32, #tpu.memory_space<vmem>>
      %dma_wait3A_293 = tpu.memref_squeeze %dma_wait3A_292 : memref<1x120x128xf32, #tpu.memory_space<vmem>> -> memref<120x128xf32, #tpu.memory_space<vmem>>
      %dma_wait3A_294 = arith.constant 0 : i32
      %dma_wait3A_295 = tpu.memref_slice %arg9[%dma_wait3A_287, %dma_wait3A_288, %dma_wait3A_294] : memref<3x1x120xi32, #tpu.memory_space<vmem>> -> memref<1x1x120xi32, #tpu.memory_space<vmem>>
      %dma_wait3A_296 = tpu.memref_squeeze %dma_wait3A_295 : memref<1x1x120xi32, #tpu.memory_space<vmem>> -> memref<120xi32, #tpu.memory_space<vmem>>
      %dma_wait3A_297 = arith.constant 0 : i32
      %dma_wait3A_298 = arith.constant 0 : i32
      %dma_wait3A_299 = tpu.memref_slice %arg2[%dma_wait3A_297, %dma_wait3A_298] : memref<20480x128xf32, #tpu.memory_space<hbm>> -> memref<20480x128xf32, #tpu.memory_space<hbm>>
      tpu.wait_indirect_dma semaphore(%arg11 : memref<!tpu.dma_semaphore, #tpu.memory_space<semaphore_mem>>) src(%dma_wait3A_299 : memref<20480x128xf32, #tpu.memory_space<hbm>>) dst(%dma_wait3A_293 : memref<120x128xf32, #tpu.memory_space<vmem>>)
      %dma_start3A_300 = arith.constant 0 : i32
      %dma_start3A_301 = arith.constant 3 : i32
      %dma_start3A_302 = arith.constant 0 : i32
      %dma_start3A_303 = arith.constant 0 : i32
      %dma_start3A_304 = arith.constant 0 : i32
      %dma_start3A_305 = tpu.memref_slice %arg8[%dma_start3A_300, %dma_start3A_303, %dma_start3A_304] : memref<3x120x128xf32, #tpu.memory_space<vmem>> -> memref<1x120x128xf32, #tpu.memory_space<vmem>>
      %dma_start3A_306 = tpu.memref_squeeze %dma_start3A_305 : memref<1x120x128xf32, #tpu.memory_space<vmem>> -> memref<120x128xf32, #tpu.memory_space<vmem>>
      %dma_start3A_307 = arith.constant 0 : i32
      %dma_start3A_308 = tpu.memref_slice %arg10[%dma_start3A_301, %dma_start3A_302, %dma_start3A_307] : memref<6x1x120xi32, #tpu.memory_space<vmem>> -> memref<1x1x120xi32, #tpu.memory_space<vmem>>
      %dma_start3A_309 = tpu.memref_squeeze %dma_start3A_308 : memref<1x1x120xi32, #tpu.memory_space<vmem>> -> memref<120xi32, #tpu.memory_space<vmem>>
      %dma_start3A_310 = arith.constant 0 : i32
      %dma_start3A_311 = arith.constant 0 : i32
      %dma_start3A_312 = tpu.memref_slice %arg7[%dma_start3A_310, %dma_start3A_311] : memref<10240x128xf32, #tpu.memory_space<vmem_shared>> -> memref<10240x128xf32, #tpu.memory_space<vmem_shared>>
      tpu.enqueue_indirect_dma source(%dma_start3A_306 : memref<120x128xf32, #tpu.memory_space<vmem>>) target(%dma_start3A_312 : memref<10240x128xf32, #tpu.memory_space<vmem_shared>>) offsets(%dma_start3A_309 : memref<120xi32, #tpu.memory_space<vmem>>) semaphore(%arg14 : memref<!tpu.dma_semaphore, #tpu.memory_space<semaphore_mem>>) {add = true}
      %ge3A_313 = arith.constant 1 : i32
      %ge3A_314 = arith.cmpi sge, %add3A_286, %ge3A_313 : i32
      %add3A_315 = arith.constant 2 : i32
      %add3A_316 = arith.addi %add3A_286, %add3A_315 : i32
      %le3A_317 = arith.constant 83 : i32
      %le3A_318 = arith.cmpi sle, %add3A_316, %le3A_317 : i32
      %and3A_319 = arith.andi %ge3A_314, %le3A_318 : i1
      %convert_element_type3A_320 = arith.extui %and3A_319 : i1 to i32
      %cond3A_321 = arith.constant 0 : i32
      %cond3A_322 = arith.cmpi ne, %convert_element_type3A_320, %cond3A_321 : i32
      scf.if %cond3A_322 {
        %dma_wait3A_445 = arith.constant 2 : i32
        %dma_wait3A_446 = arith.constant 2 : i32
        %dma_wait3A_447 = arith.constant 0 : i32
        %dma_wait3A_448 = arith.constant 0 : i32
        %dma_wait3A_449 = arith.constant 0 : i32
        %dma_wait3A_450 = tpu.memref_slice %arg8[%dma_wait3A_445, %dma_wait3A_448, %dma_wait3A_449] : memref<3x120x128xf32, #tpu.memory_space<vmem>> -> memref<1x120x128xf32, #tpu.memory_space<vmem>>
        %dma_wait3A_451 = tpu.memref_squeeze %dma_wait3A_450 : memref<1x120x128xf32, #tpu.memory_space<vmem>> -> memref<120x128xf32, #tpu.memory_space<vmem>>
        %dma_wait3A_452 = arith.constant 0 : i32
        %dma_wait3A_453 = tpu.memref_slice %arg10[%dma_wait3A_446, %dma_wait3A_447, %dma_wait3A_452] : memref<6x1x120xi32, #tpu.memory_space<vmem>> -> memref<1x1x120xi32, #tpu.memory_space<vmem>>
        %dma_wait3A_454 = tpu.memref_squeeze %dma_wait3A_453 : memref<1x1x120xi32, #tpu.memory_space<vmem>> -> memref<120xi32, #tpu.memory_space<vmem>>
        %dma_wait3A_455 = arith.constant 0 : i32
        %dma_wait3A_456 = arith.constant 0 : i32
        %dma_wait3A_457 = tpu.memref_slice %arg7[%dma_wait3A_455, %dma_wait3A_456] : memref<10240x128xf32, #tpu.memory_space<vmem_shared>> -> memref<10240x128xf32, #tpu.memory_space<vmem_shared>>
        tpu.wait_indirect_dma semaphore(%arg16 : memref<!tpu.dma_semaphore, #tpu.memory_space<semaphore_mem>>) src(%dma_wait3A_451 : memref<120x128xf32, #tpu.memory_space<vmem>>) dst(%dma_wait3A_457 : memref<10240x128xf32, #tpu.memory_space<vmem_shared>>)
      } else {
      }
      %add3A_323 = arith.constant 2 : i32
      %add3A_324 = arith.addi %add3A_286, %add3A_323 : i32
      %le3A_325 = arith.constant 83 : i32
      %le3A_326 = arith.cmpi sle, %add3A_324, %le3A_325 : i32
      %convert_element_type3A_327 = arith.extui %le3A_326 : i1 to i32
      %cond3A_328 = arith.constant 0 : i32
      %cond3A_329 = arith.cmpi ne, %convert_element_type3A_327, %cond3A_328 : i32
      scf.if %cond3A_329 {
        %dma_wait3A_445 = arith.constant 2 : i32
        %dma_wait3A_446 = arith.constant 0 : i32
        %dma_wait3A_447 = arith.constant 0 : i32
        %dma_wait3A_448 = tpu.memref_slice %arg9[%dma_wait3A_445, %dma_wait3A_446, %dma_wait3A_447] : memref<3x1x120xi32, #tpu.memory_space<vmem>> -> memref<1x1x120xi32, #tpu.memory_space<vmem>>
        %dma_wait3A_449 = tpu.memref_squeeze %dma_wait3A_448 : memref<1x1x120xi32, #tpu.memory_space<vmem>> -> memref<1x120xi32, #tpu.memory_space<vmem>>
        %dma_wait3A_450 = arith.constant 0 : i32
        %dma_wait3A_451 = arith.constant 0 : i32
        %dma_wait3A_452 = tpu.memref_slice %arg3[%mul3A_2, %dma_wait3A_450, %dma_wait3A_451] : memref<2688x1x120xi32, #tpu.memory_space<hbm>> -> memref<1x1x120xi32, #tpu.memory_space<hbm>>
        %dma_wait3A_453 = tpu.memref_squeeze %dma_wait3A_452 : memref<1x1x120xi32, #tpu.memory_space<hbm>> -> memref<1x120xi32, #tpu.memory_space<hbm>>
        %dma_wait3A_454 = arith.constant 0 : i32
        %dma_wait3A_455 = arith.constant 0 : i32
        %dma_wait3A_456 = tpu.memref_slice %arg9[%dma_wait3A_445, %dma_wait3A_454, %dma_wait3A_455] : memref<3x1x120xi32, #tpu.memory_space<vmem>> -> memref<1x1x120xi32, #tpu.memory_space<vmem>>
        %dma_wait3A_457 = tpu.memref_squeeze %dma_wait3A_456 : memref<1x1x120xi32, #tpu.memory_space<vmem>> -> memref<1x120xi32, #tpu.memory_space<vmem>>
        %dma_wait3A_458 = arith.constant 0 : i32
        %dma_wait3A_459 = arith.constant 0 : i32
        %dma_wait3A_460 = tpu.memref_slice %arg3[%mul3A_2, %dma_wait3A_458, %dma_wait3A_459] : memref<2688x1x120xi32, #tpu.memory_space<hbm>> -> memref<1x1x120xi32, #tpu.memory_space<hbm>>
        %dma_wait3A_461 = tpu.memref_squeeze %dma_wait3A_460 : memref<1x1x120xi32, #tpu.memory_space<hbm>> -> memref<1x120xi32, #tpu.memory_space<hbm>>
        tpu.wait_dma2 semaphore(%arg19 : memref<!tpu.dma_semaphore, #tpu.memory_space<semaphore_mem>>) src(%dma_wait3A_461 : memref<1x120xi32, #tpu.memory_space<hbm>>) dst(%dma_wait3A_457 : memref<1x120xi32, #tpu.memory_space<vmem>>)
        %dma_wait3A_462 = arith.constant 5 : i32
        %dma_wait3A_463 = arith.constant 0 : i32
        %dma_wait3A_464 = arith.constant 0 : i32
        %dma_wait3A_465 = tpu.memref_slice %arg10[%dma_wait3A_462, %dma_wait3A_463, %dma_wait3A_464] : memref<6x1x120xi32, #tpu.memory_space<vmem>> -> memref<1x1x120xi32, #tpu.memory_space<vmem>>
        %dma_wait3A_466 = tpu.memref_squeeze %dma_wait3A_465 : memref<1x1x120xi32, #tpu.memory_space<vmem>> -> memref<1x120xi32, #tpu.memory_space<vmem>>
        %dma_wait3A_467 = arith.constant 0 : i32
        %dma_wait3A_468 = arith.constant 0 : i32
        %dma_wait3A_469 = tpu.memref_slice %arg4[%mul3A_2, %dma_wait3A_467, %dma_wait3A_468] : memref<2688x1x120xi32, #tpu.memory_space<hbm>> -> memref<1x1x120xi32, #tpu.memory_space<hbm>>
        %dma_wait3A_470 = tpu.memref_squeeze %dma_wait3A_469 : memref<1x1x120xi32, #tpu.memory_space<hbm>> -> memref<1x120xi32, #tpu.memory_space<hbm>>
        %dma_wait3A_471 = arith.constant 0 : i32
        %dma_wait3A_472 = arith.constant 0 : i32
        %dma_wait3A_473 = tpu.memref_slice %arg10[%dma_wait3A_462, %dma_wait3A_471, %dma_wait3A_472] : memref<6x1x120xi32, #tpu.memory_space<vmem>> -> memref<1x1x120xi32, #tpu.memory_space<vmem>>
        %dma_wait3A_474 = tpu.memref_squeeze %dma_wait3A_473 : memref<1x1x120xi32, #tpu.memory_space<vmem>> -> memref<1x120xi32, #tpu.memory_space<vmem>>
        %dma_wait3A_475 = arith.constant 0 : i32
        %dma_wait3A_476 = arith.constant 0 : i32
        %dma_wait3A_477 = tpu.memref_slice %arg4[%mul3A_2, %dma_wait3A_475, %dma_wait3A_476] : memref<2688x1x120xi32, #tpu.memory_space<hbm>> -> memref<1x1x120xi32, #tpu.memory_space<hbm>>
        %dma_wait3A_478 = tpu.memref_squeeze %dma_wait3A_477 : memref<1x1x120xi32, #tpu.memory_space<hbm>> -> memref<1x120xi32, #tpu.memory_space<hbm>>
        tpu.wait_dma2 semaphore(%arg25 : memref<!tpu.dma_semaphore, #tpu.memory_space<semaphore_mem>>) src(%dma_wait3A_478 : memref<1x120xi32, #tpu.memory_space<hbm>>) dst(%dma_wait3A_474 : memref<1x120xi32, #tpu.memory_space<vmem>>)
        %dma_start3A_479 = arith.constant 2 : i32
        %dma_start3A_480 = arith.constant 0 : i32
        %dma_start3A_481 = arith.constant 2 : i32
        %dma_start3A_482 = arith.constant 0 : i32
        %dma_start3A_483 = arith.constant 0 : i32
        %dma_start3A_484 = tpu.memref_slice %arg8[%dma_start3A_481, %dma_start3A_482, %dma_start3A_483] : memref<3x120x128xf32, #tpu.memory_space<vmem>> -> memref<1x120x128xf32, #tpu.memory_space<vmem>>
        %dma_start3A_485 = tpu.memref_squeeze %dma_start3A_484 : memref<1x120x128xf32, #tpu.memory_space<vmem>> -> memref<120x128xf32, #tpu.memory_space<vmem>>
        %dma_start3A_486 = arith.constant 0 : i32
        %dma_start3A_487 = tpu.memref_slice %arg9[%dma_start3A_479, %dma_start3A_480, %dma_start3A_486] : memref<3x1x120xi32, #tpu.memory_space<vmem>> -> memref<1x1x120xi32, #tpu.memory_space<vmem>>
        %dma_start3A_488 = tpu.memref_squeeze %dma_start3A_487 : memref<1x1x120xi32, #tpu.memory_space<vmem>> -> memref<120xi32, #tpu.memory_space<vmem>>
        %dma_start3A_489 = arith.constant 0 : i32
        %dma_start3A_490 = arith.constant 0 : i32
        %dma_start3A_491 = tpu.memref_slice %arg2[%dma_start3A_489, %dma_start3A_490] : memref<20480x128xf32, #tpu.memory_space<hbm>> -> memref<20480x128xf32, #tpu.memory_space<hbm>>
        tpu.enqueue_indirect_dma source(%dma_start3A_491 : memref<20480x128xf32, #tpu.memory_space<hbm>>) target(%dma_start3A_485 : memref<120x128xf32, #tpu.memory_space<vmem>>) offsets(%dma_start3A_488 : memref<120xi32, #tpu.memory_space<vmem>>) semaphore(%arg13 : memref<!tpu.dma_semaphore, #tpu.memory_space<semaphore_mem>>)
      } else {
      }
      %add3A_330 = arith.constant 3 : i32
      %add3A_331 = arith.addi %add3A_286, %add3A_330 : i32
      %le3A_332 = arith.constant 83 : i32
      %le3A_333 = arith.cmpi sle, %add3A_331, %le3A_332 : i32
      %convert_element_type3A_334 = arith.extui %le3A_333 : i1 to i32
      %cond3A_335 = arith.constant 0 : i32
      %cond3A_336 = arith.cmpi ne, %convert_element_type3A_334, %cond3A_335 : i32
      scf.if %cond3A_336 {
        %add3A_445 = arith.addi %mul3A_2, %add3A_286 : i32
        %add3A_446 = arith.constant 3 : i32
        %add3A_447 = arith.addi %add3A_445, %add3A_446 : i32
        %dma_start3A_448 = arith.constant 0 : i32
        %dma_start3A_449 = arith.constant 0 : i32
        %dma_start3A_450 = arith.constant 0 : i32
        %dma_start3A_451 = tpu.memref_slice %arg9[%dma_start3A_448, %dma_start3A_449, %dma_start3A_450] : memref<3x1x120xi32, #tpu.memory_space<vmem>> -> memref<1x1x120xi32, #tpu.memory_space<vmem>>
        %dma_start3A_452 = tpu.memref_squeeze %dma_start3A_451 : memref<1x1x120xi32, #tpu.memory_space<vmem>> -> memref<1x120xi32, #tpu.memory_space<vmem>>
        %dma_start3A_453 = arith.constant 0 : i32
        %dma_start3A_454 = arith.constant 0 : i32
        %dma_start3A_455 = tpu.memref_slice %arg3[%add3A_447, %dma_start3A_453, %dma_start3A_454] : memref<2688x1x120xi32, #tpu.memory_space<hbm>> -> memref<1x1x120xi32, #tpu.memory_space<hbm>>
        %dma_start3A_456 = tpu.memref_squeeze %dma_start3A_455 : memref<1x1x120xi32, #tpu.memory_space<hbm>> -> memref<1x120xi32, #tpu.memory_space<hbm>>
        %dma_start3A_457 = arith.constant 0 : i32
        %dma_start3A_458 = arith.constant 0 : i32
        %dma_start3A_459 = tpu.memref_slice %arg9[%dma_start3A_448, %dma_start3A_457, %dma_start3A_458] : memref<3x1x120xi32, #tpu.memory_space<vmem>> -> memref<1x1x120xi32, #tpu.memory_space<vmem>>
        %dma_start3A_460 = tpu.memref_squeeze %dma_start3A_459 : memref<1x1x120xi32, #tpu.memory_space<vmem>> -> memref<1x120xi32, #tpu.memory_space<vmem>>
        %dma_start3A_461 = arith.constant 0 : i32
        %dma_start3A_462 = arith.constant 0 : i32
        %dma_start3A_463 = tpu.memref_slice %arg3[%add3A_447, %dma_start3A_461, %dma_start3A_462] : memref<2688x1x120xi32, #tpu.memory_space<hbm>> -> memref<1x1x120xi32, #tpu.memory_space<hbm>>
        %dma_start3A_464 = tpu.memref_squeeze %dma_start3A_463 : memref<1x1x120xi32, #tpu.memory_space<hbm>> -> memref<1x120xi32, #tpu.memory_space<hbm>>
        tpu.enqueue_dma source(%dma_start3A_464 : memref<1x120xi32, #tpu.memory_space<hbm>>) target(%dma_start3A_460 : memref<1x120xi32, #tpu.memory_space<vmem>>) target_semaphore(%arg17 : memref<!tpu.dma_semaphore, #tpu.memory_space<semaphore_mem>>)
        %add3A_465 = arith.addi %mul3A_2, %add3A_286 : i32
        %add3A_466 = arith.constant 3 : i32
        %add3A_467 = arith.addi %add3A_465, %add3A_466 : i32
        %dma_start3A_468 = arith.constant 0 : i32
        %dma_start3A_469 = arith.constant 0 : i32
        %dma_start3A_470 = arith.constant 0 : i32
        %dma_start3A_471 = tpu.memref_slice %arg10[%dma_start3A_468, %dma_start3A_469, %dma_start3A_470] : memref<6x1x120xi32, #tpu.memory_space<vmem>> -> memref<1x1x120xi32, #tpu.memory_space<vmem>>
        %dma_start3A_472 = tpu.memref_squeeze %dma_start3A_471 : memref<1x1x120xi32, #tpu.memory_space<vmem>> -> memref<1x120xi32, #tpu.memory_space<vmem>>
        %dma_start3A_473 = arith.constant 0 : i32
        %dma_start3A_474 = arith.constant 0 : i32
        %dma_start3A_475 = tpu.memref_slice %arg4[%add3A_467, %dma_start3A_473, %dma_start3A_474] : memref<2688x1x120xi32, #tpu.memory_space<hbm>> -> memref<1x1x120xi32, #tpu.memory_space<hbm>>
        %dma_start3A_476 = tpu.memref_squeeze %dma_start3A_475 : memref<1x1x120xi32, #tpu.memory_space<hbm>> -> memref<1x120xi32, #tpu.memory_space<hbm>>
        %dma_start3A_477 = arith.constant 0 : i32
        %dma_start3A_478 = arith.constant 0 : i32
        %dma_start3A_479 = tpu.memref_slice %arg10[%dma_start3A_468, %dma_start3A_477, %dma_start3A_478] : memref<6x1x120xi32, #tpu.memory_space<vmem>> -> memref<1x1x120xi32, #tpu.memory_space<vmem>>
        %dma_start3A_480 = tpu.memref_squeeze %dma_start3A_479 : memref<1x1x120xi32, #tpu.memory_space<vmem>> -> memref<1x120xi32, #tpu.memory_space<vmem>>
        %dma_start3A_481 = arith.constant 0 : i32
        %dma_start3A_482 = arith.constant 0 : i32
        %dma_start3A_483 = tpu.memref_slice %arg4[%add3A_467, %dma_start3A_481, %dma_start3A_482] : memref<2688x1x120xi32, #tpu.memory_space<hbm>> -> memref<1x1x120xi32, #tpu.memory_space<hbm>>
        %dma_start3A_484 = tpu.memref_squeeze %dma_start3A_483 : memref<1x1x120xi32, #tpu.memory_space<hbm>> -> memref<1x120xi32, #tpu.memory_space<hbm>>
        tpu.enqueue_dma source(%dma_start3A_484 : memref<1x120xi32, #tpu.memory_space<hbm>>) target(%dma_start3A_480 : memref<1x120xi32, #tpu.memory_space<vmem>>) target_semaphore(%arg20 : memref<!tpu.dma_semaphore, #tpu.memory_space<semaphore_mem>>)
      } else {
      }
      %mul3A_337 = arith.constant 6 : i32
      %mul3A_338 = arith.muli %mul3A_337, %scan3A_125 : i32
      %add3A_339 = arith.constant 4 : i32
      %add3A_340 = arith.addi %mul3A_338, %add3A_339 : i32
      %dma_wait3A_341 = arith.constant 1 : i32
      %dma_wait3A_342 = arith.constant 0 : i32
      %dma_wait3A_343 = arith.constant 1 : i32
      %dma_wait3A_344 = arith.constant 0 : i32
      %dma_wait3A_345 = arith.constant 0 : i32
      %dma_wait3A_346 = tpu.memref_slice %arg8[%dma_wait3A_343, %dma_wait3A_344, %dma_wait3A_345] : memref<3x120x128xf32, #tpu.memory_space<vmem>> -> memref<1x120x128xf32, #tpu.memory_space<vmem>>
      %dma_wait3A_347 = tpu.memref_squeeze %dma_wait3A_346 : memref<1x120x128xf32, #tpu.memory_space<vmem>> -> memref<120x128xf32, #tpu.memory_space<vmem>>
      %dma_wait3A_348 = arith.constant 0 : i32
      %dma_wait3A_349 = tpu.memref_slice %arg9[%dma_wait3A_341, %dma_wait3A_342, %dma_wait3A_348] : memref<3x1x120xi32, #tpu.memory_space<vmem>> -> memref<1x1x120xi32, #tpu.memory_space<vmem>>
      %dma_wait3A_350 = tpu.memref_squeeze %dma_wait3A_349 : memref<1x1x120xi32, #tpu.memory_space<vmem>> -> memref<120xi32, #tpu.memory_space<vmem>>
      %dma_wait3A_351 = arith.constant 0 : i32
      %dma_wait3A_352 = arith.constant 0 : i32
      %dma_wait3A_353 = tpu.memref_slice %arg2[%dma_wait3A_351, %dma_wait3A_352] : memref<20480x128xf32, #tpu.memory_space<hbm>> -> memref<20480x128xf32, #tpu.memory_space<hbm>>
      tpu.wait_indirect_dma semaphore(%arg12 : memref<!tpu.dma_semaphore, #tpu.memory_space<semaphore_mem>>) src(%dma_wait3A_353 : memref<20480x128xf32, #tpu.memory_space<hbm>>) dst(%dma_wait3A_347 : memref<120x128xf32, #tpu.memory_space<vmem>>)
      %dma_start3A_354 = arith.constant 1 : i32
      %dma_start3A_355 = arith.constant 4 : i32
      %dma_start3A_356 = arith.constant 0 : i32
      %dma_start3A_357 = arith.constant 0 : i32
      %dma_start3A_358 = arith.constant 0 : i32
      %dma_start3A_359 = tpu.memref_slice %arg8[%dma_start3A_354, %dma_start3A_357, %dma_start3A_358] : memref<3x120x128xf32, #tpu.memory_space<vmem>> -> memref<1x120x128xf32, #tpu.memory_space<vmem>>
      %dma_start3A_360 = tpu.memref_squeeze %dma_start3A_359 : memref<1x120x128xf32, #tpu.memory_space<vmem>> -> memref<120x128xf32, #tpu.memory_space<vmem>>
      %dma_start3A_361 = arith.constant 0 : i32
      %dma_start3A_362 = tpu.memref_slice %arg10[%dma_start3A_355, %dma_start3A_356, %dma_start3A_361] : memref<6x1x120xi32, #tpu.memory_space<vmem>> -> memref<1x1x120xi32, #tpu.memory_space<vmem>>
      %dma_start3A_363 = tpu.memref_squeeze %dma_start3A_362 : memref<1x1x120xi32, #tpu.memory_space<vmem>> -> memref<120xi32, #tpu.memory_space<vmem>>
      %dma_start3A_364 = arith.constant 0 : i32
      %dma_start3A_365 = arith.constant 0 : i32
      %dma_start3A_366 = tpu.memref_slice %arg7[%dma_start3A_364, %dma_start3A_365] : memref<10240x128xf32, #tpu.memory_space<vmem_shared>> -> memref<10240x128xf32, #tpu.memory_space<vmem_shared>>
      tpu.enqueue_indirect_dma source(%dma_start3A_360 : memref<120x128xf32, #tpu.memory_space<vmem>>) target(%dma_start3A_366 : memref<10240x128xf32, #tpu.memory_space<vmem_shared>>) offsets(%dma_start3A_363 : memref<120xi32, #tpu.memory_space<vmem>>) semaphore(%arg15 : memref<!tpu.dma_semaphore, #tpu.memory_space<semaphore_mem>>) {add = true}
      %ge3A_367 = arith.constant 1 : i32
      %ge3A_368 = arith.cmpi sge, %add3A_340, %ge3A_367 : i32
      %add3A_369 = arith.constant 2 : i32
      %add3A_370 = arith.addi %add3A_340, %add3A_369 : i32
      %le3A_371 = arith.constant 83 : i32
      %le3A_372 = arith.cmpi sle, %add3A_370, %le3A_371 : i32
      %and3A_373 = arith.andi %ge3A_368, %le3A_372 : i1
      %convert_element_type3A_374 = arith.extui %and3A_373 : i1 to i32
      %cond3A_375 = arith.constant 0 : i32
      %cond3A_376 = arith.cmpi ne, %convert_element_type3A_374, %cond3A_375 : i32
      scf.if %cond3A_376 {
        %dma_wait3A_445 = arith.constant 0 : i32
        %dma_wait3A_446 = arith.constant 3 : i32
        %dma_wait3A_447 = arith.constant 0 : i32
        %dma_wait3A_448 = arith.constant 0 : i32
        %dma_wait3A_449 = arith.constant 0 : i32
        %dma_wait3A_450 = tpu.memref_slice %arg8[%dma_wait3A_445, %dma_wait3A_448, %dma_wait3A_449] : memref<3x120x128xf32, #tpu.memory_space<vmem>> -> memref<1x120x128xf32, #tpu.memory_space<vmem>>
        %dma_wait3A_451 = tpu.memref_squeeze %dma_wait3A_450 : memref<1x120x128xf32, #tpu.memory_space<vmem>> -> memref<120x128xf32, #tpu.memory_space<vmem>>
        %dma_wait3A_452 = arith.constant 0 : i32
        %dma_wait3A_453 = tpu.memref_slice %arg10[%dma_wait3A_446, %dma_wait3A_447, %dma_wait3A_452] : memref<6x1x120xi32, #tpu.memory_space<vmem>> -> memref<1x1x120xi32, #tpu.memory_space<vmem>>
        %dma_wait3A_454 = tpu.memref_squeeze %dma_wait3A_453 : memref<1x1x120xi32, #tpu.memory_space<vmem>> -> memref<120xi32, #tpu.memory_space<vmem>>
        %dma_wait3A_455 = arith.constant 0 : i32
        %dma_wait3A_456 = arith.constant 0 : i32
        %dma_wait3A_457 = tpu.memref_slice %arg7[%dma_wait3A_455, %dma_wait3A_456] : memref<10240x128xf32, #tpu.memory_space<vmem_shared>> -> memref<10240x128xf32, #tpu.memory_space<vmem_shared>>
        tpu.wait_indirect_dma semaphore(%arg14 : memref<!tpu.dma_semaphore, #tpu.memory_space<semaphore_mem>>) src(%dma_wait3A_451 : memref<120x128xf32, #tpu.memory_space<vmem>>) dst(%dma_wait3A_457 : memref<10240x128xf32, #tpu.memory_space<vmem_shared>>)
      } else {
      }
      %add3A_377 = arith.constant 2 : i32
      %add3A_378 = arith.addi %add3A_340, %add3A_377 : i32
      %le3A_379 = arith.constant 83 : i32
      %le3A_380 = arith.cmpi sle, %add3A_378, %le3A_379 : i32
      %convert_element_type3A_381 = arith.extui %le3A_380 : i1 to i32
      %cond3A_382 = arith.constant 0 : i32
      %cond3A_383 = arith.cmpi ne, %convert_element_type3A_381, %cond3A_382 : i32
      scf.if %cond3A_383 {
        %dma_wait3A_445 = arith.constant 0 : i32
        %dma_wait3A_446 = arith.constant 0 : i32
        %dma_wait3A_447 = arith.constant 0 : i32
        %dma_wait3A_448 = tpu.memref_slice %arg9[%dma_wait3A_445, %dma_wait3A_446, %dma_wait3A_447] : memref<3x1x120xi32, #tpu.memory_space<vmem>> -> memref<1x1x120xi32, #tpu.memory_space<vmem>>
        %dma_wait3A_449 = tpu.memref_squeeze %dma_wait3A_448 : memref<1x1x120xi32, #tpu.memory_space<vmem>> -> memref<1x120xi32, #tpu.memory_space<vmem>>
        %dma_wait3A_450 = arith.constant 0 : i32
        %dma_wait3A_451 = arith.constant 0 : i32
        %dma_wait3A_452 = tpu.memref_slice %arg3[%mul3A_2, %dma_wait3A_450, %dma_wait3A_451] : memref<2688x1x120xi32, #tpu.memory_space<hbm>> -> memref<1x1x120xi32, #tpu.memory_space<hbm>>
        %dma_wait3A_453 = tpu.memref_squeeze %dma_wait3A_452 : memref<1x1x120xi32, #tpu.memory_space<hbm>> -> memref<1x120xi32, #tpu.memory_space<hbm>>
        %dma_wait3A_454 = arith.constant 0 : i32
        %dma_wait3A_455 = arith.constant 0 : i32
        %dma_wait3A_456 = tpu.memref_slice %arg9[%dma_wait3A_445, %dma_wait3A_454, %dma_wait3A_455] : memref<3x1x120xi32, #tpu.memory_space<vmem>> -> memref<1x1x120xi32, #tpu.memory_space<vmem>>
        %dma_wait3A_457 = tpu.memref_squeeze %dma_wait3A_456 : memref<1x1x120xi32, #tpu.memory_space<vmem>> -> memref<1x120xi32, #tpu.memory_space<vmem>>
        %dma_wait3A_458 = arith.constant 0 : i32
        %dma_wait3A_459 = arith.constant 0 : i32
        %dma_wait3A_460 = tpu.memref_slice %arg3[%mul3A_2, %dma_wait3A_458, %dma_wait3A_459] : memref<2688x1x120xi32, #tpu.memory_space<hbm>> -> memref<1x1x120xi32, #tpu.memory_space<hbm>>
        %dma_wait3A_461 = tpu.memref_squeeze %dma_wait3A_460 : memref<1x1x120xi32, #tpu.memory_space<hbm>> -> memref<1x120xi32, #tpu.memory_space<hbm>>
        tpu.wait_dma2 semaphore(%arg17 : memref<!tpu.dma_semaphore, #tpu.memory_space<semaphore_mem>>) src(%dma_wait3A_461 : memref<1x120xi32, #tpu.memory_space<hbm>>) dst(%dma_wait3A_457 : memref<1x120xi32, #tpu.memory_space<vmem>>)
        %dma_wait3A_462 = arith.constant 0 : i32
        %dma_wait3A_463 = arith.constant 0 : i32
        %dma_wait3A_464 = arith.constant 0 : i32
        %dma_wait3A_465 = tpu.memref_slice %arg10[%dma_wait3A_462, %dma_wait3A_463, %dma_wait3A_464] : memref<6x1x120xi32, #tpu.memory_space<vmem>> -> memref<1x1x120xi32, #tpu.memory_space<vmem>>
        %dma_wait3A_466 = tpu.memref_squeeze %dma_wait3A_465 : memref<1x1x120xi32, #tpu.memory_space<vmem>> -> memref<1x120xi32, #tpu.memory_space<vmem>>
        %dma_wait3A_467 = arith.constant 0 : i32
        %dma_wait3A_468 = arith.constant 0 : i32
        %dma_wait3A_469 = tpu.memref_slice %arg4[%mul3A_2, %dma_wait3A_467, %dma_wait3A_468] : memref<2688x1x120xi32, #tpu.memory_space<hbm>> -> memref<1x1x120xi32, #tpu.memory_space<hbm>>
        %dma_wait3A_470 = tpu.memref_squeeze %dma_wait3A_469 : memref<1x1x120xi32, #tpu.memory_space<hbm>> -> memref<1x120xi32, #tpu.memory_space<hbm>>
        %dma_wait3A_471 = arith.constant 0 : i32
        %dma_wait3A_472 = arith.constant 0 : i32
        %dma_wait3A_473 = tpu.memref_slice %arg10[%dma_wait3A_462, %dma_wait3A_471, %dma_wait3A_472] : memref<6x1x120xi32, #tpu.memory_space<vmem>> -> memref<1x1x120xi32, #tpu.memory_space<vmem>>
        %dma_wait3A_474 = tpu.memref_squeeze %dma_wait3A_473 : memref<1x1x120xi32, #tpu.memory_space<vmem>> -> memref<1x120xi32, #tpu.memory_space<vmem>>
        %dma_wait3A_475 = arith.constant 0 : i32
        %dma_wait3A_476 = arith.constant 0 : i32
        %dma_wait3A_477 = tpu.memref_slice %arg4[%mul3A_2, %dma_wait3A_475, %dma_wait3A_476] : memref<2688x1x120xi32, #tpu.memory_space<hbm>> -> memref<1x1x120xi32, #tpu.memory_space<hbm>>
        %dma_wait3A_478 = tpu.memref_squeeze %dma_wait3A_477 : memref<1x1x120xi32, #tpu.memory_space<hbm>> -> memref<1x120xi32, #tpu.memory_space<hbm>>
        tpu.wait_dma2 semaphore(%arg20 : memref<!tpu.dma_semaphore, #tpu.memory_space<semaphore_mem>>) src(%dma_wait3A_478 : memref<1x120xi32, #tpu.memory_space<hbm>>) dst(%dma_wait3A_474 : memref<1x120xi32, #tpu.memory_space<vmem>>)
        %dma_start3A_479 = arith.constant 0 : i32
        %dma_start3A_480 = arith.constant 0 : i32
        %dma_start3A_481 = arith.constant 0 : i32
        %dma_start3A_482 = arith.constant 0 : i32
        %dma_start3A_483 = arith.constant 0 : i32
        %dma_start3A_484 = tpu.memref_slice %arg8[%dma_start3A_481, %dma_start3A_482, %dma_start3A_483] : memref<3x120x128xf32, #tpu.memory_space<vmem>> -> memref<1x120x128xf32, #tpu.memory_space<vmem>>
        %dma_start3A_485 = tpu.memref_squeeze %dma_start3A_484 : memref<1x120x128xf32, #tpu.memory_space<vmem>> -> memref<120x128xf32, #tpu.memory_space<vmem>>
        %dma_start3A_486 = arith.constant 0 : i32
        %dma_start3A_487 = tpu.memref_slice %arg9[%dma_start3A_479, %dma_start3A_480, %dma_start3A_486] : memref<3x1x120xi32, #tpu.memory_space<vmem>> -> memref<1x1x120xi32, #tpu.memory_space<vmem>>
        %dma_start3A_488 = tpu.memref_squeeze %dma_start3A_487 : memref<1x1x120xi32, #tpu.memory_space<vmem>> -> memref<120xi32, #tpu.memory_space<vmem>>
        %dma_start3A_489 = arith.constant 0 : i32
        %dma_start3A_490 = arith.constant 0 : i32
        %dma_start3A_491 = tpu.memref_slice %arg2[%dma_start3A_489, %dma_start3A_490] : memref<20480x128xf32, #tpu.memory_space<hbm>> -> memref<20480x128xf32, #tpu.memory_space<hbm>>
        tpu.enqueue_indirect_dma source(%dma_start3A_491 : memref<20480x128xf32, #tpu.memory_space<hbm>>) target(%dma_start3A_485 : memref<120x128xf32, #tpu.memory_space<vmem>>) offsets(%dma_start3A_488 : memref<120xi32, #tpu.memory_space<vmem>>) semaphore(%arg11 : memref<!tpu.dma_semaphore, #tpu.memory_space<semaphore_mem>>)
      } else {
      }
      %add3A_384 = arith.constant 3 : i32
      %add3A_385 = arith.addi %add3A_340, %add3A_384 : i32
      %le3A_386 = arith.constant 83 : i32
      %le3A_387 = arith.cmpi sle, %add3A_385, %le3A_386 : i32
      %convert_element_type3A_388 = arith.extui %le3A_387 : i1 to i32
      %cond3A_389 = arith.constant 0 : i32
      %cond3A_390 = arith.cmpi ne, %convert_element_type3A_388, %cond3A_389 : i32
      scf.if %cond3A_390 {
        %add3A_445 = arith.addi %mul3A_2, %add3A_340 : i32
        %add3A_446 = arith.constant 3 : i32
        %add3A_447 = arith.addi %add3A_445, %add3A_446 : i32
        %dma_start3A_448 = arith.constant 1 : i32
        %dma_start3A_449 = arith.constant 0 : i32
        %dma_start3A_450 = arith.constant 0 : i32
        %dma_start3A_451 = tpu.memref_slice %arg9[%dma_start3A_448, %dma_start3A_449, %dma_start3A_450] : memref<3x1x120xi32, #tpu.memory_space<vmem>> -> memref<1x1x120xi32, #tpu.memory_space<vmem>>
        %dma_start3A_452 = tpu.memref_squeeze %dma_start3A_451 : memref<1x1x120xi32, #tpu.memory_space<vmem>> -> memref<1x120xi32, #tpu.memory_space<vmem>>
        %dma_start3A_453 = arith.constant 0 : i32
        %dma_start3A_454 = arith.constant 0 : i32
        %dma_start3A_455 = tpu.memref_slice %arg3[%add3A_447, %dma_start3A_453, %dma_start3A_454] : memref<2688x1x120xi32, #tpu.memory_space<hbm>> -> memref<1x1x120xi32, #tpu.memory_space<hbm>>
        %dma_start3A_456 = tpu.memref_squeeze %dma_start3A_455 : memref<1x1x120xi32, #tpu.memory_space<hbm>> -> memref<1x120xi32, #tpu.memory_space<hbm>>
        %dma_start3A_457 = arith.constant 0 : i32
        %dma_start3A_458 = arith.constant 0 : i32
        %dma_start3A_459 = tpu.memref_slice %arg9[%dma_start3A_448, %dma_start3A_457, %dma_start3A_458] : memref<3x1x120xi32, #tpu.memory_space<vmem>> -> memref<1x1x120xi32, #tpu.memory_space<vmem>>
        %dma_start3A_460 = tpu.memref_squeeze %dma_start3A_459 : memref<1x1x120xi32, #tpu.memory_space<vmem>> -> memref<1x120xi32, #tpu.memory_space<vmem>>
        %dma_start3A_461 = arith.constant 0 : i32
        %dma_start3A_462 = arith.constant 0 : i32
        %dma_start3A_463 = tpu.memref_slice %arg3[%add3A_447, %dma_start3A_461, %dma_start3A_462] : memref<2688x1x120xi32, #tpu.memory_space<hbm>> -> memref<1x1x120xi32, #tpu.memory_space<hbm>>
        %dma_start3A_464 = tpu.memref_squeeze %dma_start3A_463 : memref<1x1x120xi32, #tpu.memory_space<hbm>> -> memref<1x120xi32, #tpu.memory_space<hbm>>
        tpu.enqueue_dma source(%dma_start3A_464 : memref<1x120xi32, #tpu.memory_space<hbm>>) target(%dma_start3A_460 : memref<1x120xi32, #tpu.memory_space<vmem>>) target_semaphore(%arg18 : memref<!tpu.dma_semaphore, #tpu.memory_space<semaphore_mem>>)
        %add3A_465 = arith.addi %mul3A_2, %add3A_340 : i32
        %add3A_466 = arith.constant 3 : i32
        %add3A_467 = arith.addi %add3A_465, %add3A_466 : i32
        %dma_start3A_468 = arith.constant 1 : i32
        %dma_start3A_469 = arith.constant 0 : i32
        %dma_start3A_470 = arith.constant 0 : i32
        %dma_start3A_471 = tpu.memref_slice %arg10[%dma_start3A_468, %dma_start3A_469, %dma_start3A_470] : memref<6x1x120xi32, #tpu.memory_space<vmem>> -> memref<1x1x120xi32, #tpu.memory_space<vmem>>
        %dma_start3A_472 = tpu.memref_squeeze %dma_start3A_471 : memref<1x1x120xi32, #tpu.memory_space<vmem>> -> memref<1x120xi32, #tpu.memory_space<vmem>>
        %dma_start3A_473 = arith.constant 0 : i32
        %dma_start3A_474 = arith.constant 0 : i32
        %dma_start3A_475 = tpu.memref_slice %arg4[%add3A_467, %dma_start3A_473, %dma_start3A_474] : memref<2688x1x120xi32, #tpu.memory_space<hbm>> -> memref<1x1x120xi32, #tpu.memory_space<hbm>>
        %dma_start3A_476 = tpu.memref_squeeze %dma_start3A_475 : memref<1x1x120xi32, #tpu.memory_space<hbm>> -> memref<1x120xi32, #tpu.memory_space<hbm>>
        %dma_start3A_477 = arith.constant 0 : i32
        %dma_start3A_478 = arith.constant 0 : i32
        %dma_start3A_479 = tpu.memref_slice %arg10[%dma_start3A_468, %dma_start3A_477, %dma_start3A_478] : memref<6x1x120xi32, #tpu.memory_space<vmem>> -> memref<1x1x120xi32, #tpu.memory_space<vmem>>
        %dma_start3A_480 = tpu.memref_squeeze %dma_start3A_479 : memref<1x1x120xi32, #tpu.memory_space<vmem>> -> memref<1x120xi32, #tpu.memory_space<vmem>>
        %dma_start3A_481 = arith.constant 0 : i32
        %dma_start3A_482 = arith.constant 0 : i32
        %dma_start3A_483 = tpu.memref_slice %arg4[%add3A_467, %dma_start3A_481, %dma_start3A_482] : memref<2688x1x120xi32, #tpu.memory_space<hbm>> -> memref<1x1x120xi32, #tpu.memory_space<hbm>>
        %dma_start3A_484 = tpu.memref_squeeze %dma_start3A_483 : memref<1x1x120xi32, #tpu.memory_space<hbm>> -> memref<1x120xi32, #tpu.memory_space<hbm>>
        tpu.enqueue_dma source(%dma_start3A_484 : memref<1x120xi32, #tpu.memory_space<hbm>>) target(%dma_start3A_480 : memref<1x120xi32, #tpu.memory_space<vmem>>) target_semaphore(%arg21 : memref<!tpu.dma_semaphore, #tpu.memory_space<semaphore_mem>>)
      } else {
      }
      %mul3A_391 = arith.constant 6 : i32
      %mul3A_392 = arith.muli %mul3A_391, %scan3A_125 : i32
      %add3A_393 = arith.constant 5 : i32
      %add3A_394 = arith.addi %mul3A_392, %add3A_393 : i32
      %dma_wait3A_395 = arith.constant 2 : i32
      %dma_wait3A_396 = arith.constant 0 : i32
      %dma_wait3A_397 = arith.constant 2 : i32
      %dma_wait3A_398 = arith.constant 0 : i32
      %dma_wait3A_399 = arith.constant 0 : i32
      %dma_wait3A_400 = tpu.memref_slice %arg8[%dma_wait3A_397, %dma_wait3A_398, %dma_wait3A_399] : memref<3x120x128xf32, #tpu.memory_space<vmem>> -> memref<1x120x128xf32, #tpu.memory_space<vmem>>
      %dma_wait3A_401 = tpu.memref_squeeze %dma_wait3A_400 : memref<1x120x128xf32, #tpu.memory_space<vmem>> -> memref<120x128xf32, #tpu.memory_space<vmem>>
      %dma_wait3A_402 = arith.constant 0 : i32
      %dma_wait3A_403 = tpu.memref_slice %arg9[%dma_wait3A_395, %dma_wait3A_396, %dma_wait3A_402] : memref<3x1x120xi32, #tpu.memory_space<vmem>> -> memref<1x1x120xi32, #tpu.memory_space<vmem>>
      %dma_wait3A_404 = tpu.memref_squeeze %dma_wait3A_403 : memref<1x1x120xi32, #tpu.memory_space<vmem>> -> memref<120xi32, #tpu.memory_space<vmem>>
      %dma_wait3A_405 = arith.constant 0 : i32
      %dma_wait3A_406 = arith.constant 0 : i32
      %dma_wait3A_407 = tpu.memref_slice %arg2[%dma_wait3A_405, %dma_wait3A_406] : memref<20480x128xf32, #tpu.memory_space<hbm>> -> memref<20480x128xf32, #tpu.memory_space<hbm>>
      tpu.wait_indirect_dma semaphore(%arg13 : memref<!tpu.dma_semaphore, #tpu.memory_space<semaphore_mem>>) src(%dma_wait3A_407 : memref<20480x128xf32, #tpu.memory_space<hbm>>) dst(%dma_wait3A_401 : memref<120x128xf32, #tpu.memory_space<vmem>>)
      %dma_start3A_408 = arith.constant 2 : i32
      %dma_start3A_409 = arith.constant 5 : i32
      %dma_start3A_410 = arith.constant 0 : i32
      %dma_start3A_411 = arith.constant 0 : i32
      %dma_start3A_412 = arith.constant 0 : i32
      %dma_start3A_413 = tpu.memref_slice %arg8[%dma_start3A_408, %dma_start3A_411, %dma_start3A_412] : memref<3x120x128xf32, #tpu.memory_space<vmem>> -> memref<1x120x128xf32, #tpu.memory_space<vmem>>
      %dma_start3A_414 = tpu.memref_squeeze %dma_start3A_413 : memref<1x120x128xf32, #tpu.memory_space<vmem>> -> memref<120x128xf32, #tpu.memory_space<vmem>>
      %dma_start3A_415 = arith.constant 0 : i32
      %dma_start3A_416 = tpu.memref_slice %arg10[%dma_start3A_409, %dma_start3A_410, %dma_start3A_415] : memref<6x1x120xi32, #tpu.memory_space<vmem>> -> memref<1x1x120xi32, #tpu.memory_space<vmem>>
      %dma_start3A_417 = tpu.memref_squeeze %dma_start3A_416 : memref<1x1x120xi32, #tpu.memory_space<vmem>> -> memref<120xi32, #tpu.memory_space<vmem>>
      %dma_start3A_418 = arith.constant 0 : i32
      %dma_start3A_419 = arith.constant 0 : i32
      %dma_start3A_420 = tpu.memref_slice %arg7[%dma_start3A_418, %dma_start3A_419] : memref<10240x128xf32, #tpu.memory_space<vmem_shared>> -> memref<10240x128xf32, #tpu.memory_space<vmem_shared>>
      tpu.enqueue_indirect_dma source(%dma_start3A_414 : memref<120x128xf32, #tpu.memory_space<vmem>>) target(%dma_start3A_420 : memref<10240x128xf32, #tpu.memory_space<vmem_shared>>) offsets(%dma_start3A_417 : memref<120xi32, #tpu.memory_space<vmem>>) semaphore(%arg16 : memref<!tpu.dma_semaphore, #tpu.memory_space<semaphore_mem>>) {add = true}
      %ge3A_421 = arith.constant 1 : i32
      %ge3A_422 = arith.cmpi sge, %add3A_394, %ge3A_421 : i32
      %add3A_423 = arith.constant 2 : i32
      %add3A_424 = arith.addi %add3A_394, %add3A_423 : i32
      %le3A_425 = arith.constant 83 : i32
      %le3A_426 = arith.cmpi sle, %add3A_424, %le3A_425 : i32
      %and3A_427 = arith.andi %ge3A_422, %le3A_426 : i1
      %convert_element_type3A_428 = arith.extui %and3A_427 : i1 to i32
      %cond3A_429 = arith.constant 0 : i32
      %cond3A_430 = arith.cmpi ne, %convert_element_type3A_428, %cond3A_429 : i32
      scf.if %cond3A_430 {
        %dma_wait3A_445 = arith.constant 1 : i32
        %dma_wait3A_446 = arith.constant 4 : i32
        %dma_wait3A_447 = arith.constant 0 : i32
        %dma_wait3A_448 = arith.constant 0 : i32
        %dma_wait3A_449 = arith.constant 0 : i32
        %dma_wait3A_450 = tpu.memref_slice %arg8[%dma_wait3A_445, %dma_wait3A_448, %dma_wait3A_449] : memref<3x120x128xf32, #tpu.memory_space<vmem>> -> memref<1x120x128xf32, #tpu.memory_space<vmem>>
        %dma_wait3A_451 = tpu.memref_squeeze %dma_wait3A_450 : memref<1x120x128xf32, #tpu.memory_space<vmem>> -> memref<120x128xf32, #tpu.memory_space<vmem>>
        %dma_wait3A_452 = arith.constant 0 : i32
        %dma_wait3A_453 = tpu.memref_slice %arg10[%dma_wait3A_446, %dma_wait3A_447, %dma_wait3A_452] : memref<6x1x120xi32, #tpu.memory_space<vmem>> -> memref<1x1x120xi32, #tpu.memory_space<vmem>>
        %dma_wait3A_454 = tpu.memref_squeeze %dma_wait3A_453 : memref<1x1x120xi32, #tpu.memory_space<vmem>> -> memref<120xi32, #tpu.memory_space<vmem>>
        %dma_wait3A_455 = arith.constant 0 : i32
        %dma_wait3A_456 = arith.constant 0 : i32
        %dma_wait3A_457 = tpu.memref_slice %arg7[%dma_wait3A_455, %dma_wait3A_456] : memref<10240x128xf32, #tpu.memory_space<vmem_shared>> -> memref<10240x128xf32, #tpu.memory_space<vmem_shared>>
        tpu.wait_indirect_dma semaphore(%arg15 : memref<!tpu.dma_semaphore, #tpu.memory_space<semaphore_mem>>) src(%dma_wait3A_451 : memref<120x128xf32, #tpu.memory_space<vmem>>) dst(%dma_wait3A_457 : memref<10240x128xf32, #tpu.memory_space<vmem_shared>>)
      } else {
      }
      %add3A_431 = arith.constant 2 : i32
      %add3A_432 = arith.addi %add3A_394, %add3A_431 : i32
      %le3A_433 = arith.constant 83 : i32
      %le3A_434 = arith.cmpi sle, %add3A_432, %le3A_433 : i32
      %convert_element_type3A_435 = arith.extui %le3A_434 : i1 to i32
      %cond3A_436 = arith.constant 0 : i32
      %cond3A_437 = arith.cmpi ne, %convert_element_type3A_435, %cond3A_436 : i32
      scf.if %cond3A_437 {
        %dma_wait3A_445 = arith.constant 1 : i32
        %dma_wait3A_446 = arith.constant 0 : i32
        %dma_wait3A_447 = arith.constant 0 : i32
        %dma_wait3A_448 = tpu.memref_slice %arg9[%dma_wait3A_445, %dma_wait3A_446, %dma_wait3A_447] : memref<3x1x120xi32, #tpu.memory_space<vmem>> -> memref<1x1x120xi32, #tpu.memory_space<vmem>>
        %dma_wait3A_449 = tpu.memref_squeeze %dma_wait3A_448 : memref<1x1x120xi32, #tpu.memory_space<vmem>> -> memref<1x120xi32, #tpu.memory_space<vmem>>
        %dma_wait3A_450 = arith.constant 0 : i32
        %dma_wait3A_451 = arith.constant 0 : i32
        %dma_wait3A_452 = tpu.memref_slice %arg3[%mul3A_2, %dma_wait3A_450, %dma_wait3A_451] : memref<2688x1x120xi32, #tpu.memory_space<hbm>> -> memref<1x1x120xi32, #tpu.memory_space<hbm>>
        %dma_wait3A_453 = tpu.memref_squeeze %dma_wait3A_452 : memref<1x1x120xi32, #tpu.memory_space<hbm>> -> memref<1x120xi32, #tpu.memory_space<hbm>>
        %dma_wait3A_454 = arith.constant 0 : i32
        %dma_wait3A_455 = arith.constant 0 : i32
        %dma_wait3A_456 = tpu.memref_slice %arg9[%dma_wait3A_445, %dma_wait3A_454, %dma_wait3A_455] : memref<3x1x120xi32, #tpu.memory_space<vmem>> -> memref<1x1x120xi32, #tpu.memory_space<vmem>>
        %dma_wait3A_457 = tpu.memref_squeeze %dma_wait3A_456 : memref<1x1x120xi32, #tpu.memory_space<vmem>> -> memref<1x120xi32, #tpu.memory_space<vmem>>
        %dma_wait3A_458 = arith.constant 0 : i32
        %dma_wait3A_459 = arith.constant 0 : i32
        %dma_wait3A_460 = tpu.memref_slice %arg3[%mul3A_2, %dma_wait3A_458, %dma_wait3A_459] : memref<2688x1x120xi32, #tpu.memory_space<hbm>> -> memref<1x1x120xi32, #tpu.memory_space<hbm>>
        %dma_wait3A_461 = tpu.memref_squeeze %dma_wait3A_460 : memref<1x1x120xi32, #tpu.memory_space<hbm>> -> memref<1x120xi32, #tpu.memory_space<hbm>>
        tpu.wait_dma2 semaphore(%arg18 : memref<!tpu.dma_semaphore, #tpu.memory_space<semaphore_mem>>) src(%dma_wait3A_461 : memref<1x120xi32, #tpu.memory_space<hbm>>) dst(%dma_wait3A_457 : memref<1x120xi32, #tpu.memory_space<vmem>>)
        %dma_wait3A_462 = arith.constant 1 : i32
        %dma_wait3A_463 = arith.constant 0 : i32
        %dma_wait3A_464 = arith.constant 0 : i32
        %dma_wait3A_465 = tpu.memref_slice %arg10[%dma_wait3A_462, %dma_wait3A_463, %dma_wait3A_464] : memref<6x1x120xi32, #tpu.memory_space<vmem>> -> memref<1x1x120xi32, #tpu.memory_space<vmem>>
        %dma_wait3A_466 = tpu.memref_squeeze %dma_wait3A_465 : memref<1x1x120xi32, #tpu.memory_space<vmem>> -> memref<1x120xi32, #tpu.memory_space<vmem>>
        %dma_wait3A_467 = arith.constant 0 : i32
        %dma_wait3A_468 = arith.constant 0 : i32
        %dma_wait3A_469 = tpu.memref_slice %arg4[%mul3A_2, %dma_wait3A_467, %dma_wait3A_468] : memref<2688x1x120xi32, #tpu.memory_space<hbm>> -> memref<1x1x120xi32, #tpu.memory_space<hbm>>
        %dma_wait3A_470 = tpu.memref_squeeze %dma_wait3A_469 : memref<1x1x120xi32, #tpu.memory_space<hbm>> -> memref<1x120xi32, #tpu.memory_space<hbm>>
        %dma_wait3A_471 = arith.constant 0 : i32
        %dma_wait3A_472 = arith.constant 0 : i32
        %dma_wait3A_473 = tpu.memref_slice %arg10[%dma_wait3A_462, %dma_wait3A_471, %dma_wait3A_472] : memref<6x1x120xi32, #tpu.memory_space<vmem>> -> memref<1x1x120xi32, #tpu.memory_space<vmem>>
        %dma_wait3A_474 = tpu.memref_squeeze %dma_wait3A_473 : memref<1x1x120xi32, #tpu.memory_space<vmem>> -> memref<1x120xi32, #tpu.memory_space<vmem>>
        %dma_wait3A_475 = arith.constant 0 : i32
        %dma_wait3A_476 = arith.constant 0 : i32
        %dma_wait3A_477 = tpu.memref_slice %arg4[%mul3A_2, %dma_wait3A_475, %dma_wait3A_476] : memref<2688x1x120xi32, #tpu.memory_space<hbm>> -> memref<1x1x120xi32, #tpu.memory_space<hbm>>
        %dma_wait3A_478 = tpu.memref_squeeze %dma_wait3A_477 : memref<1x1x120xi32, #tpu.memory_space<hbm>> -> memref<1x120xi32, #tpu.memory_space<hbm>>
        tpu.wait_dma2 semaphore(%arg21 : memref<!tpu.dma_semaphore, #tpu.memory_space<semaphore_mem>>) src(%dma_wait3A_478 : memref<1x120xi32, #tpu.memory_space<hbm>>) dst(%dma_wait3A_474 : memref<1x120xi32, #tpu.memory_space<vmem>>)
        %dma_start3A_479 = arith.constant 1 : i32
        %dma_start3A_480 = arith.constant 0 : i32
        %dma_start3A_481 = arith.constant 1 : i32
        %dma_start3A_482 = arith.constant 0 : i32
        %dma_start3A_483 = arith.constant 0 : i32
        %dma_start3A_484 = tpu.memref_slice %arg8[%dma_start3A_481, %dma_start3A_482, %dma_start3A_483] : memref<3x120x128xf32, #tpu.memory_space<vmem>> -> memref<1x120x128xf32, #tpu.memory_space<vmem>>
        %dma_start3A_485 = tpu.memref_squeeze %dma_start3A_484 : memref<1x120x128xf32, #tpu.memory_space<vmem>> -> memref<120x128xf32, #tpu.memory_space<vmem>>
        %dma_start3A_486 = arith.constant 0 : i32
        %dma_start3A_487 = tpu.memref_slice %arg9[%dma_start3A_479, %dma_start3A_480, %dma_start3A_486] : memref<3x1x120xi32, #tpu.memory_space<vmem>> -> memref<1x1x120xi32, #tpu.memory_space<vmem>>
        %dma_start3A_488 = tpu.memref_squeeze %dma_start3A_487 : memref<1x1x120xi32, #tpu.memory_space<vmem>> -> memref<120xi32, #tpu.memory_space<vmem>>
        %dma_start3A_489 = arith.constant 0 : i32
        %dma_start3A_490 = arith.constant 0 : i32
        %dma_start3A_491 = tpu.memref_slice %arg2[%dma_start3A_489, %dma_start3A_490] : memref<20480x128xf32, #tpu.memory_space<hbm>> -> memref<20480x128xf32, #tpu.memory_space<hbm>>
        tpu.enqueue_indirect_dma source(%dma_start3A_491 : memref<20480x128xf32, #tpu.memory_space<hbm>>) target(%dma_start3A_485 : memref<120x128xf32, #tpu.memory_space<vmem>>) offsets(%dma_start3A_488 : memref<120xi32, #tpu.memory_space<vmem>>) semaphore(%arg12 : memref<!tpu.dma_semaphore, #tpu.memory_space<semaphore_mem>>)
      } else {
      }
      %add3A_438 = arith.constant 3 : i32
      %add3A_439 = arith.addi %add3A_394, %add3A_438 : i32
      %le3A_440 = arith.constant 83 : i32
      %le3A_441 = arith.cmpi sle, %add3A_439, %le3A_440 : i32
      %convert_element_type3A_442 = arith.extui %le3A_441 : i1 to i32
      %cond3A_443 = arith.constant 0 : i32
      %cond3A_444 = arith.cmpi ne, %convert_element_type3A_442, %cond3A_443 : i32
      scf.if %cond3A_444 {
        %add3A_445 = arith.addi %mul3A_2, %add3A_394 : i32
        %add3A_446 = arith.constant 3 : i32
        %add3A_447 = arith.addi %add3A_445, %add3A_446 : i32
        %dma_start3A_448 = arith.constant 2 : i32
        %dma_start3A_449 = arith.constant 0 : i32
        %dma_start3A_450 = arith.constant 0 : i32
        %dma_start3A_451 = tpu.memref_slice %arg9[%dma_start3A_448, %dma_start3A_449, %dma_start3A_450] : memref<3x1x120xi32, #tpu.memory_space<vmem>> -> memref<1x1x120xi32, #tpu.memory_space<vmem>>
        %dma_start3A_452 = tpu.memref_squeeze %dma_start3A_451 : memref<1x1x120xi32, #tpu.memory_space<vmem>> -> memref<1x120xi32, #tpu.memory_space<vmem>>
        %dma_start3A_453 = arith.constant 0 : i32
        %dma_start3A_454 = arith.constant 0 : i32
        %dma_start3A_455 = tpu.memref_slice %arg3[%add3A_447, %dma_start3A_453, %dma_start3A_454] : memref<2688x1x120xi32, #tpu.memory_space<hbm>> -> memref<1x1x120xi32, #tpu.memory_space<hbm>>
        %dma_start3A_456 = tpu.memref_squeeze %dma_start3A_455 : memref<1x1x120xi32, #tpu.memory_space<hbm>> -> memref<1x120xi32, #tpu.memory_space<hbm>>
        %dma_start3A_457 = arith.constant 0 : i32
        %dma_start3A_458 = arith.constant 0 : i32
        %dma_start3A_459 = tpu.memref_slice %arg9[%dma_start3A_448, %dma_start3A_457, %dma_start3A_458] : memref<3x1x120xi32, #tpu.memory_space<vmem>> -> memref<1x1x120xi32, #tpu.memory_space<vmem>>
        %dma_start3A_460 = tpu.memref_squeeze %dma_start3A_459 : memref<1x1x120xi32, #tpu.memory_space<vmem>> -> memref<1x120xi32, #tpu.memory_space<vmem>>
        %dma_start3A_461 = arith.constant 0 : i32
        %dma_start3A_462 = arith.constant 0 : i32
        %dma_start3A_463 = tpu.memref_slice %arg3[%add3A_447, %dma_start3A_461, %dma_start3A_462] : memref<2688x1x120xi32, #tpu.memory_space<hbm>> -> memref<1x1x120xi32, #tpu.memory_space<hbm>>
        %dma_start3A_464 = tpu.memref_squeeze %dma_start3A_463 : memref<1x1x120xi32, #tpu.memory_space<hbm>> -> memref<1x120xi32, #tpu.memory_space<hbm>>
        tpu.enqueue_dma source(%dma_start3A_464 : memref<1x120xi32, #tpu.memory_space<hbm>>) target(%dma_start3A_460 : memref<1x120xi32, #tpu.memory_space<vmem>>) target_semaphore(%arg19 : memref<!tpu.dma_semaphore, #tpu.memory_space<semaphore_mem>>)
        %add3A_465 = arith.addi %mul3A_2, %add3A_394 : i32
        %add3A_466 = arith.constant 3 : i32
        %add3A_467 = arith.addi %add3A_465, %add3A_466 : i32
        %dma_start3A_468 = arith.constant 2 : i32
        %dma_start3A_469 = arith.constant 0 : i32
        %dma_start3A_470 = arith.constant 0 : i32
        %dma_start3A_471 = tpu.memref_slice %arg10[%dma_start3A_468, %dma_start3A_469, %dma_start3A_470] : memref<6x1x120xi32, #tpu.memory_space<vmem>> -> memref<1x1x120xi32, #tpu.memory_space<vmem>>
        %dma_start3A_472 = tpu.memref_squeeze %dma_start3A_471 : memref<1x1x120xi32, #tpu.memory_space<vmem>> -> memref<1x120xi32, #tpu.memory_space<vmem>>
        %dma_start3A_473 = arith.constant 0 : i32
        %dma_start3A_474 = arith.constant 0 : i32
        %dma_start3A_475 = tpu.memref_slice %arg4[%add3A_467, %dma_start3A_473, %dma_start3A_474] : memref<2688x1x120xi32, #tpu.memory_space<hbm>> -> memref<1x1x120xi32, #tpu.memory_space<hbm>>
        %dma_start3A_476 = tpu.memref_squeeze %dma_start3A_475 : memref<1x1x120xi32, #tpu.memory_space<hbm>> -> memref<1x120xi32, #tpu.memory_space<hbm>>
        %dma_start3A_477 = arith.constant 0 : i32
        %dma_start3A_478 = arith.constant 0 : i32
        %dma_start3A_479 = tpu.memref_slice %arg10[%dma_start3A_468, %dma_start3A_477, %dma_start3A_478] : memref<6x1x120xi32, #tpu.memory_space<vmem>> -> memref<1x1x120xi32, #tpu.memory_space<vmem>>
        %dma_start3A_480 = tpu.memref_squeeze %dma_start3A_479 : memref<1x1x120xi32, #tpu.memory_space<vmem>> -> memref<1x120xi32, #tpu.memory_space<vmem>>
        %dma_start3A_481 = arith.constant 0 : i32
        %dma_start3A_482 = arith.constant 0 : i32
        %dma_start3A_483 = tpu.memref_slice %arg4[%add3A_467, %dma_start3A_481, %dma_start3A_482] : memref<2688x1x120xi32, #tpu.memory_space<hbm>> -> memref<1x1x120xi32, #tpu.memory_space<hbm>>
        %dma_start3A_484 = tpu.memref_squeeze %dma_start3A_483 : memref<1x1x120xi32, #tpu.memory_space<hbm>> -> memref<1x120xi32, #tpu.memory_space<hbm>>
        tpu.enqueue_dma source(%dma_start3A_484 : memref<1x120xi32, #tpu.memory_space<hbm>>) target(%dma_start3A_480 : memref<1x120xi32, #tpu.memory_space<vmem>>) target_semaphore(%arg22 : memref<!tpu.dma_semaphore, #tpu.memory_space<semaphore_mem>>)
      } else {
      }
    }
    %scan3A_83 = arith.constant 14 : i32
    %dma_wait3A = arith.constant 0 : i32
    %dma_wait3A_84 = arith.constant 0 : i32
    %dma_wait3A_85 = arith.constant 0 : i32
    %dma_wait3A_86 = arith.constant 0 : i32
    %dma_wait3A_87 = arith.constant 0 : i32
    %dma_wait3A_88 = tpu.memref_slice %arg8[%dma_wait3A, %dma_wait3A_86, %dma_wait3A_87] : memref<3x120x128xf32, #tpu.memory_space<vmem>> -> memref<1x120x128xf32, #tpu.memory_space<vmem>>
    %dma_wait3A_89 = tpu.memref_squeeze %dma_wait3A_88 : memref<1x120x128xf32, #tpu.memory_space<vmem>> -> memref<120x128xf32, #tpu.memory_space<vmem>>
    %dma_wait3A_90 = arith.constant 0 : i32
    %dma_wait3A_91 = tpu.memref_slice %arg10[%dma_wait3A_84, %dma_wait3A_85, %dma_wait3A_90] : memref<6x1x120xi32, #tpu.memory_space<vmem>> -> memref<1x1x120xi32, #tpu.memory_space<vmem>>
    %dma_wait3A_92 = tpu.memref_squeeze %dma_wait3A_91 : memref<1x1x120xi32, #tpu.memory_space<vmem>> -> memref<120xi32, #tpu.memory_space<vmem>>
    %dma_wait3A_93 = arith.constant 0 : i32
    %dma_wait3A_94 = arith.constant 0 : i32
    %dma_wait3A_95 = tpu.memref_slice %arg7[%dma_wait3A_93, %dma_wait3A_94] : memref<10240x128xf32, #tpu.memory_space<vmem_shared>> -> memref<10240x128xf32, #tpu.memory_space<vmem_shared>>
    tpu.wait_indirect_dma semaphore(%arg14 : memref<!tpu.dma_semaphore, #tpu.memory_space<semaphore_mem>>) src(%dma_wait3A_89 : memref<120x128xf32, #tpu.memory_space<vmem>>) dst(%dma_wait3A_95 : memref<10240x128xf32, #tpu.memory_space<vmem_shared>>)
    %dma_wait3A_96 = arith.constant 1 : i32
    %dma_wait3A_97 = arith.constant 1 : i32
    %dma_wait3A_98 = arith.constant 0 : i32
    %dma_wait3A_99 = arith.constant 0 : i32
    %dma_wait3A_100 = arith.constant 0 : i32
    %dma_wait3A_101 = tpu.memref_slice %arg8[%dma_wait3A_96, %dma_wait3A_99, %dma_wait3A_100] : memref<3x120x128xf32, #tpu.memory_space<vmem>> -> memref<1x120x128xf32, #tpu.memory_space<vmem>>
    %dma_wait3A_102 = tpu.memref_squeeze %dma_wait3A_101 : memref<1x120x128xf32, #tpu.memory_space<vmem>> -> memref<120x128xf32, #tpu.memory_space<vmem>>
    %dma_wait3A_103 = arith.constant 0 : i32
    %dma_wait3A_104 = tpu.memref_slice %arg10[%dma_wait3A_97, %dma_wait3A_98, %dma_wait3A_103] : memref<6x1x120xi32, #tpu.memory_space<vmem>> -> memref<1x1x120xi32, #tpu.memory_space<vmem>>
    %dma_wait3A_105 = tpu.memref_squeeze %dma_wait3A_104 : memref<1x1x120xi32, #tpu.memory_space<vmem>> -> memref<120xi32, #tpu.memory_space<vmem>>
    %dma_wait3A_106 = arith.constant 0 : i32
    %dma_wait3A_107 = arith.constant 0 : i32
    %dma_wait3A_108 = tpu.memref_slice %arg7[%dma_wait3A_106, %dma_wait3A_107] : memref<10240x128xf32, #tpu.memory_space<vmem_shared>> -> memref<10240x128xf32, #tpu.memory_space<vmem_shared>>
    tpu.wait_indirect_dma semaphore(%arg15 : memref<!tpu.dma_semaphore, #tpu.memory_space<semaphore_mem>>) src(%dma_wait3A_102 : memref<120x128xf32, #tpu.memory_space<vmem>>) dst(%dma_wait3A_108 : memref<10240x128xf32, #tpu.memory_space<vmem_shared>>)
    %dma_wait3A_109 = arith.constant 2 : i32
    %dma_wait3A_110 = arith.constant 2 : i32
    %dma_wait3A_111 = arith.constant 0 : i32
    %dma_wait3A_112 = arith.constant 0 : i32
    %dma_wait3A_113 = arith.constant 0 : i32
    %dma_wait3A_114 = tpu.memref_slice %arg8[%dma_wait3A_109, %dma_wait3A_112, %dma_wait3A_113] : memref<3x120x128xf32, #tpu.memory_space<vmem>> -> memref<1x120x128xf32, #tpu.memory_space<vmem>>
    %dma_wait3A_115 = tpu.memref_squeeze %dma_wait3A_114 : memref<1x120x128xf32, #tpu.memory_space<vmem>> -> memref<120x128xf32, #tpu.memory_space<vmem>>
    %dma_wait3A_116 = arith.constant 0 : i32
    %dma_wait3A_117 = tpu.memref_slice %arg10[%dma_wait3A_110, %dma_wait3A_111, %dma_wait3A_116] : memref<6x1x120xi32, #tpu.memory_space<vmem>> -> memref<1x1x120xi32, #tpu.memory_space<vmem>>
    %dma_wait3A_118 = tpu.memref_squeeze %dma_wait3A_117 : memref<1x1x120xi32, #tpu.memory_space<vmem>> -> memref<120xi32, #tpu.memory_space<vmem>>
    %dma_wait3A_119 = arith.constant 0 : i32
    %dma_wait3A_120 = arith.constant 0 : i32
    %dma_wait3A_121 = tpu.memref_slice %arg7[%dma_wait3A_119, %dma_wait3A_120] : memref<10240x128xf32, #tpu.memory_space<vmem_shared>> -> memref<10240x128xf32, #tpu.memory_space<vmem_shared>>
    tpu.wait_indirect_dma semaphore(%arg16 : memref<!tpu.dma_semaphore, #tpu.memory_space<semaphore_mem>>) src(%dma_wait3A_115 : memref<120x128xf32, #tpu.memory_space<vmem>>) dst(%dma_wait3A_121 : memref<10240x128xf32, #tpu.memory_space<vmem_shared>>)
    %barrier3A_122 = arith.constant 0 : index
    tpu.barrier barrier_id(%barrier3A_122)
    %mul3A_123 = arith.constant 640 : i32
    %mul3A_124 = arith.muli %arg1, %mul3A_123 : i32
    "tpu.region"() ({
      %run_scoped3A_125 = tpu.sem_alloc : memref<!tpu.dma_semaphore, #tpu.memory_space<semaphore_mem>>
      %dma_start3A_126 = arith.constant 0 : i32
      %dma_start3A_127 = tpu.memref_slice %arg6[%arg0, %mul3A_124, %dma_start3A_126] : memref<2x10240x128xf32, #tpu.memory_space<hbm>> -> memref<1x640x128xf32, #tpu.memory_space<hbm>>
      %dma_start3A_128 = tpu.memref_squeeze %dma_start3A_127 : memref<1x640x128xf32, #tpu.memory_space<hbm>> -> memref<640x128xf32, #tpu.memory_space<hbm>>
      %dma_start3A_129 = arith.constant 0 : i32
      %dma_start3A_130 = tpu.memref_slice %arg7[%mul3A_124, %dma_start3A_129] : memref<10240x128xf32, #tpu.memory_space<vmem_shared>> -> memref<640x128xf32, #tpu.memory_space<vmem_shared>>
      tpu.enqueue_dma source(%dma_start3A_130 : memref<640x128xf32, #tpu.memory_space<vmem_shared>>) target(%dma_start3A_128 : memref<640x128xf32, #tpu.memory_space<hbm>>) target_semaphore(%run_scoped3A_125 : memref<!tpu.dma_semaphore, #tpu.memory_space<semaphore_mem>>)
      %dma_wait3A_131 = arith.constant 0 : i32
      %dma_wait3A_132 = tpu.memref_slice %arg6[%arg0, %mul3A_124, %dma_wait3A_131] : memref<2x10240x128xf32, #tpu.memory_space<hbm>> -> memref<1x640x128xf32, #tpu.memory_space<hbm>>
      %dma_wait3A_133 = tpu.memref_squeeze %dma_wait3A_132 : memref<1x640x128xf32, #tpu.memory_space<hbm>> -> memref<640x128xf32, #tpu.memory_space<hbm>>
      %dma_wait3A_134 = arith.constant 0 : i32
      %dma_wait3A_135 = tpu.memref_slice %arg7[%mul3A_124, %dma_wait3A_134] : memref<10240x128xf32, #tpu.memory_space<vmem_shared>> -> memref<640x128xf32, #tpu.memory_space<vmem_shared>>
      tpu.wait_dma2 semaphore(%run_scoped3A_125 : memref<!tpu.dma_semaphore, #tpu.memory_space<semaphore_mem>>) src(%dma_wait3A_135 : memref<640x128xf32, #tpu.memory_space<vmem_shared>>) dst(%dma_wait3A_133 : memref<640x128xf32, #tpu.memory_space<hbm>>)
      tpu.yield
    }) : () -> ()
    return
  }
}

#map = affine_map<(d0, d1) -> (0, 0)>
#map1 = affine_map<(d0, d1) -> (0, 0, 0)>
module attributes {stable_mosaic.version = 14 : i64} {
  func.func @_sc_edges(%arg0: i32, %arg1: i32, %arg2: memref<20480x128xf32, #tpu.memory_space<hbm>>, %arg3: memref<2688x1x120xi32, #tpu.memory_space<hbm>>, %arg4: memref<2688x1x120xi32, #tpu.memory_space<hbm>>, %arg5: memref<2x10240x128xf32, #tpu.memory_space<hbm>>, %arg6: memref<2x10240x128xf32, #tpu.memory_space<hbm>>, %arg7: memref<10240x128xf32, #tpu.memory_space<vmem_shared>>, %arg8: memref<3x120x128xf32, #tpu.memory_space<vmem>>, %arg9: memref<3x1x120xi32, #tpu.memory_space<vmem>>, %arg10: memref<6x1x120xi32, #tpu.memory_space<vmem>>, %arg11: memref<!tpu.dma_semaphore, #tpu.memory_space<semaphore_mem>>, %arg12: memref<!tpu.dma_semaphore, #tpu.memory_space<semaphore_mem>>, %arg13: memref<!tpu.dma_semaphore, #tpu.memory_space<semaphore_mem>>, %arg14: memref<!tpu.dma_semaphore, #tpu.memory_space<semaphore_mem>>, %arg15: memref<!tpu.dma_semaphore, #tpu.memory_space<semaphore_mem>>, %arg16: memref<!tpu.dma_semaphore, #tpu.memory_space<semaphore_mem>>, %arg17: memref<!tpu.dma_semaphore, #tpu.memory_space<semaphore_mem>>, %arg18: memref<!tpu.dma_semaphore, #tpu.memory_space<semaphore_mem>>, %arg19: memref<!tpu.dma_semaphore, #tpu.memory_space<semaphore_mem>>, %arg20: memref<!tpu.dma_semaphore, #tpu.memory_space<semaphore_mem>>, %arg21: memref<!tpu.dma_semaphore, #tpu.memory_space<semaphore_mem>>, %arg22: memref<!tpu.dma_semaphore, #tpu.memory_space<semaphore_mem>>, %arg23: memref<!tpu.dma_semaphore, #tpu.memory_space<semaphore_mem>>, %arg24: memref<!tpu.dma_semaphore, #tpu.memory_space<semaphore_mem>>, %arg25: memref<!tpu.dma_semaphore, #tpu.memory_space<semaphore_mem>>) attributes {dimension_semantics = [#tpu.dimension_semantics<core_parallel>, #tpu.dimension_semantics<subcore_parallel>], iteration_bounds = array<i64: 2, 16>, scalar_prefetch = 0 : i64, scratch_operands = 19 : i64, tpu.core_type = #tpu.core_type<sc_vector_subcore>, window_params = [{transform_indices = #map}, {transform_indices = #map1}, {transform_indices = #map1}, {transform_indices = #map1}, {transform_indices = #map1}]} {
    %mul3A = arith.constant 16 : i32
    %mul3A_0 = arith.muli %arg0, %mul3A : i32
    %add3A = arith.addi %mul3A_0, %arg1 : i32
    %mul3A_1 = arith.constant 84 : i32
    %mul3A_2 = arith.muli %add3A, %mul3A_1 : i32
    %mul3A_3 = arith.constant 640 : i32
    %mul3A_4 = arith.muli %arg1, %mul3A_3 : i32
    "tpu.region"() ({
      %run_scoped3A_125 = tpu.sem_alloc : memref<!tpu.dma_semaphore, #tpu.memory_space<semaphore_mem>>
      %dma_start3A_126 = arith.constant 0 : i32
      %dma_start3A_127 = tpu.memref_slice %arg7[%mul3A_4, %dma_start3A_126] : memref<10240x128xf32, #tpu.memory_space<vmem_shared>> -> memref<640x128xf32, #tpu.memory_space<vmem_shared>>
      %dma_start3A_128 = arith.constant 0 : i32
      %dma_start3A_129 = tpu.memref_slice %arg5[%arg0, %mul3A_4, %dma_start3A_128] : memref<2x10240x128xf32, #tpu.memory_space<hbm>> -> memref<1x640x128xf32, #tpu.memory_space<hbm>>
      %dma_start3A_130 = tpu.memref_squeeze %dma_start3A_129 : memref<1x640x128xf32, #tpu.memory_space<hbm>> -> memref<640x128xf32, #tpu.memory_space<hbm>>
      tpu.enqueue_dma source(%dma_start3A_130 : memref<640x128xf32, #tpu.memory_space<hbm>>) target(%dma_start3A_127 : memref<640x128xf32, #tpu.memory_space<vmem_shared>>) target_semaphore(%run_scoped3A_125 : memref<!tpu.dma_semaphore, #tpu.memory_space<semaphore_mem>>)
      %dma_wait3A_131 = arith.constant 0 : i32
      %dma_wait3A_132 = tpu.memref_slice %arg7[%mul3A_4, %dma_wait3A_131] : memref<10240x128xf32, #tpu.memory_space<vmem_shared>> -> memref<640x128xf32, #tpu.memory_space<vmem_shared>>
      %dma_wait3A_133 = arith.constant 0 : i32
      %dma_wait3A_134 = tpu.memref_slice %arg5[%arg0, %mul3A_4, %dma_wait3A_133] : memref<2x10240x128xf32, #tpu.memory_space<hbm>> -> memref<1x640x128xf32, #tpu.memory_space<hbm>>
      %dma_wait3A_135 = tpu.memref_squeeze %dma_wait3A_134 : memref<1x640x128xf32, #tpu.memory_space<hbm>> -> memref<640x128xf32, #tpu.memory_space<hbm>>
      tpu.wait_dma2 semaphore(%run_scoped3A_125 : memref<!tpu.dma_semaphore, #tpu.memory_space<semaphore_mem>>) src(%dma_wait3A_135 : memref<640x128xf32, #tpu.memory_space<hbm>>) dst(%dma_wait3A_132 : memref<640x128xf32, #tpu.memory_space<vmem_shared>>)
      tpu.yield
    }) : () -> ()
    %barrier3A = arith.constant 0 : index
    tpu.barrier barrier_id(%barrier3A)
    %add3A_5 = arith.constant 0 : i32
    %add3A_6 = arith.addi %mul3A_2, %add3A_5 : i32
    %run_scoped3A = arith.constant 0 : i32
    "tpu.region"() ({
      %run_scoped3A_125 = tpu.sem_alloc : memref<!tpu.dma_semaphore, #tpu.memory_space<semaphore_mem>>
      %dma_start3A_126 = arith.constant 0 : i32
      %dma_start3A_127 = arith.constant 0 : i32
      %dma_start3A_128 = tpu.memref_slice %arg9[%run_scoped3A, %dma_start3A_126, %dma_start3A_127] : memref<3x1x120xi32, #tpu.memory_space<vmem>> -> memref<1x1x120xi32, #tpu.memory_space<vmem>>
      %dma_start3A_129 = tpu.memref_squeeze %dma_start3A_128 : memref<1x1x120xi32, #tpu.memory_space<vmem>> -> memref<1x120xi32, #tpu.memory_space<vmem>>
      %dma_start3A_130 = arith.constant 0 : i32
      %dma_start3A_131 = arith.constant 0 : i32
      %dma_start3A_132 = tpu.memref_slice %arg3[%add3A_6, %dma_start3A_130, %dma_start3A_131] : memref<2688x1x120xi32, #tpu.memory_space<hbm>> -> memref<1x1x120xi32, #tpu.memory_space<hbm>>
      %dma_start3A_133 = tpu.memref_squeeze %dma_start3A_132 : memref<1x1x120xi32, #tpu.memory_space<hbm>> -> memref<1x120xi32, #tpu.memory_space<hbm>>
      %dma_start3A_134 = arith.constant 0 : i32
      %dma_start3A_135 = arith.constant 0 : i32
      %dma_start3A_136 = tpu.memref_slice %arg9[%run_scoped3A, %dma_start3A_134, %dma_start3A_135] : memref<3x1x120xi32, #tpu.memory_space<vmem>> -> memref<1x1x120xi32, #tpu.memory_space<vmem>>
      %dma_start3A_137 = tpu.memref_squeeze %dma_start3A_136 : memref<1x1x120xi32, #tpu.memory_space<vmem>> -> memref<1x120xi32, #tpu.memory_space<vmem>>
      %dma_start3A_138 = arith.constant 0 : i32
      %dma_start3A_139 = arith.constant 0 : i32
      %dma_start3A_140 = tpu.memref_slice %arg3[%add3A_6, %dma_start3A_138, %dma_start3A_139] : memref<2688x1x120xi32, #tpu.memory_space<hbm>> -> memref<1x1x120xi32, #tpu.memory_space<hbm>>
      %dma_start3A_141 = tpu.memref_squeeze %dma_start3A_140 : memref<1x1x120xi32, #tpu.memory_space<hbm>> -> memref<1x120xi32, #tpu.memory_space<hbm>>
      tpu.enqueue_dma source(%dma_start3A_141 : memref<1x120xi32, #tpu.memory_space<hbm>>) target(%dma_start3A_137 : memref<1x120xi32, #tpu.memory_space<vmem>>) target_semaphore(%run_scoped3A_125 : memref<!tpu.dma_semaphore, #tpu.memory_space<semaphore_mem>>)
      %dma_wait3A_142 = arith.constant 0 : i32
      %dma_wait3A_143 = arith.constant 0 : i32
      %dma_wait3A_144 = tpu.memref_slice %arg9[%run_scoped3A, %dma_wait3A_142, %dma_wait3A_143] : memref<3x1x120xi32, #tpu.memory_space<vmem>> -> memref<1x1x120xi32, #tpu.memory_space<vmem>>
      %dma_wait3A_145 = tpu.memref_squeeze %dma_wait3A_144 : memref<1x1x120xi32, #tpu.memory_space<vmem>> -> memref<1x120xi32, #tpu.memory_space<vmem>>
      %dma_wait3A_146 = arith.constant 0 : i32
      %dma_wait3A_147 = arith.constant 0 : i32
      %dma_wait3A_148 = tpu.memref_slice %arg3[%add3A_6, %dma_wait3A_146, %dma_wait3A_147] : memref<2688x1x120xi32, #tpu.memory_space<hbm>> -> memref<1x1x120xi32, #tpu.memory_space<hbm>>
      %dma_wait3A_149 = tpu.memref_squeeze %dma_wait3A_148 : memref<1x1x120xi32, #tpu.memory_space<hbm>> -> memref<1x120xi32, #tpu.memory_space<hbm>>
      %dma_wait3A_150 = arith.constant 0 : i32
      %dma_wait3A_151 = arith.constant 0 : i32
      %dma_wait3A_152 = tpu.memref_slice %arg9[%run_scoped3A, %dma_wait3A_150, %dma_wait3A_151] : memref<3x1x120xi32, #tpu.memory_space<vmem>> -> memref<1x1x120xi32, #tpu.memory_space<vmem>>
      %dma_wait3A_153 = tpu.memref_squeeze %dma_wait3A_152 : memref<1x1x120xi32, #tpu.memory_space<vmem>> -> memref<1x120xi32, #tpu.memory_space<vmem>>
      %dma_wait3A_154 = arith.constant 0 : i32
      %dma_wait3A_155 = arith.constant 0 : i32
      %dma_wait3A_156 = tpu.memref_slice %arg3[%add3A_6, %dma_wait3A_154, %dma_wait3A_155] : memref<2688x1x120xi32, #tpu.memory_space<hbm>> -> memref<1x1x120xi32, #tpu.memory_space<hbm>>
      %dma_wait3A_157 = tpu.memref_squeeze %dma_wait3A_156 : memref<1x1x120xi32, #tpu.memory_space<hbm>> -> memref<1x120xi32, #tpu.memory_space<hbm>>
      tpu.wait_dma2 semaphore(%run_scoped3A_125 : memref<!tpu.dma_semaphore, #tpu.memory_space<semaphore_mem>>) src(%dma_wait3A_157 : memref<1x120xi32, #tpu.memory_space<hbm>>) dst(%dma_wait3A_153 : memref<1x120xi32, #tpu.memory_space<vmem>>)
      tpu.yield
    }) : () -> ()
    %add3A_7 = arith.constant 0 : i32
    %add3A_8 = arith.addi %mul3A_2, %add3A_7 : i32
    %run_scoped3A_9 = arith.constant 0 : i32
    "tpu.region"() ({
      %run_scoped3A_125 = tpu.sem_alloc : memref<!tpu.dma_semaphore, #tpu.memory_space<semaphore_mem>>
      %dma_start3A_126 = arith.constant 0 : i32
      %dma_start3A_127 = arith.constant 0 : i32
      %dma_start3A_128 = tpu.memref_slice %arg10[%run_scoped3A_9, %dma_start3A_126, %dma_start3A_127] : memref<6x1x120xi32, #tpu.memory_space<vmem>> -> memref<1x1x120xi32, #tpu.memory_space<vmem>>
      %dma_start3A_129 = tpu.memref_squeeze %dma_start3A_128 : memref<1x1x120xi32, #tpu.memory_space<vmem>> -> memref<1x120xi32, #tpu.memory_space<vmem>>
      %dma_start3A_130 = arith.constant 0 : i32
      %dma_start3A_131 = arith.constant 0 : i32
      %dma_start3A_132 = tpu.memref_slice %arg4[%add3A_8, %dma_start3A_130, %dma_start3A_131] : memref<2688x1x120xi32, #tpu.memory_space<hbm>> -> memref<1x1x120xi32, #tpu.memory_space<hbm>>
      %dma_start3A_133 = tpu.memref_squeeze %dma_start3A_132 : memref<1x1x120xi32, #tpu.memory_space<hbm>> -> memref<1x120xi32, #tpu.memory_space<hbm>>
      %dma_start3A_134 = arith.constant 0 : i32
      %dma_start3A_135 = arith.constant 0 : i32
      %dma_start3A_136 = tpu.memref_slice %arg10[%run_scoped3A_9, %dma_start3A_134, %dma_start3A_135] : memref<6x1x120xi32, #tpu.memory_space<vmem>> -> memref<1x1x120xi32, #tpu.memory_space<vmem>>
      %dma_start3A_137 = tpu.memref_squeeze %dma_start3A_136 : memref<1x1x120xi32, #tpu.memory_space<vmem>> -> memref<1x120xi32, #tpu.memory_space<vmem>>
      %dma_start3A_138 = arith.constant 0 : i32
      %dma_start3A_139 = arith.constant 0 : i32
      %dma_start3A_140 = tpu.memref_slice %arg4[%add3A_8, %dma_start3A_138, %dma_start3A_139] : memref<2688x1x120xi32, #tpu.memory_space<hbm>> -> memref<1x1x120xi32, #tpu.memory_space<hbm>>
      %dma_start3A_141 = tpu.memref_squeeze %dma_start3A_140 : memref<1x1x120xi32, #tpu.memory_space<hbm>> -> memref<1x120xi32, #tpu.memory_space<hbm>>
      tpu.enqueue_dma source(%dma_start3A_141 : memref<1x120xi32, #tpu.memory_space<hbm>>) target(%dma_start3A_137 : memref<1x120xi32, #tpu.memory_space<vmem>>) target_semaphore(%run_scoped3A_125 : memref<!tpu.dma_semaphore, #tpu.memory_space<semaphore_mem>>)
      %dma_wait3A_142 = arith.constant 0 : i32
      %dma_wait3A_143 = arith.constant 0 : i32
      %dma_wait3A_144 = tpu.memref_slice %arg10[%run_scoped3A_9, %dma_wait3A_142, %dma_wait3A_143] : memref<6x1x120xi32, #tpu.memory_space<vmem>> -> memref<1x1x120xi32, #tpu.memory_space<vmem>>
      %dma_wait3A_145 = tpu.memref_squeeze %dma_wait3A_144 : memref<1x1x120xi32, #tpu.memory_space<vmem>> -> memref<1x120xi32, #tpu.memory_space<vmem>>
      %dma_wait3A_146 = arith.constant 0 : i32
      %dma_wait3A_147 = arith.constant 0 : i32
      %dma_wait3A_148 = tpu.memref_slice %arg4[%add3A_8, %dma_wait3A_146, %dma_wait3A_147] : memref<2688x1x120xi32, #tpu.memory_space<hbm>> -> memref<1x1x120xi32, #tpu.memory_space<hbm>>
      %dma_wait3A_149 = tpu.memref_squeeze %dma_wait3A_148 : memref<1x1x120xi32, #tpu.memory_space<hbm>> -> memref<1x120xi32, #tpu.memory_space<hbm>>
      %dma_wait3A_150 = arith.constant 0 : i32
      %dma_wait3A_151 = arith.constant 0 : i32
      %dma_wait3A_152 = tpu.memref_slice %arg10[%run_scoped3A_9, %dma_wait3A_150, %dma_wait3A_151] : memref<6x1x120xi32, #tpu.memory_space<vmem>> -> memref<1x1x120xi32, #tpu.memory_space<vmem>>
      %dma_wait3A_153 = tpu.memref_squeeze %dma_wait3A_152 : memref<1x1x120xi32, #tpu.memory_space<vmem>> -> memref<1x120xi32, #tpu.memory_space<vmem>>
      %dma_wait3A_154 = arith.constant 0 : i32
      %dma_wait3A_155 = arith.constant 0 : i32
      %dma_wait3A_156 = tpu.memref_slice %arg4[%add3A_8, %dma_wait3A_154, %dma_wait3A_155] : memref<2688x1x120xi32, #tpu.memory_space<hbm>> -> memref<1x1x120xi32, #tpu.memory_space<hbm>>
      %dma_wait3A_157 = tpu.memref_squeeze %dma_wait3A_156 : memref<1x1x120xi32, #tpu.memory_space<hbm>> -> memref<1x120xi32, #tpu.memory_space<hbm>>
      tpu.wait_dma2 semaphore(%run_scoped3A_125 : memref<!tpu.dma_semaphore, #tpu.memory_space<semaphore_mem>>) src(%dma_wait3A_157 : memref<1x120xi32, #tpu.memory_space<hbm>>) dst(%dma_wait3A_153 : memref<1x120xi32, #tpu.memory_space<vmem>>)
      tpu.yield
    }) : () -> ()
    %add3A_10 = arith.constant 1 : i32
    %add3A_11 = arith.addi %mul3A_2, %add3A_10 : i32
    %run_scoped3A_12 = arith.constant 1 : i32
    "tpu.region"() ({
      %run_scoped3A_125 = tpu.sem_alloc : memref<!tpu.dma_semaphore, #tpu.memory_space<semaphore_mem>>
      %dma_start3A_126 = arith.constant 0 : i32
      %dma_start3A_127 = arith.constant 0 : i32
      %dma_start3A_128 = tpu.memref_slice %arg9[%run_scoped3A_12, %dma_start3A_126, %dma_start3A_127] : memref<3x1x120xi32, #tpu.memory_space<vmem>> -> memref<1x1x120xi32, #tpu.memory_space<vmem>>
      %dma_start3A_129 = tpu.memref_squeeze %dma_start3A_128 : memref<1x1x120xi32, #tpu.memory_space<vmem>> -> memref<1x120xi32, #tpu.memory_space<vmem>>
      %dma_start3A_130 = arith.constant 0 : i32
      %dma_start3A_131 = arith.constant 0 : i32
      %dma_start3A_132 = tpu.memref_slice %arg3[%add3A_11, %dma_start3A_130, %dma_start3A_131] : memref<2688x1x120xi32, #tpu.memory_space<hbm>> -> memref<1x1x120xi32, #tpu.memory_space<hbm>>
      %dma_start3A_133 = tpu.memref_squeeze %dma_start3A_132 : memref<1x1x120xi32, #tpu.memory_space<hbm>> -> memref<1x120xi32, #tpu.memory_space<hbm>>
      %dma_start3A_134 = arith.constant 0 : i32
      %dma_start3A_135 = arith.constant 0 : i32
      %dma_start3A_136 = tpu.memref_slice %arg9[%run_scoped3A_12, %dma_start3A_134, %dma_start3A_135] : memref<3x1x120xi32, #tpu.memory_space<vmem>> -> memref<1x1x120xi32, #tpu.memory_space<vmem>>
      %dma_start3A_137 = tpu.memref_squeeze %dma_start3A_136 : memref<1x1x120xi32, #tpu.memory_space<vmem>> -> memref<1x120xi32, #tpu.memory_space<vmem>>
      %dma_start3A_138 = arith.constant 0 : i32
      %dma_start3A_139 = arith.constant 0 : i32
      %dma_start3A_140 = tpu.memref_slice %arg3[%add3A_11, %dma_start3A_138, %dma_start3A_139] : memref<2688x1x120xi32, #tpu.memory_space<hbm>> -> memref<1x1x120xi32, #tpu.memory_space<hbm>>
      %dma_start3A_141 = tpu.memref_squeeze %dma_start3A_140 : memref<1x1x120xi32, #tpu.memory_space<hbm>> -> memref<1x120xi32, #tpu.memory_space<hbm>>
      tpu.enqueue_dma source(%dma_start3A_141 : memref<1x120xi32, #tpu.memory_space<hbm>>) target(%dma_start3A_137 : memref<1x120xi32, #tpu.memory_space<vmem>>) target_semaphore(%run_scoped3A_125 : memref<!tpu.dma_semaphore, #tpu.memory_space<semaphore_mem>>)
      %dma_wait3A_142 = arith.constant 0 : i32
      %dma_wait3A_143 = arith.constant 0 : i32
      %dma_wait3A_144 = tpu.memref_slice %arg9[%run_scoped3A_12, %dma_wait3A_142, %dma_wait3A_143] : memref<3x1x120xi32, #tpu.memory_space<vmem>> -> memref<1x1x120xi32, #tpu.memory_space<vmem>>
      %dma_wait3A_145 = tpu.memref_squeeze %dma_wait3A_144 : memref<1x1x120xi32, #tpu.memory_space<vmem>> -> memref<1x120xi32, #tpu.memory_space<vmem>>
      %dma_wait3A_146 = arith.constant 0 : i32
      %dma_wait3A_147 = arith.constant 0 : i32
      %dma_wait3A_148 = tpu.memref_slice %arg3[%add3A_11, %dma_wait3A_146, %dma_wait3A_147] : memref<2688x1x120xi32, #tpu.memory_space<hbm>> -> memref<1x1x120xi32, #tpu.memory_space<hbm>>
      %dma_wait3A_149 = tpu.memref_squeeze %dma_wait3A_148 : memref<1x1x120xi32, #tpu.memory_space<hbm>> -> memref<1x120xi32, #tpu.memory_space<hbm>>
      %dma_wait3A_150 = arith.constant 0 : i32
      %dma_wait3A_151 = arith.constant 0 : i32
      %dma_wait3A_152 = tpu.memref_slice %arg9[%run_scoped3A_12, %dma_wait3A_150, %dma_wait3A_151] : memref<3x1x120xi32, #tpu.memory_space<vmem>> -> memref<1x1x120xi32, #tpu.memory_space<vmem>>
      %dma_wait3A_153 = tpu.memref_squeeze %dma_wait3A_152 : memref<1x1x120xi32, #tpu.memory_space<vmem>> -> memref<1x120xi32, #tpu.memory_space<vmem>>
      %dma_wait3A_154 = arith.constant 0 : i32
      %dma_wait3A_155 = arith.constant 0 : i32
      %dma_wait3A_156 = tpu.memref_slice %arg3[%add3A_11, %dma_wait3A_154, %dma_wait3A_155] : memref<2688x1x120xi32, #tpu.memory_space<hbm>> -> memref<1x1x120xi32, #tpu.memory_space<hbm>>
      %dma_wait3A_157 = tpu.memref_squeeze %dma_wait3A_156 : memref<1x1x120xi32, #tpu.memory_space<hbm>> -> memref<1x120xi32, #tpu.memory_space<hbm>>
      tpu.wait_dma2 semaphore(%run_scoped3A_125 : memref<!tpu.dma_semaphore, #tpu.memory_space<semaphore_mem>>) src(%dma_wait3A_157 : memref<1x120xi32, #tpu.memory_space<hbm>>) dst(%dma_wait3A_153 : memref<1x120xi32, #tpu.memory_space<vmem>>)
      tpu.yield
    }) : () -> ()
    %add3A_13 = arith.constant 1 : i32
    %add3A_14 = arith.addi %mul3A_2, %add3A_13 : i32
    %run_scoped3A_15 = arith.constant 1 : i32
    "tpu.region"() ({
      %run_scoped3A_125 = tpu.sem_alloc : memref<!tpu.dma_semaphore, #tpu.memory_space<semaphore_mem>>
      %dma_start3A_126 = arith.constant 0 : i32
      %dma_start3A_127 = arith.constant 0 : i32
      %dma_start3A_128 = tpu.memref_slice %arg10[%run_scoped3A_15, %dma_start3A_126, %dma_start3A_127] : memref<6x1x120xi32, #tpu.memory_space<vmem>> -> memref<1x1x120xi32, #tpu.memory_space<vmem>>
      %dma_start3A_129 = tpu.memref_squeeze %dma_start3A_128 : memref<1x1x120xi32, #tpu.memory_space<vmem>> -> memref<1x120xi32, #tpu.memory_space<vmem>>
      %dma_start3A_130 = arith.constant 0 : i32
      %dma_start3A_131 = arith.constant 0 : i32
      %dma_start3A_132 = tpu.memref_slice %arg4[%add3A_14, %dma_start3A_130, %dma_start3A_131] : memref<2688x1x120xi32, #tpu.memory_space<hbm>> -> memref<1x1x120xi32, #tpu.memory_space<hbm>>
      %dma_start3A_133 = tpu.memref_squeeze %dma_start3A_132 : memref<1x1x120xi32, #tpu.memory_space<hbm>> -> memref<1x120xi32, #tpu.memory_space<hbm>>
      %dma_start3A_134 = arith.constant 0 : i32
      %dma_start3A_135 = arith.constant 0 : i32
      %dma_start3A_136 = tpu.memref_slice %arg10[%run_scoped3A_15, %dma_start3A_134, %dma_start3A_135] : memref<6x1x120xi32, #tpu.memory_space<vmem>> -> memref<1x1x120xi32, #tpu.memory_space<vmem>>
      %dma_start3A_137 = tpu.memref_squeeze %dma_start3A_136 : memref<1x1x120xi32, #tpu.memory_space<vmem>> -> memref<1x120xi32, #tpu.memory_space<vmem>>
      %dma_start3A_138 = arith.constant 0 : i32
      %dma_start3A_139 = arith.constant 0 : i32
      %dma_start3A_140 = tpu.memref_slice %arg4[%add3A_14, %dma_start3A_138, %dma_start3A_139] : memref<2688x1x120xi32, #tpu.memory_space<hbm>> -> memref<1x1x120xi32, #tpu.memory_space<hbm>>
      %dma_start3A_141 = tpu.memref_squeeze %dma_start3A_140 : memref<1x1x120xi32, #tpu.memory_space<hbm>> -> memref<1x120xi32, #tpu.memory_space<hbm>>
      tpu.enqueue_dma source(%dma_start3A_141 : memref<1x120xi32, #tpu.memory_space<hbm>>) target(%dma_start3A_137 : memref<1x120xi32, #tpu.memory_space<vmem>>) target_semaphore(%run_scoped3A_125 : memref<!tpu.dma_semaphore, #tpu.memory_space<semaphore_mem>>)
      %dma_wait3A_142 = arith.constant 0 : i32
      %dma_wait3A_143 = arith.constant 0 : i32
      %dma_wait3A_144 = tpu.memref_slice %arg10[%run_scoped3A_15, %dma_wait3A_142, %dma_wait3A_143] : memref<6x1x120xi32, #tpu.memory_space<vmem>> -> memref<1x1x120xi32, #tpu.memory_space<vmem>>
      %dma_wait3A_145 = tpu.memref_squeeze %dma_wait3A_144 : memref<1x1x120xi32, #tpu.memory_space<vmem>> -> memref<1x120xi32, #tpu.memory_space<vmem>>
      %dma_wait3A_146 = arith.constant 0 : i32
      %dma_wait3A_147 = arith.constant 0 : i32
      %dma_wait3A_148 = tpu.memref_slice %arg4[%add3A_14, %dma_wait3A_146, %dma_wait3A_147] : memref<2688x1x120xi32, #tpu.memory_space<hbm>> -> memref<1x1x120xi32, #tpu.memory_space<hbm>>
      %dma_wait3A_149 = tpu.memref_squeeze %dma_wait3A_148 : memref<1x1x120xi32, #tpu.memory_space<hbm>> -> memref<1x120xi32, #tpu.memory_space<hbm>>
      %dma_wait3A_150 = arith.constant 0 : i32
      %dma_wait3A_151 = arith.constant 0 : i32
      %dma_wait3A_152 = tpu.memref_slice %arg10[%run_scoped3A_15, %dma_wait3A_150, %dma_wait3A_151] : memref<6x1x120xi32, #tpu.memory_space<vmem>> -> memref<1x1x120xi32, #tpu.memory_space<vmem>>
      %dma_wait3A_153 = tpu.memref_squeeze %dma_wait3A_152 : memref<1x1x120xi32, #tpu.memory_space<vmem>> -> memref<1x120xi32, #tpu.memory_space<vmem>>
      %dma_wait3A_154 = arith.constant 0 : i32
      %dma_wait3A_155 = arith.constant 0 : i32
      %dma_wait3A_156 = tpu.memref_slice %arg4[%add3A_14, %dma_wait3A_154, %dma_wait3A_155] : memref<2688x1x120xi32, #tpu.memory_space<hbm>> -> memref<1x1x120xi32, #tpu.memory_space<hbm>>
      %dma_wait3A_157 = tpu.memref_squeeze %dma_wait3A_156 : memref<1x1x120xi32, #tpu.memory_space<hbm>> -> memref<1x120xi32, #tpu.memory_space<hbm>>
      tpu.wait_dma2 semaphore(%run_scoped3A_125 : memref<!tpu.dma_semaphore, #tpu.memory_space<semaphore_mem>>) src(%dma_wait3A_157 : memref<1x120xi32, #tpu.memory_space<hbm>>) dst(%dma_wait3A_153 : memref<1x120xi32, #tpu.memory_space<vmem>>)
      tpu.yield
    }) : () -> ()
    %add3A_16 = arith.constant 2 : i32
    %add3A_17 = arith.addi %mul3A_2, %add3A_16 : i32
    %dma_start3A = arith.constant 2 : i32
    %dma_start3A_18 = arith.constant 0 : i32
    %dma_start3A_19 = arith.constant 0 : i32
    %dma_start3A_20 = tpu.memref_slice %arg9[%dma_start3A, %dma_start3A_18, %dma_start3A_19] : memref<3x1x120xi32, #tpu.memory_space<vmem>> -> memref<1x1x120xi32, #tpu.memory_space<vmem>>
    %dma_start3A_21 = tpu.memref_squeeze %dma_start3A_20 : memref<1x1x120xi32, #tpu.memory_space<vmem>> -> memref<1x120xi32, #tpu.memory_space<vmem>>
    %dma_start3A_22 = arith.constant 0 : i32
    %dma_start3A_23 = arith.constant 0 : i32
    %dma_start3A_24 = tpu.memref_slice %arg3[%add3A_17, %dma_start3A_22, %dma_start3A_23] : memref<2688x1x120xi32, #tpu.memory_space<hbm>> -> memref<1x1x120xi32, #tpu.memory_space<hbm>>
    %dma_start3A_25 = tpu.memref_squeeze %dma_start3A_24 : memref<1x1x120xi32, #tpu.memory_space<hbm>> -> memref<1x120xi32, #tpu.memory_space<hbm>>
    %dma_start3A_26 = arith.constant 0 : i32
    %dma_start3A_27 = arith.constant 0 : i32
    %dma_start3A_28 = tpu.memref_slice %arg9[%dma_start3A, %dma_start3A_26, %dma_start3A_27] : memref<3x1x120xi32, #tpu.memory_space<vmem>> -> memref<1x1x120xi32, #tpu.memory_space<vmem>>
    %dma_start3A_29 = tpu.memref_squeeze %dma_start3A_28 : memref<1x1x120xi32, #tpu.memory_space<vmem>> -> memref<1x120xi32, #tpu.memory_space<vmem>>
    %dma_start3A_30 = arith.constant 0 : i32
    %dma_start3A_31 = arith.constant 0 : i32
    %dma_start3A_32 = tpu.memref_slice %arg3[%add3A_17, %dma_start3A_30, %dma_start3A_31] : memref<2688x1x120xi32, #tpu.memory_space<hbm>> -> memref<1x1x120xi32, #tpu.memory_space<hbm>>
    %dma_start3A_33 = tpu.memref_squeeze %dma_start3A_32 : memref<1x1x120xi32, #tpu.memory_space<hbm>> -> memref<1x120xi32, #tpu.memory_space<hbm>>
    tpu.enqueue_dma source(%dma_start3A_33 : memref<1x120xi32, #tpu.memory_space<hbm>>) target(%dma_start3A_29 : memref<1x120xi32, #tpu.memory_space<vmem>>) target_semaphore(%arg19 : memref<!tpu.dma_semaphore, #tpu.memory_space<semaphore_mem>>)
    %add3A_34 = arith.constant 2 : i32
    %add3A_35 = arith.addi %mul3A_2, %add3A_34 : i32
    %dma_start3A_36 = arith.constant 2 : i32
    %dma_start3A_37 = arith.constant 0 : i32
    %dma_start3A_38 = arith.constant 0 : i32
    %dma_start3A_39 = tpu.memref_slice %arg10[%dma_start3A_36, %dma_start3A_37, %dma_start3A_38] : memref<6x1x120xi32, #tpu.memory_space<vmem>> -> memref<1x1x120xi32, #tpu.memory_space<vmem>>
    %dma_start3A_40 = tpu.memref_squeeze %dma_start3A_39 : memref<1x1x120xi32, #tpu.memory_space<vmem>> -> memref<1x120xi32, #tpu.memory_space<vmem>>
    %dma_start3A_41 = arith.constant 0 : i32
    %dma_start3A_42 = arith.constant 0 : i32
    %dma_start3A_43 = tpu.memref_slice %arg4[%add3A_35, %dma_start3A_41, %dma_start3A_42] : memref<2688x1x120xi32, #tpu.memory_space<hbm>> -> memref<1x1x120xi32, #tpu.memory_space<hbm>>
    %dma_start3A_44 = tpu.memref_squeeze %dma_start3A_43 : memref<1x1x120xi32, #tpu.memory_space<hbm>> -> memref<1x120xi32, #tpu.memory_space<hbm>>
    %dma_start3A_45 = arith.constant 0 : i32
    %dma_start3A_46 = arith.constant 0 : i32
    %dma_start3A_47 = tpu.memref_slice %arg10[%dma_start3A_36, %dma_start3A_45, %dma_start3A_46] : memref<6x1x120xi32, #tpu.memory_space<vmem>> -> memref<1x1x120xi32, #tpu.memory_space<vmem>>
    %dma_start3A_48 = tpu.memref_squeeze %dma_start3A_47 : memref<1x1x120xi32, #tpu.memory_space<vmem>> -> memref<1x120xi32, #tpu.memory_space<vmem>>
    %dma_start3A_49 = arith.constant 0 : i32
    %dma_start3A_50 = arith.constant 0 : i32
    %dma_start3A_51 = tpu.memref_slice %arg4[%add3A_35, %dma_start3A_49, %dma_start3A_50] : memref<2688x1x120xi32, #tpu.memory_space<hbm>> -> memref<1x1x120xi32, #tpu.memory_space<hbm>>
    %dma_start3A_52 = tpu.memref_squeeze %dma_start3A_51 : memref<1x1x120xi32, #tpu.memory_space<hbm>> -> memref<1x120xi32, #tpu.memory_space<hbm>>
    tpu.enqueue_dma source(%dma_start3A_52 : memref<1x120xi32, #tpu.memory_space<hbm>>) target(%dma_start3A_48 : memref<1x120xi32, #tpu.memory_space<vmem>>) target_semaphore(%arg22 : memref<!tpu.dma_semaphore, #tpu.memory_space<semaphore_mem>>)
    %dma_start3A_53 = arith.constant 0 : i32
    %dma_start3A_54 = arith.constant 0 : i32
    %dma_start3A_55 = arith.constant 0 : i32
    %dma_start3A_56 = arith.constant 0 : i32
    %dma_start3A_57 = arith.constant 0 : i32
    %dma_start3A_58 = tpu.memref_slice %arg8[%dma_start3A_55, %dma_start3A_56, %dma_start3A_57] : memref<3x120x128xf32, #tpu.memory_space<vmem>> -> memref<1x120x128xf32, #tpu.memory_space<vmem>>
    %dma_start3A_59 = tpu.memref_squeeze %dma_start3A_58 : memref<1x120x128xf32, #tpu.memory_space<vmem>> -> memref<120x128xf32, #tpu.memory_space<vmem>>
    %dma_start3A_60 = arith.constant 0 : i32
    %dma_start3A_61 = tpu.memref_slice %arg9[%dma_start3A_53, %dma_start3A_54, %dma_start3A_60] : memref<3x1x120xi32, #tpu.memory_space<vmem>> -> memref<1x1x120xi32, #tpu.memory_space<vmem>>
    %dma_start3A_62 = tpu.memref_squeeze %dma_start3A_61 : memref<1x1x120xi32, #tpu.memory_space<vmem>> -> memref<120xi32, #tpu.memory_space<vmem>>
    %dma_start3A_63 = arith.constant 0 : i32
    %dma_start3A_64 = arith.constant 0 : i32
    %dma_start3A_65 = tpu.memref_slice %arg2[%dma_start3A_63, %dma_start3A_64] : memref<20480x128xf32, #tpu.memory_space<hbm>> -> memref<20480x128xf32, #tpu.memory_space<hbm>>
    tpu.enqueue_indirect_dma source(%dma_start3A_65 : memref<20480x128xf32, #tpu.memory_space<hbm>>) target(%dma_start3A_59 : memref<120x128xf32, #tpu.memory_space<vmem>>) offsets(%dma_start3A_62 : memref<120xi32, #tpu.memory_space<vmem>>) semaphore(%arg11 : memref<!tpu.dma_semaphore, #tpu.memory_space<semaphore_mem>>)
    %dma_start3A_66 = arith.constant 1 : i32
    %dma_start3A_67 = arith.constant 0 : i32
    %dma_start3A_68 = arith.constant 1 : i32
    %dma_start3A_69 = arith.constant 0 : i32
    %dma_start3A_70 = arith.constant 0 : i32
    %dma_start3A_71 = tpu.memref_slice %arg8[%dma_start3A_68, %dma_start3A_69, %dma_start3A_70] : memref<3x120x128xf32, #tpu.memory_space<vmem>> -> memref<1x120x128xf32, #tpu.memory_space<vmem>>
    %dma_start3A_72 = tpu.memref_squeeze %dma_start3A_71 : memref<1x120x128xf32, #tpu.memory_space<vmem>> -> memref<120x128xf32, #tpu.memory_space<vmem>>
    %dma_start3A_73 = arith.constant 0 : i32
    %dma_start3A_74 = tpu.memref_slice %arg9[%dma_start3A_66, %dma_start3A_67, %dma_start3A_73] : memref<3x1x120xi32, #tpu.memory_space<vmem>> -> memref<1x1x120xi32, #tpu.memory_space<vmem>>
    %dma_start3A_75 = tpu.memref_squeeze %dma_start3A_74 : memref<1x1x120xi32, #tpu.memory_space<vmem>> -> memref<120xi32, #tpu.memory_space<vmem>>
    %dma_start3A_76 = arith.constant 0 : i32
    %dma_start3A_77 = arith.constant 0 : i32
    %dma_start3A_78 = tpu.memref_slice %arg2[%dma_start3A_76, %dma_start3A_77] : memref<20480x128xf32, #tpu.memory_space<hbm>> -> memref<20480x128xf32, #tpu.memory_space<hbm>>
    tpu.enqueue_indirect_dma source(%dma_start3A_78 : memref<20480x128xf32, #tpu.memory_space<hbm>>) target(%dma_start3A_72 : memref<120x128xf32, #tpu.memory_space<vmem>>) offsets(%dma_start3A_75 : memref<120xi32, #tpu.memory_space<vmem>>) semaphore(%arg12 : memref<!tpu.dma_semaphore, #tpu.memory_space<semaphore_mem>>)
    %scan3A = arith.constant 0 : i32
    %scan3A_79 = arith.constant 0 : i32
    %scan3A_80 = arith.constant 14 : i32
    %scan3A_81 = arith.addi %scan3A_79, %scan3A_80 : i32
    %scan3A_82 = arith.constant 1 : i32
    scf.for %scan3A_125 = %scan3A_79 to %scan3A_81 step %scan3A_82  : i32 {
      %mul3A_126 = arith.constant 6 : i32
      %mul3A_127 = arith.muli %mul3A_126, %scan3A_125 : i32
      %add3A_128 = arith.constant 0 : i32
      %add3A_129 = arith.addi %mul3A_127, %add3A_128 : i32
      %dma_wait3A_130 = arith.constant 0 : i32
      %dma_wait3A_131 = arith.constant 0 : i32
      %dma_wait3A_132 = arith.constant 0 : i32
      %dma_wait3A_133 = arith.constant 0 : i32
      %dma_wait3A_134 = arith.constant 0 : i32
      %dma_wait3A_135 = tpu.memref_slice %arg8[%dma_wait3A_132, %dma_wait3A_133, %dma_wait3A_134] : memref<3x120x128xf32, #tpu.memory_space<vmem>> -> memref<1x120x128xf32, #tpu.memory_space<vmem>>
      %dma_wait3A_136 = tpu.memref_squeeze %dma_wait3A_135 : memref<1x120x128xf32, #tpu.memory_space<vmem>> -> memref<120x128xf32, #tpu.memory_space<vmem>>
      %dma_wait3A_137 = arith.constant 0 : i32
      %dma_wait3A_138 = tpu.memref_slice %arg9[%dma_wait3A_130, %dma_wait3A_131, %dma_wait3A_137] : memref<3x1x120xi32, #tpu.memory_space<vmem>> -> memref<1x1x120xi32, #tpu.memory_space<vmem>>
      %dma_wait3A_139 = tpu.memref_squeeze %dma_wait3A_138 : memref<1x1x120xi32, #tpu.memory_space<vmem>> -> memref<120xi32, #tpu.memory_space<vmem>>
      %dma_wait3A_140 = arith.constant 0 : i32
      %dma_wait3A_141 = arith.constant 0 : i32
      %dma_wait3A_142 = tpu.memref_slice %arg2[%dma_wait3A_140, %dma_wait3A_141] : memref<20480x128xf32, #tpu.memory_space<hbm>> -> memref<20480x128xf32, #tpu.memory_space<hbm>>
      tpu.wait_indirect_dma semaphore(%arg11 : memref<!tpu.dma_semaphore, #tpu.memory_space<semaphore_mem>>) src(%dma_wait3A_142 : memref<20480x128xf32, #tpu.memory_space<hbm>>) dst(%dma_wait3A_136 : memref<120x128xf32, #tpu.memory_space<vmem>>)
      %dma_start3A_143 = arith.constant 0 : i32
      %dma_start3A_144 = arith.constant 0 : i32
      %dma_start3A_145 = arith.constant 0 : i32
      %dma_start3A_146 = arith.constant 0 : i32
      %dma_start3A_147 = arith.constant 0 : i32
      %dma_start3A_148 = tpu.memref_slice %arg8[%dma_start3A_143, %dma_start3A_146, %dma_start3A_147] : memref<3x120x128xf32, #tpu.memory_space<vmem>> -> memref<1x120x128xf32, #tpu.memory_space<vmem>>
      %dma_start3A_149 = tpu.memref_squeeze %dma_start3A_148 : memref<1x120x128xf32, #tpu.memory_space<vmem>> -> memref<120x128xf32, #tpu.memory_space<vmem>>
      %dma_start3A_150 = arith.constant 0 : i32
      %dma_start3A_151 = tpu.memref_slice %arg10[%dma_start3A_144, %dma_start3A_145, %dma_start3A_150] : memref<6x1x120xi32, #tpu.memory_space<vmem>> -> memref<1x1x120xi32, #tpu.memory_space<vmem>>
      %dma_start3A_152 = tpu.memref_squeeze %dma_start3A_151 : memref<1x1x120xi32, #tpu.memory_space<vmem>> -> memref<120xi32, #tpu.memory_space<vmem>>
      %dma_start3A_153 = arith.constant 0 : i32
      %dma_start3A_154 = arith.constant 0 : i32
      %dma_start3A_155 = tpu.memref_slice %arg7[%dma_start3A_153, %dma_start3A_154] : memref<10240x128xf32, #tpu.memory_space<vmem_shared>> -> memref<10240x128xf32, #tpu.memory_space<vmem_shared>>
      tpu.enqueue_indirect_dma source(%dma_start3A_149 : memref<120x128xf32, #tpu.memory_space<vmem>>) target(%dma_start3A_155 : memref<10240x128xf32, #tpu.memory_space<vmem_shared>>) offsets(%dma_start3A_152 : memref<120xi32, #tpu.memory_space<vmem>>) semaphore(%arg14 : memref<!tpu.dma_semaphore, #tpu.memory_space<semaphore_mem>>) {add = true}
      %ge3A = arith.constant 1 : i32
      %ge3A_156 = arith.cmpi sge, %add3A_129, %ge3A : i32
      %add3A_157 = arith.constant 2 : i32
      %add3A_158 = arith.addi %add3A_129, %add3A_157 : i32
      %le3A = arith.constant 83 : i32
      %le3A_159 = arith.cmpi sle, %add3A_158, %le3A : i32
      %and3A = arith.andi %ge3A_156, %le3A_159 : i1
      %convert_element_type3A = arith.extui %and3A : i1 to i32
      %cond3A = arith.constant 0 : i32
      %cond3A_160 = arith.cmpi ne, %convert_element_type3A, %cond3A : i32
      scf.if %cond3A_160 {
        %dma_wait3A_445 = arith.constant 2 : i32
        %dma_wait3A_446 = arith.constant 5 : i32
        %dma_wait3A_447 = arith.constant 0 : i32
        %dma_wait3A_448 = arith.constant 0 : i32
        %dma_wait3A_449 = arith.constant 0 : i32
        %dma_wait3A_450 = tpu.memref_slice %arg8[%dma_wait3A_445, %dma_wait3A_448, %dma_wait3A_449] : memref<3x120x128xf32, #tpu.memory_space<vmem>> -> memref<1x120x128xf32, #tpu.memory_space<vmem>>
        %dma_wait3A_451 = tpu.memref_squeeze %dma_wait3A_450 : memref<1x120x128xf32, #tpu.memory_space<vmem>> -> memref<120x128xf32, #tpu.memory_space<vmem>>
        %dma_wait3A_452 = arith.constant 0 : i32
        %dma_wait3A_453 = tpu.memref_slice %arg10[%dma_wait3A_446, %dma_wait3A_447, %dma_wait3A_452] : memref<6x1x120xi32, #tpu.memory_space<vmem>> -> memref<1x1x120xi32, #tpu.memory_space<vmem>>
        %dma_wait3A_454 = tpu.memref_squeeze %dma_wait3A_453 : memref<1x1x120xi32, #tpu.memory_space<vmem>> -> memref<120xi32, #tpu.memory_space<vmem>>
        %dma_wait3A_455 = arith.constant 0 : i32
        %dma_wait3A_456 = arith.constant 0 : i32
        %dma_wait3A_457 = tpu.memref_slice %arg7[%dma_wait3A_455, %dma_wait3A_456] : memref<10240x128xf32, #tpu.memory_space<vmem_shared>> -> memref<10240x128xf32, #tpu.memory_space<vmem_shared>>
        tpu.wait_indirect_dma semaphore(%arg16 : memref<!tpu.dma_semaphore, #tpu.memory_space<semaphore_mem>>) src(%dma_wait3A_451 : memref<120x128xf32, #tpu.memory_space<vmem>>) dst(%dma_wait3A_457 : memref<10240x128xf32, #tpu.memory_space<vmem_shared>>)
      } else {
      }
      %add3A_161 = arith.constant 2 : i32
      %add3A_162 = arith.addi %add3A_129, %add3A_161 : i32
      %le3A_163 = arith.constant 83 : i32
      %le3A_164 = arith.cmpi sle, %add3A_162, %le3A_163 : i32
      %convert_element_type3A_165 = arith.extui %le3A_164 : i1 to i32
      %cond3A_166 = arith.constant 0 : i32
      %cond3A_167 = arith.cmpi ne, %convert_element_type3A_165, %cond3A_166 : i32
      scf.if %cond3A_167 {
        %dma_wait3A_445 = arith.constant 2 : i32
        %dma_wait3A_446 = arith.constant 0 : i32
        %dma_wait3A_447 = arith.constant 0 : i32
        %dma_wait3A_448 = tpu.memref_slice %arg9[%dma_wait3A_445, %dma_wait3A_446, %dma_wait3A_447] : memref<3x1x120xi32, #tpu.memory_space<vmem>> -> memref<1x1x120xi32, #tpu.memory_space<vmem>>
        %dma_wait3A_449 = tpu.memref_squeeze %dma_wait3A_448 : memref<1x1x120xi32, #tpu.memory_space<vmem>> -> memref<1x120xi32, #tpu.memory_space<vmem>>
        %dma_wait3A_450 = arith.constant 0 : i32
        %dma_wait3A_451 = arith.constant 0 : i32
        %dma_wait3A_452 = tpu.memref_slice %arg3[%mul3A_2, %dma_wait3A_450, %dma_wait3A_451] : memref<2688x1x120xi32, #tpu.memory_space<hbm>> -> memref<1x1x120xi32, #tpu.memory_space<hbm>>
        %dma_wait3A_453 = tpu.memref_squeeze %dma_wait3A_452 : memref<1x1x120xi32, #tpu.memory_space<hbm>> -> memref<1x120xi32, #tpu.memory_space<hbm>>
        %dma_wait3A_454 = arith.constant 0 : i32
        %dma_wait3A_455 = arith.constant 0 : i32
        %dma_wait3A_456 = tpu.memref_slice %arg9[%dma_wait3A_445, %dma_wait3A_454, %dma_wait3A_455] : memref<3x1x120xi32, #tpu.memory_space<vmem>> -> memref<1x1x120xi32, #tpu.memory_space<vmem>>
        %dma_wait3A_457 = tpu.memref_squeeze %dma_wait3A_456 : memref<1x1x120xi32, #tpu.memory_space<vmem>> -> memref<1x120xi32, #tpu.memory_space<vmem>>
        %dma_wait3A_458 = arith.constant 0 : i32
        %dma_wait3A_459 = arith.constant 0 : i32
        %dma_wait3A_460 = tpu.memref_slice %arg3[%mul3A_2, %dma_wait3A_458, %dma_wait3A_459] : memref<2688x1x120xi32, #tpu.memory_space<hbm>> -> memref<1x1x120xi32, #tpu.memory_space<hbm>>
        %dma_wait3A_461 = tpu.memref_squeeze %dma_wait3A_460 : memref<1x1x120xi32, #tpu.memory_space<hbm>> -> memref<1x120xi32, #tpu.memory_space<hbm>>
        tpu.wait_dma2 semaphore(%arg19 : memref<!tpu.dma_semaphore, #tpu.memory_space<semaphore_mem>>) src(%dma_wait3A_461 : memref<1x120xi32, #tpu.memory_space<hbm>>) dst(%dma_wait3A_457 : memref<1x120xi32, #tpu.memory_space<vmem>>)
        %dma_wait3A_462 = arith.constant 2 : i32
        %dma_wait3A_463 = arith.constant 0 : i32
        %dma_wait3A_464 = arith.constant 0 : i32
        %dma_wait3A_465 = tpu.memref_slice %arg10[%dma_wait3A_462, %dma_wait3A_463, %dma_wait3A_464] : memref<6x1x120xi32, #tpu.memory_space<vmem>> -> memref<1x1x120xi32, #tpu.memory_space<vmem>>
        %dma_wait3A_466 = tpu.memref_squeeze %dma_wait3A_465 : memref<1x1x120xi32, #tpu.memory_space<vmem>> -> memref<1x120xi32, #tpu.memory_space<vmem>>
        %dma_wait3A_467 = arith.constant 0 : i32
        %dma_wait3A_468 = arith.constant 0 : i32
        %dma_wait3A_469 = tpu.memref_slice %arg4[%mul3A_2, %dma_wait3A_467, %dma_wait3A_468] : memref<2688x1x120xi32, #tpu.memory_space<hbm>> -> memref<1x1x120xi32, #tpu.memory_space<hbm>>
        %dma_wait3A_470 = tpu.memref_squeeze %dma_wait3A_469 : memref<1x1x120xi32, #tpu.memory_space<hbm>> -> memref<1x120xi32, #tpu.memory_space<hbm>>
        %dma_wait3A_471 = arith.constant 0 : i32
        %dma_wait3A_472 = arith.constant 0 : i32
        %dma_wait3A_473 = tpu.memref_slice %arg10[%dma_wait3A_462, %dma_wait3A_471, %dma_wait3A_472] : memref<6x1x120xi32, #tpu.memory_space<vmem>> -> memref<1x1x120xi32, #tpu.memory_space<vmem>>
        %dma_wait3A_474 = tpu.memref_squeeze %dma_wait3A_473 : memref<1x1x120xi32, #tpu.memory_space<vmem>> -> memref<1x120xi32, #tpu.memory_space<vmem>>
        %dma_wait3A_475 = arith.constant 0 : i32
        %dma_wait3A_476 = arith.constant 0 : i32
        %dma_wait3A_477 = tpu.memref_slice %arg4[%mul3A_2, %dma_wait3A_475, %dma_wait3A_476] : memref<2688x1x120xi32, #tpu.memory_space<hbm>> -> memref<1x1x120xi32, #tpu.memory_space<hbm>>
        %dma_wait3A_478 = tpu.memref_squeeze %dma_wait3A_477 : memref<1x1x120xi32, #tpu.memory_space<hbm>> -> memref<1x120xi32, #tpu.memory_space<hbm>>
        tpu.wait_dma2 semaphore(%arg22 : memref<!tpu.dma_semaphore, #tpu.memory_space<semaphore_mem>>) src(%dma_wait3A_478 : memref<1x120xi32, #tpu.memory_space<hbm>>) dst(%dma_wait3A_474 : memref<1x120xi32, #tpu.memory_space<vmem>>)
        %dma_start3A_479 = arith.constant 2 : i32
        %dma_start3A_480 = arith.constant 0 : i32
        %dma_start3A_481 = arith.constant 2 : i32
        %dma_start3A_482 = arith.constant 0 : i32
        %dma_start3A_483 = arith.constant 0 : i32
        %dma_start3A_484 = tpu.memref_slice %arg8[%dma_start3A_481, %dma_start3A_482, %dma_start3A_483] : memref<3x120x128xf32, #tpu.memory_space<vmem>> -> memref<1x120x128xf32, #tpu.memory_space<vmem>>
        %dma_start3A_485 = tpu.memref_squeeze %dma_start3A_484 : memref<1x120x128xf32, #tpu.memory_space<vmem>> -> memref<120x128xf32, #tpu.memory_space<vmem>>
        %dma_start3A_486 = arith.constant 0 : i32
        %dma_start3A_487 = tpu.memref_slice %arg9[%dma_start3A_479, %dma_start3A_480, %dma_start3A_486] : memref<3x1x120xi32, #tpu.memory_space<vmem>> -> memref<1x1x120xi32, #tpu.memory_space<vmem>>
        %dma_start3A_488 = tpu.memref_squeeze %dma_start3A_487 : memref<1x1x120xi32, #tpu.memory_space<vmem>> -> memref<120xi32, #tpu.memory_space<vmem>>
        %dma_start3A_489 = arith.constant 0 : i32
        %dma_start3A_490 = arith.constant 0 : i32
        %dma_start3A_491 = tpu.memref_slice %arg2[%dma_start3A_489, %dma_start3A_490] : memref<20480x128xf32, #tpu.memory_space<hbm>> -> memref<20480x128xf32, #tpu.memory_space<hbm>>
        tpu.enqueue_indirect_dma source(%dma_start3A_491 : memref<20480x128xf32, #tpu.memory_space<hbm>>) target(%dma_start3A_485 : memref<120x128xf32, #tpu.memory_space<vmem>>) offsets(%dma_start3A_488 : memref<120xi32, #tpu.memory_space<vmem>>) semaphore(%arg13 : memref<!tpu.dma_semaphore, #tpu.memory_space<semaphore_mem>>)
      } else {
      }
      %add3A_168 = arith.constant 3 : i32
      %add3A_169 = arith.addi %add3A_129, %add3A_168 : i32
      %le3A_170 = arith.constant 83 : i32
      %le3A_171 = arith.cmpi sle, %add3A_169, %le3A_170 : i32
      %convert_element_type3A_172 = arith.extui %le3A_171 : i1 to i32
      %cond3A_173 = arith.constant 0 : i32
      %cond3A_174 = arith.cmpi ne, %convert_element_type3A_172, %cond3A_173 : i32
      scf.if %cond3A_174 {
        %add3A_445 = arith.addi %mul3A_2, %add3A_129 : i32
        %add3A_446 = arith.constant 3 : i32
        %add3A_447 = arith.addi %add3A_445, %add3A_446 : i32
        %dma_start3A_448 = arith.constant 0 : i32
        %dma_start3A_449 = arith.constant 0 : i32
        %dma_start3A_450 = arith.constant 0 : i32
        %dma_start3A_451 = tpu.memref_slice %arg9[%dma_start3A_448, %dma_start3A_449, %dma_start3A_450] : memref<3x1x120xi32, #tpu.memory_space<vmem>> -> memref<1x1x120xi32, #tpu.memory_space<vmem>>
        %dma_start3A_452 = tpu.memref_squeeze %dma_start3A_451 : memref<1x1x120xi32, #tpu.memory_space<vmem>> -> memref<1x120xi32, #tpu.memory_space<vmem>>
        %dma_start3A_453 = arith.constant 0 : i32
        %dma_start3A_454 = arith.constant 0 : i32
        %dma_start3A_455 = tpu.memref_slice %arg3[%add3A_447, %dma_start3A_453, %dma_start3A_454] : memref<2688x1x120xi32, #tpu.memory_space<hbm>> -> memref<1x1x120xi32, #tpu.memory_space<hbm>>
        %dma_start3A_456 = tpu.memref_squeeze %dma_start3A_455 : memref<1x1x120xi32, #tpu.memory_space<hbm>> -> memref<1x120xi32, #tpu.memory_space<hbm>>
        %dma_start3A_457 = arith.constant 0 : i32
        %dma_start3A_458 = arith.constant 0 : i32
        %dma_start3A_459 = tpu.memref_slice %arg9[%dma_start3A_448, %dma_start3A_457, %dma_start3A_458] : memref<3x1x120xi32, #tpu.memory_space<vmem>> -> memref<1x1x120xi32, #tpu.memory_space<vmem>>
        %dma_start3A_460 = tpu.memref_squeeze %dma_start3A_459 : memref<1x1x120xi32, #tpu.memory_space<vmem>> -> memref<1x120xi32, #tpu.memory_space<vmem>>
        %dma_start3A_461 = arith.constant 0 : i32
        %dma_start3A_462 = arith.constant 0 : i32
        %dma_start3A_463 = tpu.memref_slice %arg3[%add3A_447, %dma_start3A_461, %dma_start3A_462] : memref<2688x1x120xi32, #tpu.memory_space<hbm>> -> memref<1x1x120xi32, #tpu.memory_space<hbm>>
        %dma_start3A_464 = tpu.memref_squeeze %dma_start3A_463 : memref<1x1x120xi32, #tpu.memory_space<hbm>> -> memref<1x120xi32, #tpu.memory_space<hbm>>
        tpu.enqueue_dma source(%dma_start3A_464 : memref<1x120xi32, #tpu.memory_space<hbm>>) target(%dma_start3A_460 : memref<1x120xi32, #tpu.memory_space<vmem>>) target_semaphore(%arg17 : memref<!tpu.dma_semaphore, #tpu.memory_space<semaphore_mem>>)
        %add3A_465 = arith.addi %mul3A_2, %add3A_129 : i32
        %add3A_466 = arith.constant 3 : i32
        %add3A_467 = arith.addi %add3A_465, %add3A_466 : i32
        %dma_start3A_468 = arith.constant 3 : i32
        %dma_start3A_469 = arith.constant 0 : i32
        %dma_start3A_470 = arith.constant 0 : i32
        %dma_start3A_471 = tpu.memref_slice %arg10[%dma_start3A_468, %dma_start3A_469, %dma_start3A_470] : memref<6x1x120xi32, #tpu.memory_space<vmem>> -> memref<1x1x120xi32, #tpu.memory_space<vmem>>
        %dma_start3A_472 = tpu.memref_squeeze %dma_start3A_471 : memref<1x1x120xi32, #tpu.memory_space<vmem>> -> memref<1x120xi32, #tpu.memory_space<vmem>>
        %dma_start3A_473 = arith.constant 0 : i32
        %dma_start3A_474 = arith.constant 0 : i32
        %dma_start3A_475 = tpu.memref_slice %arg4[%add3A_467, %dma_start3A_473, %dma_start3A_474] : memref<2688x1x120xi32, #tpu.memory_space<hbm>> -> memref<1x1x120xi32, #tpu.memory_space<hbm>>
        %dma_start3A_476 = tpu.memref_squeeze %dma_start3A_475 : memref<1x1x120xi32, #tpu.memory_space<hbm>> -> memref<1x120xi32, #tpu.memory_space<hbm>>
        %dma_start3A_477 = arith.constant 0 : i32
        %dma_start3A_478 = arith.constant 0 : i32
        %dma_start3A_479 = tpu.memref_slice %arg10[%dma_start3A_468, %dma_start3A_477, %dma_start3A_478] : memref<6x1x120xi32, #tpu.memory_space<vmem>> -> memref<1x1x120xi32, #tpu.memory_space<vmem>>
        %dma_start3A_480 = tpu.memref_squeeze %dma_start3A_479 : memref<1x1x120xi32, #tpu.memory_space<vmem>> -> memref<1x120xi32, #tpu.memory_space<vmem>>
        %dma_start3A_481 = arith.constant 0 : i32
        %dma_start3A_482 = arith.constant 0 : i32
        %dma_start3A_483 = tpu.memref_slice %arg4[%add3A_467, %dma_start3A_481, %dma_start3A_482] : memref<2688x1x120xi32, #tpu.memory_space<hbm>> -> memref<1x1x120xi32, #tpu.memory_space<hbm>>
        %dma_start3A_484 = tpu.memref_squeeze %dma_start3A_483 : memref<1x1x120xi32, #tpu.memory_space<hbm>> -> memref<1x120xi32, #tpu.memory_space<hbm>>
        tpu.enqueue_dma source(%dma_start3A_484 : memref<1x120xi32, #tpu.memory_space<hbm>>) target(%dma_start3A_480 : memref<1x120xi32, #tpu.memory_space<vmem>>) target_semaphore(%arg23 : memref<!tpu.dma_semaphore, #tpu.memory_space<semaphore_mem>>)
      } else {
      }
      %mul3A_175 = arith.constant 6 : i32
      %mul3A_176 = arith.muli %mul3A_175, %scan3A_125 : i32
      %add3A_177 = arith.constant 1 : i32
      %add3A_178 = arith.addi %mul3A_176, %add3A_177 : i32
      %dma_wait3A_179 = arith.constant 1 : i32
      %dma_wait3A_180 = arith.constant 0 : i32
      %dma_wait3A_181 = arith.constant 1 : i32
      %dma_wait3A_182 = arith.constant 0 : i32
      %dma_wait3A_183 = arith.constant 0 : i32
      %dma_wait3A_184 = tpu.memref_slice %arg8[%dma_wait3A_181, %dma_wait3A_182, %dma_wait3A_183] : memref<3x120x128xf32, #tpu.memory_space<vmem>> -> memref<1x120x128xf32, #tpu.memory_space<vmem>>
      %dma_wait3A_185 = tpu.memref_squeeze %dma_wait3A_184 : memref<1x120x128xf32, #tpu.memory_space<vmem>> -> memref<120x128xf32, #tpu.memory_space<vmem>>
      %dma_wait3A_186 = arith.constant 0 : i32
      %dma_wait3A_187 = tpu.memref_slice %arg9[%dma_wait3A_179, %dma_wait3A_180, %dma_wait3A_186] : memref<3x1x120xi32, #tpu.memory_space<vmem>> -> memref<1x1x120xi32, #tpu.memory_space<vmem>>
      %dma_wait3A_188 = tpu.memref_squeeze %dma_wait3A_187 : memref<1x1x120xi32, #tpu.memory_space<vmem>> -> memref<120xi32, #tpu.memory_space<vmem>>
      %dma_wait3A_189 = arith.constant 0 : i32
      %dma_wait3A_190 = arith.constant 0 : i32
      %dma_wait3A_191 = tpu.memref_slice %arg2[%dma_wait3A_189, %dma_wait3A_190] : memref<20480x128xf32, #tpu.memory_space<hbm>> -> memref<20480x128xf32, #tpu.memory_space<hbm>>
      tpu.wait_indirect_dma semaphore(%arg12 : memref<!tpu.dma_semaphore, #tpu.memory_space<semaphore_mem>>) src(%dma_wait3A_191 : memref<20480x128xf32, #tpu.memory_space<hbm>>) dst(%dma_wait3A_185 : memref<120x128xf32, #tpu.memory_space<vmem>>)
      %dma_start3A_192 = arith.constant 1 : i32
      %dma_start3A_193 = arith.constant 1 : i32
      %dma_start3A_194 = arith.constant 0 : i32
      %dma_start3A_195 = arith.constant 0 : i32
      %dma_start3A_196 = arith.constant 0 : i32
      %dma_start3A_197 = tpu.memref_slice %arg8[%dma_start3A_192, %dma_start3A_195, %dma_start3A_196] : memref<3x120x128xf32, #tpu.memory_space<vmem>> -> memref<1x120x128xf32, #tpu.memory_space<vmem>>
      %dma_start3A_198 = tpu.memref_squeeze %dma_start3A_197 : memref<1x120x128xf32, #tpu.memory_space<vmem>> -> memref<120x128xf32, #tpu.memory_space<vmem>>
      %dma_start3A_199 = arith.constant 0 : i32
      %dma_start3A_200 = tpu.memref_slice %arg10[%dma_start3A_193, %dma_start3A_194, %dma_start3A_199] : memref<6x1x120xi32, #tpu.memory_space<vmem>> -> memref<1x1x120xi32, #tpu.memory_space<vmem>>
      %dma_start3A_201 = tpu.memref_squeeze %dma_start3A_200 : memref<1x1x120xi32, #tpu.memory_space<vmem>> -> memref<120xi32, #tpu.memory_space<vmem>>
      %dma_start3A_202 = arith.constant 0 : i32
      %dma_start3A_203 = arith.constant 0 : i32
      %dma_start3A_204 = tpu.memref_slice %arg7[%dma_start3A_202, %dma_start3A_203] : memref<10240x128xf32, #tpu.memory_space<vmem_shared>> -> memref<10240x128xf32, #tpu.memory_space<vmem_shared>>
      tpu.enqueue_indirect_dma source(%dma_start3A_198 : memref<120x128xf32, #tpu.memory_space<vmem>>) target(%dma_start3A_204 : memref<10240x128xf32, #tpu.memory_space<vmem_shared>>) offsets(%dma_start3A_201 : memref<120xi32, #tpu.memory_space<vmem>>) semaphore(%arg15 : memref<!tpu.dma_semaphore, #tpu.memory_space<semaphore_mem>>) {add = true}
      %ge3A_205 = arith.constant 1 : i32
      %ge3A_206 = arith.cmpi sge, %add3A_178, %ge3A_205 : i32
      %add3A_207 = arith.constant 2 : i32
      %add3A_208 = arith.addi %add3A_178, %add3A_207 : i32
      %le3A_209 = arith.constant 83 : i32
      %le3A_210 = arith.cmpi sle, %add3A_208, %le3A_209 : i32
      %and3A_211 = arith.andi %ge3A_206, %le3A_210 : i1
      %convert_element_type3A_212 = arith.extui %and3A_211 : i1 to i32
      %cond3A_213 = arith.constant 0 : i32
      %cond3A_214 = arith.cmpi ne, %convert_element_type3A_212, %cond3A_213 : i32
      scf.if %cond3A_214 {
        %dma_wait3A_445 = arith.constant 0 : i32
        %dma_wait3A_446 = arith.constant 0 : i32
        %dma_wait3A_447 = arith.constant 0 : i32
        %dma_wait3A_448 = arith.constant 0 : i32
        %dma_wait3A_449 = arith.constant 0 : i32
        %dma_wait3A_450 = tpu.memref_slice %arg8[%dma_wait3A_445, %dma_wait3A_448, %dma_wait3A_449] : memref<3x120x128xf32, #tpu.memory_space<vmem>> -> memref<1x120x128xf32, #tpu.memory_space<vmem>>
        %dma_wait3A_451 = tpu.memref_squeeze %dma_wait3A_450 : memref<1x120x128xf32, #tpu.memory_space<vmem>> -> memref<120x128xf32, #tpu.memory_space<vmem>>
        %dma_wait3A_452 = arith.constant 0 : i32
        %dma_wait3A_453 = tpu.memref_slice %arg10[%dma_wait3A_446, %dma_wait3A_447, %dma_wait3A_452] : memref<6x1x120xi32, #tpu.memory_space<vmem>> -> memref<1x1x120xi32, #tpu.memory_space<vmem>>
        %dma_wait3A_454 = tpu.memref_squeeze %dma_wait3A_453 : memref<1x1x120xi32, #tpu.memory_space<vmem>> -> memref<120xi32, #tpu.memory_space<vmem>>
        %dma_wait3A_455 = arith.constant 0 : i32
        %dma_wait3A_456 = arith.constant 0 : i32
        %dma_wait3A_457 = tpu.memref_slice %arg7[%dma_wait3A_455, %dma_wait3A_456] : memref<10240x128xf32, #tpu.memory_space<vmem_shared>> -> memref<10240x128xf32, #tpu.memory_space<vmem_shared>>
        tpu.wait_indirect_dma semaphore(%arg14 : memref<!tpu.dma_semaphore, #tpu.memory_space<semaphore_mem>>) src(%dma_wait3A_451 : memref<120x128xf32, #tpu.memory_space<vmem>>) dst(%dma_wait3A_457 : memref<10240x128xf32, #tpu.memory_space<vmem_shared>>)
      } else {
      }
      %add3A_215 = arith.constant 2 : i32
      %add3A_216 = arith.addi %add3A_178, %add3A_215 : i32
      %le3A_217 = arith.constant 83 : i32
      %le3A_218 = arith.cmpi sle, %add3A_216, %le3A_217 : i32
      %convert_element_type3A_219 = arith.extui %le3A_218 : i1 to i32
      %cond3A_220 = arith.constant 0 : i32
      %cond3A_221 = arith.cmpi ne, %convert_element_type3A_219, %cond3A_220 : i32
      scf.if %cond3A_221 {
        %dma_wait3A_445 = arith.constant 0 : i32
        %dma_wait3A_446 = arith.constant 0 : i32
        %dma_wait3A_447 = arith.constant 0 : i32
        %dma_wait3A_448 = tpu.memref_slice %arg9[%dma_wait3A_445, %dma_wait3A_446, %dma_wait3A_447] : memref<3x1x120xi32, #tpu.memory_space<vmem>> -> memref<1x1x120xi32, #tpu.memory_space<vmem>>
        %dma_wait3A_449 = tpu.memref_squeeze %dma_wait3A_448 : memref<1x1x120xi32, #tpu.memory_space<vmem>> -> memref<1x120xi32, #tpu.memory_space<vmem>>
        %dma_wait3A_450 = arith.constant 0 : i32
        %dma_wait3A_451 = arith.constant 0 : i32
        %dma_wait3A_452 = tpu.memref_slice %arg3[%mul3A_2, %dma_wait3A_450, %dma_wait3A_451] : memref<2688x1x120xi32, #tpu.memory_space<hbm>> -> memref<1x1x120xi32, #tpu.memory_space<hbm>>
        %dma_wait3A_453 = tpu.memref_squeeze %dma_wait3A_452 : memref<1x1x120xi32, #tpu.memory_space<hbm>> -> memref<1x120xi32, #tpu.memory_space<hbm>>
        %dma_wait3A_454 = arith.constant 0 : i32
        %dma_wait3A_455 = arith.constant 0 : i32
        %dma_wait3A_456 = tpu.memref_slice %arg9[%dma_wait3A_445, %dma_wait3A_454, %dma_wait3A_455] : memref<3x1x120xi32, #tpu.memory_space<vmem>> -> memref<1x1x120xi32, #tpu.memory_space<vmem>>
        %dma_wait3A_457 = tpu.memref_squeeze %dma_wait3A_456 : memref<1x1x120xi32, #tpu.memory_space<vmem>> -> memref<1x120xi32, #tpu.memory_space<vmem>>
        %dma_wait3A_458 = arith.constant 0 : i32
        %dma_wait3A_459 = arith.constant 0 : i32
        %dma_wait3A_460 = tpu.memref_slice %arg3[%mul3A_2, %dma_wait3A_458, %dma_wait3A_459] : memref<2688x1x120xi32, #tpu.memory_space<hbm>> -> memref<1x1x120xi32, #tpu.memory_space<hbm>>
        %dma_wait3A_461 = tpu.memref_squeeze %dma_wait3A_460 : memref<1x1x120xi32, #tpu.memory_space<hbm>> -> memref<1x120xi32, #tpu.memory_space<hbm>>
        tpu.wait_dma2 semaphore(%arg17 : memref<!tpu.dma_semaphore, #tpu.memory_space<semaphore_mem>>) src(%dma_wait3A_461 : memref<1x120xi32, #tpu.memory_space<hbm>>) dst(%dma_wait3A_457 : memref<1x120xi32, #tpu.memory_space<vmem>>)
        %dma_wait3A_462 = arith.constant 3 : i32
        %dma_wait3A_463 = arith.constant 0 : i32
        %dma_wait3A_464 = arith.constant 0 : i32
        %dma_wait3A_465 = tpu.memref_slice %arg10[%dma_wait3A_462, %dma_wait3A_463, %dma_wait3A_464] : memref<6x1x120xi32, #tpu.memory_space<vmem>> -> memref<1x1x120xi32, #tpu.memory_space<vmem>>
        %dma_wait3A_466 = tpu.memref_squeeze %dma_wait3A_465 : memref<1x1x120xi32, #tpu.memory_space<vmem>> -> memref<1x120xi32, #tpu.memory_space<vmem>>
        %dma_wait3A_467 = arith.constant 0 : i32
        %dma_wait3A_468 = arith.constant 0 : i32
        %dma_wait3A_469 = tpu.memref_slice %arg4[%mul3A_2, %dma_wait3A_467, %dma_wait3A_468] : memref<2688x1x120xi32, #tpu.memory_space<hbm>> -> memref<1x1x120xi32, #tpu.memory_space<hbm>>
        %dma_wait3A_470 = tpu.memref_squeeze %dma_wait3A_469 : memref<1x1x120xi32, #tpu.memory_space<hbm>> -> memref<1x120xi32, #tpu.memory_space<hbm>>
        %dma_wait3A_471 = arith.constant 0 : i32
        %dma_wait3A_472 = arith.constant 0 : i32
        %dma_wait3A_473 = tpu.memref_slice %arg10[%dma_wait3A_462, %dma_wait3A_471, %dma_wait3A_472] : memref<6x1x120xi32, #tpu.memory_space<vmem>> -> memref<1x1x120xi32, #tpu.memory_space<vmem>>
        %dma_wait3A_474 = tpu.memref_squeeze %dma_wait3A_473 : memref<1x1x120xi32, #tpu.memory_space<vmem>> -> memref<1x120xi32, #tpu.memory_space<vmem>>
        %dma_wait3A_475 = arith.constant 0 : i32
        %dma_wait3A_476 = arith.constant 0 : i32
        %dma_wait3A_477 = tpu.memref_slice %arg4[%mul3A_2, %dma_wait3A_475, %dma_wait3A_476] : memref<2688x1x120xi32, #tpu.memory_space<hbm>> -> memref<1x1x120xi32, #tpu.memory_space<hbm>>
        %dma_wait3A_478 = tpu.memref_squeeze %dma_wait3A_477 : memref<1x1x120xi32, #tpu.memory_space<hbm>> -> memref<1x120xi32, #tpu.memory_space<hbm>>
        tpu.wait_dma2 semaphore(%arg23 : memref<!tpu.dma_semaphore, #tpu.memory_space<semaphore_mem>>) src(%dma_wait3A_478 : memref<1x120xi32, #tpu.memory_space<hbm>>) dst(%dma_wait3A_474 : memref<1x120xi32, #tpu.memory_space<vmem>>)
        %dma_start3A_479 = arith.constant 0 : i32
        %dma_start3A_480 = arith.constant 0 : i32
        %dma_start3A_481 = arith.constant 0 : i32
        %dma_start3A_482 = arith.constant 0 : i32
        %dma_start3A_483 = arith.constant 0 : i32
        %dma_start3A_484 = tpu.memref_slice %arg8[%dma_start3A_481, %dma_start3A_482, %dma_start3A_483] : memref<3x120x128xf32, #tpu.memory_space<vmem>> -> memref<1x120x128xf32, #tpu.memory_space<vmem>>
        %dma_start3A_485 = tpu.memref_squeeze %dma_start3A_484 : memref<1x120x128xf32, #tpu.memory_space<vmem>> -> memref<120x128xf32, #tpu.memory_space<vmem>>
        %dma_start3A_486 = arith.constant 0 : i32
        %dma_start3A_487 = tpu.memref_slice %arg9[%dma_start3A_479, %dma_start3A_480, %dma_start3A_486] : memref<3x1x120xi32, #tpu.memory_space<vmem>> -> memref<1x1x120xi32, #tpu.memory_space<vmem>>
        %dma_start3A_488 = tpu.memref_squeeze %dma_start3A_487 : memref<1x1x120xi32, #tpu.memory_space<vmem>> -> memref<120xi32, #tpu.memory_space<vmem>>
        %dma_start3A_489 = arith.constant 0 : i32
        %dma_start3A_490 = arith.constant 0 : i32
        %dma_start3A_491 = tpu.memref_slice %arg2[%dma_start3A_489, %dma_start3A_490] : memref<20480x128xf32, #tpu.memory_space<hbm>> -> memref<20480x128xf32, #tpu.memory_space<hbm>>
        tpu.enqueue_indirect_dma source(%dma_start3A_491 : memref<20480x128xf32, #tpu.memory_space<hbm>>) target(%dma_start3A_485 : memref<120x128xf32, #tpu.memory_space<vmem>>) offsets(%dma_start3A_488 : memref<120xi32, #tpu.memory_space<vmem>>) semaphore(%arg11 : memref<!tpu.dma_semaphore, #tpu.memory_space<semaphore_mem>>)
      } else {
      }
      %add3A_222 = arith.constant 3 : i32
      %add3A_223 = arith.addi %add3A_178, %add3A_222 : i32
      %le3A_224 = arith.constant 83 : i32
      %le3A_225 = arith.cmpi sle, %add3A_223, %le3A_224 : i32
      %convert_element_type3A_226 = arith.extui %le3A_225 : i1 to i32
      %cond3A_227 = arith.constant 0 : i32
      %cond3A_228 = arith.cmpi ne, %convert_element_type3A_226, %cond3A_227 : i32
      scf.if %cond3A_228 {
        %add3A_445 = arith.addi %mul3A_2, %add3A_178 : i32
        %add3A_446 = arith.constant 3 : i32
        %add3A_447 = arith.addi %add3A_445, %add3A_446 : i32
        %dma_start3A_448 = arith.constant 1 : i32
        %dma_start3A_449 = arith.constant 0 : i32
        %dma_start3A_450 = arith.constant 0 : i32
        %dma_start3A_451 = tpu.memref_slice %arg9[%dma_start3A_448, %dma_start3A_449, %dma_start3A_450] : memref<3x1x120xi32, #tpu.memory_space<vmem>> -> memref<1x1x120xi32, #tpu.memory_space<vmem>>
        %dma_start3A_452 = tpu.memref_squeeze %dma_start3A_451 : memref<1x1x120xi32, #tpu.memory_space<vmem>> -> memref<1x120xi32, #tpu.memory_space<vmem>>
        %dma_start3A_453 = arith.constant 0 : i32
        %dma_start3A_454 = arith.constant 0 : i32
        %dma_start3A_455 = tpu.memref_slice %arg3[%add3A_447, %dma_start3A_453, %dma_start3A_454] : memref<2688x1x120xi32, #tpu.memory_space<hbm>> -> memref<1x1x120xi32, #tpu.memory_space<hbm>>
        %dma_start3A_456 = tpu.memref_squeeze %dma_start3A_455 : memref<1x1x120xi32, #tpu.memory_space<hbm>> -> memref<1x120xi32, #tpu.memory_space<hbm>>
        %dma_start3A_457 = arith.constant 0 : i32
        %dma_start3A_458 = arith.constant 0 : i32
        %dma_start3A_459 = tpu.memref_slice %arg9[%dma_start3A_448, %dma_start3A_457, %dma_start3A_458] : memref<3x1x120xi32, #tpu.memory_space<vmem>> -> memref<1x1x120xi32, #tpu.memory_space<vmem>>
        %dma_start3A_460 = tpu.memref_squeeze %dma_start3A_459 : memref<1x1x120xi32, #tpu.memory_space<vmem>> -> memref<1x120xi32, #tpu.memory_space<vmem>>
        %dma_start3A_461 = arith.constant 0 : i32
        %dma_start3A_462 = arith.constant 0 : i32
        %dma_start3A_463 = tpu.memref_slice %arg3[%add3A_447, %dma_start3A_461, %dma_start3A_462] : memref<2688x1x120xi32, #tpu.memory_space<hbm>> -> memref<1x1x120xi32, #tpu.memory_space<hbm>>
        %dma_start3A_464 = tpu.memref_squeeze %dma_start3A_463 : memref<1x1x120xi32, #tpu.memory_space<hbm>> -> memref<1x120xi32, #tpu.memory_space<hbm>>
        tpu.enqueue_dma source(%dma_start3A_464 : memref<1x120xi32, #tpu.memory_space<hbm>>) target(%dma_start3A_460 : memref<1x120xi32, #tpu.memory_space<vmem>>) target_semaphore(%arg18 : memref<!tpu.dma_semaphore, #tpu.memory_space<semaphore_mem>>)
        %add3A_465 = arith.addi %mul3A_2, %add3A_178 : i32
        %add3A_466 = arith.constant 3 : i32
        %add3A_467 = arith.addi %add3A_465, %add3A_466 : i32
        %dma_start3A_468 = arith.constant 4 : i32
        %dma_start3A_469 = arith.constant 0 : i32
        %dma_start3A_470 = arith.constant 0 : i32
        %dma_start3A_471 = tpu.memref_slice %arg10[%dma_start3A_468, %dma_start3A_469, %dma_start3A_470] : memref<6x1x120xi32, #tpu.memory_space<vmem>> -> memref<1x1x120xi32, #tpu.memory_space<vmem>>
        %dma_start3A_472 = tpu.memref_squeeze %dma_start3A_471 : memref<1x1x120xi32, #tpu.memory_space<vmem>> -> memref<1x120xi32, #tpu.memory_space<vmem>>
        %dma_start3A_473 = arith.constant 0 : i32
        %dma_start3A_474 = arith.constant 0 : i32
        %dma_start3A_475 = tpu.memref_slice %arg4[%add3A_467, %dma_start3A_473, %dma_start3A_474] : memref<2688x1x120xi32, #tpu.memory_space<hbm>> -> memref<1x1x120xi32, #tpu.memory_space<hbm>>
        %dma_start3A_476 = tpu.memref_squeeze %dma_start3A_475 : memref<1x1x120xi32, #tpu.memory_space<hbm>> -> memref<1x120xi32, #tpu.memory_space<hbm>>
        %dma_start3A_477 = arith.constant 0 : i32
        %dma_start3A_478 = arith.constant 0 : i32
        %dma_start3A_479 = tpu.memref_slice %arg10[%dma_start3A_468, %dma_start3A_477, %dma_start3A_478] : memref<6x1x120xi32, #tpu.memory_space<vmem>> -> memref<1x1x120xi32, #tpu.memory_space<vmem>>
        %dma_start3A_480 = tpu.memref_squeeze %dma_start3A_479 : memref<1x1x120xi32, #tpu.memory_space<vmem>> -> memref<1x120xi32, #tpu.memory_space<vmem>>
        %dma_start3A_481 = arith.constant 0 : i32
        %dma_start3A_482 = arith.constant 0 : i32
        %dma_start3A_483 = tpu.memref_slice %arg4[%add3A_467, %dma_start3A_481, %dma_start3A_482] : memref<2688x1x120xi32, #tpu.memory_space<hbm>> -> memref<1x1x120xi32, #tpu.memory_space<hbm>>
        %dma_start3A_484 = tpu.memref_squeeze %dma_start3A_483 : memref<1x1x120xi32, #tpu.memory_space<hbm>> -> memref<1x120xi32, #tpu.memory_space<hbm>>
        tpu.enqueue_dma source(%dma_start3A_484 : memref<1x120xi32, #tpu.memory_space<hbm>>) target(%dma_start3A_480 : memref<1x120xi32, #tpu.memory_space<vmem>>) target_semaphore(%arg24 : memref<!tpu.dma_semaphore, #tpu.memory_space<semaphore_mem>>)
      } else {
      }
      %mul3A_229 = arith.constant 6 : i32
      %mul3A_230 = arith.muli %mul3A_229, %scan3A_125 : i32
      %add3A_231 = arith.constant 2 : i32
      %add3A_232 = arith.addi %mul3A_230, %add3A_231 : i32
      %dma_wait3A_233 = arith.constant 2 : i32
      %dma_wait3A_234 = arith.constant 0 : i32
      %dma_wait3A_235 = arith.constant 2 : i32
      %dma_wait3A_236 = arith.constant 0 : i32
      %dma_wait3A_237 = arith.constant 0 : i32
      %dma_wait3A_238 = tpu.memref_slice %arg8[%dma_wait3A_235, %dma_wait3A_236, %dma_wait3A_237] : memref<3x120x128xf32, #tpu.memory_space<vmem>> -> memref<1x120x128xf32, #tpu.memory_space<vmem>>
      %dma_wait3A_239 = tpu.memref_squeeze %dma_wait3A_238 : memref<1x120x128xf32, #tpu.memory_space<vmem>> -> memref<120x128xf32, #tpu.memory_space<vmem>>
      %dma_wait3A_240 = arith.constant 0 : i32
      %dma_wait3A_241 = tpu.memref_slice %arg9[%dma_wait3A_233, %dma_wait3A_234, %dma_wait3A_240] : memref<3x1x120xi32, #tpu.memory_space<vmem>> -> memref<1x1x120xi32, #tpu.memory_space<vmem>>
      %dma_wait3A_242 = tpu.memref_squeeze %dma_wait3A_241 : memref<1x1x120xi32, #tpu.memory_space<vmem>> -> memref<120xi32, #tpu.memory_space<vmem>>
      %dma_wait3A_243 = arith.constant 0 : i32
      %dma_wait3A_244 = arith.constant 0 : i32
      %dma_wait3A_245 = tpu.memref_slice %arg2[%dma_wait3A_243, %dma_wait3A_244] : memref<20480x128xf32, #tpu.memory_space<hbm>> -> memref<20480x128xf32, #tpu.memory_space<hbm>>
      tpu.wait_indirect_dma semaphore(%arg13 : memref<!tpu.dma_semaphore, #tpu.memory_space<semaphore_mem>>) src(%dma_wait3A_245 : memref<20480x128xf32, #tpu.memory_space<hbm>>) dst(%dma_wait3A_239 : memref<120x128xf32, #tpu.memory_space<vmem>>)
      %dma_start3A_246 = arith.constant 2 : i32
      %dma_start3A_247 = arith.constant 2 : i32
      %dma_start3A_248 = arith.constant 0 : i32
      %dma_start3A_249 = arith.constant 0 : i32
      %dma_start3A_250 = arith.constant 0 : i32
      %dma_start3A_251 = tpu.memref_slice %arg8[%dma_start3A_246, %dma_start3A_249, %dma_start3A_250] : memref<3x120x128xf32, #tpu.memory_space<vmem>> -> memref<1x120x128xf32, #tpu.memory_space<vmem>>
      %dma_start3A_252 = tpu.memref_squeeze %dma_start3A_251 : memref<1x120x128xf32, #tpu.memory_space<vmem>> -> memref<120x128xf32, #tpu.memory_space<vmem>>
      %dma_start3A_253 = arith.constant 0 : i32
      %dma_start3A_254 = tpu.memref_slice %arg10[%dma_start3A_247, %dma_start3A_248, %dma_start3A_253] : memref<6x1x120xi32, #tpu.memory_space<vmem>> -> memref<1x1x120xi32, #tpu.memory_space<vmem>>
      %dma_start3A_255 = tpu.memref_squeeze %dma_start3A_254 : memref<1x1x120xi32, #tpu.memory_space<vmem>> -> memref<120xi32, #tpu.memory_space<vmem>>
      %dma_start3A_256 = arith.constant 0 : i32
      %dma_start3A_257 = arith.constant 0 : i32
      %dma_start3A_258 = tpu.memref_slice %arg7[%dma_start3A_256, %dma_start3A_257] : memref<10240x128xf32, #tpu.memory_space<vmem_shared>> -> memref<10240x128xf32, #tpu.memory_space<vmem_shared>>
      tpu.enqueue_indirect_dma source(%dma_start3A_252 : memref<120x128xf32, #tpu.memory_space<vmem>>) target(%dma_start3A_258 : memref<10240x128xf32, #tpu.memory_space<vmem_shared>>) offsets(%dma_start3A_255 : memref<120xi32, #tpu.memory_space<vmem>>) semaphore(%arg16 : memref<!tpu.dma_semaphore, #tpu.memory_space<semaphore_mem>>) {add = true}
      %ge3A_259 = arith.constant 1 : i32
      %ge3A_260 = arith.cmpi sge, %add3A_232, %ge3A_259 : i32
      %add3A_261 = arith.constant 2 : i32
      %add3A_262 = arith.addi %add3A_232, %add3A_261 : i32
      %le3A_263 = arith.constant 83 : i32
      %le3A_264 = arith.cmpi sle, %add3A_262, %le3A_263 : i32
      %and3A_265 = arith.andi %ge3A_260, %le3A_264 : i1
      %convert_element_type3A_266 = arith.extui %and3A_265 : i1 to i32
      %cond3A_267 = arith.constant 0 : i32
      %cond3A_268 = arith.cmpi ne, %convert_element_type3A_266, %cond3A_267 : i32
      scf.if %cond3A_268 {
        %dma_wait3A_445 = arith.constant 1 : i32
        %dma_wait3A_446 = arith.constant 1 : i32
        %dma_wait3A_447 = arith.constant 0 : i32
        %dma_wait3A_448 = arith.constant 0 : i32
        %dma_wait3A_449 = arith.constant 0 : i32
        %dma_wait3A_450 = tpu.memref_slice %arg8[%dma_wait3A_445, %dma_wait3A_448, %dma_wait3A_449] : memref<3x120x128xf32, #tpu.memory_space<vmem>> -> memref<1x120x128xf32, #tpu.memory_space<vmem>>
        %dma_wait3A_451 = tpu.memref_squeeze %dma_wait3A_450 : memref<1x120x128xf32, #tpu.memory_space<vmem>> -> memref<120x128xf32, #tpu.memory_space<vmem>>
        %dma_wait3A_452 = arith.constant 0 : i32
        %dma_wait3A_453 = tpu.memref_slice %arg10[%dma_wait3A_446, %dma_wait3A_447, %dma_wait3A_452] : memref<6x1x120xi32, #tpu.memory_space<vmem>> -> memref<1x1x120xi32, #tpu.memory_space<vmem>>
        %dma_wait3A_454 = tpu.memref_squeeze %dma_wait3A_453 : memref<1x1x120xi32, #tpu.memory_space<vmem>> -> memref<120xi32, #tpu.memory_space<vmem>>
        %dma_wait3A_455 = arith.constant 0 : i32
        %dma_wait3A_456 = arith.constant 0 : i32
        %dma_wait3A_457 = tpu.memref_slice %arg7[%dma_wait3A_455, %dma_wait3A_456] : memref<10240x128xf32, #tpu.memory_space<vmem_shared>> -> memref<10240x128xf32, #tpu.memory_space<vmem_shared>>
        tpu.wait_indirect_dma semaphore(%arg15 : memref<!tpu.dma_semaphore, #tpu.memory_space<semaphore_mem>>) src(%dma_wait3A_451 : memref<120x128xf32, #tpu.memory_space<vmem>>) dst(%dma_wait3A_457 : memref<10240x128xf32, #tpu.memory_space<vmem_shared>>)
      } else {
      }
      %add3A_269 = arith.constant 2 : i32
      %add3A_270 = arith.addi %add3A_232, %add3A_269 : i32
      %le3A_271 = arith.constant 83 : i32
      %le3A_272 = arith.cmpi sle, %add3A_270, %le3A_271 : i32
      %convert_element_type3A_273 = arith.extui %le3A_272 : i1 to i32
      %cond3A_274 = arith.constant 0 : i32
      %cond3A_275 = arith.cmpi ne, %convert_element_type3A_273, %cond3A_274 : i32
      scf.if %cond3A_275 {
        %dma_wait3A_445 = arith.constant 1 : i32
        %dma_wait3A_446 = arith.constant 0 : i32
        %dma_wait3A_447 = arith.constant 0 : i32
        %dma_wait3A_448 = tpu.memref_slice %arg9[%dma_wait3A_445, %dma_wait3A_446, %dma_wait3A_447] : memref<3x1x120xi32, #tpu.memory_space<vmem>> -> memref<1x1x120xi32, #tpu.memory_space<vmem>>
        %dma_wait3A_449 = tpu.memref_squeeze %dma_wait3A_448 : memref<1x1x120xi32, #tpu.memory_space<vmem>> -> memref<1x120xi32, #tpu.memory_space<vmem>>
        %dma_wait3A_450 = arith.constant 0 : i32
        %dma_wait3A_451 = arith.constant 0 : i32
        %dma_wait3A_452 = tpu.memref_slice %arg3[%mul3A_2, %dma_wait3A_450, %dma_wait3A_451] : memref<2688x1x120xi32, #tpu.memory_space<hbm>> -> memref<1x1x120xi32, #tpu.memory_space<hbm>>
        %dma_wait3A_453 = tpu.memref_squeeze %dma_wait3A_452 : memref<1x1x120xi32, #tpu.memory_space<hbm>> -> memref<1x120xi32, #tpu.memory_space<hbm>>
        %dma_wait3A_454 = arith.constant 0 : i32
        %dma_wait3A_455 = arith.constant 0 : i32
        %dma_wait3A_456 = tpu.memref_slice %arg9[%dma_wait3A_445, %dma_wait3A_454, %dma_wait3A_455] : memref<3x1x120xi32, #tpu.memory_space<vmem>> -> memref<1x1x120xi32, #tpu.memory_space<vmem>>
        %dma_wait3A_457 = tpu.memref_squeeze %dma_wait3A_456 : memref<1x1x120xi32, #tpu.memory_space<vmem>> -> memref<1x120xi32, #tpu.memory_space<vmem>>
        %dma_wait3A_458 = arith.constant 0 : i32
        %dma_wait3A_459 = arith.constant 0 : i32
        %dma_wait3A_460 = tpu.memref_slice %arg3[%mul3A_2, %dma_wait3A_458, %dma_wait3A_459] : memref<2688x1x120xi32, #tpu.memory_space<hbm>> -> memref<1x1x120xi32, #tpu.memory_space<hbm>>
        %dma_wait3A_461 = tpu.memref_squeeze %dma_wait3A_460 : memref<1x1x120xi32, #tpu.memory_space<hbm>> -> memref<1x120xi32, #tpu.memory_space<hbm>>
        tpu.wait_dma2 semaphore(%arg18 : memref<!tpu.dma_semaphore, #tpu.memory_space<semaphore_mem>>) src(%dma_wait3A_461 : memref<1x120xi32, #tpu.memory_space<hbm>>) dst(%dma_wait3A_457 : memref<1x120xi32, #tpu.memory_space<vmem>>)
        %dma_wait3A_462 = arith.constant 4 : i32
        %dma_wait3A_463 = arith.constant 0 : i32
        %dma_wait3A_464 = arith.constant 0 : i32
        %dma_wait3A_465 = tpu.memref_slice %arg10[%dma_wait3A_462, %dma_wait3A_463, %dma_wait3A_464] : memref<6x1x120xi32, #tpu.memory_space<vmem>> -> memref<1x1x120xi32, #tpu.memory_space<vmem>>
        %dma_wait3A_466 = tpu.memref_squeeze %dma_wait3A_465 : memref<1x1x120xi32, #tpu.memory_space<vmem>> -> memref<1x120xi32, #tpu.memory_space<vmem>>
        %dma_wait3A_467 = arith.constant 0 : i32
        %dma_wait3A_468 = arith.constant 0 : i32
        %dma_wait3A_469 = tpu.memref_slice %arg4[%mul3A_2, %dma_wait3A_467, %dma_wait3A_468] : memref<2688x1x120xi32, #tpu.memory_space<hbm>> -> memref<1x1x120xi32, #tpu.memory_space<hbm>>
        %dma_wait3A_470 = tpu.memref_squeeze %dma_wait3A_469 : memref<1x1x120xi32, #tpu.memory_space<hbm>> -> memref<1x120xi32, #tpu.memory_space<hbm>>
        %dma_wait3A_471 = arith.constant 0 : i32
        %dma_wait3A_472 = arith.constant 0 : i32
        %dma_wait3A_473 = tpu.memref_slice %arg10[%dma_wait3A_462, %dma_wait3A_471, %dma_wait3A_472] : memref<6x1x120xi32, #tpu.memory_space<vmem>> -> memref<1x1x120xi32, #tpu.memory_space<vmem>>
        %dma_wait3A_474 = tpu.memref_squeeze %dma_wait3A_473 : memref<1x1x120xi32, #tpu.memory_space<vmem>> -> memref<1x120xi32, #tpu.memory_space<vmem>>
        %dma_wait3A_475 = arith.constant 0 : i32
        %dma_wait3A_476 = arith.constant 0 : i32
        %dma_wait3A_477 = tpu.memref_slice %arg4[%mul3A_2, %dma_wait3A_475, %dma_wait3A_476] : memref<2688x1x120xi32, #tpu.memory_space<hbm>> -> memref<1x1x120xi32, #tpu.memory_space<hbm>>
        %dma_wait3A_478 = tpu.memref_squeeze %dma_wait3A_477 : memref<1x1x120xi32, #tpu.memory_space<hbm>> -> memref<1x120xi32, #tpu.memory_space<hbm>>
        tpu.wait_dma2 semaphore(%arg24 : memref<!tpu.dma_semaphore, #tpu.memory_space<semaphore_mem>>) src(%dma_wait3A_478 : memref<1x120xi32, #tpu.memory_space<hbm>>) dst(%dma_wait3A_474 : memref<1x120xi32, #tpu.memory_space<vmem>>)
        %dma_start3A_479 = arith.constant 1 : i32
        %dma_start3A_480 = arith.constant 0 : i32
        %dma_start3A_481 = arith.constant 1 : i32
        %dma_start3A_482 = arith.constant 0 : i32
        %dma_start3A_483 = arith.constant 0 : i32
        %dma_start3A_484 = tpu.memref_slice %arg8[%dma_start3A_481, %dma_start3A_482, %dma_start3A_483] : memref<3x120x128xf32, #tpu.memory_space<vmem>> -> memref<1x120x128xf32, #tpu.memory_space<vmem>>
        %dma_start3A_485 = tpu.memref_squeeze %dma_start3A_484 : memref<1x120x128xf32, #tpu.memory_space<vmem>> -> memref<120x128xf32, #tpu.memory_space<vmem>>
        %dma_start3A_486 = arith.constant 0 : i32
        %dma_start3A_487 = tpu.memref_slice %arg9[%dma_start3A_479, %dma_start3A_480, %dma_start3A_486] : memref<3x1x120xi32, #tpu.memory_space<vmem>> -> memref<1x1x120xi32, #tpu.memory_space<vmem>>
        %dma_start3A_488 = tpu.memref_squeeze %dma_start3A_487 : memref<1x1x120xi32, #tpu.memory_space<vmem>> -> memref<120xi32, #tpu.memory_space<vmem>>
        %dma_start3A_489 = arith.constant 0 : i32
        %dma_start3A_490 = arith.constant 0 : i32
        %dma_start3A_491 = tpu.memref_slice %arg2[%dma_start3A_489, %dma_start3A_490] : memref<20480x128xf32, #tpu.memory_space<hbm>> -> memref<20480x128xf32, #tpu.memory_space<hbm>>
        tpu.enqueue_indirect_dma source(%dma_start3A_491 : memref<20480x128xf32, #tpu.memory_space<hbm>>) target(%dma_start3A_485 : memref<120x128xf32, #tpu.memory_space<vmem>>) offsets(%dma_start3A_488 : memref<120xi32, #tpu.memory_space<vmem>>) semaphore(%arg12 : memref<!tpu.dma_semaphore, #tpu.memory_space<semaphore_mem>>)
      } else {
      }
      %add3A_276 = arith.constant 3 : i32
      %add3A_277 = arith.addi %add3A_232, %add3A_276 : i32
      %le3A_278 = arith.constant 83 : i32
      %le3A_279 = arith.cmpi sle, %add3A_277, %le3A_278 : i32
      %convert_element_type3A_280 = arith.extui %le3A_279 : i1 to i32
      %cond3A_281 = arith.constant 0 : i32
      %cond3A_282 = arith.cmpi ne, %convert_element_type3A_280, %cond3A_281 : i32
      scf.if %cond3A_282 {
        %add3A_445 = arith.addi %mul3A_2, %add3A_232 : i32
        %add3A_446 = arith.constant 3 : i32
        %add3A_447 = arith.addi %add3A_445, %add3A_446 : i32
        %dma_start3A_448 = arith.constant 2 : i32
        %dma_start3A_449 = arith.constant 0 : i32
        %dma_start3A_450 = arith.constant 0 : i32
        %dma_start3A_451 = tpu.memref_slice %arg9[%dma_start3A_448, %dma_start3A_449, %dma_start3A_450] : memref<3x1x120xi32, #tpu.memory_space<vmem>> -> memref<1x1x120xi32, #tpu.memory_space<vmem>>
        %dma_start3A_452 = tpu.memref_squeeze %dma_start3A_451 : memref<1x1x120xi32, #tpu.memory_space<vmem>> -> memref<1x120xi32, #tpu.memory_space<vmem>>
        %dma_start3A_453 = arith.constant 0 : i32
        %dma_start3A_454 = arith.constant 0 : i32
        %dma_start3A_455 = tpu.memref_slice %arg3[%add3A_447, %dma_start3A_453, %dma_start3A_454] : memref<2688x1x120xi32, #tpu.memory_space<hbm>> -> memref<1x1x120xi32, #tpu.memory_space<hbm>>
        %dma_start3A_456 = tpu.memref_squeeze %dma_start3A_455 : memref<1x1x120xi32, #tpu.memory_space<hbm>> -> memref<1x120xi32, #tpu.memory_space<hbm>>
        %dma_start3A_457 = arith.constant 0 : i32
        %dma_start3A_458 = arith.constant 0 : i32
        %dma_start3A_459 = tpu.memref_slice %arg9[%dma_start3A_448, %dma_start3A_457, %dma_start3A_458] : memref<3x1x120xi32, #tpu.memory_space<vmem>> -> memref<1x1x120xi32, #tpu.memory_space<vmem>>
        %dma_start3A_460 = tpu.memref_squeeze %dma_start3A_459 : memref<1x1x120xi32, #tpu.memory_space<vmem>> -> memref<1x120xi32, #tpu.memory_space<vmem>>
        %dma_start3A_461 = arith.constant 0 : i32
        %dma_start3A_462 = arith.constant 0 : i32
        %dma_start3A_463 = tpu.memref_slice %arg3[%add3A_447, %dma_start3A_461, %dma_start3A_462] : memref<2688x1x120xi32, #tpu.memory_space<hbm>> -> memref<1x1x120xi32, #tpu.memory_space<hbm>>
        %dma_start3A_464 = tpu.memref_squeeze %dma_start3A_463 : memref<1x1x120xi32, #tpu.memory_space<hbm>> -> memref<1x120xi32, #tpu.memory_space<hbm>>
        tpu.enqueue_dma source(%dma_start3A_464 : memref<1x120xi32, #tpu.memory_space<hbm>>) target(%dma_start3A_460 : memref<1x120xi32, #tpu.memory_space<vmem>>) target_semaphore(%arg19 : memref<!tpu.dma_semaphore, #tpu.memory_space<semaphore_mem>>)
        %add3A_465 = arith.addi %mul3A_2, %add3A_232 : i32
        %add3A_466 = arith.constant 3 : i32
        %add3A_467 = arith.addi %add3A_465, %add3A_466 : i32
        %dma_start3A_468 = arith.constant 5 : i32
        %dma_start3A_469 = arith.constant 0 : i32
        %dma_start3A_470 = arith.constant 0 : i32
        %dma_start3A_471 = tpu.memref_slice %arg10[%dma_start3A_468, %dma_start3A_469, %dma_start3A_470] : memref<6x1x120xi32, #tpu.memory_space<vmem>> -> memref<1x1x120xi32, #tpu.memory_space<vmem>>
        %dma_start3A_472 = tpu.memref_squeeze %dma_start3A_471 : memref<1x1x120xi32, #tpu.memory_space<vmem>> -> memref<1x120xi32, #tpu.memory_space<vmem>>
        %dma_start3A_473 = arith.constant 0 : i32
        %dma_start3A_474 = arith.constant 0 : i32
        %dma_start3A_475 = tpu.memref_slice %arg4[%add3A_467, %dma_start3A_473, %dma_start3A_474] : memref<2688x1x120xi32, #tpu.memory_space<hbm>> -> memref<1x1x120xi32, #tpu.memory_space<hbm>>
        %dma_start3A_476 = tpu.memref_squeeze %dma_start3A_475 : memref<1x1x120xi32, #tpu.memory_space<hbm>> -> memref<1x120xi32, #tpu.memory_space<hbm>>
        %dma_start3A_477 = arith.constant 0 : i32
        %dma_start3A_478 = arith.constant 0 : i32
        %dma_start3A_479 = tpu.memref_slice %arg10[%dma_start3A_468, %dma_start3A_477, %dma_start3A_478] : memref<6x1x120xi32, #tpu.memory_space<vmem>> -> memref<1x1x120xi32, #tpu.memory_space<vmem>>
        %dma_start3A_480 = tpu.memref_squeeze %dma_start3A_479 : memref<1x1x120xi32, #tpu.memory_space<vmem>> -> memref<1x120xi32, #tpu.memory_space<vmem>>
        %dma_start3A_481 = arith.constant 0 : i32
        %dma_start3A_482 = arith.constant 0 : i32
        %dma_start3A_483 = tpu.memref_slice %arg4[%add3A_467, %dma_start3A_481, %dma_start3A_482] : memref<2688x1x120xi32, #tpu.memory_space<hbm>> -> memref<1x1x120xi32, #tpu.memory_space<hbm>>
        %dma_start3A_484 = tpu.memref_squeeze %dma_start3A_483 : memref<1x1x120xi32, #tpu.memory_space<hbm>> -> memref<1x120xi32, #tpu.memory_space<hbm>>
        tpu.enqueue_dma source(%dma_start3A_484 : memref<1x120xi32, #tpu.memory_space<hbm>>) target(%dma_start3A_480 : memref<1x120xi32, #tpu.memory_space<vmem>>) target_semaphore(%arg25 : memref<!tpu.dma_semaphore, #tpu.memory_space<semaphore_mem>>)
      } else {
      }
      %mul3A_283 = arith.constant 6 : i32
      %mul3A_284 = arith.muli %mul3A_283, %scan3A_125 : i32
      %add3A_285 = arith.constant 3 : i32
      %add3A_286 = arith.addi %mul3A_284, %add3A_285 : i32
      %dma_wait3A_287 = arith.constant 0 : i32
      %dma_wait3A_288 = arith.constant 0 : i32
      %dma_wait3A_289 = arith.constant 0 : i32
      %dma_wait3A_290 = arith.constant 0 : i32
      %dma_wait3A_291 = arith.constant 0 : i32
      %dma_wait3A_292 = tpu.memref_slice %arg8[%dma_wait3A_289, %dma_wait3A_290, %dma_wait3A_291] : memref<3x120x128xf32, #tpu.memory_space<vmem>> -> memref<1x120x128xf32, #tpu.memory_space<vmem>>
      %dma_wait3A_293 = tpu.memref_squeeze %dma_wait3A_292 : memref<1x120x128xf32, #tpu.memory_space<vmem>> -> memref<120x128xf32, #tpu.memory_space<vmem>>
      %dma_wait3A_294 = arith.constant 0 : i32
      %dma_wait3A_295 = tpu.memref_slice %arg9[%dma_wait3A_287, %dma_wait3A_288, %dma_wait3A_294] : memref<3x1x120xi32, #tpu.memory_space<vmem>> -> memref<1x1x120xi32, #tpu.memory_space<vmem>>
      %dma_wait3A_296 = tpu.memref_squeeze %dma_wait3A_295 : memref<1x1x120xi32, #tpu.memory_space<vmem>> -> memref<120xi32, #tpu.memory_space<vmem>>
      %dma_wait3A_297 = arith.constant 0 : i32
      %dma_wait3A_298 = arith.constant 0 : i32
      %dma_wait3A_299 = tpu.memref_slice %arg2[%dma_wait3A_297, %dma_wait3A_298] : memref<20480x128xf32, #tpu.memory_space<hbm>> -> memref<20480x128xf32, #tpu.memory_space<hbm>>
      tpu.wait_indirect_dma semaphore(%arg11 : memref<!tpu.dma_semaphore, #tpu.memory_space<semaphore_mem>>) src(%dma_wait3A_299 : memref<20480x128xf32, #tpu.memory_space<hbm>>) dst(%dma_wait3A_293 : memref<120x128xf32, #tpu.memory_space<vmem>>)
      %dma_start3A_300 = arith.constant 0 : i32
      %dma_start3A_301 = arith.constant 3 : i32
      %dma_start3A_302 = arith.constant 0 : i32
      %dma_start3A_303 = arith.constant 0 : i32
      %dma_start3A_304 = arith.constant 0 : i32
      %dma_start3A_305 = tpu.memref_slice %arg8[%dma_start3A_300, %dma_start3A_303, %dma_start3A_304] : memref<3x120x128xf32, #tpu.memory_space<vmem>> -> memref<1x120x128xf32, #tpu.memory_space<vmem>>
      %dma_start3A_306 = tpu.memref_squeeze %dma_start3A_305 : memref<1x120x128xf32, #tpu.memory_space<vmem>> -> memref<120x128xf32, #tpu.memory_space<vmem>>
      %dma_start3A_307 = arith.constant 0 : i32
      %dma_start3A_308 = tpu.memref_slice %arg10[%dma_start3A_301, %dma_start3A_302, %dma_start3A_307] : memref<6x1x120xi32, #tpu.memory_space<vmem>> -> memref<1x1x120xi32, #tpu.memory_space<vmem>>
      %dma_start3A_309 = tpu.memref_squeeze %dma_start3A_308 : memref<1x1x120xi32, #tpu.memory_space<vmem>> -> memref<120xi32, #tpu.memory_space<vmem>>
      %dma_start3A_310 = arith.constant 0 : i32
      %dma_start3A_311 = arith.constant 0 : i32
      %dma_start3A_312 = tpu.memref_slice %arg7[%dma_start3A_310, %dma_start3A_311] : memref<10240x128xf32, #tpu.memory_space<vmem_shared>> -> memref<10240x128xf32, #tpu.memory_space<vmem_shared>>
      tpu.enqueue_indirect_dma source(%dma_start3A_306 : memref<120x128xf32, #tpu.memory_space<vmem>>) target(%dma_start3A_312 : memref<10240x128xf32, #tpu.memory_space<vmem_shared>>) offsets(%dma_start3A_309 : memref<120xi32, #tpu.memory_space<vmem>>) semaphore(%arg14 : memref<!tpu.dma_semaphore, #tpu.memory_space<semaphore_mem>>) {add = true}
      %ge3A_313 = arith.constant 1 : i32
      %ge3A_314 = arith.cmpi sge, %add3A_286, %ge3A_313 : i32
      %add3A_315 = arith.constant 2 : i32
      %add3A_316 = arith.addi %add3A_286, %add3A_315 : i32
      %le3A_317 = arith.constant 83 : i32
      %le3A_318 = arith.cmpi sle, %add3A_316, %le3A_317 : i32
      %and3A_319 = arith.andi %ge3A_314, %le3A_318 : i1
      %convert_element_type3A_320 = arith.extui %and3A_319 : i1 to i32
      %cond3A_321 = arith.constant 0 : i32
      %cond3A_322 = arith.cmpi ne, %convert_element_type3A_320, %cond3A_321 : i32
      scf.if %cond3A_322 {
        %dma_wait3A_445 = arith.constant 2 : i32
        %dma_wait3A_446 = arith.constant 2 : i32
        %dma_wait3A_447 = arith.constant 0 : i32
        %dma_wait3A_448 = arith.constant 0 : i32
        %dma_wait3A_449 = arith.constant 0 : i32
        %dma_wait3A_450 = tpu.memref_slice %arg8[%dma_wait3A_445, %dma_wait3A_448, %dma_wait3A_449] : memref<3x120x128xf32, #tpu.memory_space<vmem>> -> memref<1x120x128xf32, #tpu.memory_space<vmem>>
        %dma_wait3A_451 = tpu.memref_squeeze %dma_wait3A_450 : memref<1x120x128xf32, #tpu.memory_space<vmem>> -> memref<120x128xf32, #tpu.memory_space<vmem>>
        %dma_wait3A_452 = arith.constant 0 : i32
        %dma_wait3A_453 = tpu.memref_slice %arg10[%dma_wait3A_446, %dma_wait3A_447, %dma_wait3A_452] : memref<6x1x120xi32, #tpu.memory_space<vmem>> -> memref<1x1x120xi32, #tpu.memory_space<vmem>>
        %dma_wait3A_454 = tpu.memref_squeeze %dma_wait3A_453 : memref<1x1x120xi32, #tpu.memory_space<vmem>> -> memref<120xi32, #tpu.memory_space<vmem>>
        %dma_wait3A_455 = arith.constant 0 : i32
        %dma_wait3A_456 = arith.constant 0 : i32
        %dma_wait3A_457 = tpu.memref_slice %arg7[%dma_wait3A_455, %dma_wait3A_456] : memref<10240x128xf32, #tpu.memory_space<vmem_shared>> -> memref<10240x128xf32, #tpu.memory_space<vmem_shared>>
        tpu.wait_indirect_dma semaphore(%arg16 : memref<!tpu.dma_semaphore, #tpu.memory_space<semaphore_mem>>) src(%dma_wait3A_451 : memref<120x128xf32, #tpu.memory_space<vmem>>) dst(%dma_wait3A_457 : memref<10240x128xf32, #tpu.memory_space<vmem_shared>>)
      } else {
      }
      %add3A_323 = arith.constant 2 : i32
      %add3A_324 = arith.addi %add3A_286, %add3A_323 : i32
      %le3A_325 = arith.constant 83 : i32
      %le3A_326 = arith.cmpi sle, %add3A_324, %le3A_325 : i32
      %convert_element_type3A_327 = arith.extui %le3A_326 : i1 to i32
      %cond3A_328 = arith.constant 0 : i32
      %cond3A_329 = arith.cmpi ne, %convert_element_type3A_327, %cond3A_328 : i32
      scf.if %cond3A_329 {
        %dma_wait3A_445 = arith.constant 2 : i32
        %dma_wait3A_446 = arith.constant 0 : i32
        %dma_wait3A_447 = arith.constant 0 : i32
        %dma_wait3A_448 = tpu.memref_slice %arg9[%dma_wait3A_445, %dma_wait3A_446, %dma_wait3A_447] : memref<3x1x120xi32, #tpu.memory_space<vmem>> -> memref<1x1x120xi32, #tpu.memory_space<vmem>>
        %dma_wait3A_449 = tpu.memref_squeeze %dma_wait3A_448 : memref<1x1x120xi32, #tpu.memory_space<vmem>> -> memref<1x120xi32, #tpu.memory_space<vmem>>
        %dma_wait3A_450 = arith.constant 0 : i32
        %dma_wait3A_451 = arith.constant 0 : i32
        %dma_wait3A_452 = tpu.memref_slice %arg3[%mul3A_2, %dma_wait3A_450, %dma_wait3A_451] : memref<2688x1x120xi32, #tpu.memory_space<hbm>> -> memref<1x1x120xi32, #tpu.memory_space<hbm>>
        %dma_wait3A_453 = tpu.memref_squeeze %dma_wait3A_452 : memref<1x1x120xi32, #tpu.memory_space<hbm>> -> memref<1x120xi32, #tpu.memory_space<hbm>>
        %dma_wait3A_454 = arith.constant 0 : i32
        %dma_wait3A_455 = arith.constant 0 : i32
        %dma_wait3A_456 = tpu.memref_slice %arg9[%dma_wait3A_445, %dma_wait3A_454, %dma_wait3A_455] : memref<3x1x120xi32, #tpu.memory_space<vmem>> -> memref<1x1x120xi32, #tpu.memory_space<vmem>>
        %dma_wait3A_457 = tpu.memref_squeeze %dma_wait3A_456 : memref<1x1x120xi32, #tpu.memory_space<vmem>> -> memref<1x120xi32, #tpu.memory_space<vmem>>
        %dma_wait3A_458 = arith.constant 0 : i32
        %dma_wait3A_459 = arith.constant 0 : i32
        %dma_wait3A_460 = tpu.memref_slice %arg3[%mul3A_2, %dma_wait3A_458, %dma_wait3A_459] : memref<2688x1x120xi32, #tpu.memory_space<hbm>> -> memref<1x1x120xi32, #tpu.memory_space<hbm>>
        %dma_wait3A_461 = tpu.memref_squeeze %dma_wait3A_460 : memref<1x1x120xi32, #tpu.memory_space<hbm>> -> memref<1x120xi32, #tpu.memory_space<hbm>>
        tpu.wait_dma2 semaphore(%arg19 : memref<!tpu.dma_semaphore, #tpu.memory_space<semaphore_mem>>) src(%dma_wait3A_461 : memref<1x120xi32, #tpu.memory_space<hbm>>) dst(%dma_wait3A_457 : memref<1x120xi32, #tpu.memory_space<vmem>>)
        %dma_wait3A_462 = arith.constant 5 : i32
        %dma_wait3A_463 = arith.constant 0 : i32
        %dma_wait3A_464 = arith.constant 0 : i32
        %dma_wait3A_465 = tpu.memref_slice %arg10[%dma_wait3A_462, %dma_wait3A_463, %dma_wait3A_464] : memref<6x1x120xi32, #tpu.memory_space<vmem>> -> memref<1x1x120xi32, #tpu.memory_space<vmem>>
        %dma_wait3A_466 = tpu.memref_squeeze %dma_wait3A_465 : memref<1x1x120xi32, #tpu.memory_space<vmem>> -> memref<1x120xi32, #tpu.memory_space<vmem>>
        %dma_wait3A_467 = arith.constant 0 : i32
        %dma_wait3A_468 = arith.constant 0 : i32
        %dma_wait3A_469 = tpu.memref_slice %arg4[%mul3A_2, %dma_wait3A_467, %dma_wait3A_468] : memref<2688x1x120xi32, #tpu.memory_space<hbm>> -> memref<1x1x120xi32, #tpu.memory_space<hbm>>
        %dma_wait3A_470 = tpu.memref_squeeze %dma_wait3A_469 : memref<1x1x120xi32, #tpu.memory_space<hbm>> -> memref<1x120xi32, #tpu.memory_space<hbm>>
        %dma_wait3A_471 = arith.constant 0 : i32
        %dma_wait3A_472 = arith.constant 0 : i32
        %dma_wait3A_473 = tpu.memref_slice %arg10[%dma_wait3A_462, %dma_wait3A_471, %dma_wait3A_472] : memref<6x1x120xi32, #tpu.memory_space<vmem>> -> memref<1x1x120xi32, #tpu.memory_space<vmem>>
        %dma_wait3A_474 = tpu.memref_squeeze %dma_wait3A_473 : memref<1x1x120xi32, #tpu.memory_space<vmem>> -> memref<1x120xi32, #tpu.memory_space<vmem>>
        %dma_wait3A_475 = arith.constant 0 : i32
        %dma_wait3A_476 = arith.constant 0 : i32
        %dma_wait3A_477 = tpu.memref_slice %arg4[%mul3A_2, %dma_wait3A_475, %dma_wait3A_476] : memref<2688x1x120xi32, #tpu.memory_space<hbm>> -> memref<1x1x120xi32, #tpu.memory_space<hbm>>
        %dma_wait3A_478 = tpu.memref_squeeze %dma_wait3A_477 : memref<1x1x120xi32, #tpu.memory_space<hbm>> -> memref<1x120xi32, #tpu.memory_space<hbm>>
        tpu.wait_dma2 semaphore(%arg25 : memref<!tpu.dma_semaphore, #tpu.memory_space<semaphore_mem>>) src(%dma_wait3A_478 : memref<1x120xi32, #tpu.memory_space<hbm>>) dst(%dma_wait3A_474 : memref<1x120xi32, #tpu.memory_space<vmem>>)
        %dma_start3A_479 = arith.constant 2 : i32
        %dma_start3A_480 = arith.constant 0 : i32
        %dma_start3A_481 = arith.constant 2 : i32
        %dma_start3A_482 = arith.constant 0 : i32
        %dma_start3A_483 = arith.constant 0 : i32
        %dma_start3A_484 = tpu.memref_slice %arg8[%dma_start3A_481, %dma_start3A_482, %dma_start3A_483] : memref<3x120x128xf32, #tpu.memory_space<vmem>> -> memref<1x120x128xf32, #tpu.memory_space<vmem>>
        %dma_start3A_485 = tpu.memref_squeeze %dma_start3A_484 : memref<1x120x128xf32, #tpu.memory_space<vmem>> -> memref<120x128xf32, #tpu.memory_space<vmem>>
        %dma_start3A_486 = arith.constant 0 : i32
        %dma_start3A_487 = tpu.memref_slice %arg9[%dma_start3A_479, %dma_start3A_480, %dma_start3A_486] : memref<3x1x120xi32, #tpu.memory_space<vmem>> -> memref<1x1x120xi32, #tpu.memory_space<vmem>>
        %dma_start3A_488 = tpu.memref_squeeze %dma_start3A_487 : memref<1x1x120xi32, #tpu.memory_space<vmem>> -> memref<120xi32, #tpu.memory_space<vmem>>
        %dma_start3A_489 = arith.constant 0 : i32
        %dma_start3A_490 = arith.constant 0 : i32
        %dma_start3A_491 = tpu.memref_slice %arg2[%dma_start3A_489, %dma_start3A_490] : memref<20480x128xf32, #tpu.memory_space<hbm>> -> memref<20480x128xf32, #tpu.memory_space<hbm>>
        tpu.enqueue_indirect_dma source(%dma_start3A_491 : memref<20480x128xf32, #tpu.memory_space<hbm>>) target(%dma_start3A_485 : memref<120x128xf32, #tpu.memory_space<vmem>>) offsets(%dma_start3A_488 : memref<120xi32, #tpu.memory_space<vmem>>) semaphore(%arg13 : memref<!tpu.dma_semaphore, #tpu.memory_space<semaphore_mem>>)
      } else {
      }
      %add3A_330 = arith.constant 3 : i32
      %add3A_331 = arith.addi %add3A_286, %add3A_330 : i32
      %le3A_332 = arith.constant 83 : i32
      %le3A_333 = arith.cmpi sle, %add3A_331, %le3A_332 : i32
      %convert_element_type3A_334 = arith.extui %le3A_333 : i1 to i32
      %cond3A_335 = arith.constant 0 : i32
      %cond3A_336 = arith.cmpi ne, %convert_element_type3A_334, %cond3A_335 : i32
      scf.if %cond3A_336 {
        %add3A_445 = arith.addi %mul3A_2, %add3A_286 : i32
        %add3A_446 = arith.constant 3 : i32
        %add3A_447 = arith.addi %add3A_445, %add3A_446 : i32
        %dma_start3A_448 = arith.constant 0 : i32
        %dma_start3A_449 = arith.constant 0 : i32
        %dma_start3A_450 = arith.constant 0 : i32
        %dma_start3A_451 = tpu.memref_slice %arg9[%dma_start3A_448, %dma_start3A_449, %dma_start3A_450] : memref<3x1x120xi32, #tpu.memory_space<vmem>> -> memref<1x1x120xi32, #tpu.memory_space<vmem>>
        %dma_start3A_452 = tpu.memref_squeeze %dma_start3A_451 : memref<1x1x120xi32, #tpu.memory_space<vmem>> -> memref<1x120xi32, #tpu.memory_space<vmem>>
        %dma_start3A_453 = arith.constant 0 : i32
        %dma_start3A_454 = arith.constant 0 : i32
        %dma_start3A_455 = tpu.memref_slice %arg3[%add3A_447, %dma_start3A_453, %dma_start3A_454] : memref<2688x1x120xi32, #tpu.memory_space<hbm>> -> memref<1x1x120xi32, #tpu.memory_space<hbm>>
        %dma_start3A_456 = tpu.memref_squeeze %dma_start3A_455 : memref<1x1x120xi32, #tpu.memory_space<hbm>> -> memref<1x120xi32, #tpu.memory_space<hbm>>
        %dma_start3A_457 = arith.constant 0 : i32
        %dma_start3A_458 = arith.constant 0 : i32
        %dma_start3A_459 = tpu.memref_slice %arg9[%dma_start3A_448, %dma_start3A_457, %dma_start3A_458] : memref<3x1x120xi32, #tpu.memory_space<vmem>> -> memref<1x1x120xi32, #tpu.memory_space<vmem>>
        %dma_start3A_460 = tpu.memref_squeeze %dma_start3A_459 : memref<1x1x120xi32, #tpu.memory_space<vmem>> -> memref<1x120xi32, #tpu.memory_space<vmem>>
        %dma_start3A_461 = arith.constant 0 : i32
        %dma_start3A_462 = arith.constant 0 : i32
        %dma_start3A_463 = tpu.memref_slice %arg3[%add3A_447, %dma_start3A_461, %dma_start3A_462] : memref<2688x1x120xi32, #tpu.memory_space<hbm>> -> memref<1x1x120xi32, #tpu.memory_space<hbm>>
        %dma_start3A_464 = tpu.memref_squeeze %dma_start3A_463 : memref<1x1x120xi32, #tpu.memory_space<hbm>> -> memref<1x120xi32, #tpu.memory_space<hbm>>
        tpu.enqueue_dma source(%dma_start3A_464 : memref<1x120xi32, #tpu.memory_space<hbm>>) target(%dma_start3A_460 : memref<1x120xi32, #tpu.memory_space<vmem>>) target_semaphore(%arg17 : memref<!tpu.dma_semaphore, #tpu.memory_space<semaphore_mem>>)
        %add3A_465 = arith.addi %mul3A_2, %add3A_286 : i32
        %add3A_466 = arith.constant 3 : i32
        %add3A_467 = arith.addi %add3A_465, %add3A_466 : i32
        %dma_start3A_468 = arith.constant 0 : i32
        %dma_start3A_469 = arith.constant 0 : i32
        %dma_start3A_470 = arith.constant 0 : i32
        %dma_start3A_471 = tpu.memref_slice %arg10[%dma_start3A_468, %dma_start3A_469, %dma_start3A_470] : memref<6x1x120xi32, #tpu.memory_space<vmem>> -> memref<1x1x120xi32, #tpu.memory_space<vmem>>
        %dma_start3A_472 = tpu.memref_squeeze %dma_start3A_471 : memref<1x1x120xi32, #tpu.memory_space<vmem>> -> memref<1x120xi32, #tpu.memory_space<vmem>>
        %dma_start3A_473 = arith.constant 0 : i32
        %dma_start3A_474 = arith.constant 0 : i32
        %dma_start3A_475 = tpu.memref_slice %arg4[%add3A_467, %dma_start3A_473, %dma_start3A_474] : memref<2688x1x120xi32, #tpu.memory_space<hbm>> -> memref<1x1x120xi32, #tpu.memory_space<hbm>>
        %dma_start3A_476 = tpu.memref_squeeze %dma_start3A_475 : memref<1x1x120xi32, #tpu.memory_space<hbm>> -> memref<1x120xi32, #tpu.memory_space<hbm>>
        %dma_start3A_477 = arith.constant 0 : i32
        %dma_start3A_478 = arith.constant 0 : i32
        %dma_start3A_479 = tpu.memref_slice %arg10[%dma_start3A_468, %dma_start3A_477, %dma_start3A_478] : memref<6x1x120xi32, #tpu.memory_space<vmem>> -> memref<1x1x120xi32, #tpu.memory_space<vmem>>
        %dma_start3A_480 = tpu.memref_squeeze %dma_start3A_479 : memref<1x1x120xi32, #tpu.memory_space<vmem>> -> memref<1x120xi32, #tpu.memory_space<vmem>>
        %dma_start3A_481 = arith.constant 0 : i32
        %dma_start3A_482 = arith.constant 0 : i32
        %dma_start3A_483 = tpu.memref_slice %arg4[%add3A_467, %dma_start3A_481, %dma_start3A_482] : memref<2688x1x120xi32, #tpu.memory_space<hbm>> -> memref<1x1x120xi32, #tpu.memory_space<hbm>>
        %dma_start3A_484 = tpu.memref_squeeze %dma_start3A_483 : memref<1x1x120xi32, #tpu.memory_space<hbm>> -> memref<1x120xi32, #tpu.memory_space<hbm>>
        tpu.enqueue_dma source(%dma_start3A_484 : memref<1x120xi32, #tpu.memory_space<hbm>>) target(%dma_start3A_480 : memref<1x120xi32, #tpu.memory_space<vmem>>) target_semaphore(%arg20 : memref<!tpu.dma_semaphore, #tpu.memory_space<semaphore_mem>>)
      } else {
      }
      %mul3A_337 = arith.constant 6 : i32
      %mul3A_338 = arith.muli %mul3A_337, %scan3A_125 : i32
      %add3A_339 = arith.constant 4 : i32
      %add3A_340 = arith.addi %mul3A_338, %add3A_339 : i32
      %dma_wait3A_341 = arith.constant 1 : i32
      %dma_wait3A_342 = arith.constant 0 : i32
      %dma_wait3A_343 = arith.constant 1 : i32
      %dma_wait3A_344 = arith.constant 0 : i32
      %dma_wait3A_345 = arith.constant 0 : i32
      %dma_wait3A_346 = tpu.memref_slice %arg8[%dma_wait3A_343, %dma_wait3A_344, %dma_wait3A_345] : memref<3x120x128xf32, #tpu.memory_space<vmem>> -> memref<1x120x128xf32, #tpu.memory_space<vmem>>
      %dma_wait3A_347 = tpu.memref_squeeze %dma_wait3A_346 : memref<1x120x128xf32, #tpu.memory_space<vmem>> -> memref<120x128xf32, #tpu.memory_space<vmem>>
      %dma_wait3A_348 = arith.constant 0 : i32
      %dma_wait3A_349 = tpu.memref_slice %arg9[%dma_wait3A_341, %dma_wait3A_342, %dma_wait3A_348] : memref<3x1x120xi32, #tpu.memory_space<vmem>> -> memref<1x1x120xi32, #tpu.memory_space<vmem>>
      %dma_wait3A_350 = tpu.memref_squeeze %dma_wait3A_349 : memref<1x1x120xi32, #tpu.memory_space<vmem>> -> memref<120xi32, #tpu.memory_space<vmem>>
      %dma_wait3A_351 = arith.constant 0 : i32
      %dma_wait3A_352 = arith.constant 0 : i32
      %dma_wait3A_353 = tpu.memref_slice %arg2[%dma_wait3A_351, %dma_wait3A_352] : memref<20480x128xf32, #tpu.memory_space<hbm>> -> memref<20480x128xf32, #tpu.memory_space<hbm>>
      tpu.wait_indirect_dma semaphore(%arg12 : memref<!tpu.dma_semaphore, #tpu.memory_space<semaphore_mem>>) src(%dma_wait3A_353 : memref<20480x128xf32, #tpu.memory_space<hbm>>) dst(%dma_wait3A_347 : memref<120x128xf32, #tpu.memory_space<vmem>>)
      %dma_start3A_354 = arith.constant 1 : i32
      %dma_start3A_355 = arith.constant 4 : i32
      %dma_start3A_356 = arith.constant 0 : i32
      %dma_start3A_357 = arith.constant 0 : i32
      %dma_start3A_358 = arith.constant 0 : i32
      %dma_start3A_359 = tpu.memref_slice %arg8[%dma_start3A_354, %dma_start3A_357, %dma_start3A_358] : memref<3x120x128xf32, #tpu.memory_space<vmem>> -> memref<1x120x128xf32, #tpu.memory_space<vmem>>
      %dma_start3A_360 = tpu.memref_squeeze %dma_start3A_359 : memref<1x120x128xf32, #tpu.memory_space<vmem>> -> memref<120x128xf32, #tpu.memory_space<vmem>>
      %dma_start3A_361 = arith.constant 0 : i32
      %dma_start3A_362 = tpu.memref_slice %arg10[%dma_start3A_355, %dma_start3A_356, %dma_start3A_361] : memref<6x1x120xi32, #tpu.memory_space<vmem>> -> memref<1x1x120xi32, #tpu.memory_space<vmem>>
      %dma_start3A_363 = tpu.memref_squeeze %dma_start3A_362 : memref<1x1x120xi32, #tpu.memory_space<vmem>> -> memref<120xi32, #tpu.memory_space<vmem>>
      %dma_start3A_364 = arith.constant 0 : i32
      %dma_start3A_365 = arith.constant 0 : i32
      %dma_start3A_366 = tpu.memref_slice %arg7[%dma_start3A_364, %dma_start3A_365] : memref<10240x128xf32, #tpu.memory_space<vmem_shared>> -> memref<10240x128xf32, #tpu.memory_space<vmem_shared>>
      tpu.enqueue_indirect_dma source(%dma_start3A_360 : memref<120x128xf32, #tpu.memory_space<vmem>>) target(%dma_start3A_366 : memref<10240x128xf32, #tpu.memory_space<vmem_shared>>) offsets(%dma_start3A_363 : memref<120xi32, #tpu.memory_space<vmem>>) semaphore(%arg15 : memref<!tpu.dma_semaphore, #tpu.memory_space<semaphore_mem>>) {add = true}
      %ge3A_367 = arith.constant 1 : i32
      %ge3A_368 = arith.cmpi sge, %add3A_340, %ge3A_367 : i32
      %add3A_369 = arith.constant 2 : i32
      %add3A_370 = arith.addi %add3A_340, %add3A_369 : i32
      %le3A_371 = arith.constant 83 : i32
      %le3A_372 = arith.cmpi sle, %add3A_370, %le3A_371 : i32
      %and3A_373 = arith.andi %ge3A_368, %le3A_372 : i1
      %convert_element_type3A_374 = arith.extui %and3A_373 : i1 to i32
      %cond3A_375 = arith.constant 0 : i32
      %cond3A_376 = arith.cmpi ne, %convert_element_type3A_374, %cond3A_375 : i32
      scf.if %cond3A_376 {
        %dma_wait3A_445 = arith.constant 0 : i32
        %dma_wait3A_446 = arith.constant 3 : i32
        %dma_wait3A_447 = arith.constant 0 : i32
        %dma_wait3A_448 = arith.constant 0 : i32
        %dma_wait3A_449 = arith.constant 0 : i32
        %dma_wait3A_450 = tpu.memref_slice %arg8[%dma_wait3A_445, %dma_wait3A_448, %dma_wait3A_449] : memref<3x120x128xf32, #tpu.memory_space<vmem>> -> memref<1x120x128xf32, #tpu.memory_space<vmem>>
        %dma_wait3A_451 = tpu.memref_squeeze %dma_wait3A_450 : memref<1x120x128xf32, #tpu.memory_space<vmem>> -> memref<120x128xf32, #tpu.memory_space<vmem>>
        %dma_wait3A_452 = arith.constant 0 : i32
        %dma_wait3A_453 = tpu.memref_slice %arg10[%dma_wait3A_446, %dma_wait3A_447, %dma_wait3A_452] : memref<6x1x120xi32, #tpu.memory_space<vmem>> -> memref<1x1x120xi32, #tpu.memory_space<vmem>>
        %dma_wait3A_454 = tpu.memref_squeeze %dma_wait3A_453 : memref<1x1x120xi32, #tpu.memory_space<vmem>> -> memref<120xi32, #tpu.memory_space<vmem>>
        %dma_wait3A_455 = arith.constant 0 : i32
        %dma_wait3A_456 = arith.constant 0 : i32
        %dma_wait3A_457 = tpu.memref_slice %arg7[%dma_wait3A_455, %dma_wait3A_456] : memref<10240x128xf32, #tpu.memory_space<vmem_shared>> -> memref<10240x128xf32, #tpu.memory_space<vmem_shared>>
        tpu.wait_indirect_dma semaphore(%arg14 : memref<!tpu.dma_semaphore, #tpu.memory_space<semaphore_mem>>) src(%dma_wait3A_451 : memref<120x128xf32, #tpu.memory_space<vmem>>) dst(%dma_wait3A_457 : memref<10240x128xf32, #tpu.memory_space<vmem_shared>>)
      } else {
      }
      %add3A_377 = arith.constant 2 : i32
      %add3A_378 = arith.addi %add3A_340, %add3A_377 : i32
      %le3A_379 = arith.constant 83 : i32
      %le3A_380 = arith.cmpi sle, %add3A_378, %le3A_379 : i32
      %convert_element_type3A_381 = arith.extui %le3A_380 : i1 to i32
      %cond3A_382 = arith.constant 0 : i32
      %cond3A_383 = arith.cmpi ne, %convert_element_type3A_381, %cond3A_382 : i32
      scf.if %cond3A_383 {
        %dma_wait3A_445 = arith.constant 0 : i32
        %dma_wait3A_446 = arith.constant 0 : i32
        %dma_wait3A_447 = arith.constant 0 : i32
        %dma_wait3A_448 = tpu.memref_slice %arg9[%dma_wait3A_445, %dma_wait3A_446, %dma_wait3A_447] : memref<3x1x120xi32, #tpu.memory_space<vmem>> -> memref<1x1x120xi32, #tpu.memory_space<vmem>>
        %dma_wait3A_449 = tpu.memref_squeeze %dma_wait3A_448 : memref<1x1x120xi32, #tpu.memory_space<vmem>> -> memref<1x120xi32, #tpu.memory_space<vmem>>
        %dma_wait3A_450 = arith.constant 0 : i32
        %dma_wait3A_451 = arith.constant 0 : i32
        %dma_wait3A_452 = tpu.memref_slice %arg3[%mul3A_2, %dma_wait3A_450, %dma_wait3A_451] : memref<2688x1x120xi32, #tpu.memory_space<hbm>> -> memref<1x1x120xi32, #tpu.memory_space<hbm>>
        %dma_wait3A_453 = tpu.memref_squeeze %dma_wait3A_452 : memref<1x1x120xi32, #tpu.memory_space<hbm>> -> memref<1x120xi32, #tpu.memory_space<hbm>>
        %dma_wait3A_454 = arith.constant 0 : i32
        %dma_wait3A_455 = arith.constant 0 : i32
        %dma_wait3A_456 = tpu.memref_slice %arg9[%dma_wait3A_445, %dma_wait3A_454, %dma_wait3A_455] : memref<3x1x120xi32, #tpu.memory_space<vmem>> -> memref<1x1x120xi32, #tpu.memory_space<vmem>>
        %dma_wait3A_457 = tpu.memref_squeeze %dma_wait3A_456 : memref<1x1x120xi32, #tpu.memory_space<vmem>> -> memref<1x120xi32, #tpu.memory_space<vmem>>
        %dma_wait3A_458 = arith.constant 0 : i32
        %dma_wait3A_459 = arith.constant 0 : i32
        %dma_wait3A_460 = tpu.memref_slice %arg3[%mul3A_2, %dma_wait3A_458, %dma_wait3A_459] : memref<2688x1x120xi32, #tpu.memory_space<hbm>> -> memref<1x1x120xi32, #tpu.memory_space<hbm>>
        %dma_wait3A_461 = tpu.memref_squeeze %dma_wait3A_460 : memref<1x1x120xi32, #tpu.memory_space<hbm>> -> memref<1x120xi32, #tpu.memory_space<hbm>>
        tpu.wait_dma2 semaphore(%arg17 : memref<!tpu.dma_semaphore, #tpu.memory_space<semaphore_mem>>) src(%dma_wait3A_461 : memref<1x120xi32, #tpu.memory_space<hbm>>) dst(%dma_wait3A_457 : memref<1x120xi32, #tpu.memory_space<vmem>>)
        %dma_wait3A_462 = arith.constant 0 : i32
        %dma_wait3A_463 = arith.constant 0 : i32
        %dma_wait3A_464 = arith.constant 0 : i32
        %dma_wait3A_465 = tpu.memref_slice %arg10[%dma_wait3A_462, %dma_wait3A_463, %dma_wait3A_464] : memref<6x1x120xi32, #tpu.memory_space<vmem>> -> memref<1x1x120xi32, #tpu.memory_space<vmem>>
        %dma_wait3A_466 = tpu.memref_squeeze %dma_wait3A_465 : memref<1x1x120xi32, #tpu.memory_space<vmem>> -> memref<1x120xi32, #tpu.memory_space<vmem>>
        %dma_wait3A_467 = arith.constant 0 : i32
        %dma_wait3A_468 = arith.constant 0 : i32
        %dma_wait3A_469 = tpu.memref_slice %arg4[%mul3A_2, %dma_wait3A_467, %dma_wait3A_468] : memref<2688x1x120xi32, #tpu.memory_space<hbm>> -> memref<1x1x120xi32, #tpu.memory_space<hbm>>
        %dma_wait3A_470 = tpu.memref_squeeze %dma_wait3A_469 : memref<1x1x120xi32, #tpu.memory_space<hbm>> -> memref<1x120xi32, #tpu.memory_space<hbm>>
        %dma_wait3A_471 = arith.constant 0 : i32
        %dma_wait3A_472 = arith.constant 0 : i32
        %dma_wait3A_473 = tpu.memref_slice %arg10[%dma_wait3A_462, %dma_wait3A_471, %dma_wait3A_472] : memref<6x1x120xi32, #tpu.memory_space<vmem>> -> memref<1x1x120xi32, #tpu.memory_space<vmem>>
        %dma_wait3A_474 = tpu.memref_squeeze %dma_wait3A_473 : memref<1x1x120xi32, #tpu.memory_space<vmem>> -> memref<1x120xi32, #tpu.memory_space<vmem>>
        %dma_wait3A_475 = arith.constant 0 : i32
        %dma_wait3A_476 = arith.constant 0 : i32
        %dma_wait3A_477 = tpu.memref_slice %arg4[%mul3A_2, %dma_wait3A_475, %dma_wait3A_476] : memref<2688x1x120xi32, #tpu.memory_space<hbm>> -> memref<1x1x120xi32, #tpu.memory_space<hbm>>
        %dma_wait3A_478 = tpu.memref_squeeze %dma_wait3A_477 : memref<1x1x120xi32, #tpu.memory_space<hbm>> -> memref<1x120xi32, #tpu.memory_space<hbm>>
        tpu.wait_dma2 semaphore(%arg20 : memref<!tpu.dma_semaphore, #tpu.memory_space<semaphore_mem>>) src(%dma_wait3A_478 : memref<1x120xi32, #tpu.memory_space<hbm>>) dst(%dma_wait3A_474 : memref<1x120xi32, #tpu.memory_space<vmem>>)
        %dma_start3A_479 = arith.constant 0 : i32
        %dma_start3A_480 = arith.constant 0 : i32
        %dma_start3A_481 = arith.constant 0 : i32
        %dma_start3A_482 = arith.constant 0 : i32
        %dma_start3A_483 = arith.constant 0 : i32
        %dma_start3A_484 = tpu.memref_slice %arg8[%dma_start3A_481, %dma_start3A_482, %dma_start3A_483] : memref<3x120x128xf32, #tpu.memory_space<vmem>> -> memref<1x120x128xf32, #tpu.memory_space<vmem>>
        %dma_start3A_485 = tpu.memref_squeeze %dma_start3A_484 : memref<1x120x128xf32, #tpu.memory_space<vmem>> -> memref<120x128xf32, #tpu.memory_space<vmem>>
        %dma_start3A_486 = arith.constant 0 : i32
        %dma_start3A_487 = tpu.memref_slice %arg9[%dma_start3A_479, %dma_start3A_480, %dma_start3A_486] : memref<3x1x120xi32, #tpu.memory_space<vmem>> -> memref<1x1x120xi32, #tpu.memory_space<vmem>>
        %dma_start3A_488 = tpu.memref_squeeze %dma_start3A_487 : memref<1x1x120xi32, #tpu.memory_space<vmem>> -> memref<120xi32, #tpu.memory_space<vmem>>
        %dma_start3A_489 = arith.constant 0 : i32
        %dma_start3A_490 = arith.constant 0 : i32
        %dma_start3A_491 = tpu.memref_slice %arg2[%dma_start3A_489, %dma_start3A_490] : memref<20480x128xf32, #tpu.memory_space<hbm>> -> memref<20480x128xf32, #tpu.memory_space<hbm>>
        tpu.enqueue_indirect_dma source(%dma_start3A_491 : memref<20480x128xf32, #tpu.memory_space<hbm>>) target(%dma_start3A_485 : memref<120x128xf32, #tpu.memory_space<vmem>>) offsets(%dma_start3A_488 : memref<120xi32, #tpu.memory_space<vmem>>) semaphore(%arg11 : memref<!tpu.dma_semaphore, #tpu.memory_space<semaphore_mem>>)
      } else {
      }
      %add3A_384 = arith.constant 3 : i32
      %add3A_385 = arith.addi %add3A_340, %add3A_384 : i32
      %le3A_386 = arith.constant 83 : i32
      %le3A_387 = arith.cmpi sle, %add3A_385, %le3A_386 : i32
      %convert_element_type3A_388 = arith.extui %le3A_387 : i1 to i32
      %cond3A_389 = arith.constant 0 : i32
      %cond3A_390 = arith.cmpi ne, %convert_element_type3A_388, %cond3A_389 : i32
      scf.if %cond3A_390 {
        %add3A_445 = arith.addi %mul3A_2, %add3A_340 : i32
        %add3A_446 = arith.constant 3 : i32
        %add3A_447 = arith.addi %add3A_445, %add3A_446 : i32
        %dma_start3A_448 = arith.constant 1 : i32
        %dma_start3A_449 = arith.constant 0 : i32
        %dma_start3A_450 = arith.constant 0 : i32
        %dma_start3A_451 = tpu.memref_slice %arg9[%dma_start3A_448, %dma_start3A_449, %dma_start3A_450] : memref<3x1x120xi32, #tpu.memory_space<vmem>> -> memref<1x1x120xi32, #tpu.memory_space<vmem>>
        %dma_start3A_452 = tpu.memref_squeeze %dma_start3A_451 : memref<1x1x120xi32, #tpu.memory_space<vmem>> -> memref<1x120xi32, #tpu.memory_space<vmem>>
        %dma_start3A_453 = arith.constant 0 : i32
        %dma_start3A_454 = arith.constant 0 : i32
        %dma_start3A_455 = tpu.memref_slice %arg3[%add3A_447, %dma_start3A_453, %dma_start3A_454] : memref<2688x1x120xi32, #tpu.memory_space<hbm>> -> memref<1x1x120xi32, #tpu.memory_space<hbm>>
        %dma_start3A_456 = tpu.memref_squeeze %dma_start3A_455 : memref<1x1x120xi32, #tpu.memory_space<hbm>> -> memref<1x120xi32, #tpu.memory_space<hbm>>
        %dma_start3A_457 = arith.constant 0 : i32
        %dma_start3A_458 = arith.constant 0 : i32
        %dma_start3A_459 = tpu.memref_slice %arg9[%dma_start3A_448, %dma_start3A_457, %dma_start3A_458] : memref<3x1x120xi32, #tpu.memory_space<vmem>> -> memref<1x1x120xi32, #tpu.memory_space<vmem>>
        %dma_start3A_460 = tpu.memref_squeeze %dma_start3A_459 : memref<1x1x120xi32, #tpu.memory_space<vmem>> -> memref<1x120xi32, #tpu.memory_space<vmem>>
        %dma_start3A_461 = arith.constant 0 : i32
        %dma_start3A_462 = arith.constant 0 : i32
        %dma_start3A_463 = tpu.memref_slice %arg3[%add3A_447, %dma_start3A_461, %dma_start3A_462] : memref<2688x1x120xi32, #tpu.memory_space<hbm>> -> memref<1x1x120xi32, #tpu.memory_space<hbm>>
        %dma_start3A_464 = tpu.memref_squeeze %dma_start3A_463 : memref<1x1x120xi32, #tpu.memory_space<hbm>> -> memref<1x120xi32, #tpu.memory_space<hbm>>
        tpu.enqueue_dma source(%dma_start3A_464 : memref<1x120xi32, #tpu.memory_space<hbm>>) target(%dma_start3A_460 : memref<1x120xi32, #tpu.memory_space<vmem>>) target_semaphore(%arg18 : memref<!tpu.dma_semaphore, #tpu.memory_space<semaphore_mem>>)
        %add3A_465 = arith.addi %mul3A_2, %add3A_340 : i32
        %add3A_466 = arith.constant 3 : i32
        %add3A_467 = arith.addi %add3A_465, %add3A_466 : i32
        %dma_start3A_468 = arith.constant 1 : i32
        %dma_start3A_469 = arith.constant 0 : i32
        %dma_start3A_470 = arith.constant 0 : i32
        %dma_start3A_471 = tpu.memref_slice %arg10[%dma_start3A_468, %dma_start3A_469, %dma_start3A_470] : memref<6x1x120xi32, #tpu.memory_space<vmem>> -> memref<1x1x120xi32, #tpu.memory_space<vmem>>
        %dma_start3A_472 = tpu.memref_squeeze %dma_start3A_471 : memref<1x1x120xi32, #tpu.memory_space<vmem>> -> memref<1x120xi32, #tpu.memory_space<vmem>>
        %dma_start3A_473 = arith.constant 0 : i32
        %dma_start3A_474 = arith.constant 0 : i32
        %dma_start3A_475 = tpu.memref_slice %arg4[%add3A_467, %dma_start3A_473, %dma_start3A_474] : memref<2688x1x120xi32, #tpu.memory_space<hbm>> -> memref<1x1x120xi32, #tpu.memory_space<hbm>>
        %dma_start3A_476 = tpu.memref_squeeze %dma_start3A_475 : memref<1x1x120xi32, #tpu.memory_space<hbm>> -> memref<1x120xi32, #tpu.memory_space<hbm>>
        %dma_start3A_477 = arith.constant 0 : i32
        %dma_start3A_478 = arith.constant 0 : i32
        %dma_start3A_479 = tpu.memref_slice %arg10[%dma_start3A_468, %dma_start3A_477, %dma_start3A_478] : memref<6x1x120xi32, #tpu.memory_space<vmem>> -> memref<1x1x120xi32, #tpu.memory_space<vmem>>
        %dma_start3A_480 = tpu.memref_squeeze %dma_start3A_479 : memref<1x1x120xi32, #tpu.memory_space<vmem>> -> memref<1x120xi32, #tpu.memory_space<vmem>>
        %dma_start3A_481 = arith.constant 0 : i32
        %dma_start3A_482 = arith.constant 0 : i32
        %dma_start3A_483 = tpu.memref_slice %arg4[%add3A_467, %dma_start3A_481, %dma_start3A_482] : memref<2688x1x120xi32, #tpu.memory_space<hbm>> -> memref<1x1x120xi32, #tpu.memory_space<hbm>>
        %dma_start3A_484 = tpu.memref_squeeze %dma_start3A_483 : memref<1x1x120xi32, #tpu.memory_space<hbm>> -> memref<1x120xi32, #tpu.memory_space<hbm>>
        tpu.enqueue_dma source(%dma_start3A_484 : memref<1x120xi32, #tpu.memory_space<hbm>>) target(%dma_start3A_480 : memref<1x120xi32, #tpu.memory_space<vmem>>) target_semaphore(%arg21 : memref<!tpu.dma_semaphore, #tpu.memory_space<semaphore_mem>>)
      } else {
      }
      %mul3A_391 = arith.constant 6 : i32
      %mul3A_392 = arith.muli %mul3A_391, %scan3A_125 : i32
      %add3A_393 = arith.constant 5 : i32
      %add3A_394 = arith.addi %mul3A_392, %add3A_393 : i32
      %dma_wait3A_395 = arith.constant 2 : i32
      %dma_wait3A_396 = arith.constant 0 : i32
      %dma_wait3A_397 = arith.constant 2 : i32
      %dma_wait3A_398 = arith.constant 0 : i32
      %dma_wait3A_399 = arith.constant 0 : i32
      %dma_wait3A_400 = tpu.memref_slice %arg8[%dma_wait3A_397, %dma_wait3A_398, %dma_wait3A_399] : memref<3x120x128xf32, #tpu.memory_space<vmem>> -> memref<1x120x128xf32, #tpu.memory_space<vmem>>
      %dma_wait3A_401 = tpu.memref_squeeze %dma_wait3A_400 : memref<1x120x128xf32, #tpu.memory_space<vmem>> -> memref<120x128xf32, #tpu.memory_space<vmem>>
      %dma_wait3A_402 = arith.constant 0 : i32
      %dma_wait3A_403 = tpu.memref_slice %arg9[%dma_wait3A_395, %dma_wait3A_396, %dma_wait3A_402] : memref<3x1x120xi32, #tpu.memory_space<vmem>> -> memref<1x1x120xi32, #tpu.memory_space<vmem>>
      %dma_wait3A_404 = tpu.memref_squeeze %dma_wait3A_403 : memref<1x1x120xi32, #tpu.memory_space<vmem>> -> memref<120xi32, #tpu.memory_space<vmem>>
      %dma_wait3A_405 = arith.constant 0 : i32
      %dma_wait3A_406 = arith.constant 0 : i32
      %dma_wait3A_407 = tpu.memref_slice %arg2[%dma_wait3A_405, %dma_wait3A_406] : memref<20480x128xf32, #tpu.memory_space<hbm>> -> memref<20480x128xf32, #tpu.memory_space<hbm>>
      tpu.wait_indirect_dma semaphore(%arg13 : memref<!tpu.dma_semaphore, #tpu.memory_space<semaphore_mem>>) src(%dma_wait3A_407 : memref<20480x128xf32, #tpu.memory_space<hbm>>) dst(%dma_wait3A_401 : memref<120x128xf32, #tpu.memory_space<vmem>>)
      %dma_start3A_408 = arith.constant 2 : i32
      %dma_start3A_409 = arith.constant 5 : i32
      %dma_start3A_410 = arith.constant 0 : i32
      %dma_start3A_411 = arith.constant 0 : i32
      %dma_start3A_412 = arith.constant 0 : i32
      %dma_start3A_413 = tpu.memref_slice %arg8[%dma_start3A_408, %dma_start3A_411, %dma_start3A_412] : memref<3x120x128xf32, #tpu.memory_space<vmem>> -> memref<1x120x128xf32, #tpu.memory_space<vmem>>
      %dma_start3A_414 = tpu.memref_squeeze %dma_start3A_413 : memref<1x120x128xf32, #tpu.memory_space<vmem>> -> memref<120x128xf32, #tpu.memory_space<vmem>>
      %dma_start3A_415 = arith.constant 0 : i32
      %dma_start3A_416 = tpu.memref_slice %arg10[%dma_start3A_409, %dma_start3A_410, %dma_start3A_415] : memref<6x1x120xi32, #tpu.memory_space<vmem>> -> memref<1x1x120xi32, #tpu.memory_space<vmem>>
      %dma_start3A_417 = tpu.memref_squeeze %dma_start3A_416 : memref<1x1x120xi32, #tpu.memory_space<vmem>> -> memref<120xi32, #tpu.memory_space<vmem>>
      %dma_start3A_418 = arith.constant 0 : i32
      %dma_start3A_419 = arith.constant 0 : i32
      %dma_start3A_420 = tpu.memref_slice %arg7[%dma_start3A_418, %dma_start3A_419] : memref<10240x128xf32, #tpu.memory_space<vmem_shared>> -> memref<10240x128xf32, #tpu.memory_space<vmem_shared>>
      tpu.enqueue_indirect_dma source(%dma_start3A_414 : memref<120x128xf32, #tpu.memory_space<vmem>>) target(%dma_start3A_420 : memref<10240x128xf32, #tpu.memory_space<vmem_shared>>) offsets(%dma_start3A_417 : memref<120xi32, #tpu.memory_space<vmem>>) semaphore(%arg16 : memref<!tpu.dma_semaphore, #tpu.memory_space<semaphore_mem>>) {add = true}
      %ge3A_421 = arith.constant 1 : i32
      %ge3A_422 = arith.cmpi sge, %add3A_394, %ge3A_421 : i32
      %add3A_423 = arith.constant 2 : i32
      %add3A_424 = arith.addi %add3A_394, %add3A_423 : i32
      %le3A_425 = arith.constant 83 : i32
      %le3A_426 = arith.cmpi sle, %add3A_424, %le3A_425 : i32
      %and3A_427 = arith.andi %ge3A_422, %le3A_426 : i1
      %convert_element_type3A_428 = arith.extui %and3A_427 : i1 to i32
      %cond3A_429 = arith.constant 0 : i32
      %cond3A_430 = arith.cmpi ne, %convert_element_type3A_428, %cond3A_429 : i32
      scf.if %cond3A_430 {
        %dma_wait3A_445 = arith.constant 1 : i32
        %dma_wait3A_446 = arith.constant 4 : i32
        %dma_wait3A_447 = arith.constant 0 : i32
        %dma_wait3A_448 = arith.constant 0 : i32
        %dma_wait3A_449 = arith.constant 0 : i32
        %dma_wait3A_450 = tpu.memref_slice %arg8[%dma_wait3A_445, %dma_wait3A_448, %dma_wait3A_449] : memref<3x120x128xf32, #tpu.memory_space<vmem>> -> memref<1x120x128xf32, #tpu.memory_space<vmem>>
        %dma_wait3A_451 = tpu.memref_squeeze %dma_wait3A_450 : memref<1x120x128xf32, #tpu.memory_space<vmem>> -> memref<120x128xf32, #tpu.memory_space<vmem>>
        %dma_wait3A_452 = arith.constant 0 : i32
        %dma_wait3A_453 = tpu.memref_slice %arg10[%dma_wait3A_446, %dma_wait3A_447, %dma_wait3A_452] : memref<6x1x120xi32, #tpu.memory_space<vmem>> -> memref<1x1x120xi32, #tpu.memory_space<vmem>>
        %dma_wait3A_454 = tpu.memref_squeeze %dma_wait3A_453 : memref<1x1x120xi32, #tpu.memory_space<vmem>> -> memref<120xi32, #tpu.memory_space<vmem>>
        %dma_wait3A_455 = arith.constant 0 : i32
        %dma_wait3A_456 = arith.constant 0 : i32
        %dma_wait3A_457 = tpu.memref_slice %arg7[%dma_wait3A_455, %dma_wait3A_456] : memref<10240x128xf32, #tpu.memory_space<vmem_shared>> -> memref<10240x128xf32, #tpu.memory_space<vmem_shared>>
        tpu.wait_indirect_dma semaphore(%arg15 : memref<!tpu.dma_semaphore, #tpu.memory_space<semaphore_mem>>) src(%dma_wait3A_451 : memref<120x128xf32, #tpu.memory_space<vmem>>) dst(%dma_wait3A_457 : memref<10240x128xf32, #tpu.memory_space<vmem_shared>>)
      } else {
      }
      %add3A_431 = arith.constant 2 : i32
      %add3A_432 = arith.addi %add3A_394, %add3A_431 : i32
      %le3A_433 = arith.constant 83 : i32
      %le3A_434 = arith.cmpi sle, %add3A_432, %le3A_433 : i32
      %convert_element_type3A_435 = arith.extui %le3A_434 : i1 to i32
      %cond3A_436 = arith.constant 0 : i32
      %cond3A_437 = arith.cmpi ne, %convert_element_type3A_435, %cond3A_436 : i32
      scf.if %cond3A_437 {
        %dma_wait3A_445 = arith.constant 1 : i32
        %dma_wait3A_446 = arith.constant 0 : i32
        %dma_wait3A_447 = arith.constant 0 : i32
        %dma_wait3A_448 = tpu.memref_slice %arg9[%dma_wait3A_445, %dma_wait3A_446, %dma_wait3A_447] : memref<3x1x120xi32, #tpu.memory_space<vmem>> -> memref<1x1x120xi32, #tpu.memory_space<vmem>>
        %dma_wait3A_449 = tpu.memref_squeeze %dma_wait3A_448 : memref<1x1x120xi32, #tpu.memory_space<vmem>> -> memref<1x120xi32, #tpu.memory_space<vmem>>
        %dma_wait3A_450 = arith.constant 0 : i32
        %dma_wait3A_451 = arith.constant 0 : i32
        %dma_wait3A_452 = tpu.memref_slice %arg3[%mul3A_2, %dma_wait3A_450, %dma_wait3A_451] : memref<2688x1x120xi32, #tpu.memory_space<hbm>> -> memref<1x1x120xi32, #tpu.memory_space<hbm>>
        %dma_wait3A_453 = tpu.memref_squeeze %dma_wait3A_452 : memref<1x1x120xi32, #tpu.memory_space<hbm>> -> memref<1x120xi32, #tpu.memory_space<hbm>>
        %dma_wait3A_454 = arith.constant 0 : i32
        %dma_wait3A_455 = arith.constant 0 : i32
        %dma_wait3A_456 = tpu.memref_slice %arg9[%dma_wait3A_445, %dma_wait3A_454, %dma_wait3A_455] : memref<3x1x120xi32, #tpu.memory_space<vmem>> -> memref<1x1x120xi32, #tpu.memory_space<vmem>>
        %dma_wait3A_457 = tpu.memref_squeeze %dma_wait3A_456 : memref<1x1x120xi32, #tpu.memory_space<vmem>> -> memref<1x120xi32, #tpu.memory_space<vmem>>
        %dma_wait3A_458 = arith.constant 0 : i32
        %dma_wait3A_459 = arith.constant 0 : i32
        %dma_wait3A_460 = tpu.memref_slice %arg3[%mul3A_2, %dma_wait3A_458, %dma_wait3A_459] : memref<2688x1x120xi32, #tpu.memory_space<hbm>> -> memref<1x1x120xi32, #tpu.memory_space<hbm>>
        %dma_wait3A_461 = tpu.memref_squeeze %dma_wait3A_460 : memref<1x1x120xi32, #tpu.memory_space<hbm>> -> memref<1x120xi32, #tpu.memory_space<hbm>>
        tpu.wait_dma2 semaphore(%arg18 : memref<!tpu.dma_semaphore, #tpu.memory_space<semaphore_mem>>) src(%dma_wait3A_461 : memref<1x120xi32, #tpu.memory_space<hbm>>) dst(%dma_wait3A_457 : memref<1x120xi32, #tpu.memory_space<vmem>>)
        %dma_wait3A_462 = arith.constant 1 : i32
        %dma_wait3A_463 = arith.constant 0 : i32
        %dma_wait3A_464 = arith.constant 0 : i32
        %dma_wait3A_465 = tpu.memref_slice %arg10[%dma_wait3A_462, %dma_wait3A_463, %dma_wait3A_464] : memref<6x1x120xi32, #tpu.memory_space<vmem>> -> memref<1x1x120xi32, #tpu.memory_space<vmem>>
        %dma_wait3A_466 = tpu.memref_squeeze %dma_wait3A_465 : memref<1x1x120xi32, #tpu.memory_space<vmem>> -> memref<1x120xi32, #tpu.memory_space<vmem>>
        %dma_wait3A_467 = arith.constant 0 : i32
        %dma_wait3A_468 = arith.constant 0 : i32
        %dma_wait3A_469 = tpu.memref_slice %arg4[%mul3A_2, %dma_wait3A_467, %dma_wait3A_468] : memref<2688x1x120xi32, #tpu.memory_space<hbm>> -> memref<1x1x120xi32, #tpu.memory_space<hbm>>
        %dma_wait3A_470 = tpu.memref_squeeze %dma_wait3A_469 : memref<1x1x120xi32, #tpu.memory_space<hbm>> -> memref<1x120xi32, #tpu.memory_space<hbm>>
        %dma_wait3A_471 = arith.constant 0 : i32
        %dma_wait3A_472 = arith.constant 0 : i32
        %dma_wait3A_473 = tpu.memref_slice %arg10[%dma_wait3A_462, %dma_wait3A_471, %dma_wait3A_472] : memref<6x1x120xi32, #tpu.memory_space<vmem>> -> memref<1x1x120xi32, #tpu.memory_space<vmem>>
        %dma_wait3A_474 = tpu.memref_squeeze %dma_wait3A_473 : memref<1x1x120xi32, #tpu.memory_space<vmem>> -> memref<1x120xi32, #tpu.memory_space<vmem>>
        %dma_wait3A_475 = arith.constant 0 : i32
        %dma_wait3A_476 = arith.constant 0 : i32
        %dma_wait3A_477 = tpu.memref_slice %arg4[%mul3A_2, %dma_wait3A_475, %dma_wait3A_476] : memref<2688x1x120xi32, #tpu.memory_space<hbm>> -> memref<1x1x120xi32, #tpu.memory_space<hbm>>
        %dma_wait3A_478 = tpu.memref_squeeze %dma_wait3A_477 : memref<1x1x120xi32, #tpu.memory_space<hbm>> -> memref<1x120xi32, #tpu.memory_space<hbm>>
        tpu.wait_dma2 semaphore(%arg21 : memref<!tpu.dma_semaphore, #tpu.memory_space<semaphore_mem>>) src(%dma_wait3A_478 : memref<1x120xi32, #tpu.memory_space<hbm>>) dst(%dma_wait3A_474 : memref<1x120xi32, #tpu.memory_space<vmem>>)
        %dma_start3A_479 = arith.constant 1 : i32
        %dma_start3A_480 = arith.constant 0 : i32
        %dma_start3A_481 = arith.constant 1 : i32
        %dma_start3A_482 = arith.constant 0 : i32
        %dma_start3A_483 = arith.constant 0 : i32
        %dma_start3A_484 = tpu.memref_slice %arg8[%dma_start3A_481, %dma_start3A_482, %dma_start3A_483] : memref<3x120x128xf32, #tpu.memory_space<vmem>> -> memref<1x120x128xf32, #tpu.memory_space<vmem>>
        %dma_start3A_485 = tpu.memref_squeeze %dma_start3A_484 : memref<1x120x128xf32, #tpu.memory_space<vmem>> -> memref<120x128xf32, #tpu.memory_space<vmem>>
        %dma_start3A_486 = arith.constant 0 : i32
        %dma_start3A_487 = tpu.memref_slice %arg9[%dma_start3A_479, %dma_start3A_480, %dma_start3A_486] : memref<3x1x120xi32, #tpu.memory_space<vmem>> -> memref<1x1x120xi32, #tpu.memory_space<vmem>>
        %dma_start3A_488 = tpu.memref_squeeze %dma_start3A_487 : memref<1x1x120xi32, #tpu.memory_space<vmem>> -> memref<120xi32, #tpu.memory_space<vmem>>
        %dma_start3A_489 = arith.constant 0 : i32
        %dma_start3A_490 = arith.constant 0 : i32
        %dma_start3A_491 = tpu.memref_slice %arg2[%dma_start3A_489, %dma_start3A_490] : memref<20480x128xf32, #tpu.memory_space<hbm>> -> memref<20480x128xf32, #tpu.memory_space<hbm>>
        tpu.enqueue_indirect_dma source(%dma_start3A_491 : memref<20480x128xf32, #tpu.memory_space<hbm>>) target(%dma_start3A_485 : memref<120x128xf32, #tpu.memory_space<vmem>>) offsets(%dma_start3A_488 : memref<120xi32, #tpu.memory_space<vmem>>) semaphore(%arg12 : memref<!tpu.dma_semaphore, #tpu.memory_space<semaphore_mem>>)
      } else {
      }
      %add3A_438 = arith.constant 3 : i32
      %add3A_439 = arith.addi %add3A_394, %add3A_438 : i32
      %le3A_440 = arith.constant 83 : i32
      %le3A_441 = arith.cmpi sle, %add3A_439, %le3A_440 : i32
      %convert_element_type3A_442 = arith.extui %le3A_441 : i1 to i32
      %cond3A_443 = arith.constant 0 : i32
      %cond3A_444 = arith.cmpi ne, %convert_element_type3A_442, %cond3A_443 : i32
      scf.if %cond3A_444 {
        %add3A_445 = arith.addi %mul3A_2, %add3A_394 : i32
        %add3A_446 = arith.constant 3 : i32
        %add3A_447 = arith.addi %add3A_445, %add3A_446 : i32
        %dma_start3A_448 = arith.constant 2 : i32
        %dma_start3A_449 = arith.constant 0 : i32
        %dma_start3A_450 = arith.constant 0 : i32
        %dma_start3A_451 = tpu.memref_slice %arg9[%dma_start3A_448, %dma_start3A_449, %dma_start3A_450] : memref<3x1x120xi32, #tpu.memory_space<vmem>> -> memref<1x1x120xi32, #tpu.memory_space<vmem>>
        %dma_start3A_452 = tpu.memref_squeeze %dma_start3A_451 : memref<1x1x120xi32, #tpu.memory_space<vmem>> -> memref<1x120xi32, #tpu.memory_space<vmem>>
        %dma_start3A_453 = arith.constant 0 : i32
        %dma_start3A_454 = arith.constant 0 : i32
        %dma_start3A_455 = tpu.memref_slice %arg3[%add3A_447, %dma_start3A_453, %dma_start3A_454] : memref<2688x1x120xi32, #tpu.memory_space<hbm>> -> memref<1x1x120xi32, #tpu.memory_space<hbm>>
        %dma_start3A_456 = tpu.memref_squeeze %dma_start3A_455 : memref<1x1x120xi32, #tpu.memory_space<hbm>> -> memref<1x120xi32, #tpu.memory_space<hbm>>
        %dma_start3A_457 = arith.constant 0 : i32
        %dma_start3A_458 = arith.constant 0 : i32
        %dma_start3A_459 = tpu.memref_slice %arg9[%dma_start3A_448, %dma_start3A_457, %dma_start3A_458] : memref<3x1x120xi32, #tpu.memory_space<vmem>> -> memref<1x1x120xi32, #tpu.memory_space<vmem>>
        %dma_start3A_460 = tpu.memref_squeeze %dma_start3A_459 : memref<1x1x120xi32, #tpu.memory_space<vmem>> -> memref<1x120xi32, #tpu.memory_space<vmem>>
        %dma_start3A_461 = arith.constant 0 : i32
        %dma_start3A_462 = arith.constant 0 : i32
        %dma_start3A_463 = tpu.memref_slice %arg3[%add3A_447, %dma_start3A_461, %dma_start3A_462] : memref<2688x1x120xi32, #tpu.memory_space<hbm>> -> memref<1x1x120xi32, #tpu.memory_space<hbm>>
        %dma_start3A_464 = tpu.memref_squeeze %dma_start3A_463 : memref<1x1x120xi32, #tpu.memory_space<hbm>> -> memref<1x120xi32, #tpu.memory_space<hbm>>
        tpu.enqueue_dma source(%dma_start3A_464 : memref<1x120xi32, #tpu.memory_space<hbm>>) target(%dma_start3A_460 : memref<1x120xi32, #tpu.memory_space<vmem>>) target_semaphore(%arg19 : memref<!tpu.dma_semaphore, #tpu.memory_space<semaphore_mem>>)
        %add3A_465 = arith.addi %mul3A_2, %add3A_394 : i32
        %add3A_466 = arith.constant 3 : i32
        %add3A_467 = arith.addi %add3A_465, %add3A_466 : i32
        %dma_start3A_468 = arith.constant 2 : i32
        %dma_start3A_469 = arith.constant 0 : i32
        %dma_start3A_470 = arith.constant 0 : i32
        %dma_start3A_471 = tpu.memref_slice %arg10[%dma_start3A_468, %dma_start3A_469, %dma_start3A_470] : memref<6x1x120xi32, #tpu.memory_space<vmem>> -> memref<1x1x120xi32, #tpu.memory_space<vmem>>
        %dma_start3A_472 = tpu.memref_squeeze %dma_start3A_471 : memref<1x1x120xi32, #tpu.memory_space<vmem>> -> memref<1x120xi32, #tpu.memory_space<vmem>>
        %dma_start3A_473 = arith.constant 0 : i32
        %dma_start3A_474 = arith.constant 0 : i32
        %dma_start3A_475 = tpu.memref_slice %arg4[%add3A_467, %dma_start3A_473, %dma_start3A_474] : memref<2688x1x120xi32, #tpu.memory_space<hbm>> -> memref<1x1x120xi32, #tpu.memory_space<hbm>>
        %dma_start3A_476 = tpu.memref_squeeze %dma_start3A_475 : memref<1x1x120xi32, #tpu.memory_space<hbm>> -> memref<1x120xi32, #tpu.memory_space<hbm>>
        %dma_start3A_477 = arith.constant 0 : i32
        %dma_start3A_478 = arith.constant 0 : i32
        %dma_start3A_479 = tpu.memref_slice %arg10[%dma_start3A_468, %dma_start3A_477, %dma_start3A_478] : memref<6x1x120xi32, #tpu.memory_space<vmem>> -> memref<1x1x120xi32, #tpu.memory_space<vmem>>
        %dma_start3A_480 = tpu.memref_squeeze %dma_start3A_479 : memref<1x1x120xi32, #tpu.memory_space<vmem>> -> memref<1x120xi32, #tpu.memory_space<vmem>>
        %dma_start3A_481 = arith.constant 0 : i32
        %dma_start3A_482 = arith.constant 0 : i32
        %dma_start3A_483 = tpu.memref_slice %arg4[%add3A_467, %dma_start3A_481, %dma_start3A_482] : memref<2688x1x120xi32, #tpu.memory_space<hbm>> -> memref<1x1x120xi32, #tpu.memory_space<hbm>>
        %dma_start3A_484 = tpu.memref_squeeze %dma_start3A_483 : memref<1x1x120xi32, #tpu.memory_space<hbm>> -> memref<1x120xi32, #tpu.memory_space<hbm>>
        tpu.enqueue_dma source(%dma_start3A_484 : memref<1x120xi32, #tpu.memory_space<hbm>>) target(%dma_start3A_480 : memref<1x120xi32, #tpu.memory_space<vmem>>) target_semaphore(%arg22 : memref<!tpu.dma_semaphore, #tpu.memory_space<semaphore_mem>>)
      } else {
      }
    }
    %scan3A_83 = arith.constant 14 : i32
    %dma_wait3A = arith.constant 0 : i32
    %dma_wait3A_84 = arith.constant 0 : i32
    %dma_wait3A_85 = arith.constant 0 : i32
    %dma_wait3A_86 = arith.constant 0 : i32
    %dma_wait3A_87 = arith.constant 0 : i32
    %dma_wait3A_88 = tpu.memref_slice %arg8[%dma_wait3A, %dma_wait3A_86, %dma_wait3A_87] : memref<3x120x128xf32, #tpu.memory_space<vmem>> -> memref<1x120x128xf32, #tpu.memory_space<vmem>>
    %dma_wait3A_89 = tpu.memref_squeeze %dma_wait3A_88 : memref<1x120x128xf32, #tpu.memory_space<vmem>> -> memref<120x128xf32, #tpu.memory_space<vmem>>
    %dma_wait3A_90 = arith.constant 0 : i32
    %dma_wait3A_91 = tpu.memref_slice %arg10[%dma_wait3A_84, %dma_wait3A_85, %dma_wait3A_90] : memref<6x1x120xi32, #tpu.memory_space<vmem>> -> memref<1x1x120xi32, #tpu.memory_space<vmem>>
    %dma_wait3A_92 = tpu.memref_squeeze %dma_wait3A_91 : memref<1x1x120xi32, #tpu.memory_space<vmem>> -> memref<120xi32, #tpu.memory_space<vmem>>
    %dma_wait3A_93 = arith.constant 0 : i32
    %dma_wait3A_94 = arith.constant 0 : i32
    %dma_wait3A_95 = tpu.memref_slice %arg7[%dma_wait3A_93, %dma_wait3A_94] : memref<10240x128xf32, #tpu.memory_space<vmem_shared>> -> memref<10240x128xf32, #tpu.memory_space<vmem_shared>>
    tpu.wait_indirect_dma semaphore(%arg14 : memref<!tpu.dma_semaphore, #tpu.memory_space<semaphore_mem>>) src(%dma_wait3A_89 : memref<120x128xf32, #tpu.memory_space<vmem>>) dst(%dma_wait3A_95 : memref<10240x128xf32, #tpu.memory_space<vmem_shared>>)
    %dma_wait3A_96 = arith.constant 1 : i32
    %dma_wait3A_97 = arith.constant 1 : i32
    %dma_wait3A_98 = arith.constant 0 : i32
    %dma_wait3A_99 = arith.constant 0 : i32
    %dma_wait3A_100 = arith.constant 0 : i32
    %dma_wait3A_101 = tpu.memref_slice %arg8[%dma_wait3A_96, %dma_wait3A_99, %dma_wait3A_100] : memref<3x120x128xf32, #tpu.memory_space<vmem>> -> memref<1x120x128xf32, #tpu.memory_space<vmem>>
    %dma_wait3A_102 = tpu.memref_squeeze %dma_wait3A_101 : memref<1x120x128xf32, #tpu.memory_space<vmem>> -> memref<120x128xf32, #tpu.memory_space<vmem>>
    %dma_wait3A_103 = arith.constant 0 : i32
    %dma_wait3A_104 = tpu.memref_slice %arg10[%dma_wait3A_97, %dma_wait3A_98, %dma_wait3A_103] : memref<6x1x120xi32, #tpu.memory_space<vmem>> -> memref<1x1x120xi32, #tpu.memory_space<vmem>>
    %dma_wait3A_105 = tpu.memref_squeeze %dma_wait3A_104 : memref<1x1x120xi32, #tpu.memory_space<vmem>> -> memref<120xi32, #tpu.memory_space<vmem>>
    %dma_wait3A_106 = arith.constant 0 : i32
    %dma_wait3A_107 = arith.constant 0 : i32
    %dma_wait3A_108 = tpu.memref_slice %arg7[%dma_wait3A_106, %dma_wait3A_107] : memref<10240x128xf32, #tpu.memory_space<vmem_shared>> -> memref<10240x128xf32, #tpu.memory_space<vmem_shared>>
    tpu.wait_indirect_dma semaphore(%arg15 : memref<!tpu.dma_semaphore, #tpu.memory_space<semaphore_mem>>) src(%dma_wait3A_102 : memref<120x128xf32, #tpu.memory_space<vmem>>) dst(%dma_wait3A_108 : memref<10240x128xf32, #tpu.memory_space<vmem_shared>>)
    %dma_wait3A_109 = arith.constant 2 : i32
    %dma_wait3A_110 = arith.constant 2 : i32
    %dma_wait3A_111 = arith.constant 0 : i32
    %dma_wait3A_112 = arith.constant 0 : i32
    %dma_wait3A_113 = arith.constant 0 : i32
    %dma_wait3A_114 = tpu.memref_slice %arg8[%dma_wait3A_109, %dma_wait3A_112, %dma_wait3A_113] : memref<3x120x128xf32, #tpu.memory_space<vmem>> -> memref<1x120x128xf32, #tpu.memory_space<vmem>>
    %dma_wait3A_115 = tpu.memref_squeeze %dma_wait3A_114 : memref<1x120x128xf32, #tpu.memory_space<vmem>> -> memref<120x128xf32, #tpu.memory_space<vmem>>
    %dma_wait3A_116 = arith.constant 0 : i32
    %dma_wait3A_117 = tpu.memref_slice %arg10[%dma_wait3A_110, %dma_wait3A_111, %dma_wait3A_116] : memref<6x1x120xi32, #tpu.memory_space<vmem>> -> memref<1x1x120xi32, #tpu.memory_space<vmem>>
    %dma_wait3A_118 = tpu.memref_squeeze %dma_wait3A_117 : memref<1x1x120xi32, #tpu.memory_space<vmem>> -> memref<120xi32, #tpu.memory_space<vmem>>
    %dma_wait3A_119 = arith.constant 0 : i32
    %dma_wait3A_120 = arith.constant 0 : i32
    %dma_wait3A_121 = tpu.memref_slice %arg7[%dma_wait3A_119, %dma_wait3A_120] : memref<10240x128xf32, #tpu.memory_space<vmem_shared>> -> memref<10240x128xf32, #tpu.memory_space<vmem_shared>>
    tpu.wait_indirect_dma semaphore(%arg16 : memref<!tpu.dma_semaphore, #tpu.memory_space<semaphore_mem>>) src(%dma_wait3A_115 : memref<120x128xf32, #tpu.memory_space<vmem>>) dst(%dma_wait3A_121 : memref<10240x128xf32, #tpu.memory_space<vmem_shared>>)
    %barrier3A_122 = arith.constant 0 : index
    tpu.barrier barrier_id(%barrier3A_122)
    %mul3A_123 = arith.constant 640 : i32
    %mul3A_124 = arith.muli %arg1, %mul3A_123 : i32
    "tpu.region"() ({
      %run_scoped3A_125 = tpu.sem_alloc : memref<!tpu.dma_semaphore, #tpu.memory_space<semaphore_mem>>
      %dma_start3A_126 = arith.constant 0 : i32
      %dma_start3A_127 = tpu.memref_slice %arg6[%arg0, %mul3A_124, %dma_start3A_126] : memref<2x10240x128xf32, #tpu.memory_space<hbm>> -> memref<1x640x128xf32, #tpu.memory_space<hbm>>
      %dma_start3A_128 = tpu.memref_squeeze %dma_start3A_127 : memref<1x640x128xf32, #tpu.memory_space<hbm>> -> memref<640x128xf32, #tpu.memory_space<hbm>>
      %dma_start3A_129 = arith.constant 0 : i32
      %dma_start3A_130 = tpu.memref_slice %arg7[%mul3A_124, %dma_start3A_129] : memref<10240x128xf32, #tpu.memory_space<vmem_shared>> -> memref<640x128xf32, #tpu.memory_space<vmem_shared>>
      tpu.enqueue_dma source(%dma_start3A_130 : memref<640x128xf32, #tpu.memory_space<vmem_shared>>) target(%dma_start3A_128 : memref<640x128xf32, #tpu.memory_space<hbm>>) target_semaphore(%run_scoped3A_125 : memref<!tpu.dma_semaphore, #tpu.memory_space<semaphore_mem>>)
      %dma_wait3A_131 = arith.constant 0 : i32
      %dma_wait3A_132 = tpu.memref_slice %arg6[%arg0, %mul3A_124, %dma_wait3A_131] : memref<2x10240x128xf32, #tpu.memory_space<hbm>> -> memref<1x640x128xf32, #tpu.memory_space<hbm>>
      %dma_wait3A_133 = tpu.memref_squeeze %dma_wait3A_132 : memref<1x640x128xf32, #tpu.memory_space<hbm>> -> memref<640x128xf32, #tpu.memory_space<hbm>>
      %dma_wait3A_134 = arith.constant 0 : i32
      %dma_wait3A_135 = tpu.memref_slice %arg7[%mul3A_124, %dma_wait3A_134] : memref<10240x128xf32, #tpu.memory_space<vmem_shared>> -> memref<640x128xf32, #tpu.memory_space<vmem_shared>>
      tpu.wait_dma2 semaphore(%run_scoped3A_125 : memref<!tpu.dma_semaphore, #tpu.memory_space<semaphore_mem>>) src(%dma_wait3A_135 : memref<640x128xf32, #tpu.memory_space<vmem_shared>>) dst(%dma_wait3A_133 : memref<640x128xf32, #tpu.memory_space<hbm>>)
      tpu.yield
    }) : () -> ()
    return
  }
}

module attributes {stable_mosaic.version = 14 : i64} {
  func.func @_gidx_body(%arg0: memref<2500x128xi32, #tpu.memory_space<vmem>>, %arg1: memref<2500x128xi32, #tpu.memory_space<vmem>>, %arg2: memref<2500x128xi32, #tpu.memory_space<vmem>>) attributes {dimension_semantics = [], scalar_prefetch = 0 : i64, scratch_operands = 0 : i64, tpu.core_type = #tpu.core_type<tc>} {
    %get3A = arith.constant 0 : index
    %get3A_0 = arith.constant 0 : index
    %get3A_1 = vector.load %arg1[%get3A, %get3A_0] : memref<2500x128xi32, #tpu.memory_space<vmem>>, vector<2500x128xi32>
    %mul3A = arith.constant 10240 : i32
    %mul3A_2 = vector.broadcast %mul3A : i32 to vector<2500x128xi32>
    %mul3A_3 = arith.muli %get3A_1, %mul3A_2 : vector<2500x128xi32>
    %get3A_4 = arith.constant 0 : index
    %get3A_5 = arith.constant 0 : index
    %get3A_6 = vector.load %arg0[%get3A_4, %get3A_5] : memref<2500x128xi32, #tpu.memory_space<vmem>>, vector<2500x128xi32>
    %add3A = arith.addi %mul3A_3, %get3A_6 : vector<2500x128xi32>
    %swap3A = arith.constant 0 : index
    %swap3A_7 = arith.constant 0 : index
    %swap3A_8 = vector.load %arg2[%swap3A, %swap3A_7] : memref<2500x128xi32, #tpu.memory_space<vmem>>, vector<2500x128xi32>
    tpu.vector_store %arg2[%swap3A, %swap3A_7], %add3A {strides = array<i32>} : memref<2500x128xi32, #tpu.memory_space<vmem>>, vector<2500x128xi32>,
    return
  }
}

module attributes {stable_mosaic.version = 14 : i64} {
  func.func @_w_body(%arg0: memref<2x30xf32, #tpu.memory_space<vmem>>, %arg1: memref<30x16384xf32, #tpu.memory_space<vmem>>, %arg2: memref<2x16384xf32, #tpu.memory_space<vmem>>) attributes {dimension_semantics = [], scalar_prefetch = 0 : i64, scratch_operands = 0 : i64, tpu.core_type = #tpu.core_type<tc>} {
    %get3A = arith.constant 0 : index
    %get3A_0 = arith.constant 0 : index
    %get3A_1 = vector.load %arg0[%get3A, %get3A_0] : memref<2x30xf32, #tpu.memory_space<vmem>>, vector<2x30xf32>
    %get3A_2 = arith.constant 0 : index
    %get3A_3 = arith.constant 0 : index
    %get3A_4 = vector.load %arg1[%get3A_2, %get3A_3] : memref<30x16384xf32, #tpu.memory_space<vmem>>, vector<30x16384xf32>
    %dot_general3A = arith.constant dense<0.000000e+00> : vector<2x16384xf32>
    %dot_general3A_5 = tpu.matmul %get3A_1, %get3A_4, %dot_general3A {dimension_numbers = #tpu.dot_dimension_numbers<[1], [0], [0], [1], [0, 0, 1, 1], [], []>, precision = #tpu.contract_precision<fp32>, transpose_lhs_hint = false} : vector<2x30xf32>, vector<30x16384xf32>, vector<2x16384xf32> -> vector<2x16384xf32>
    %swap3A = arith.constant 0 : index
    %swap3A_6 = arith.constant 0 : index
    %swap3A_7 = vector.load %arg2[%swap3A, %swap3A_6] : memref<2x16384xf32, #tpu.memory_space<vmem>>, vector<2x16384xf32>
    tpu.vector_store %arg2[%swap3A, %swap3A_6], %dot_general3A_5 {strides = array<i32>} : memref<2x16384xf32, #tpu.memory_space<vmem>>, vector<2x16384xf32>,
    return
  }
}

module attributes {stable_mosaic.version = 14 : i64} {
  func.func @_prep_body(%arg0: i32, %arg1: memref<1x1024x128xf32, #tpu.memory_space<vmem>>, %arg2: memref<2x128x128xf32, #tpu.memory_space<vmem>>, %arg3: memref<128x2xf32, #tpu.memory_space<vmem>>, %arg4: memref<128x128xf32, #tpu.memory_space<vmem>>, %arg5: memref<1x128xf32, #tpu.memory_space<vmem>>, %arg6: memref<2x1024x128xf32, #tpu.memory_space<vmem>>, %arg7: memref<2x1024x128xf32, #tpu.memory_space<vmem>>) attributes {dimension_semantics = [#tpu.dimension_semantics<arbitrary>], iteration_bounds = array<i64: 10>, scalar_prefetch = 0 : i64, scratch_operands = 0 : i64, tpu.core_type = #tpu.core_type<tc>, window_params = [{transform_indices = @transform_0, window_bounds = array<i64: 1, 1024, 128>}, {pipeline_mode = #tpu.pipeline_mode<synchronous>, transform_indices = @transform_1, window_bounds = array<i64: 2, 128, 128>}, {pipeline_mode = #tpu.pipeline_mode<synchronous>, transform_indices = @transform_2, window_bounds = array<i64: 128, 2>}, {pipeline_mode = #tpu.pipeline_mode<synchronous>, transform_indices = @transform_3, window_bounds = array<i64: 128, 128>}, {pipeline_mode = #tpu.pipeline_mode<synchronous>, transform_indices = @transform_4, window_bounds = array<i64: 1, 128>}, {transform_indices = @transform_5, window_bounds = array<i64: 2, 1024, 128>}, {transform_indices = @transform_6, window_bounds = array<i64: 2, 1024, 128>}]} {
    %get3A = arith.constant 0 : index
    %get3A_0 = arith.constant 0 : index
    %get3A_1 = arith.constant 0 : index
    %get3A_2 = vector.load %arg1[%get3A, %get3A_0, %get3A_1] : memref<1x1024x128xf32, #tpu.memory_space<vmem>>, vector<1x1024x128xf32>
    %get3A_3 = vector.shape_cast %get3A_2 : vector<1x1024x128xf32> to vector<1024x128xf32>
    %get3A_4 = arith.constant 0 : index
    %get3A_5 = arith.constant 0 : index
    %get3A_6 = vector.load %arg3[%get3A_4, %get3A_5] : memref<128x2xf32, #tpu.memory_space<vmem>>, vector<128x2xf32>
    %dot_general3A = arith.constant dense<0.000000e+00> : vector<1024x2xf32>
    %dot_general3A_7 = tpu.matmul %get3A_3, %get3A_6, %dot_general3A {dimension_numbers = #tpu.dot_dimension_numbers<[1], [0], [0], [1], [0, 0, 1, 1], [], []>, precision = #tpu.contract_precision<fp32>, transpose_lhs_hint = false} : vector<1024x128xf32>, vector<128x2xf32>, vector<1024x2xf32> -> vector<1024x2xf32>
    %logistic3A = arith.negf %dot_general3A_7 : vector<1024x2xf32>
    %logistic3A_8 = math.exp %logistic3A : vector<1024x2xf32>
    %logistic3A_9 = arith.constant 1.000000e+00 : f32
    %logistic3A_10 = vector.broadcast %logistic3A_9 : f32 to vector<1024x2xf32>
    %logistic3A_11 = arith.addf %logistic3A_10, %logistic3A_8 : vector<1024x2xf32>
    %logistic3A_12 = arith.divf %logistic3A_10, %logistic3A_11 : vector<1024x2xf32>
    %slice3A = vector.extract_strided_slice %logistic3A_12 {offsets = [0, 0], sizes = [1024, 1], strides = [1, 1]} : vector<1024x2xf32> to vector<1024x1xf32>
    %get3A_13 = arith.constant 0 : index
    %get3A_14 = arith.constant 0 : index
    %get3A_15 = arith.constant 0 : index
    %get3A_16 = vector.load %arg2[%get3A_13, %get3A_14, %get3A_15] : memref<2x128x128xf32, #tpu.memory_space<vmem>>, vector<1x128x128xf32>
    %get3A_17 = vector.shape_cast %get3A_16 : vector<1x128x128xf32> to vector<128x128xf32>
    %dot_general3A_18 = arith.constant dense<0.000000e+00> : vector<1024x128xf32>
    %dot_general3A_19 = tpu.matmul %get3A_3, %get3A_17, %dot_general3A_18 {dimension_numbers = #tpu.dot_dimension_numbers<[1], [0], [0], [1], [0, 0, 1, 1], [], []>, precision = #tpu.contract_precision<fp32>, transpose_lhs_hint = false} : vector<1024x128xf32>, vector<128x128xf32>, vector<1024x128xf32> -> vector<1024x128xf32>
    %mul3A = vector.broadcast %slice3A : vector<1024x1xf32> to vector<1024x128xf32>
    %mul3A_20 = arith.mulf %mul3A, %dot_general3A_19 : vector<1024x128xf32>
    %swap3A = arith.constant 0 : index
    %swap3A_21 = arith.constant 0 : index
    %swap3A_22 = arith.constant 0 : index
    %swap3A_23 = vector.load %arg6[%swap3A, %swap3A_21, %swap3A_22] : memref<2x1024x128xf32, #tpu.memory_space<vmem>>, vector<1x1024x128xf32>
    %swap3A_24 = vector.shape_cast %swap3A_23 : vector<1x1024x128xf32> to vector<1024x128xf32>
    %swap3A_25 = vector.shape_cast %mul3A_20 : vector<1024x128xf32> to vector<1x1024x128xf32>
    tpu.vector_store %arg6[%swap3A, %swap3A_21, %swap3A_22], %swap3A_25 {strides = array<i32>} : memref<2x1024x128xf32, #tpu.memory_space<vmem>>, vector<1x1024x128xf32>,
    %slice3A_26 = vector.extract_strided_slice %logistic3A_12 {offsets = [0, 1], sizes = [1024, 1], strides = [1, 1]} : vector<1024x2xf32> to vector<1024x1xf32>
    %get3A_27 = arith.constant 1 : index
    %get3A_28 = arith.constant 0 : index
    %get3A_29 = arith.constant 0 : index
    %get3A_30 = vector.load %arg2[%get3A_27, %get3A_28, %get3A_29] : memref<2x128x128xf32, #tpu.memory_space<vmem>>, vector<1x128x128xf32>
    %get3A_31 = vector.shape_cast %get3A_30 : vector<1x128x128xf32> to vector<128x128xf32>
    %dot_general3A_32 = arith.constant dense<0.000000e+00> : vector<1024x128xf32>
    %dot_general3A_33 = tpu.matmul %get3A_3, %get3A_31, %dot_general3A_32 {dimension_numbers = #tpu.dot_dimension_numbers<[1], [0], [0], [1], [0, 0, 1, 1], [], []>, precision = #tpu.contract_precision<fp32>, transpose_lhs_hint = false} : vector<1024x128xf32>, vector<128x128xf32>, vector<1024x128xf32> -> vector<1024x128xf32>
    %mul3A_34 = vector.broadcast %slice3A_26 : vector<1024x1xf32> to vector<1024x128xf32>
    %mul3A_35 = arith.mulf %mul3A_34, %dot_general3A_33 : vector<1024x128xf32>
    %swap3A_36 = arith.constant 1 : index
    %swap3A_37 = arith.constant 0 : index
    %swap3A_38 = arith.constant 0 : index
    %swap3A_39 = vector.load %arg6[%swap3A_36, %swap3A_37, %swap3A_38] : memref<2x1024x128xf32, #tpu.memory_space<vmem>>, vector<1x1024x128xf32>
    %swap3A_40 = vector.shape_cast %swap3A_39 : vector<1x1024x128xf32> to vector<1024x128xf32>
    %swap3A_41 = vector.shape_cast %mul3A_35 : vector<1024x128xf32> to vector<1x1024x128xf32>
    tpu.vector_store %arg6[%swap3A_36, %swap3A_37, %swap3A_38], %swap3A_41 {strides = array<i32>} : memref<2x1024x128xf32, #tpu.memory_space<vmem>>, vector<1x1024x128xf32>,
    %get3A_42 = arith.constant 0 : index
    %get3A_43 = arith.constant 0 : index
    %get3A_44 = vector.load %arg4[%get3A_42, %get3A_43] : memref<128x128xf32, #tpu.memory_space<vmem>>, vector<128x128xf32>
    %dot_general3A_45 = arith.constant dense<0.000000e+00> : vector<1024x128xf32>
    %dot_general3A_46 = tpu.matmul %get3A_3, %get3A_44, %dot_general3A_45 {dimension_numbers = #tpu.dot_dimension_numbers<[1], [0], [0], [1], [0, 0, 1, 1], [], []>, precision = #tpu.contract_precision<fp32>, transpose_lhs_hint = false} : vector<1024x128xf32>, vector<128x128xf32>, vector<1024x128xf32> -> vector<1024x128xf32>
    %get3A_47 = arith.constant 0 : index
    %get3A_48 = arith.constant 0 : index
    %get3A_49 = vector.load %arg5[%get3A_47, %get3A_48] : memref<1x128xf32, #tpu.memory_space<vmem>>, vector<1x128xf32>
    %add3A = vector.broadcast %get3A_49 : vector<1x128xf32> to vector<1024x128xf32>
    %add3A_50 = arith.addf %dot_general3A_46, %add3A : vector<1024x128xf32>
    %swap3A_51 = arith.constant 0 : index
    %swap3A_52 = arith.constant 0 : index
    %swap3A_53 = arith.constant 0 : index
    %swap3A_54 = vector.load %arg7[%swap3A_51, %swap3A_52, %swap3A_53] : memref<2x1024x128xf32, #tpu.memory_space<vmem>>, vector<1x1024x128xf32>
    %swap3A_55 = vector.shape_cast %swap3A_54 : vector<1x1024x128xf32> to vector<1024x128xf32>
    %swap3A_56 = vector.shape_cast %add3A_50 : vector<1024x128xf32> to vector<1x1024x128xf32>
    tpu.vector_store %arg7[%swap3A_51, %swap3A_52, %swap3A_53], %swap3A_56 {strides = array<i32>} : memref<2x1024x128xf32, #tpu.memory_space<vmem>>, vector<1x1024x128xf32>,
    %broadcast_in_dim3A = arith.constant 0.000000e+00 : f32
    %broadcast_in_dim3A_57 = vector.broadcast %broadcast_in_dim3A : f32 to vector<1024x128xf32>
    %swap3A_58 = arith.constant 1 : index
    %swap3A_59 = arith.constant 0 : index
    %swap3A_60 = arith.constant 0 : index
    %swap3A_61 = vector.load %arg7[%swap3A_58, %swap3A_59, %swap3A_60] : memref<2x1024x128xf32, #tpu.memory_space<vmem>>, vector<1x1024x128xf32>
    %swap3A_62 = vector.shape_cast %swap3A_61 : vector<1x1024x128xf32> to vector<1024x128xf32>
    %swap3A_63 = vector.shape_cast %broadcast_in_dim3A_57 : vector<1024x128xf32> to vector<1x1024x128xf32>
    tpu.vector_store %arg7[%swap3A_58, %swap3A_59, %swap3A_60], %swap3A_63 {strides = array<i32>} : memref<2x1024x128xf32, #tpu.memory_space<vmem>>, vector<1x1024x128xf32>,
    return
  }
  func.func @transform_0(%arg0: i32) -> (i32, i32, i32) {
    %c0_i32 = arith.constant 0 : i32
    %c0_i32_0 = arith.constant 0 : i32
    %c0_i32_1 = arith.constant 0 : i32
    return %c0_i32, %arg0, %c0_i32_0 : i32, i32, i32
  }
  func.func @transform_1(%arg0: i32) -> (i32, i32, i32) {
    %c0_i32 = arith.constant 0 : i32
    %c0_i32_0 = arith.constant 0 : i32
    %c0_i32_1 = arith.constant 0 : i32
    %c0_i32_2 = arith.constant 0 : i32
    return %c0_i32, %c0_i32_0, %c0_i32_1 : i32, i32, i32
  }
  func.func @transform_2(%arg0: i32) -> (i32, i32) {
    %c0_i32 = arith.constant 0 : i32
    %c0_i32_0 = arith.constant 0 : i32
    %c0_i32_1 = arith.constant 0 : i32
    return %c0_i32, %c0_i32_0 : i32, i32
  }
  func.func @transform_3(%arg0: i32) -> (i32, i32) {
    %c0_i32 = arith.constant 0 : i32
    %c0_i32_0 = arith.constant 0 : i32
    %c0_i32_1 = arith.constant 0 : i32
    return %c0_i32, %c0_i32_0 : i32, i32
  }
  func.func @transform_4(%arg0: i32) -> (i32, i32) {
    %c0_i32 = arith.constant 0 : i32
    %c0_i32_0 = arith.constant 0 : i32
    %c0_i32_1 = arith.constant 0 : i32
    return %c0_i32, %c0_i32_0 : i32, i32
  }
  func.func @transform_5(%arg0: i32) -> (i32, i32, i32) {
    %c0_i32 = arith.constant 0 : i32
    %c0_i32_0 = arith.constant 0 : i32
    %c0_i32_1 = arith.constant 0 : i32
    return %c0_i32, %arg0, %c0_i32_0 : i32, i32, i32
  }
  func.func @transform_6(%arg0: i32) -> (i32, i32, i32) {
    %c0_i32 = arith.constant 0 : i32
    %c0_i32_0 = arith.constant 0 : i32
    %c0_i32_1 = arith.constant 0 : i32
    return %c0_i32, %arg0, %c0_i32_0 : i32, i32, i32
  }
}

module attributes {stable_mosaic.version = 14 : i64} {
  func.func @_prep_body(%arg0: i32, %arg1: memref<2x1024x128xf32, #tpu.memory_space<vmem>>, %arg2: memref<2x128x128xf32, #tpu.memory_space<vmem>>, %arg3: memref<128x2xf32, #tpu.memory_space<vmem>>, %arg4: memref<128x128xf32, #tpu.memory_space<vmem>>, %arg5: memref<1x128xf32, #tpu.memory_space<vmem>>, %arg6: memref<2x1024x128xf32, #tpu.memory_space<vmem>>, %arg7: memref<2x1024x128xf32, #tpu.memory_space<vmem>>) attributes {dimension_semantics = [#tpu.dimension_semantics<arbitrary>], iteration_bounds = array<i64: 10>, scalar_prefetch = 0 : i64, scratch_operands = 0 : i64, tpu.core_type = #tpu.core_type<tc>, window_params = [{transform_indices = @transform_0, window_bounds = array<i64: 2, 1024, 128>}, {pipeline_mode = #tpu.pipeline_mode<synchronous>, transform_indices = @transform_1, window_bounds = array<i64: 2, 128, 128>}, {pipeline_mode = #tpu.pipeline_mode<synchronous>, transform_indices = @transform_2, window_bounds = array<i64: 128, 2>}, {pipeline_mode = #tpu.pipeline_mode<synchronous>, transform_indices = @transform_3, window_bounds = array<i64: 128, 128>}, {pipeline_mode = #tpu.pipeline_mode<synchronous>, transform_indices = @transform_4, window_bounds = array<i64: 1, 128>}, {transform_indices = @transform_5, window_bounds = array<i64: 2, 1024, 128>}, {transform_indices = @transform_6, window_bounds = array<i64: 2, 1024, 128>}]} {
    %get3A = arith.constant 0 : index
    %get3A_0 = arith.constant 0 : index
    %get3A_1 = arith.constant 0 : index
    %get3A_2 = vector.load %arg1[%get3A, %get3A_0, %get3A_1] : memref<2x1024x128xf32, #tpu.memory_space<vmem>>, vector<1x1024x128xf32>
    %get3A_3 = vector.shape_cast %get3A_2 : vector<1x1024x128xf32> to vector<1024x128xf32>
    %get3A_4 = arith.constant 1 : index
    %get3A_5 = arith.constant 0 : index
    %get3A_6 = arith.constant 0 : index
    %get3A_7 = vector.load %arg1[%get3A_4, %get3A_5, %get3A_6] : memref<2x1024x128xf32, #tpu.memory_space<vmem>>, vector<1x1024x128xf32>
    %get3A_8 = vector.shape_cast %get3A_7 : vector<1x1024x128xf32> to vector<1024x128xf32>
    %add3A = arith.addf %get3A_3, %get3A_8 : vector<1024x128xf32>
    %max3A = arith.constant 0.000000e+00 : f32
    %max3A_9 = vector.broadcast %max3A : f32 to vector<1024x128xf32>
    %max3A_10 = arith.maximumf %add3A, %max3A_9 : vector<1024x128xf32>
    %get3A_11 = arith.constant 0 : index
    %get3A_12 = arith.constant 0 : index
    %get3A_13 = vector.load %arg3[%get3A_11, %get3A_12] : memref<128x2xf32, #tpu.memory_space<vmem>>, vector<128x2xf32>
    %dot_general3A = arith.constant dense<0.000000e+00> : vector<1024x2xf32>
    %dot_general3A_14 = tpu.matmul %max3A_10, %get3A_13, %dot_general3A {dimension_numbers = #tpu.dot_dimension_numbers<[1], [0], [0], [1], [0, 0, 1, 1], [], []>, precision = #tpu.contract_precision<fp32>, transpose_lhs_hint = false} : vector<1024x128xf32>, vector<128x2xf32>, vector<1024x2xf32> -> vector<1024x2xf32>
    %logistic3A = arith.negf %dot_general3A_14 : vector<1024x2xf32>
    %logistic3A_15 = math.exp %logistic3A : vector<1024x2xf32>
    %logistic3A_16 = arith.constant 1.000000e+00 : f32
    %logistic3A_17 = vector.broadcast %logistic3A_16 : f32 to vector<1024x2xf32>
    %logistic3A_18 = arith.addf %logistic3A_17, %logistic3A_15 : vector<1024x2xf32>
    %logistic3A_19 = arith.divf %logistic3A_17, %logistic3A_18 : vector<1024x2xf32>
    %slice3A = vector.extract_strided_slice %logistic3A_19 {offsets = [0, 0], sizes = [1024, 1], strides = [1, 1]} : vector<1024x2xf32> to vector<1024x1xf32>
    %get3A_20 = arith.constant 0 : index
    %get3A_21 = arith.constant 0 : index
    %get3A_22 = arith.constant 0 : index
    %get3A_23 = vector.load %arg2[%get3A_20, %get3A_21, %get3A_22] : memref<2x128x128xf32, #tpu.memory_space<vmem>>, vector<1x128x128xf32>
    %get3A_24 = vector.shape_cast %get3A_23 : vector<1x128x128xf32> to vector<128x128xf32>
    %dot_general3A_25 = arith.constant dense<0.000000e+00> : vector<1024x128xf32>
    %dot_general3A_26 = tpu.matmul %max3A_10, %get3A_24, %dot_general3A_25 {dimension_numbers = #tpu.dot_dimension_numbers<[1], [0], [0], [1], [0, 0, 1, 1], [], []>, precision = #tpu.contract_precision<fp32>, transpose_lhs_hint = false} : vector<1024x128xf32>, vector<128x128xf32>, vector<1024x128xf32> -> vector<1024x128xf32>
    %mul3A = vector.broadcast %slice3A : vector<1024x1xf32> to vector<1024x128xf32>
    %mul3A_27 = arith.mulf %mul3A, %dot_general3A_26 : vector<1024x128xf32>
    %swap3A = arith.constant 0 : index
    %swap3A_28 = arith.constant 0 : index
    %swap3A_29 = arith.constant 0 : index
    %swap3A_30 = vector.load %arg6[%swap3A, %swap3A_28, %swap3A_29] : memref<2x1024x128xf32, #tpu.memory_space<vmem>>, vector<1x1024x128xf32>
    %swap3A_31 = vector.shape_cast %swap3A_30 : vector<1x1024x128xf32> to vector<1024x128xf32>
    %swap3A_32 = vector.shape_cast %mul3A_27 : vector<1024x128xf32> to vector<1x1024x128xf32>
    tpu.vector_store %arg6[%swap3A, %swap3A_28, %swap3A_29], %swap3A_32 {strides = array<i32>} : memref<2x1024x128xf32, #tpu.memory_space<vmem>>, vector<1x1024x128xf32>,
    %slice3A_33 = vector.extract_strided_slice %logistic3A_19 {offsets = [0, 1], sizes = [1024, 1], strides = [1, 1]} : vector<1024x2xf32> to vector<1024x1xf32>
    %get3A_34 = arith.constant 1 : index
    %get3A_35 = arith.constant 0 : index
    %get3A_36 = arith.constant 0 : index
    %get3A_37 = vector.load %arg2[%get3A_34, %get3A_35, %get3A_36] : memref<2x128x128xf32, #tpu.memory_space<vmem>>, vector<1x128x128xf32>
    %get3A_38 = vector.shape_cast %get3A_37 : vector<1x128x128xf32> to vector<128x128xf32>
    %dot_general3A_39 = arith.constant dense<0.000000e+00> : vector<1024x128xf32>
    %dot_general3A_40 = tpu.matmul %max3A_10, %get3A_38, %dot_general3A_39 {dimension_numbers = #tpu.dot_dimension_numbers<[1], [0], [0], [1], [0, 0, 1, 1], [], []>, precision = #tpu.contract_precision<fp32>, transpose_lhs_hint = false} : vector<1024x128xf32>, vector<128x128xf32>, vector<1024x128xf32> -> vector<1024x128xf32>
    %mul3A_41 = vector.broadcast %slice3A_33 : vector<1024x1xf32> to vector<1024x128xf32>
    %mul3A_42 = arith.mulf %mul3A_41, %dot_general3A_40 : vector<1024x128xf32>
    %swap3A_43 = arith.constant 1 : index
    %swap3A_44 = arith.constant 0 : index
    %swap3A_45 = arith.constant 0 : index
    %swap3A_46 = vector.load %arg6[%swap3A_43, %swap3A_44, %swap3A_45] : memref<2x1024x128xf32, #tpu.memory_space<vmem>>, vector<1x1024x128xf32>
    %swap3A_47 = vector.shape_cast %swap3A_46 : vector<1x1024x128xf32> to vector<1024x128xf32>
    %swap3A_48 = vector.shape_cast %mul3A_42 : vector<1024x128xf32> to vector<1x1024x128xf32>
    tpu.vector_store %arg6[%swap3A_43, %swap3A_44, %swap3A_45], %swap3A_48 {strides = array<i32>} : memref<2x1024x128xf32, #tpu.memory_space<vmem>>, vector<1x1024x128xf32>,
    %get3A_49 = arith.constant 0 : index
    %get3A_50 = arith.constant 0 : index
    %get3A_51 = vector.load %arg4[%get3A_49, %get3A_50] : memref<128x128xf32, #tpu.memory_space<vmem>>, vector<128x128xf32>
    %dot_general3A_52 = arith.constant dense<0.000000e+00> : vector<1024x128xf32>
    %dot_general3A_53 = tpu.matmul %max3A_10, %get3A_51, %dot_general3A_52 {dimension_numbers = #tpu.dot_dimension_numbers<[1], [0], [0], [1], [0, 0, 1, 1], [], []>, precision = #tpu.contract_precision<fp32>, transpose_lhs_hint = false} : vector<1024x128xf32>, vector<128x128xf32>, vector<1024x128xf32> -> vector<1024x128xf32>
    %get3A_54 = arith.constant 0 : index
    %get3A_55 = arith.constant 0 : index
    %get3A_56 = vector.load %arg5[%get3A_54, %get3A_55] : memref<1x128xf32, #tpu.memory_space<vmem>>, vector<1x128xf32>
    %add3A_57 = vector.broadcast %get3A_56 : vector<1x128xf32> to vector<1024x128xf32>
    %add3A_58 = arith.addf %dot_general3A_53, %add3A_57 : vector<1024x128xf32>
    %swap3A_59 = arith.constant 0 : index
    %swap3A_60 = arith.constant 0 : index
    %swap3A_61 = arith.constant 0 : index
    %swap3A_62 = vector.load %arg7[%swap3A_59, %swap3A_60, %swap3A_61] : memref<2x1024x128xf32, #tpu.memory_space<vmem>>, vector<1x1024x128xf32>
    %swap3A_63 = vector.shape_cast %swap3A_62 : vector<1x1024x128xf32> to vector<1024x128xf32>
    %swap3A_64 = vector.shape_cast %add3A_58 : vector<1024x128xf32> to vector<1x1024x128xf32>
    tpu.vector_store %arg7[%swap3A_59, %swap3A_60, %swap3A_61], %swap3A_64 {strides = array<i32>} : memref<2x1024x128xf32, #tpu.memory_space<vmem>>, vector<1x1024x128xf32>,
    %broadcast_in_dim3A = arith.constant 0.000000e+00 : f32
    %broadcast_in_dim3A_65 = vector.broadcast %broadcast_in_dim3A : f32 to vector<1024x128xf32>
    %swap3A_66 = arith.constant 1 : index
    %swap3A_67 = arith.constant 0 : index
    %swap3A_68 = arith.constant 0 : index
    %swap3A_69 = vector.load %arg7[%swap3A_66, %swap3A_67, %swap3A_68] : memref<2x1024x128xf32, #tpu.memory_space<vmem>>, vector<1x1024x128xf32>
    %swap3A_70 = vector.shape_cast %swap3A_69 : vector<1x1024x128xf32> to vector<1024x128xf32>
    %swap3A_71 = vector.shape_cast %broadcast_in_dim3A_65 : vector<1024x128xf32> to vector<1x1024x128xf32>
    tpu.vector_store %arg7[%swap3A_66, %swap3A_67, %swap3A_68], %swap3A_71 {strides = array<i32>} : memref<2x1024x128xf32, #tpu.memory_space<vmem>>, vector<1x1024x128xf32>,
    return
  }
  func.func @transform_0(%arg0: i32) -> (i32, i32, i32) {
    %c0_i32 = arith.constant 0 : i32
    %c0_i32_0 = arith.constant 0 : i32
    %c0_i32_1 = arith.constant 0 : i32
    return %c0_i32, %arg0, %c0_i32_0 : i32, i32, i32
  }
  func.func @transform_1(%arg0: i32) -> (i32, i32, i32) {
    %c0_i32 = arith.constant 0 : i32
    %c0_i32_0 = arith.constant 0 : i32
    %c0_i32_1 = arith.constant 0 : i32
    %c0_i32_2 = arith.constant 0 : i32
    return %c0_i32, %c0_i32_0, %c0_i32_1 : i32, i32, i32
  }
  func.func @transform_2(%arg0: i32) -> (i32, i32) {
    %c0_i32 = arith.constant 0 : i32
    %c0_i32_0 = arith.constant 0 : i32
    %c0_i32_1 = arith.constant 0 : i32
    return %c0_i32, %c0_i32_0 : i32, i32
  }
  func.func @transform_3(%arg0: i32) -> (i32, i32) {
    %c0_i32 = arith.constant 0 : i32
    %c0_i32_0 = arith.constant 0 : i32
    %c0_i32_1 = arith.constant 0 : i32
    return %c0_i32, %c0_i32_0 : i32, i32
  }
  func.func @transform_4(%arg0: i32) -> (i32, i32) {
    %c0_i32 = arith.constant 0 : i32
    %c0_i32_0 = arith.constant 0 : i32
    %c0_i32_1 = arith.constant 0 : i32
    return %c0_i32, %c0_i32_0 : i32, i32
  }
  func.func @transform_5(%arg0: i32) -> (i32, i32, i32) {
    %c0_i32 = arith.constant 0 : i32
    %c0_i32_0 = arith.constant 0 : i32
    %c0_i32_1 = arith.constant 0 : i32
    return %c0_i32, %arg0, %c0_i32_0 : i32, i32, i32
  }
  func.func @transform_6(%arg0: i32) -> (i32, i32, i32) {
    %c0_i32 = arith.constant 0 : i32
    %c0_i32_0 = arith.constant 0 : i32
    %c0_i32_1 = arith.constant 0 : i32
    return %c0_i32, %arg0, %c0_i32_0 : i32, i32, i32
  }
}

module attributes {stable_mosaic.version = 14 : i64} {
  func.func @_fin_body(%arg0: i32, %arg1: memref<2x2000x128xf32, #tpu.memory_space<vmem>>, %arg2: memref<2000x128xf32, #tpu.memory_space<vmem>>) attributes {dimension_semantics = [#tpu.dimension_semantics<arbitrary>], iteration_bounds = array<i64: 5>, scalar_prefetch = 0 : i64, scratch_operands = 0 : i64, tpu.core_type = #tpu.core_type<tc>, window_params = [{transform_indices = @transform_0, window_bounds = array<i64: 2, 2000, 128>}, {transform_indices = @transform_1, window_bounds = array<i64: 2000, 128>}]} {
    %get3A = arith.constant 0 : index
    %get3A_0 = arith.constant 0 : index
    %get3A_1 = arith.constant 0 : index
    %get3A_2 = vector.load %arg1[%get3A, %get3A_0, %get3A_1] : memref<2x2000x128xf32, #tpu.memory_space<vmem>>, vector<1x2000x128xf32>
    %get3A_3 = vector.shape_cast %get3A_2 : vector<1x2000x128xf32> to vector<2000x128xf32>
    %get3A_4 = arith.constant 1 : index
    %get3A_5 = arith.constant 0 : index
    %get3A_6 = arith.constant 0 : index
    %get3A_7 = vector.load %arg1[%get3A_4, %get3A_5, %get3A_6] : memref<2x2000x128xf32, #tpu.memory_space<vmem>>, vector<1x2000x128xf32>
    %get3A_8 = vector.shape_cast %get3A_7 : vector<1x2000x128xf32> to vector<2000x128xf32>
    %add3A = arith.addf %get3A_3, %get3A_8 : vector<2000x128xf32>
    %swap3A = arith.constant 0 : index
    %swap3A_9 = arith.constant 0 : index
    %swap3A_10 = vector.load %arg2[%swap3A, %swap3A_9] : memref<2000x128xf32, #tpu.memory_space<vmem>>, vector<2000x128xf32>
    tpu.vector_store %arg2[%swap3A, %swap3A_9], %add3A {strides = array<i32>} : memref<2000x128xf32, #tpu.memory_space<vmem>>, vector<2000x128xf32>,
    return
  }
  func.func @transform_0(%arg0: i32) -> (i32, i32, i32) {
    %c0_i32 = arith.constant 0 : i32
    %c0_i32_0 = arith.constant 0 : i32
    %c0_i32_1 = arith.constant 0 : i32
    return %c0_i32, %arg0, %c0_i32_0 : i32, i32, i32
  }
  func.func @transform_1(%arg0: i32) -> (i32, i32) {
    %c0_i32 = arith.constant 0 : i32
    %c0_i32_0 = arith.constant 0 : i32
    return %arg0, %c0_i32 : i32, i32
  }
}

</mosaic_0001>

<sc_bundles>
// kernel: kernel.10.cloned.1.call-start
scs
__scs_entry_jumppad:
0x0: {  	(pc) =	sbr.rel $0x88, $3  }
0x1: {  	(tag) =	ssettag $0x0;
	lr =	simm.s32 $0x1  }
0x2: {  	[smem:$0x3F94] =	sst lr;
	_ =	strace $0xD0000000  }
0x3: {  	_ = 	snop  }
0x4: {  	_ = 	snop  }
0x5: {  	_ = 	snop  }
0x6: {  	_ = 	snop  }
0x7: {  	_ = 	snop  }
__scs_overlays_trampoline_lowered:
0x8: {  	[smem:$0x3FA3] =	sst s0  }
0x9: {  	[smem:$0x3FA4] =	sst s1  }
0xa: {  	[smem:$0x3FA5] =	sst s2  }
0xb: {  	[smem:$0x3FA6] =	sst s3  }
0xc: {  	[smem:$0x3FA7] =	sst s4  }
0xd: {  	[smem:$0x3FA8] =	sst s5  }
0xe: {  	[smem:$0x3FA9] =	sst s6  }
0xf: {  	[smem:$0x3FAA] =	sst s7  }
0x10: {  	[smem:$0x3FAB] =	sst s8  }
0x11: {  	[smem:$0x3FAC] =	sst s9;
	s0 =	simm.s32 @!p0 $0x0  }
0x12: {  	s1 =	sld [smem:$0x3F92];
	s0 =	simm.s32 @p0 $0x1  }
0x13: {  	[smem:$0x3FAD] =	sst s0;
	s0 =	simm.s32 @!p1 $0x0  }
0x14: {  	s2 =	sld [smem:$0x3F91];
	s0 =	simm.s32 @p1 $0x1  }
0x15: {  	[smem:$0x3FAE] =	sst s0;
	s0 =	simm.s32 @!p2 $0x0  }
0x16: {  	s3 =	sld [smem:$0x3FDB];
	s0 =	simm.s32 @p2 $0x1  }
0x17: {  	s4 =	simm.s32 $0x1BF5;
	[smem:$0x3FB0] =	sst s0  }
0x18: {  	s0 =	sld [smem:$0x3F93];
	_ =	swait.ge [sflag:s4], $0x0  }
0x19: {  	s7 =	sld [smem:$0x3F94]  }
0x1a: {  	s8 =	sadd.s32 $0xFFFFE003, lr  }
0x1b: {  	s9 =	sadd.s32 $0xFFFFFEF7, lr;
	s5 =	simm.s32 $0xFFFFFFFF;
	p2 =	slt.u32 s8, $0xFFFFF086  }
0x1c: {  	p1 =	slt.u32 s9, $0xF7A;
	s5 =	simm.s32 @!p2 $0x0  }
0x1d: {  	s5 =	simm.s32 @p1 $0x1;
	p0 =	seq.s32 s7, s2  }
0x1e: {  	s7 =	smul.u32 @!p0 $0xF7A, s2;
	p2 =	seq.s32 @!p0 s5, $0x0  }
0x1f: {  	s9 =	smul.u32 $0xF7A, s1;
	s8 =	simm.s32 @!p0 $0x1BF5;
	p2 =	por !p2, p0  }
0x20: {  	[sflag:s8] =	ssyncset.s32 @!p0 $0xFFFFF086;
	s6 =	sadd.s32 @!p0 s3, s7;
	s7 =	simm.s32 @!p0 $0x108  }
0x21: {  	s3 =	sadd.s32 s3, s9;
	s6 =	sadd.s32 @!p0 $0x88, s6;
	s7 =	simm.s32 @p2 $0x1082  }
0x22: {  	[simem:s7], [sflag:s8] =	dma.local @!p0 [hbm:s6], $0xF7A  }
0x23: {  	s9 =	sor.u32 $0xD0000000, s2;
	s6 =	simm.s32 $0x108;
	_ =	swait.ge @!p0 [sflag:s8], $0x0  }
0x24: {  	s3 =	sadd.s32 $0x88, s3;
	s6 =	simm.s32 @!p1 $0x1082;
	[sflag:s4] =	ssyncset.s32 $0xFFFFF086  }
0x25: {  	[simem:s6], [sflag:s4] =	dma.local [hbm:s3], $0xF7A  }
0x26: {  	[smem:$0x3F94] =	sst s1;
	(tag) =	ssettag s2;
	_ =	strace s9  }
0x27: {  	s1 =	sld [smem:$0x3FA4]  }
0x28: {  	s2 =	sld [smem:$0x3FA5]  }
0x29: {  	s4 =	sld [smem:$0x3FA7]  }
0x2a: {  	p0 =	seq.s32 s5, $0x0;
	s5 =	sld [smem:$0x3FA8]  }
0x2b: {  	s6 =	sld [smem:$0x3FA9]  }
0x2c: {  	s7 =	sld [smem:$0x3FAA]  }
0x2d: {  	s3 =	simm.s32 $0x108;
	s8 =	sld [smem:$0x3FAB]  }
0x2e: {  	s3 =	simm.s32 @!p0 $0x1082;
	s9 =	sld [smem:$0x3FAC]  }
0x2f: {  	lr =	sadd.s32 s0, s3;
	s0 =	sld [smem:$0x3FA3]  }
0x30: {  	s3 =	sld [smem:$0x3FA6]  }
0x31: {  	[smem:$0x3FAF] =	sst s10  }
0x32: {  	s10 =	sld [smem:$0x3FAD];
	_ =	sdelay $0x3  }
0x33: {  	p0 =	seq.s32 s10, $0x1;
	s10 =	sld [smem:$0x3FAF];
	_ =	sdelay $0x3  }
0x34: {  	[smem:$0x3FAF] =	sst s10  }
0x35: {  	s10 =	sld [smem:$0x3FAE];
	_ =	sdelay $0x3  }
0x36: {  	p1 =	seq.s32 s10, $0x1;
	s10 =	sld [smem:$0x3FAF];
	_ =	sdelay $0x3  }
0x37: {  	[smem:$0x3FAF] =	sst s10  }
0x38: {  	s10 =	sld [smem:$0x3FB0]  }
0x39: {  	_ = 	snop;
	(pc) =	sbr.ind lr, $3  }
0x3a: {  	_ = 	snop  }
0x3b: {  	_ = 	snop  }
0x3c: {  	p2 =	seq.s32 s10, $0x1;
	s10 =	sld [smem:$0x3FAF]  }
0x3d: {  	_ =	shalt  }
0x3e: {  	_ =	shalt  }
0x3f: {  	_ =	shalt  }
0x40: {  	_ =	shalt  }
0x41: {  	_ =	shalt  }
0x42: {  	_ =	shalt  }
0x43: {  	_ =	shalt  }
0x44: {  	_ =	shalt  }
0x45: {  	_ =	shalt  }
0x46: {  	_ =	shalt  }
0x47: {  	_ =	shalt  }
0x48: {  	_ =	shalt  }
0x49: {  	_ =	shalt  }
0x4a: {  	_ =	shalt  }
0x4b: {  	_ =	shalt  }
0x4c: {  	_ =	shalt  }
0x4d: {  	_ =	shalt  }
0x4e: {  	_ =	shalt  }
0x4f: {  	_ =	shalt  }
0x50: {  	_ =	shalt  }
0x51: {  	_ =	shalt  }
0x52: {  	_ =	shalt  }
0x53: {  	_ =	shalt  }
0x54: {  	_ =	shalt  }
0x55: {  	_ =	shalt  }
0x56: {  	_ =	shalt  }
0x57: {  	_ =	shalt  }
0x58: {  	_ =	shalt  }
0x59: {  	_ =	shalt  }
0x5a: {  	_ =	shalt  }
0x5b: {  	_ =	shalt  }
0x5c: {  	_ =	shalt  }
0x5d: {  	_ =	shalt  }
0x5e: {  	_ =	shalt  }
0x5f: {  	_ =	shalt  }
0x60: {  	_ =	shalt  }
0x61: {  	_ =	shalt  }
0x62: {  	_ =	shalt  }
0x63: {  	_ =	shalt  }
0x64: {  	_ =	shalt  }
0x65: {  	_ =	shalt  }
0x66: {  	_ =	shalt  }
0x67: {  	_ =	shalt  }
0x68: {  	_ =	shalt  }
0x69: {  	_ =	shalt  }
0x6a: {  	_ =	shalt  }
0x6b: {  	_ =	shalt  }
0x6c: {  	_ =	shalt  }
0x6d: {  	_ =	shalt  }
0x6e: {  	_ =	shalt  }
0x6f: {  	_ =	shalt  }
0x70: {  	_ =	shalt  }
0x71: {  	_ =	shalt  }
0x72: {  	_ =	shalt  }
0x73: {  	_ =	shalt  }
0x74: {  	_ =	shalt  }
0x75: {  	_ =	shalt  }
0x76: {  	_ =	shalt  }
0x77: {  	_ =	shalt  }
0x78: {  	_ =	shalt  }
0x79: {  	_ =	shalt  }
0x7a: {  	_ =	shalt  }
0x7b: {  	_ =	shalt  }
0x7c: {  	_ =	shalt  }
0x7d: {  	_ =	shalt  }
0x7e: {  	_ =	shalt  }
0x7f: {  	_ =	shalt  }
0x80: {  	_ =	shalt  }
0x81: {  	_ =	shalt  }
0x82: {  	_ =	shalt  }
0x83: {  	_ =	shalt  }
0x84: {  	_ =	shalt  }
0x85: {  	_ =	shalt  }
0x86: {  	_ =	shalt  }
0x87: {  	_ =	shalt  }
.Lfunc_end0:
.L_simem_size_0:
called_computation_lowered:
.L_overlay_start_0:
0x88: {  	s2 =	sld [smem:$0x3FD9]  }
0x89: {  	s3 =	sld [smem:$0x3FFE];
	_ =	sdelay $0x1  }
0x8a: {  	s1 =	srdreg.scid  }
0x8b: {  	s0 =	sand.u32 $0x1, s1  }
0x8c: {  	s17 =	sshll.u32 s0, $0xA;
	s2 =	sadd.s32 s3, s2  }
0x8d: {  	s2 =	sadd.s32 s2, s17  }
0x8e: {  	[smem:$0x3FBB] =	sst s2  }
0x8f: {  	_ = 	snop  }
0x90: {  	s2 =	sld [smem:$0x3FD0];
	(tm) =	ssettm $0x1  }
0x91: {  	s18 =	sld [smem:$0x3FFB];
	_ =	sdelay $0x3  }
0x92: {  	_ =	strace s18  }
0x93: {  	s3 =	sld [smem:$0x3FFC];
	_ =	sdelay $0x3  }
0x94: {  	_ =	strace s3  }
0x95: {  	s3 =	sld [smem:$0x3FFD];
	_ =	sdelay $0x3  }
0x96: {  	_ =	strace s3  }
0x97: {  	_ =	strace $0x8FFFFFFF  }
0x98: {  	s19 =	sld [smem:$0x3FDB];
	_ =	sdelay $0x1  }
0x99: {  	s4 =	simm.s32 $_scs_section_size  }
0x9a: {  	s5 =	simm.s32 $_size__tile_overlayer_lowered;
	s6 =	simm.s32 $_tile_overlayer_lowered  }
0x9b: {  	s22 =	simm.s32 $0x1BFF;
	s21 =	sshll.u32 s6, $0x1;
	s3 =	sadd.s32 s4, s19  }
0x9c: {  	s7 =	simm.s32 $0x0;
	s20 =	sshll.u32 s5, $0x1;
	s5 =	sadd.s32 s21, s3  }
0x9d: {  	[timem:s7], [sflag:s22] =	dma.local [hbm:s5], s20  }
0x9e: {  	_ =	swait.ge [sflag:s22], s20  }
0x9f: {  	s4 =	ssub.s32 $0x0, s20;
	[sflag:s22] =	ssyncset.done $0x0  }
0xa0: {  	[sflag:s22] =	ssyncadd.s32 s4;
	_ =	sdelay $0x1  }
0xa1: {  	s23 =	simm.s32 $0x1B8B  }
0xa2: {  	_ =	swait.ge [sflag:s23], $0x1  }
0xa3: {  	[sflag:s23] =	ssyncset.done $0x0  }
0xa4: {  	s25 =	simm.s32 $0x1B8E;
	s24 =	sld [smem:$0x3FFE];
	[sflag:s23] =	ssyncadd.s32 $0xFFFFFFFF  }
0xa5: {  	s26 =	simm.s32 $execute0_lowered;
	[smem:$0x3FD2] =	sst s25  }
0xa6: {  	s5 =	sshll.u32 s26, $0x1;
	_ =	strace $0x80000046;
	[dreg:$0x1] =	wrdreg $0xFFFFFFFF  }
0xa7: {  	s28 =	simm.s32 $_size_execute0_lowered;
	s3 =	sadd.s32 s3, s5;
	[dreg:$0x0] =	wrdreg $0x0  }
0xa8: {  	s5 =	sshll.u32 s28, $0x1;
	[dreg:$0x2] =	wrdreg s3  }
0xa9: {  	[dreg:$0x3] =	wrdreg s5  }
0xaa: {  	[dreg:$0x4] =	wrdreg $0xC0  }
0xab: {  	_ =	task [dreg:s7], $0x5FFFF  }
0xac: {  	[dreg:$0x1] =	wrdreg $0xFFFFFFFF  }
0xad: {  	[dreg:$0x0] =	wrdreg $0x60  }
0xae: {  	[dreg:$0x2] =	wrdreg s24  }
0xaf: {  	[dreg:$0x3] =	wrdreg s2  }
0xb0: {  	[dreg:$0x4] =	wrdreg $0x0  }
0xb1: {  	[dreg:$0x5] =	wrdreg $0x9  }
0xb2: {  	_ =	task.clear_ibuf [dreg:s7], $0x6FFFF;
	_ =	strace $0x90000046  }
0xb3: {  	s29 =	simm.s32 $0x9;
	_ =	strace $0x80000048  }
0xb4: {  	_ =	swait.ge [sflag:s29], $0x1  }
0xb5: {  	[sflag:s29] =	ssyncadd.s32 $0xFFFFFFFF  }
0xb6: {  	_ =	strace $0x90000048  }
0xb7: {  	_ =	sfence  }
0xb8: {  	s30 =	sld [smem:$0x0];
	_ =	sdelay $0x2  }
0xb9: {  	s31 =	sshll.u32 s1, $0xD;
	s1 =	sshrl.u32 s1, $0x2  }
0xba: {  	s3 =	sand.u32 $0x4000, s31;
	s1 =	sadd.s32 s1, s30  }
0xbb: {  	s0 =	sor.u32 s3, s0;
	s1 =	sshll.u32 s1, $0x11  }
0xbc: {  	s0 =	sor.u32 s1, s0  }
0xbd: {  	s0 =	sadd.s32 $0x8F2B, s0  }
0xbe: {  	[sflag:s0] =	ssyncadd.remote.s32 $0x1  }
0xbf: {  	_ =	sfence.sel $0xFFFF  }
0xc0: {  	[dreg:$0x0] =	wrdreg $0xFFFFFFFF;
	(pc) =	sbr.abs _section_cstart, $3  }
0xc1: {  	[dreg:$0x1] =	wrdreg $0xFFFFFFFF  }
0xc2: {  	_ =	task.clear_ibuf [dreg:s7], $0x2FFFF;
	_ =	strace $0x9FFFFFFF  }
0xc3: {  	(tm) =	ssettm $0x7FFFFFFF  }
tec
execute0_lowered:
.L_overlay_start_1:
0x0: {  	(tag) =	ssettag $0x1  }
0x1: {  	s0 =	rddreg [dreg:$0x0]  }
0x2: {  	s1 =	rddreg [dreg:$0x1]  }
0x3: {  	s3 =	srdreg.scid;
	s2 =	rddreg [dreg:$0x2]  }
0x4: {  	s11 =	stileid.u32;
	s28 =	simm.s32 $0x17C00;
	s29 =	simm.s32 $0x1  }
0x5: {  	s30 =	simm.s32 $0x9;
	s13 =	simm.s32 $0x8;
	s14 =	simm.s32 $0xE  }
0x6: {  	s17 =	simm.s32 $0x6;
	s18 =	simm.s32 $0xF;
	s6 =	smul.u32 $0x14000, s11  }
0x7: {  	s15 =	simm.s32 $0xA;
	s16 =	simm.s32 $0xB;
	s10 =	smul.u32 $0x50000, s11  }
0x8: {  	s5 =	sand.u32 $0x1, s3;
	s3 =	simm.s32 $0x0;
	s31 =	smul.u32 $0x540, s11  }
0x9: {  	s7 =	sadd.s32 $0x2400, s0;
	s22 =	sshll.u32 s11, $0x6;
	s4 =	smul.u32 $0x140000, s5  }
0xa: {  	[smem:$0x7FF] =	sst s3;
	s8 =	ssub.s32 $0x2, s5;
	s9 =	sshll.u32 s5, $0x4  }
0xb: {  	s5 =	smul.u32 $0x5400, s5;
	_ =	strace $0x80000047;
	s19 =	sshrl.u32 s8, $0x1  }
0xc: {  	s9 =	sor.u32 s11, s9;
	s20 =	sshrl.u32 s10, $0x2;
	s6 =	sadd.s32 s6, s4  }
0xd: {  	s11 =	simm.s32 $0x3;
	s9 =	smul.u32 $0x540, s9;
	s6 =	sshrl.u32 s6, $0x3  }
0xe: {  	s4 =	sadd.s32 $0x5CC00, s0;
	s0 =	sadd.s32 s6, s0;
	s6 =	ssub.s32 s8, s19  }
0xf: {  	s8 =	sadd.s32 s20, s2;
	s20 =	sor.u32 $0x1C10, s22;
	s23 =	sadd.s32 s1, s9  }
0x10: {  	s24 =	sor.u32 $0x10, s9;
	s12 =	sadd.s32 s7, s9;
	[dreg:$0x6] =	wrdreg s23  }
0x11: {  	s9 =	sor.u32 $0x20, s9;
	s19 =	simm.s32 $0x1F400;
	[dreg:$0x7] =	wrdreg s12  }
0x12: {  	s21 =	sadd.s32 $0xCC00, s0;
	s25 =	sadd.s32 s1, s24;
	[dreg:$0x5] =	wrdreg s20  }
0x13: {  	s10 =	sadd.s32 s7, s24;
	s26 =	sadd.s32 s1, s9;
	[dreg:$0x4] =	wrdreg s21  }
0x14: {  	s9 =	sadd.s32 s7, s9;
	s0 =	sadd.s32 $0xACC00, s0;
	[dreg:$0x8] =	wrdreg s25  }
0x15: {  	s6 =	smax.u32 s6, $0x1;
	s1 =	sadd.s32 s5, s1;
	[dreg:$0x9] =	wrdreg s10  }
0x16: {  	s5 =	sadd.s32 s5, s7;
	s22 =	sshrl.u32 s8, $0x3;
	[dreg:$0xa] =	wrdreg s26  }
0x17: {  	s24 =	simm.s32 $0x10;
	s23 =	simm.s32 $0x1F500;
	[dreg:$0xb] =	wrdreg s9  }
0x18: {  	s7 =	simm.s32 $0x4;
	s8 =	simm.s32 $0x7;
	[dreg:$0xc] =	wrdreg s0  }
.Ltmp0:
0x19: {  	s12 =	simm.s32 $0x5;
	[dreg:$0xd] =	wrdreg s6;
	(pc) =	sbr.rel .LBB2_1-.Ltmp0, $4  }
0x1a: {  	s1 =	sadd.s32 s31, s1;
	s0 =	sadd.s32 s31, s5;
	s21 =	simm.s32 $0x1F480  }
0x1b: {  	s25 =	simm.s32 $0x78;
	s26 =	simm.s32 $0x14000;
	[dreg:$0x10] =	wrdreg s22  }
0x1c: {  	s5 =	simm.s32 $0x2;
	s6 =	simm.s32 $0x0;
	[dreg:$0xe] =	wrdreg s1  }
0x1d: {  	s9 =	simm.s32 $0x1F780;
	[dreg:$0xf] =	wrdreg s0;
	s0 =	simm.s32 $0x1B800  }
.LBB2_4:
0x1e: {  	_ =	swait.ge [sflag:s5], $0x3C00  }
0x1f: {  	[sflag:s5] =	ssyncset.done $0x0  }
0x20: {  	s6 =	simm.s32 $0x1F780;
	[sflag:s5] =	ssyncadd.s32 $0xFFFFC400  }
0x21: {  	[spmem:s2] =	stream.indirect.scatter.add.f32 [tilespmem:s28], [sflag:$0x5], $0x80, s6, s25, $0xb8;
	[tilespmem:$0x1F880] =	vst v63  }
0x22: {  	_ =	swait.ge [sflag:s11], $0x3C00  }
0x23: {  	[sflag:s11] =	ssyncset.done $0x0  }
0x24: {  	[sflag:s11] =	ssyncadd.s32 $0xFFFFC400  }
0x25: {  	[spmem:s2] =	stream.indirect.scatter.add.f32 [tilespmem:s0], [sflag:$0x6], $0x80, s1, s25, $0xb8;
	[tilespmem:$0x1F880] =	vst v63  }
0x26: {  	_ =	swait.ge [sflag:s7], $0x3C00  }
0x27: {  	[sflag:s7] =	ssyncset.done $0x0  }
0x28: {  	[sflag:s7] =	ssyncadd.s32 $0xFFFFC400  }
0x29: {  	_ =	swait.ge [sflag:s12], $0x3C00  }
0x2a: {  	[sflag:s12] =	ssyncset.done $0x0  }
0x2b: {  	[sflag:s12] =	ssyncadd.s32 $0xFFFFC400  }
0x2c: {  	_ =	swait.ge [sflag:s17], $0x3C00  }
0x2d: {  	[sflag:s17] =	ssyncset.done $0x0  }
0x2e: {  	[sflag:s17] =	ssyncadd.s32 $0xFFFFC400  }
0x2f: {  	[bflag:$0x0] =	sbarrier.arrive $0xFFFF  }
0x30: {  	s20 =	rddreg [dreg:$0x5]  }
0x31: {  	s6 =	rddreg [dreg:$0xc]  }
0x32: {  	s24 =	simm.s32 $0x10;
	s22 =	rddreg [dreg:$0x10]  }
0x33: {  	[hbm:s6], [sflag:s20] =	dma.local [spmem:s22], $0x2800  }
0x34: {  	_ =	swait.ge [sflag:s24], $0x2800  }
0x35: {  	s10 =	rddreg [dreg:$0x11]  }
0x36: {  	s31 =	rddreg [dreg:$0xd];
	s6 =	sadd.s32 $0x1, s10  }
0x37: {  	p0 =	sne.s32 s6, s31  }
.Ltmp1:
0x38: {  	_ = 	snop;
	(pc) =	sbr.rel @!p0 .LBB2_5-.Ltmp1, $3  }
0x39: {  	_ =	sdelay $0x1  }
0x3a: {  	[sflag:s24] =	ssyncset.done $0x0  }
0x3b: {  	[sflag:s24] =	ssyncadd.s32 $0xFFFFD800  }
.LBB2_1:
0x3c: {  	[dreg:$0x11] =	wrdreg s6  }
0x3d: {  	s1 =	rddreg [dreg:$0x4]  }
0x3e: {  	[spmem:s22], [sflag:s20] =	dma.local [hbm:s1], $0x2800  }
0x3f: {  	_ =	swait.ge [sflag:s24], $0x2800  }
0x40: {  	[sflag:s24] =	ssyncset.done $0x0  }
0x41: {  	[sflag:s24] =	ssyncadd.s32 $0xFFFFD800  }
0x42: {  	[bflag:$0x0] =	sbarrier.arrive $0xFFFF  }
0x43: {  	s20 =	rddreg [dreg:$0x6]  }
0x44: {  	[tilespmem:s19], [sflag:$0x10] =	stream.linear.gather [hbm4b:s20+s3], $0x80, $0x38;
	[tilespmem:$0x1F880] =	vst v63  }
0x45: {  	_ =	swait.ge [sflag:s24], $0x80  }
0x46: {  	[sflag:s24] =	ssyncset.done $0x0  }
0x47: {  	s10 =	simm.s32 $0x1F580;
	s22 =	rddreg [dreg:$0x7];
	[sflag:s24] =	ssyncadd.s32 $0xFFFFFF80  }
0x48: {  	[tilespmem:s10], [sflag:$0x10] =	stream.linear.gather [hbm4b:s22+s3], $0x80, $0x38;
	[tilespmem:$0x1F880] =	vst v63  }
0x49: {  	_ =	swait.ge [sflag:s24], $0x80  }
0x4a: {  	[sflag:s24] =	ssyncset.done $0x0  }
0x4b: {  	s6 =	rddreg [dreg:$0x8];
	[sflag:s24] =	ssyncadd.s32 $0xFFFFFF80  }
0x4c: {  	[tilespmem:s21], [sflag:$0x10] =	stream.linear.gather [hbm4b:s6+s3], $0x80, $0x38;
	[tilespmem:$0x1F880] =	vst v63  }
0x4d: {  	_ =	swait.ge [sflag:s24], $0x80  }
0x4e: {  	[sflag:s24] =	ssyncset.done $0x0  }
0x4f: {  	s22 =	simm.s32 $0x1F600;
	s20 =	rddreg [dreg:$0x9];
	[sflag:s24] =	ssyncadd.s32 $0xFFFFFF80  }
0x50: {  	[tilespmem:s22], [sflag:$0x10] =	stream.linear.gather [hbm4b:s20+s3], $0x80, $0x38;
	[tilespmem:$0x1F880] =	vst v63  }
0x51: {  	_ =	swait.ge [sflag:s24], $0x80  }
0x52: {  	[sflag:s24] =	ssyncset.done $0x0  }
0x53: {  	s20 =	rddreg [dreg:$0xa];
	[sflag:s24] =	ssyncadd.s32 $0xFFFFFF80  }
0x54: {  	[tilespmem:s23], [sflag:$0x9] =	stream.linear.gather [hbm4b:s20+s3], $0x80, $0x38;
	[tilespmem:$0x1F880] =	vst v63  }
0x55: {  	s22 =	rddreg [dreg:$0xb];
	s24 =	simm.s32 $0x1F680  }
0x56: {  	[tilespmem:s24], [sflag:$0xC] =	stream.linear.gather [hbm4b:s22+s3], $0x80, $0x38;
	[tilespmem:$0x1F880] =	vst v63  }
0x57: {  	_ = 	snop  }
0x58: {  	[tilespmem:s26], [sflag:$0x1] =	stream.indirect.gather [hbm4b:s4+s25], $0x80, s19, s25, $0xb8;
	[tilespmem:$0x1F880] =	vst v63  }
0x59: {  	s31 =	simm.s32 $0x1F800;
	s20 =	simm.s32 $0x0  }
0x5a: {  	[tilespmem:s28], [sflag:$0x2] =	stream.indirect.gather [hbm4b:s4+s25], $0x80, s21, s25, $0xb8;
	[tilespmem:$0x1F880] =	vst v63  }
.LBB2_2:
0x5b: {  	_ =	swait.ge [sflag:s29], $0x3C00  }
0x5c: {  	p0 =	seq.s32 s20, $0x0;
	[sflag:s29] =	ssyncset.done $0x0  }
0x5d: {  	s22 =	simm.s32 @!p0 $0x6;
	[sflag:s29] =	ssyncadd.s32 $0xFFFFC400  }
0x5e: {  	[spmem:s2] =	stream.indirect.scatter.add.f32 [tilespmem:s26], [sflag:$0x4], $0x80, s10, s25, $0xb8;
	[tilespmem:$0x1F880] =	vst v63  }
0x5f: {  	_ =	swait.ge @!p0 [sflag:s22], $0x3C00  }
0x60: {  	[sflag:s22] =	ssyncset.done @!p0 $0x0  }
0x61: {  	[sflag:s22] =	ssyncadd.s32 @!p0 $0xFFFFC400  }
0x62: {  	_ =	swait.ge [sflag:s30], $0x80  }
0x63: {  	[sflag:s30] =	ssyncset.done $0x0  }
0x64: {  	s1 =	simm.s32 $0xC;
	[sflag:s30] =	ssyncadd.s32 $0xFFFFFF80  }
0x65: {  	_ =	swait.ge [sflag:s1], $0x80  }
0x66: {  	[sflag:s1] =	ssyncset.done $0x0;
	s22 =	rddreg [dreg:$0xe]  }
0x67: {  	[sflag:s1] =	ssyncadd.s32 $0xFFFFFF80;
	s22 =	sadd.s32 s20, s22  }
0x68: {  	[tilespmem:s0], [sflag:$0x3] =	stream.indirect.gather [hbm4b:s4+s25], $0x80, s23, s25, $0xb8;
	[tilespmem:$0x1F880] =	vst v63  }
0x69: {  	s24 =	sadd.s32 $0x30, s22  }
0x6a: {  	[tilespmem:s19], [sflag:$0x7] =	stream.linear.gather [hbm4b:s24+s3], $0x80, $0x38;
	[tilespmem:$0x1F880] =	vst v63  }
0x6b: {  	s24 =	rddreg [dreg:$0xf]  }
0x6c: {  	s24 =	sadd.s32 s20, s24  }
0x6d: {  	s6 =	simm.s32 $0x1F700;
	s1 =	sadd.s32 $0x30, s24  }
0x6e: {  	[tilespmem:s6], [sflag:$0xD] =	stream.linear.gather [hbm4b:s1+s3], $0x80, $0x38;
	[tilespmem:$0x1F880] =	vst v63  }
0x6f: {  	_ =	swait.ge [sflag:s5], $0x3C00  }
0x70: {  	[sflag:s5] =	ssyncset.done $0x0  }
0x71: {  	s1 =	simm.s32 $0x1F600;
	[sflag:s5] =	ssyncadd.s32 $0xFFFFC400  }
0x72: {  	[spmem:s2] =	stream.indirect.scatter.add.f32 [tilespmem:s28], [sflag:$0x5], $0x80, s1, s25, $0xb8;
	[tilespmem:$0x1F880] =	vst v63  }
0x73: {  	_ =	swait.ge [sflag:s7], $0x3C00  }
0x74: {  	[sflag:s7] =	ssyncset.done $0x0  }
0x75: {  	[sflag:s7] =	ssyncadd.s32 $0xFFFFC400  }
0x76: {  	_ =	swait.ge [sflag:s8], $0x80  }
0x77: {  	[sflag:s8] =	ssyncset.done $0x0  }
0x78: {  	s1 =	simm.s32 $0xD;
	[sflag:s8] =	ssyncadd.s32 $0xFFFFFF80  }
0x79: {  	_ =	swait.ge [sflag:s1], $0x80  }
0x7a: {  	[sflag:s1] =	ssyncset.done $0x0  }
0x7b: {  	[sflag:s1] =	ssyncadd.s32 $0xFFFFFF80  }
0x7c: {  	[tilespmem:s26], [sflag:$0x1] =	stream.indirect.gather [hbm4b:s4+s25], $0x80, s19, s25, $0xb8;
	[tilespmem:$0x1F880] =	vst v63  }
0x7d: {  	s1 =	sadd.s32 $0x40, s22  }
0x7e: {  	[tilespmem:s21], [sflag:$0x8] =	stream.linear.gather [hbm4b:s1+s3], $0x80, $0x38;
	[tilespmem:$0x1F880] =	vst v63  }
0x7f: {  	s1 =	sadd.s32 $0x40, s24  }
0x80: {  	[tilespmem:s9], [sflag:$0xE] =	stream.linear.gather [hbm4b:s1+s3], $0x80, $0x38;
	[tilespmem:$0x1F880] =	vst v63  }
0x81: {  	_ =	swait.ge [sflag:s11], $0x3C00  }
0x82: {  	[sflag:s11] =	ssyncset.done $0x0  }
0x83: {  	s1 =	simm.s32 $0x1F680;
	[sflag:s11] =	ssyncadd.s32 $0xFFFFC400  }
0x84: {  	[spmem:s2] =	stream.indirect.scatter.add.f32 [tilespmem:s0], [sflag:$0x6], $0x80, s1, s25, $0xb8;
	[tilespmem:$0x1F880] =	vst v63  }
0x85: {  	_ =	swait.ge [sflag:s12], $0x3C00  }
0x86: {  	[sflag:s12] =	ssyncset.done $0x0  }
0x87: {  	[sflag:s12] =	ssyncadd.s32 $0xFFFFC400  }
0x88: {  	_ =	swait.ge [sflag:s13], $0x80  }
0x89: {  	[sflag:s13] =	ssyncset.done $0x0  }
0x8a: {  	[sflag:s13] =	ssyncadd.s32 $0xFFFFFF80  }
0x8b: {  	_ =	swait.ge [sflag:s14], $0x80  }
0x8c: {  	[sflag:s14] =	ssyncset.done $0x0  }
0x8d: {  	[sflag:s14] =	ssyncadd.s32 $0xFFFFFF80  }
0x8e: {  	[tilespmem:s28], [sflag:$0x2] =	stream.indirect.gather [hbm4b:s4+s25], $0x80, s21, s25, $0xb8;
	[tilespmem:$0x1F880] =	vst v63  }
0x8f: {  	s1 =	sadd.s32 $0x50, s22  }
0x90: {  	[tilespmem:s23], [sflag:$0x9] =	stream.linear.gather [hbm4b:s1+s3], $0x80, $0x38;
	[tilespmem:$0x1F880] =	vst v63  }
0x91: {  	s1 =	sadd.s32 $0x50, s24  }
0x92: {  	[tilespmem:s31], [sflag:$0xF] =	stream.linear.gather [hbm4b:s1+s3], $0x80, $0x38;
	[tilespmem:$0x1F880] =	vst v63  }
0x93: {  	_ =	swait.ge [sflag:s29], $0x3C00  }
0x94: {  	[sflag:s29] =	ssyncset.done $0x0  }
0x95: {  	[sflag:s29] =	ssyncadd.s32 $0xFFFFC400  }
0x96: {  	[spmem:s2] =	stream.indirect.scatter.add.f32 [tilespmem:s26], [sflag:$0x4], $0x80, s6, s25, $0xb8;
	[tilespmem:$0x1F880] =	vst v63  }
0x97: {  	_ =	swait.ge [sflag:s17], $0x3C00  }
0x98: {  	[sflag:s17] =	ssyncset.done $0x0  }
0x99: {  	[sflag:s17] =	ssyncadd.s32 $0xFFFFC400  }
0x9a: {  	_ =	swait.ge [sflag:s30], $0x80  }
0x9b: {  	p0 =	seq.s32 s20, $0x4E0;
	[sflag:s30] =	ssyncset.done $0x0  }
.Ltmp2:
0x9c: {  	[sflag:s30] =	ssyncadd.s32 $0xFFFFFF80;
	(pc) =	sbr.rel @p0 .LBB2_4-.Ltmp2, $4  }
0x9d: {  	_ =	swait.ge [sflag:s18], $0x80  }
0x9e: {  	[sflag:s18] =	ssyncset.done $0x0  }
0x9f: {  	s10 =	simm.s32 $0x1F580;
	s1 =	simm.s32 $0x1F800;
	[sflag:s18] =	ssyncadd.s32 $0xFFFFFF80  }
0xa0: {  	[tilespmem:s0], [sflag:$0x3] =	stream.indirect.gather [hbm4b:s4+s25], $0x80, s23, s25, $0xb8;
	[tilespmem:$0x1F880] =	vst v63  }
0xa1: {  	s1 =	sadd.s32 $0x60, s22  }
0xa2: {  	[tilespmem:s19], [sflag:$0x7] =	stream.linear.gather [hbm4b:s1+s3], $0x80, $0x38;
	[tilespmem:$0x1F880] =	vst v63  }
0xa3: {  	s6 =	sadd.s32 $0x60, s24  }
0xa4: {  	[tilespmem:s10], [sflag:$0xA] =	stream.linear.gather [hbm4b:s6+s3], $0x80, $0x38;
	[tilespmem:$0x1F880] =	vst v63  }
0xa5: {  	_ =	swait.ge [sflag:s5], $0x3C00  }
0xa6: {  	[sflag:s5] =	ssyncset.done $0x0  }
0xa7: {  	s10 =	simm.s32 $0x1F780;
	[sflag:s5] =	ssyncadd.s32 $0xFFFFC400  }
0xa8: {  	[spmem:s2] =	stream.indirect.scatter.add.f32 [tilespmem:s28], [sflag:$0x5], $0x80, s10, s25, $0xb8;
	[tilespmem:$0x1F880] =	vst v63  }
0xa9: {  	_ =	swait.ge [sflag:s7], $0x3C00  }
0xaa: {  	[sflag:s7] =	ssyncset.done $0x0  }
0xab: {  	[sflag:s7] =	ssyncadd.s32 $0xFFFFC400  }
0xac: {  	_ =	swait.ge [sflag:s8], $0x80  }
0xad: {  	[sflag:s8] =	ssyncset.done $0x0  }
0xae: {  	[sflag:s8] =	ssyncadd.s32 $0xFFFFFF80  }
0xaf: {  	_ =	swait.ge [sflag:s15], $0x80  }
0xb0: {  	[sflag:s15] =	ssyncset.done $0x0  }
0xb1: {  	[sflag:s15] =	ssyncadd.s32 $0xFFFFFF80  }
0xb2: {  	[tilespmem:s26], [sflag:$0x1] =	stream.indirect.gather [hbm4b:s4+s25], $0x80, s19, s25, $0xb8;
	[tilespmem:$0x1F880] =	vst v63  }
0xb3: {  	s6 =	sadd.s32 $0x70, s22  }
0xb4: {  	[tilespmem:s21], [sflag:$0x8] =	stream.linear.gather [hbm4b:s6+s3], $0x80, $0x38;
	[tilespmem:$0x1F880] =	vst v63  }
0xb5: {  	s10 =	sadd.s32 $0x70, s24;
	s6 =	simm.s32 $0x1F600  }
0xb6: {  	[tilespmem:s6], [sflag:$0xB] =	stream.linear.gather [hbm4b:s10+s3], $0x80, $0x38;
	[tilespmem:$0x1F880] =	vst v63  }
0xb7: {  	_ =	swait.ge [sflag:s11], $0x3C00  }
0xb8: {  	[sflag:s11] =	ssyncset.done $0x0  }
0xb9: {  	s31 =	simm.s32 $0x1F800;
	[sflag:s11] =	ssyncadd.s32 $0xFFFFC400  }
0xba: {  	[spmem:s2] =	stream.indirect.scatter.add.f32 [tilespmem:s0], [sflag:$0x6], $0x80, s31, s25, $0xb8;
	[tilespmem:$0x1F880] =	vst v63  }
0xbb: {  	_ =	swait.ge [sflag:s12], $0x3C00  }
0xbc: {  	[sflag:s12] =	ssyncset.done $0x0  }
0xbd: {  	[sflag:s12] =	ssyncadd.s32 $0xFFFFC400  }
0xbe: {  	_ =	swait.ge [sflag:s13], $0x80  }
0xbf: {  	[sflag:s13] =	ssyncset.done $0x0  }
0xc0: {  	[sflag:s13] =	ssyncadd.s32 $0xFFFFFF80  }
0xc1: {  	_ =	swait.ge [sflag:s16], $0x80  }
0xc2: {  	[sflag:s16] =	ssyncset.done $0x0  }
0xc3: {  	[sflag:s16] =	ssyncadd.s32 $0xFFFFFF80  }
0xc4: {  	[tilespmem:s28], [sflag:$0x2] =	stream.indirect.gather [hbm4b:s4+s25], $0x80, s21, s25, $0xb8;
	[tilespmem:$0x1F880] =	vst v63  }
.Ltmp3:
0xc5: {  	_ = 	snop;
	(pc) =	sbr.rel .LBB2_2-.Ltmp3, $4  }
0xc6: {  	s20 =	sadd.s32 $0x60, s20;
	s10 =	sadd.s32 $0x80, s22  }
0xc7: {  	[tilespmem:s23], [sflag:$0x9] =	stream.linear.gather [hbm4b:s10+s3], $0x80, $0x38;
	[tilespmem:$0x1F880] =	vst v63  }
0xc8: {  	s22 =	sadd.s32 $0x80, s24;
	s24 =	simm.s32 $0x1F680;
	s10 =	simm.s32 $0x1F580  }
0xc9: {  	[tilespmem:s24], [sflag:$0xC] =	stream.linear.gather [hbm4b:s22+s3], $0x80, $0x38;
	[tilespmem:$0x1F880] =	vst v63  }
.LBB2_5:
0xca: {  	_ =	sfence.sel $0x180000  }
0xcb: {  	[bflag:$0x0] =	sbarrier.arrive $0xFFFF  }
0xcc: {  	_ =	strace $0x90000047  }
0xcd: {  	s0 =	stileid.u32;
	[bflag:$0x2] =	sbarrier.arrive $0xFFFF  }
0xce: {  	p0 =	sne.s32 s0, $0x0;
	s0 =	rddreg [dreg:$0x3]  }
0xcf: {  	s0 =	sadd.s32 @!p0 $0x100000, s0  }
0xd0: {  	[sflag:s0] =	ssyncadd.tile.s32 @!p0 $0x1;
	_ =	shalt  }
.Lfunc_end2:
_tile_overlayer_lowered:
.L_overlay_start_2:
0xd1: {  	(tag) =	ssettag $0x2  }
0xd2: {  	s0 =	rddreg [dreg:$0x0];
	s2 =	stileid.u32  }
0xd3: {  	s1 =	rddreg [dreg:$0x1];
	p0 =	sne.s32 s2, $0x0  }
0xd4: {  	s3 =	rddreg [dreg:$0x2];
	[bflag:$0x3] =	sbarrier.arrive $0xFFFF;
	s2 =	simm.s32 @!p0 $0x1C10  }
0xd5: {  	[timem:s3], [sflag:s2] =	dma.local @!p0 [hbm:s0], s1  }
0xd6: {  	s0 =	simm.s32 @!p0 $0x10  }
0xd7: {  	_ =	swait.ge @!p0 [sflag:s0], s1  }
0xd8: {  	s1 =	ssub.s32 @!p0 $0x0, s1;
	[sflag:s0] =	ssyncset.done @!p0 $0x0  }
0xd9: {  	[sflag:s0] =	ssyncadd.s32 @!p0 s1  }
0xda: {  	[bflag:$0x3] =	sbarrier.arrive $0xFFFF  }
0xdb: {  	_ =	shalt  }

// kernel: kernel.13.cloned.1.call-start
scs
__scs_entry_jumppad:
0x0: {  	(pc) =	sbr.rel $0x88, $3  }
0x1: {  	(tag) =	ssettag $0x0;
	lr =	simm.s32 $0x1  }
0x2: {  	[smem:$0x3F94] =	sst lr;
	_ =	strace $0xD0000000  }
0x3: {  	_ = 	snop  }
0x4: {  	_ = 	snop  }
0x5: {  	_ = 	snop  }
0x6: {  	_ = 	snop  }
0x7: {  	_ = 	snop  }
__scs_overlays_trampoline_lowered:
0x8: {  	[smem:$0x3FA3] =	sst s0  }
0x9: {  	[smem:$0x3FA4] =	sst s1  }
0xa: {  	[smem:$0x3FA5] =	sst s2  }
0xb: {  	[smem:$0x3FA6] =	sst s3  }
0xc: {  	[smem:$0x3FA7] =	sst s4  }
0xd: {  	[smem:$0x3FA8] =	sst s5  }
0xe: {  	[smem:$0x3FA9] =	sst s6  }
0xf: {  	[smem:$0x3FAA] =	sst s7  }
0x10: {  	[smem:$0x3FAB] =	sst s8  }
0x11: {  	[smem:$0x3FAC] =	sst s9;
	s0 =	simm.s32 @!p0 $0x0  }
0x12: {  	s1 =	sld [smem:$0x3F92];
	s0 =	simm.s32 @p0 $0x1  }
0x13: {  	[smem:$0x3FAD] =	sst s0;
	s0 =	simm.s32 @!p1 $0x0  }
0x14: {  	s2 =	sld [smem:$0x3F91];
	s0 =	simm.s32 @p1 $0x1  }
0x15: {  	[smem:$0x3FAE] =	sst s0;
	s0 =	simm.s32 @!p2 $0x0  }
0x16: {  	s3 =	sld [smem:$0x3FDB];
	s0 =	simm.s32 @p2 $0x1  }
0x17: {  	s4 =	simm.s32 $0x1BF5;
	[smem:$0x3FB0] =	sst s0  }
0x18: {  	s0 =	sld [smem:$0x3F93];
	_ =	swait.ge [sflag:s4], $0x0  }
0x19: {  	s7 =	sld [smem:$0x3F94]  }
0x1a: {  	s8 =	sadd.s32 $0xFFFFE003, lr  }
0x1b: {  	s9 =	sadd.s32 $0xFFFFFEF7, lr;
	s5 =	simm.s32 $0xFFFFFFFF;
	p2 =	slt.u32 s8, $0xFFFFF086  }
0x1c: {  	p1 =	slt.u32 s9, $0xF7A;
	s5 =	simm.s32 @!p2 $0x0  }
0x1d: {  	s5 =	simm.s32 @p1 $0x1;
	p0 =	seq.s32 s7, s2  }
0x1e: {  	s7 =	smul.u32 @!p0 $0xF7A, s2;
	p2 =	seq.s32 @!p0 s5, $0x0  }
0x1f: {  	s9 =	smul.u32 $0xF7A, s1;
	s8 =	simm.s32 @!p0 $0x1BF5;
	p2 =	por !p2, p0  }
0x20: {  	[sflag:s8] =	ssyncset.s32 @!p0 $0xFFFFF086;
	s6 =	sadd.s32 @!p0 s3, s7;
	s7 =	simm.s32 @!p0 $0x108  }
0x21: {  	s3 =	sadd.s32 s3, s9;
	s6 =	sadd.s32 @!p0 $0x88, s6;
	s7 =	simm.s32 @p2 $0x1082  }
0x22: {  	[simem:s7], [sflag:s8] =	dma.local @!p0 [hbm:s6], $0xF7A  }
0x23: {  	s9 =	sor.u32 $0xD0000000, s2;
	s6 =	simm.s32 $0x108;
	_ =	swait.ge @!p0 [sflag:s8], $0x0  }
0x24: {  	s3 =	sadd.s32 $0x88, s3;
	s6 =	simm.s32 @!p1 $0x1082;
	[sflag:s4] =	ssyncset.s32 $0xFFFFF086  }
0x25: {  	[simem:s6], [sflag:s4] =	dma.local [hbm:s3], $0xF7A  }
0x26: {  	[smem:$0x3F94] =	sst s1;
	(tag) =	ssettag s2;
	_ =	strace s9  }
0x27: {  	s1 =	sld [smem:$0x3FA4]  }
0x28: {  	s2 =	sld [smem:$0x3FA5]  }
0x29: {  	s4 =	sld [smem:$0x3FA7]  }
0x2a: {  	p0 =	seq.s32 s5, $0x0;
	s5 =	sld [smem:$0x3FA8]  }
0x2b: {  	s6 =	sld [smem:$0x3FA9]  }
0x2c: {  	s7 =	sld [smem:$0x3FAA]  }
0x2d: {  	s3 =	simm.s32 $0x108;
	s8 =	sld [smem:$0x3FAB]  }
0x2e: {  	s3 =	simm.s32 @!p0 $0x1082;
	s9 =	sld [smem:$0x3FAC]  }
0x2f: {  	lr =	sadd.s32 s0, s3;
	s0 =	sld [smem:$0x3FA3]  }
0x30: {  	s3 =	sld [smem:$0x3FA6]  }
0x31: {  	[smem:$0x3FAF] =	sst s10  }
0x32: {  	s10 =	sld [smem:$0x3FAD];
	_ =	sdelay $0x3  }
0x33: {  	p0 =	seq.s32 s10, $0x1;
	s10 =	sld [smem:$0x3FAF];
	_ =	sdelay $0x3  }
0x34: {  	[smem:$0x3FAF] =	sst s10  }
0x35: {  	s10 =	sld [smem:$0x3FAE];
	_ =	sdelay $0x3  }
0x36: {  	p1 =	seq.s32 s10, $0x1;
	s10 =	sld [smem:$0x3FAF];
	_ =	sdelay $0x3  }
0x37: {  	[smem:$0x3FAF] =	sst s10  }
0x38: {  	s10 =	sld [smem:$0x3FB0]  }
0x39: {  	_ = 	snop;
	(pc) =	sbr.ind lr, $3  }
0x3a: {  	_ = 	snop  }
0x3b: {  	_ = 	snop  }
0x3c: {  	p2 =	seq.s32 s10, $0x1;
	s10 =	sld [smem:$0x3FAF]  }
0x3d: {  	_ =	shalt  }
0x3e: {  	_ =	shalt  }
0x3f: {  	_ =	shalt  }
0x40: {  	_ =	shalt  }
0x41: {  	_ =	shalt  }
0x42: {  	_ =	shalt  }
0x43: {  	_ =	shalt  }
0x44: {  	_ =	shalt  }
0x45: {  	_ =	shalt  }
0x46: {  	_ =	shalt  }
0x47: {  	_ =	shalt  }
0x48: {  	_ =	shalt  }
0x49: {  	_ =	shalt  }
0x4a: {  	_ =	shalt  }
0x4b: {  	_ =	shalt  }
0x4c: {  	_ =	shalt  }
0x4d: {  	_ =	shalt  }
0x4e: {  	_ =	shalt  }
0x4f: {  	_ =	shalt  }
0x50: {  	_ =	shalt  }
0x51: {  	_ =	shalt  }
0x52: {  	_ =	shalt  }
0x53: {  	_ =	shalt  }
0x54: {  	_ =	shalt  }
0x55: {  	_ =	shalt  }
0x56: {  	_ =	shalt  }
0x57: {  	_ =	shalt  }
0x58: {  	_ =	shalt  }
0x59: {  	_ =	shalt  }
0x5a: {  	_ =	shalt  }
0x5b: {  	_ =	shalt  }
0x5c: {  	_ =	shalt  }
0x5d: {  	_ =	shalt  }
0x5e: {  	_ =	shalt  }
0x5f: {  	_ =	shalt  }
0x60: {  	_ =	shalt  }
0x61: {  	_ =	shalt  }
0x62: {  	_ =	shalt  }
0x63: {  	_ =	shalt  }
0x64: {  	_ =	shalt  }
0x65: {  	_ =	shalt  }
0x66: {  	_ =	shalt  }
0x67: {  	_ =	shalt  }
0x68: {  	_ =	shalt  }
0x69: {  	_ =	shalt  }
0x6a: {  	_ =	shalt  }
0x6b: {  	_ =	shalt  }
0x6c: {  	_ =	shalt  }
0x6d: {  	_ =	shalt  }
0x6e: {  	_ =	shalt  }
0x6f: {  	_ =	shalt  }
0x70: {  	_ =	shalt  }
0x71: {  	_ =	shalt  }
0x72: {  	_ =	shalt  }
0x73: {  	_ =	shalt  }
0x74: {  	_ =	shalt  }
0x75: {  	_ =	shalt  }
0x76: {  	_ =	shalt  }
0x77: {  	_ =	shalt  }
0x78: {  	_ =	shalt  }
0x79: {  	_ =	shalt  }
0x7a: {  	_ =	shalt  }
0x7b: {  	_ =	shalt  }
0x7c: {  	_ =	shalt  }
0x7d: {  	_ =	shalt  }
0x7e: {  	_ =	shalt  }
0x7f: {  	_ =	shalt  }
0x80: {  	_ =	shalt  }
0x81: {  	_ =	shalt  }
0x82: {  	_ =	shalt  }
0x83: {  	_ =	shalt  }
0x84: {  	_ =	shalt  }
0x85: {  	_ =	shalt  }
0x86: {  	_ =	shalt  }
0x87: {  	_ =	shalt  }
.Lfunc_end0:
.L_simem_size_0:
called_computation.1_lowered:
.L_overlay_start_0:
0x88: {  	s2 =	sld [smem:$0x3FD9]  }
0x89: {  	s3 =	sld [smem:$0x3FFE];
	_ =	sdelay $0x1  }
0x8a: {  	s1 =	srdreg.scid  }
0x8b: {  	s0 =	sand.u32 $0x1, s1  }
0x8c: {  	s17 =	sshll.u32 s0, $0xA;
	s2 =	sadd.s32 s3, s2  }
0x8d: {  	s2 =	sadd.s32 s2, s17  }
0x8e: {  	[smem:$0x3FBB] =	sst s2  }
0x8f: {  	_ = 	snop  }
0x90: {  	s2 =	sld [smem:$0x3FD0];
	(tm) =	ssettm $0x1  }
0x91: {  	s18 =	sld [smem:$0x3FFB];
	_ =	sdelay $0x3  }
0x92: {  	_ =	strace s18  }
0x93: {  	s3 =	sld [smem:$0x3FFC];
	_ =	sdelay $0x3  }
0x94: {  	_ =	strace s3  }
0x95: {  	s3 =	sld [smem:$0x3FFD];
	_ =	sdelay $0x3  }
0x96: {  	_ =	strace s3  }
0x97: {  	_ =	strace $0x8FFFFFFF  }
0x98: {  	s19 =	sld [smem:$0x3FDB];
	_ =	sdelay $0x1  }
0x99: {  	s4 =	simm.s32 $_scs_section_size  }
0x9a: {  	s5 =	simm.s32 $_size__tile_overlayer_lowered;
	s6 =	simm.s32 $_tile_overlayer_lowered  }
0x9b: {  	s22 =	simm.s32 $0x1BFF;
	s21 =	sshll.u32 s6, $0x1;
	s3 =	sadd.s32 s4, s19  }
0x9c: {  	s7 =	simm.s32 $0x0;
	s20 =	sshll.u32 s5, $0x1;
	s5 =	sadd.s32 s21, s3  }
0x9d: {  	[timem:s7], [sflag:s22] =	dma.local [hbm:s5], s20  }
0x9e: {  	_ =	swait.ge [sflag:s22], s20  }
0x9f: {  	s4 =	ssub.s32 $0x0, s20;
	[sflag:s22] =	ssyncset.done $0x0  }
0xa0: {  	[sflag:s22] =	ssyncadd.s32 s4;
	_ =	sdelay $0x1  }
0xa1: {  	s23 =	simm.s32 $0x1B8B  }
0xa2: {  	_ =	swait.ge [sflag:s23], $0x1  }
0xa3: {  	[sflag:s23] =	ssyncset.done $0x0  }
0xa4: {  	s25 =	simm.s32 $0x1B8E;
	s24 =	sld [smem:$0x3FFE];
	[sflag:s23] =	ssyncadd.s32 $0xFFFFFFFF  }
0xa5: {  	s26 =	simm.s32 $execute0_lowered;
	[smem:$0x3FD2] =	sst s25  }
0xa6: {  	s5 =	sshll.u32 s26, $0x1;
	_ =	strace $0x80000049;
	[dreg:$0x1] =	wrdreg $0xFFFFFFFF  }
0xa7: {  	s28 =	simm.s32 $_size_execute0_lowered;
	s3 =	sadd.s32 s3, s5;
	[dreg:$0x0] =	wrdreg $0x0  }
0xa8: {  	s5 =	sshll.u32 s28, $0x1;
	[dreg:$0x2] =	wrdreg s3  }
0xa9: {  	[dreg:$0x3] =	wrdreg s5  }
0xaa: {  	[dreg:$0x4] =	wrdreg $0xC0  }
0xab: {  	_ =	task [dreg:s7], $0x5FFFF  }
0xac: {  	[dreg:$0x1] =	wrdreg $0xFFFFFFFF  }
0xad: {  	[dreg:$0x0] =	wrdreg $0x60  }
0xae: {  	[dreg:$0x2] =	wrdreg s24  }
0xaf: {  	[dreg:$0x3] =	wrdreg s2  }
0xb0: {  	[dreg:$0x4] =	wrdreg $0x0  }
0xb1: {  	[dreg:$0x5] =	wrdreg $0x9  }
0xb2: {  	_ =	task.clear_ibuf [dreg:s7], $0x6FFFF;
	_ =	strace $0x90000049  }
0xb3: {  	s29 =	simm.s32 $0x9;
	_ =	strace $0x8000004B  }
0xb4: {  	_ =	swait.ge [sflag:s29], $0x1  }
0xb5: {  	[sflag:s29] =	ssyncadd.s32 $0xFFFFFFFF  }
0xb6: {  	_ =	strace $0x9000004B  }
0xb7: {  	_ =	sfence  }
0xb8: {  	s30 =	sld [smem:$0x0];
	_ =	sdelay $0x2  }
0xb9: {  	s31 =	sshll.u32 s1, $0xD;
	s1 =	sshrl.u32 s1, $0x2  }
0xba: {  	s3 =	sand.u32 $0x4000, s31;
	s1 =	sadd.s32 s1, s30  }
0xbb: {  	s0 =	sor.u32 s3, s0;
	s1 =	sshll.u32 s1, $0x11  }
0xbc: {  	s0 =	sor.u32 s1, s0  }
0xbd: {  	s0 =	sadd.s32 $0x8F2B, s0  }
0xbe: {  	[sflag:s0] =	ssyncadd.remote.s32 $0x1  }
0xbf: {  	_ =	sfence.sel $0xFFFF  }
0xc0: {  	[dreg:$0x0] =	wrdreg $0xFFFFFFFF;
	(pc) =	sbr.abs _section_cstart, $3  }
0xc1: {  	[dreg:$0x1] =	wrdreg $0xFFFFFFFF  }
0xc2: {  	_ =	task.clear_ibuf [dreg:s7], $0x2FFFF;
	_ =	strace $0x9FFFFFFF  }
0xc3: {  	(tm) =	ssettm $0x7FFFFFFF  }
tec
execute0_lowered:
.L_overlay_start_1:
0x0: {  	(tag) =	ssettag $0x1  }
0x1: {  	s0 =	rddreg [dreg:$0x0]  }
0x2: {  	s1 =	rddreg [dreg:$0x1]  }
0x3: {  	s3 =	srdreg.scid;
	s2 =	rddreg [dreg:$0x2]  }
0x4: {  	s11 =	stileid.u32;
	s28 =	simm.s32 $0x17C00;
	s29 =	simm.s32 $0x1  }
0x5: {  	s30 =	simm.s32 $0x9;
	s13 =	simm.s32 $0x8;
	s14 =	simm.s32 $0xE  }
0x6: {  	s17 =	simm.s32 $0x6;
	s18 =	simm.s32 $0xF;
	s6 =	smul.u32 $0x14000, s11  }
0x7: {  	s15 =	simm.s32 $0xA;
	s16 =	simm.s32 $0xB;
	s10 =	smul.u32 $0x50000, s11  }
0x8: {  	s5 =	sand.u32 $0x1, s3;
	s3 =	simm.s32 $0x0;
	s31 =	smul.u32 $0x540, s11  }
0x9: {  	s7 =	sadd.s32 $0x2400, s0;
	s22 =	sshll.u32 s11, $0x6;
	s4 =	smul.u32 $0x140000, s5  }
0xa: {  	[smem:$0x7FF] =	sst s3;
	s8 =	ssub.s32 $0x2, s5;
	s9 =	sshll.u32 s5, $0x4  }
0xb: {  	s5 =	smul.u32 $0x5400, s5;
	_ =	strace $0x8000004A;
	s19 =	sshrl.u32 s8, $0x1  }
0xc: {  	s9 =	sor.u32 s11, s9;
	s20 =	sshrl.u32 s10, $0x2;
	s6 =	sadd.s32 s6, s4  }
0xd: {  	s11 =	simm.s32 $0x3;
	s9 =	smul.u32 $0x540, s9;
	s6 =	sshrl.u32 s6, $0x3  }
0xe: {  	s4 =	sadd.s32 $0xCC00, s0;
	s0 =	sadd.s32 s6, s0;
	s6 =	ssub.s32 s8, s19  }
0xf: {  	s8 =	sadd.s32 s20, s2;
	s20 =	sor.u32 $0x1C10, s22;
	s23 =	sadd.s32 s1, s9  }
0x10: {  	s24 =	sor.u32 $0x10, s9;
	s12 =	sadd.s32 s7, s9;
	[dreg:$0x6] =	wrdreg s23  }
0x11: {  	s9 =	sor.u32 $0x20, s9;
	s19 =	simm.s32 $0x1F400;
	[dreg:$0x7] =	wrdreg s12  }
0x12: {  	s21 =	sadd.s32 $0x5CC00, s0;
	s25 =	sadd.s32 s1, s24;
	[dreg:$0x5] =	wrdreg s20  }
0x13: {  	s10 =	sadd.s32 s7, s24;
	s26 =	sadd.s32 s1, s9;
	[dreg:$0x4] =	wrdreg s21  }
0x14: {  	s9 =	sadd.s32 s7, s9;
	s0 =	sadd.s32 $0xACC00, s0;
	[dreg:$0x8] =	wrdreg s25  }
0x15: {  	s6 =	smax.u32 s6, $0x1;
	s1 =	sadd.s32 s5, s1;
	[dreg:$0x9] =	wrdreg s10  }
0x16: {  	s5 =	sadd.s32 s5, s7;
	s22 =	sshrl.u32 s8, $0x3;
	[dreg:$0xa] =	wrdreg s26  }
0x17: {  	s24 =	simm.s32 $0x10;
	s23 =	simm.s32 $0x1F500;
	[dreg:$0xb] =	wrdreg s9  }
0x18: {  	s7 =	simm.s32 $0x4;
	s8 =	simm.s32 $0x7;
	[dreg:$0xc] =	wrdreg s0  }
.Ltmp0:
0x19: {  	s12 =	simm.s32 $0x5;
	[dreg:$0xd] =	wrdreg s6;
	(pc) =	sbr.rel .LBB2_1-.Ltmp0, $4  }
0x1a: {  	s1 =	sadd.s32 s31, s1;
	s0 =	sadd.s32 s31, s5;
	s21 =	simm.s32 $0x1F480  }
0x1b: {  	s25 =	simm.s32 $0x78;
	s26 =	simm.s32 $0x14000;
	[dreg:$0x10] =	wrdreg s22  }
0x1c: {  	s5 =	simm.s32 $0x2;
	s6 =	simm.s32 $0x0;
	[dreg:$0xe] =	wrdreg s1  }
0x1d: {  	s9 =	simm.s32 $0x1F780;
	[dreg:$0xf] =	wrdreg s0;
	s0 =	simm.s32 $0x1B800  }
.LBB2_4:
0x1e: {  	_ =	swait.ge [sflag:s5], $0x3C00  }
0x1f: {  	[sflag:s5] =	ssyncset.done $0x0  }
0x20: {  	s6 =	simm.s32 $0x1F780;
	[sflag:s5] =	ssyncadd.s32 $0xFFFFC400  }
0x21: {  	[spmem:s2] =	stream.indirect.scatter.add.f32 [tilespmem:s28], [sflag:$0x5], $0x80, s6, s25, $0xb8;
	[tilespmem:$0x1F880] =	vst v63  }
0x22: {  	_ =	swait.ge [sflag:s11], $0x3C00  }
0x23: {  	[sflag:s11] =	ssyncset.done $0x0  }
0x24: {  	[sflag:s11] =	ssyncadd.s32 $0xFFFFC400  }
0x25: {  	[spmem:s2] =	stream.indirect.scatter.add.f32 [tilespmem:s0], [sflag:$0x6], $0x80, s1, s25, $0xb8;
	[tilespmem:$0x1F880] =	vst v63  }
0x26: {  	_ =	swait.ge [sflag:s7], $0x3C00  }
0x27: {  	[sflag:s7] =	ssyncset.done $0x0  }
0x28: {  	[sflag:s7] =	ssyncadd.s32 $0xFFFFC400  }
0x29: {  	_ =	swait.ge [sflag:s12], $0x3C00  }
0x2a: {  	[sflag:s12] =	ssyncset.done $0x0  }
0x2b: {  	[sflag:s12] =	ssyncadd.s32 $0xFFFFC400  }
0x2c: {  	_ =	swait.ge [sflag:s17], $0x3C00  }
0x2d: {  	[sflag:s17] =	ssyncset.done $0x0  }
0x2e: {  	[sflag:s17] =	ssyncadd.s32 $0xFFFFC400  }
0x2f: {  	[bflag:$0x0] =	sbarrier.arrive $0xFFFF  }
0x30: {  	s20 =	rddreg [dreg:$0x5]  }
0x31: {  	s6 =	rddreg [dreg:$0xc]  }
0x32: {  	s24 =	simm.s32 $0x10;
	s22 =	rddreg [dreg:$0x10]  }
0x33: {  	[hbm:s6], [sflag:s20] =	dma.local [spmem:s22], $0x2800  }
0x34: {  	_ =	swait.ge [sflag:s24], $0x2800  }
0x35: {  	s10 =	rddreg [dreg:$0x11]  }
0x36: {  	s31 =	rddreg [dreg:$0xd];
	s6 =	sadd.s32 $0x1, s10  }
0x37: {  	p0 =	sne.s32 s6, s31  }
.Ltmp1:
0x38: {  	_ = 	snop;
	(pc) =	sbr.rel @!p0 .LBB2_5-.Ltmp1, $3  }
0x39: {  	_ =	sdelay $0x1  }
0x3a: {  	[sflag:s24] =	ssyncset.done $0x0  }
0x3b: {  	[sflag:s24] =	ssyncadd.s32 $0xFFFFD800  }
.LBB2_1:
0x3c: {  	[dreg:$0x11] =	wrdreg s6  }
0x3d: {  	s1 =	rddreg [dreg:$0x4]  }
0x3e: {  	[spmem:s22], [sflag:s20] =	dma.local [hbm:s1], $0x2800  }
0x3f: {  	_ =	swait.ge [sflag:s24], $0x2800  }
0x40: {  	[sflag:s24] =	ssyncset.done $0x0  }
0x41: {  	[sflag:s24] =	ssyncadd.s32 $0xFFFFD800  }
0x42: {  	[bflag:$0x0] =	sbarrier.arrive $0xFFFF  }
0x43: {  	s20 =	rddreg [dreg:$0x6]  }
0x44: {  	[tilespmem:s19], [sflag:$0x10] =	stream.linear.gather [hbm4b:s20+s3], $0x80, $0x38;
	[tilespmem:$0x1F880] =	vst v63  }
0x45: {  	_ =	swait.ge [sflag:s24], $0x80  }
0x46: {  	[sflag:s24] =	ssyncset.done $0x0  }
0x47: {  	s10 =	simm.s32 $0x1F580;
	s22 =	rddreg [dreg:$0x7];
	[sflag:s24] =	ssyncadd.s32 $0xFFFFFF80  }
0x48: {  	[tilespmem:s10], [sflag:$0x10] =	stream.linear.gather [hbm4b:s22+s3], $0x80, $0x38;
	[tilespmem:$0x1F880] =	vst v63  }
0x49: {  	_ =	swait.ge [sflag:s24], $0x80  }
0x4a: {  	[sflag:s24] =	ssyncset.done $0x0  }
0x4b: {  	s6 =	rddreg [dreg:$0x8];
	[sflag:s24] =	ssyncadd.s32 $0xFFFFFF80  }
0x4c: {  	[tilespmem:s21], [sflag:$0x10] =	stream.linear.gather [hbm4b:s6+s3], $0x80, $0x38;
	[tilespmem:$0x1F880] =	vst v63  }
0x4d: {  	_ =	swait.ge [sflag:s24], $0x80  }
0x4e: {  	[sflag:s24] =	ssyncset.done $0x0  }
0x4f: {  	s22 =	simm.s32 $0x1F600;
	s20 =	rddreg [dreg:$0x9];
	[sflag:s24] =	ssyncadd.s32 $0xFFFFFF80  }
0x50: {  	[tilespmem:s22], [sflag:$0x10] =	stream.linear.gather [hbm4b:s20+s3], $0x80, $0x38;
	[tilespmem:$0x1F880] =	vst v63  }
0x51: {  	_ =	swait.ge [sflag:s24], $0x80  }
0x52: {  	[sflag:s24] =	ssyncset.done $0x0  }
0x53: {  	s20 =	rddreg [dreg:$0xa];
	[sflag:s24] =	ssyncadd.s32 $0xFFFFFF80  }
0x54: {  	[tilespmem:s23], [sflag:$0x9] =	stream.linear.gather [hbm4b:s20+s3], $0x80, $0x38;
	[tilespmem:$0x1F880] =	vst v63  }
0x55: {  	s22 =	rddreg [dreg:$0xb];
	s24 =	simm.s32 $0x1F680  }
0x56: {  	[tilespmem:s24], [sflag:$0xC] =	stream.linear.gather [hbm4b:s22+s3], $0x80, $0x38;
	[tilespmem:$0x1F880] =	vst v63  }
0x57: {  	_ = 	snop  }
0x58: {  	[tilespmem:s26], [sflag:$0x1] =	stream.indirect.gather [hbm4b:s4+s25], $0x80, s19, s25, $0xb8;
	[tilespmem:$0x1F880] =	vst v63  }
0x59: {  	s31 =	simm.s32 $0x1F800;
	s20 =	simm.s32 $0x0  }
0x5a: {  	[tilespmem:s28], [sflag:$0x2] =	stream.indirect.gather [hbm4b:s4+s25], $0x80, s21, s25, $0xb8;
	[tilespmem:$0x1F880] =	vst v63  }
.LBB2_2:
0x5b: {  	_ =	swait.ge [sflag:s29], $0x3C00  }
0x5c: {  	p0 =	seq.s32 s20, $0x0;
	[sflag:s29] =	ssyncset.done $0x0  }
0x5d: {  	s22 =	simm.s32 @!p0 $0x6;
	[sflag:s29] =	ssyncadd.s32 $0xFFFFC400  }
0x5e: {  	[spmem:s2] =	stream.indirect.scatter.add.f32 [tilespmem:s26], [sflag:$0x4], $0x80, s10, s25, $0xb8;
	[tilespmem:$0x1F880] =	vst v63  }
0x5f: {  	_ =	swait.ge @!p0 [sflag:s22], $0x3C00  }
0x60: {  	[sflag:s22] =	ssyncset.done @!p0 $0x0  }
0x61: {  	[sflag:s22] =	ssyncadd.s32 @!p0 $0xFFFFC400  }
0x62: {  	_ =	swait.ge [sflag:s30], $0x80  }
0x63: {  	[sflag:s30] =	ssyncset.done $0x0  }
0x64: {  	s1 =	simm.s32 $0xC;
	[sflag:s30] =	ssyncadd.s32 $0xFFFFFF80  }
0x65: {  	_ =	swait.ge [sflag:s1], $0x80  }
0x66: {  	[sflag:s1] =	ssyncset.done $0x0;
	s22 =	rddreg [dreg:$0xe]  }
0x67: {  	[sflag:s1] =	ssyncadd.s32 $0xFFFFFF80;
	s22 =	sadd.s32 s20, s22  }
0x68: {  	[tilespmem:s0], [sflag:$0x3] =	stream.indirect.gather [hbm4b:s4+s25], $0x80, s23, s25, $0xb8;
	[tilespmem:$0x1F880] =	vst v63  }
0x69: {  	s24 =	sadd.s32 $0x30, s22  }
0x6a: {  	[tilespmem:s19], [sflag:$0x7] =	stream.linear.gather [hbm4b:s24+s3], $0x80, $0x38;
	[tilespmem:$0x1F880] =	vst v63  }
0x6b: {  	s24 =	rddreg [dreg:$0xf]  }
0x6c: {  	s24 =	sadd.s32 s20, s24  }
0x6d: {  	s6 =	simm.s32 $0x1F700;
	s1 =	sadd.s32 $0x30, s24  }
0x6e: {  	[tilespmem:s6], [sflag:$0xD] =	stream.linear.gather [hbm4b:s1+s3], $0x80, $0x38;
	[tilespmem:$0x1F880] =	vst v63  }
0x6f: {  	_ =	swait.ge [sflag:s5], $0x3C00  }
0x70: {  	[sflag:s5] =	ssyncset.done $0x0  }
0x71: {  	s1 =	simm.s32 $0x1F600;
	[sflag:s5] =	ssyncadd.s32 $0xFFFFC400  }
0x72: {  	[spmem:s2] =	stream.indirect.scatter.add.f32 [tilespmem:s28], [sflag:$0x5], $0x80, s1, s25, $0xb8;
	[tilespmem:$0x1F880] =	vst v63  }
0x73: {  	_ =	swait.ge [sflag:s7], $0x3C00  }
0x74: {  	[sflag:s7] =	ssyncset.done $0x0  }
0x75: {  	[sflag:s7] =	ssyncadd.s32 $0xFFFFC400  }
0x76: {  	_ =	swait.ge [sflag:s8], $0x80  }
0x77: {  	[sflag:s8] =	ssyncset.done $0x0  }
0x78: {  	s1 =	simm.s32 $0xD;
	[sflag:s8] =	ssyncadd.s32 $0xFFFFFF80  }
0x79: {  	_ =	swait.ge [sflag:s1], $0x80  }
0x7a: {  	[sflag:s1] =	ssyncset.done $0x0  }
0x7b: {  	[sflag:s1] =	ssyncadd.s32 $0xFFFFFF80  }
0x7c: {  	[tilespmem:s26], [sflag:$0x1] =	stream.indirect.gather [hbm4b:s4+s25], $0x80, s19, s25, $0xb8;
	[tilespmem:$0x1F880] =	vst v63  }
0x7d: {  	s1 =	sadd.s32 $0x40, s22  }
0x7e: {  	[tilespmem:s21], [sflag:$0x8] =	stream.linear.gather [hbm4b:s1+s3], $0x80, $0x38;
	[tilespmem:$0x1F880] =	vst v63  }
0x7f: {  	s1 =	sadd.s32 $0x40, s24  }
0x80: {  	[tilespmem:s9], [sflag:$0xE] =	stream.linear.gather [hbm4b:s1+s3], $0x80, $0x38;
	[tilespmem:$0x1F880] =	vst v63  }
0x81: {  	_ =	swait.ge [sflag:s11], $0x3C00  }
0x82: {  	[sflag:s11] =	ssyncset.done $0x0  }
0x83: {  	s1 =	simm.s32 $0x1F680;
	[sflag:s11] =	ssyncadd.s32 $0xFFFFC400  }
0x84: {  	[spmem:s2] =	stream.indirect.scatter.add.f32 [tilespmem:s0], [sflag:$0x6], $0x80, s1, s25, $0xb8;
	[tilespmem:$0x1F880] =	vst v63  }
0x85: {  	_ =	swait.ge [sflag:s12], $0x3C00  }
0x86: {  	[sflag:s12] =	ssyncset.done $0x0  }
0x87: {  	[sflag:s12] =	ssyncadd.s32 $0xFFFFC400  }
0x88: {  	_ =	swait.ge [sflag:s13], $0x80  }
0x89: {  	[sflag:s13] =	ssyncset.done $0x0  }
0x8a: {  	[sflag:s13] =	ssyncadd.s32 $0xFFFFFF80  }
0x8b: {  	_ =	swait.ge [sflag:s14], $0x80  }
0x8c: {  	[sflag:s14] =	ssyncset.done $0x0  }
0x8d: {  	[sflag:s14] =	ssyncadd.s32 $0xFFFFFF80  }
0x8e: {  	[tilespmem:s28], [sflag:$0x2] =	stream.indirect.gather [hbm4b:s4+s25], $0x80, s21, s25, $0xb8;
	[tilespmem:$0x1F880] =	vst v63  }
0x8f: {  	s1 =	sadd.s32 $0x50, s22  }
0x90: {  	[tilespmem:s23], [sflag:$0x9] =	stream.linear.gather [hbm4b:s1+s3], $0x80, $0x38;
	[tilespmem:$0x1F880] =	vst v63  }
0x91: {  	s1 =	sadd.s32 $0x50, s24  }
0x92: {  	[tilespmem:s31], [sflag:$0xF] =	stream.linear.gather [hbm4b:s1+s3], $0x80, $0x38;
	[tilespmem:$0x1F880] =	vst v63  }
0x93: {  	_ =	swait.ge [sflag:s29], $0x3C00  }
0x94: {  	[sflag:s29] =	ssyncset.done $0x0  }
0x95: {  	[sflag:s29] =	ssyncadd.s32 $0xFFFFC400  }
0x96: {  	[spmem:s2] =	stream.indirect.scatter.add.f32 [tilespmem:s26], [sflag:$0x4], $0x80, s6, s25, $0xb8;
	[tilespmem:$0x1F880] =	vst v63  }
0x97: {  	_ =	swait.ge [sflag:s17], $0x3C00  }
0x98: {  	[sflag:s17] =	ssyncset.done $0x0  }
0x99: {  	[sflag:s17] =	ssyncadd.s32 $0xFFFFC400  }
0x9a: {  	_ =	swait.ge [sflag:s30], $0x80  }
0x9b: {  	p0 =	seq.s32 s20, $0x4E0;
	[sflag:s30] =	ssyncset.done $0x0  }
.Ltmp2:
0x9c: {  	[sflag:s30] =	ssyncadd.s32 $0xFFFFFF80;
	(pc) =	sbr.rel @p0 .LBB2_4-.Ltmp2, $4  }
0x9d: {  	_ =	swait.ge [sflag:s18], $0x80  }
0x9e: {  	[sflag:s18] =	ssyncset.done $0x0  }
0x9f: {  	s10 =	simm.s32 $0x1F580;
	s1 =	simm.s32 $0x1F800;
	[sflag:s18] =	ssyncadd.s32 $0xFFFFFF80  }
0xa0: {  	[tilespmem:s0], [sflag:$0x3] =	stream.indirect.gather [hbm4b:s4+s25], $0x80, s23, s25, $0xb8;
	[tilespmem:$0x1F880] =	vst v63  }
0xa1: {  	s1 =	sadd.s32 $0x60, s22  }
0xa2: {  	[tilespmem:s19], [sflag:$0x7] =	stream.linear.gather [hbm4b:s1+s3], $0x80, $0x38;
	[tilespmem:$0x1F880] =	vst v63  }
0xa3: {  	s6 =	sadd.s32 $0x60, s24  }
0xa4: {  	[tilespmem:s10], [sflag:$0xA] =	stream.linear.gather [hbm4b:s6+s3], $0x80, $0x38;
	[tilespmem:$0x1F880] =	vst v63  }
0xa5: {  	_ =	swait.ge [sflag:s5], $0x3C00  }
0xa6: {  	[sflag:s5] =	ssyncset.done $0x0  }
0xa7: {  	s10 =	simm.s32 $0x1F780;
	[sflag:s5] =	ssyncadd.s32 $0xFFFFC400  }
0xa8: {  	[spmem:s2] =	stream.indirect.scatter.add.f32 [tilespmem:s28], [sflag:$0x5], $0x80, s10, s25, $0xb8;
	[tilespmem:$0x1F880] =	vst v63  }
0xa9: {  	_ =	swait.ge [sflag:s7], $0x3C00  }
0xaa: {  	[sflag:s7] =	ssyncset.done $0x0  }
0xab: {  	[sflag:s7] =	ssyncadd.s32 $0xFFFFC400  }
0xac: {  	_ =	swait.ge [sflag:s8], $0x80  }
0xad: {  	[sflag:s8] =	ssyncset.done $0x0  }
0xae: {  	[sflag:s8] =	ssyncadd.s32 $0xFFFFFF80  }
0xaf: {  	_ =	swait.ge [sflag:s15], $0x80  }
0xb0: {  	[sflag:s15] =	ssyncset.done $0x0  }
0xb1: {  	[sflag:s15] =	ssyncadd.s32 $0xFFFFFF80  }
0xb2: {  	[tilespmem:s26], [sflag:$0x1] =	stream.indirect.gather [hbm4b:s4+s25], $0x80, s19, s25, $0xb8;
	[tilespmem:$0x1F880] =	vst v63  }
0xb3: {  	s6 =	sadd.s32 $0x70, s22  }
0xb4: {  	[tilespmem:s21], [sflag:$0x8] =	stream.linear.gather [hbm4b:s6+s3], $0x80, $0x38;
	[tilespmem:$0x1F880] =	vst v63  }
0xb5: {  	s10 =	sadd.s32 $0x70, s24;
	s6 =	simm.s32 $0x1F600  }
0xb6: {  	[tilespmem:s6], [sflag:$0xB] =	stream.linear.gather [hbm4b:s10+s3], $0x80, $0x38;
	[tilespmem:$0x1F880] =	vst v63  }
0xb7: {  	_ =	swait.ge [sflag:s11], $0x3C00  }
0xb8: {  	[sflag:s11] =	ssyncset.done $0x0  }
0xb9: {  	s31 =	simm.s32 $0x1F800;
	[sflag:s11] =	ssyncadd.s32 $0xFFFFC400  }
0xba: {  	[spmem:s2] =	stream.indirect.scatter.add.f32 [tilespmem:s0], [sflag:$0x6], $0x80, s31, s25, $0xb8;
	[tilespmem:$0x1F880] =	vst v63  }
0xbb: {  	_ =	swait.ge [sflag:s12], $0x3C00  }
0xbc: {  	[sflag:s12] =	ssyncset.done $0x0  }
0xbd: {  	[sflag:s12] =	ssyncadd.s32 $0xFFFFC400  }
0xbe: {  	_ =	swait.ge [sflag:s13], $0x80  }
0xbf: {  	[sflag:s13] =	ssyncset.done $0x0  }
0xc0: {  	[sflag:s13] =	ssyncadd.s32 $0xFFFFFF80  }
0xc1: {  	_ =	swait.ge [sflag:s16], $0x80  }
0xc2: {  	[sflag:s16] =	ssyncset.done $0x0  }
0xc3: {  	[sflag:s16] =	ssyncadd.s32 $0xFFFFFF80  }
0xc4: {  	[tilespmem:s28], [sflag:$0x2] =	stream.indirect.gather [hbm4b:s4+s25], $0x80, s21, s25, $0xb8;
	[tilespmem:$0x1F880] =	vst v63  }
.Ltmp3:
0xc5: {  	_ = 	snop;
	(pc) =	sbr.rel .LBB2_2-.Ltmp3, $4  }
0xc6: {  	s20 =	sadd.s32 $0x60, s20;
	s10 =	sadd.s32 $0x80, s22  }
0xc7: {  	[tilespmem:s23], [sflag:$0x9] =	stream.linear.gather [hbm4b:s10+s3], $0x80, $0x38;
	[tilespmem:$0x1F880] =	vst v63  }
0xc8: {  	s22 =	sadd.s32 $0x80, s24;
	s24 =	simm.s32 $0x1F680;
	s10 =	simm.s32 $0x1F580  }
0xc9: {  	[tilespmem:s24], [sflag:$0xC] =	stream.linear.gather [hbm4b:s22+s3], $0x80, $0x38;
	[tilespmem:$0x1F880] =	vst v63  }
.LBB2_5:
0xca: {  	_ =	sfence.sel $0x180000  }
0xcb: {  	[bflag:$0x0] =	sbarrier.arrive $0xFFFF  }
0xcc: {  	_ =	strace $0x9000004A  }
0xcd: {  	s0 =	stileid.u32;
	[bflag:$0x2] =	sbarrier.arrive $0xFFFF  }
0xce: {  	p0 =	sne.s32 s0, $0x0;
	s0 =	rddreg [dreg:$0x3]  }
0xcf: {  	s0 =	sadd.s32 @!p0 $0x100000, s0  }
0xd0: {  	[sflag:s0] =	ssyncadd.tile.s32 @!p0 $0x1;
	_ =	shalt  }
.Lfunc_end2:
_tile_overlayer_lowered:
.L_overlay_start_2:
0xd1: {  	(tag) =	ssettag $0x2  }
0xd2: {  	s0 =	rddreg [dreg:$0x0];
	s2 =	stileid.u32  }
0xd3: {  	s1 =	rddreg [dreg:$0x1];
	p0 =	sne.s32 s2, $0x0  }
0xd4: {  	s3 =	rddreg [dreg:$0x2];
	[bflag:$0x3] =	sbarrier.arrive $0xFFFF;
	s2 =	simm.s32 @!p0 $0x1C10  }
0xd5: {  	[timem:s3], [sflag:s2] =	dma.local @!p0 [hbm:s0], s1  }
0xd6: {  	s0 =	simm.s32 @!p0 $0x10  }
0xd7: {  	_ =	swait.ge @!p0 [sflag:s0], s1  }
0xd8: {  	s1 =	ssub.s32 @!p0 $0x0, s1;
	[sflag:s0] =	ssyncset.done @!p0 $0x0  }
0xd9: {  	[sflag:s0] =	ssyncadd.s32 @!p0 s1  }
0xda: {  	[bflag:$0x3] =	sbarrier.arrive $0xFFFF  }
0xdb: {  	_ =	shalt  }

</sc_bundles>
